<compile_context>
chip_gen: v7x
topology: tpu7x:2x2x1
jax: 0.10.2.dev20260603
libtpu: 0.0.44.dev20260713+nightly
codegen_flags: <defaults>
</compile_context>

<pallas_src>
import functools

import jax
import jax.numpy as jnp
from jax import lax
from jax.experimental import pallas as pl
from jax.experimental.pallas import tpu as pltpu
from jax.experimental.pallas import tpu_sc as plsc

_NC = 2
_NS = 16
_NW = _NC * _NS
_LANES = 16


def _gather16(v, idx):
    return lax.gather(
        v,
        idx[:, None],
        dimension_numbers=lax.GatherDimensionNumbers(
            offset_dims=(), collapsed_slice_dims=(0,), start_index_map=(0,)),
        slice_sizes=(1,),
        mode=lax.GatherScatterMode.PROMISE_IN_BOUNDS,
    )


def _sc_gather_select(tableT16, x2):
    nw, npw = x2.shape
    rows_per_w = npw // 128
    chunk = npw // 4
    half = tableT16.shape[0] // 2
    mesh = plsc.VectorSubcoreMesh(core_axis_name="c", subcore_axis_name="s")

    @functools.partial(
        pl.kernel,
        mesh=mesh,
        compiler_params=pltpu.CompilerParams(use_tc_tiling_on_sc=False),
        out_type=(
            jax.ShapeDtypeStruct((nw * rows_per_w, 128), jnp.float32),
            jax.ShapeDtypeStruct((nw * rows_per_w, 128), jnp.float32),
        ),
        scratch_types=[
            pltpu.VMEM((npw,), jnp.int32),
            pltpu.VMEM((npw,), jnp.int32),
            pltpu.VMEM((npw,), jnp.int32),
            pltpu.VMEM((chunk, 16), jnp.float32),
            pltpu.VMEM((chunk, 16), jnp.float32),
            pltpu.VMEM((rows_per_w, 128), jnp.float32),
            pltpu.VMEM((rows_per_w, 128), jnp.float32),
            pltpu.SemaphoreType.DMA,
            pltpu.SemaphoreType.DMA,
        ],
    )
    def gk(table_hbm, x_hbm, out0_hbm, out1_hbm, x_v, is0_v, is1_v, r0_v,
           r1_v, e0_v, e1_v, sem0, sem1):
        wid = lax.axis_index("s") * _NC + lax.axis_index("c")
        pltpu.sync_copy(x_hbm.at[wid], x_v)

        def shift(k, carry):
            sl = pl.ds(k * _LANES, _LANES)
            xv = x_v[sl]
            s = xv >> 4
            is0_v[sl] = s
            is1_v[sl] = s + half
            x_v[sl] = xv & 15
            return carry

        lax.fori_loop(0, npw // _LANES, shift, 0)
        masks = [lax.iota(jnp.int32, _LANES) == l for l in range(1, _LANES)]

        for c in range(npw // chunk):
            cp0 = pltpu.async_copy(
                table_hbm.at[is0_v.at[pl.ds(c * chunk, chunk)]], r0_v, sem0)
            cp1 = pltpu.async_copy(
                table_hbm.at[is1_v.at[pl.ds(c * chunk, chunk)]], r1_v, sem1)
            cp0.wait()
            cp1.wait()

            def sel(k, carry, c=c):
                base = c * chunk + k * _LANES
                lo = x_v[pl.ds(base, _LANES)]
                acc0 = _gather16(r0_v[k * _LANES, :], lo)
                acc1 = _gather16(r1_v[k * _LANES, :], lo)
                for l in range(1, _LANES):
                    g0 = _gather16(r0_v[k * _LANES + l, :], lo)
                    g1 = _gather16(r1_v[k * _LANES + l, :], lo)
                    acc0 = jnp.where(masks[l - 1], g0, acc0)
                    acc1 = jnp.where(masks[l - 1], g1, acc1)
                row = base // 128
                lane = base % 128
                e0_v[row, pl.ds(lane, _LANES)] = acc0
                e1_v[row, pl.ds(lane, _LANES)] = acc1
                return carry

            lax.fori_loop(0, chunk // _LANES, sel, 0)

        pltpu.sync_copy(e0_v, out0_hbm.at[pl.ds(wid * rows_per_w, rows_per_w)])
        pltpu.sync_copy(e1_v, out1_hbm.at[pl.ds(wid * rows_per_w, rows_per_w)])

    return gk(tableT16, x2)


def _mlp_body(e0_ref, e1_ref, w1t_ref, b1_ref, w2t_ref, b2_ref, w3_ref,
              b3_ref, out_ref, e_ref):
    w1t = w1t_ref[...]
    b1c = b1_ref[...]
    w2t = w2t_ref[...]
    b2c = b2_ref[...]
    w3 = w3_ref[...]
    b3c = b3_ref[...]
    nseq, ngroups = e0_ref.shape[0], e0_ref.shape[1]
    for s in range(nseq):
        e0s = e0_ref[s]
        e1s = e1_ref[s]
        for g in range(ngroups):
            e_ref[0:1, g * 128:(g + 1) * 128] = e0s[g:g + 1, :]
            e_ref[1:2, g * 128:(g + 1) * 128] = e1s[g:g + 1, :]
        e = e_ref[...]
        h1 = jnp.dot(w1t, e, preferred_element_type=jnp.float32) + b1c
        h1 = jnp.maximum(h1, 0.0)
        h2 = jnp.dot(w2t, h1, preferred_element_type=jnp.float32) + b2c
        h2 = jnp.maximum(h2, 0.0)
        o = lax.dot_general(w3, h2, (((0,), (0,)), ((), ())),
                            preferred_element_type=jnp.float32)
        out_ref[:, s, :] = o + b3c


def _mlp(e0p, e1p, W1, b1, W2, b2, W3, b3, bsz, seq, seq_blk=8, b_blk=2048):
    rows_per_seq = bsz // 128
    groups_per_blk = b_blk // 128
    e3 = e0p.reshape(seq, rows_per_seq, 128)
    f3 = e1p.reshape(seq, rows_per_seq, 128)
    grid = (pl.cdiv(seq, seq_blk), bsz // b_blk)
    h1d, h2d, od = W1.shape[1], W2.shape[1], W3.shape[1]
    return pl.pallas_call(
        _mlp_body,
        grid=grid,
        in_specs=[
            pl.BlockSpec((seq_blk, groups_per_blk, 128), lambda k, j: (k, j, 0)),
            pl.BlockSpec((seq_blk, groups_per_blk, 128), lambda k, j: (k, j, 0)),
            pl.BlockSpec((h1d, 2), lambda k, j: (0, 0)),
            pl.BlockSpec((h1d, 1), lambda k, j: (0, 0)),
            pl.BlockSpec((h2d, h1d), lambda k, j: (0, 0)),
            pl.BlockSpec((h2d, 1), lambda k, j: (0, 0)),
            pl.BlockSpec((h2d, od), lambda k, j: (0, 0)),
            pl.BlockSpec((od, 1), lambda k, j: (0, 0)),
        ],
        out_specs=pl.BlockSpec(
            (od, seq_blk, b_blk), lambda k, j: (0, k, j)),
        out_shape=jax.ShapeDtypeStruct((od, seq, bsz), jnp.float32),
        scratch_shapes=[pltpu.VMEM((2, b_blk), jnp.float32)],
    )(
        e3,
        f3,
        W1.T,
        b1.reshape(h1d, 1),
        W2.T,
        b2.reshape(h2d, 1),
        W3,
        b3.reshape(od, 1),
    )


def kernel(x, embedding_matrix, W1, b1, W2, b2, W3, b3):
    bsz, seq = x.shape
    n = bsz * seq
    npw = n // _NW
    xi = jnp.transpose(x.astype(jnp.int32))
    tableT16 = embedding_matrix.T.reshape(embedding_matrix.shape[0] // 8, 16)
    e0p, e1p = _sc_gather_select(tableT16, xi.reshape(_NW, npw))
    out = _mlp(e0p, e1p, W1, b1, W2, b2, W3, b3, bsz, seq)
    return jnp.transpose(out, (2, 1, 0))

# --- scband reference (transcript-rebuilt; emitter-appended) ---
"""Pipeline reference for scband-dqn-7361573945853 (READ-ONLY COPY).

The authoritative reference and input builder live on the scoring server;
editing this copy changes nothing except your own understanding.
"""

import jax, jax.numpy as jnp
import numpy as np

VOCAB = 1000000
EMB_DIM = 2
N_ACTIONS = 18


def setup_inputs(seed: int = 0) -> dict:
    key = jax.random.key(seed)
    k_x, k_emb, k_w1, k_b1, k_w2, k_b2, k_w3, k_b3 = jax.random.split(key, 8)
    x = jax.random.randint(k_x, (4096, 50), 0, VOCAB, dtype=jnp.int64 if jax.config.jax_enable_x64 else jnp.int32)
    embedding_matrix = jax.random.normal(k_emb, (VOCAB, EMB_DIM), dtype=jnp.float32)
    # Linear layers: PyTorch nn.Linear stores weight as [out, in]; we keep [in, out] and matmul.
    W1 = jax.random.normal(k_w1, (EMB_DIM, 128), dtype=jnp.float32) * (1.0 / np.sqrt(EMB_DIM))
    b1 = jax.random.normal(k_b1, (128,), dtype=jnp.float32) * 0.01
    W2 = jax.random.normal(k_w2, (128, 64), dtype=jnp.float32) * (1.0 / np.sqrt(128))
    b2 = jax.random.normal(k_b2, (64,), dtype=jnp.float32) * 0.01
    W3 = jax.random.normal(k_w3, (64, N_ACTIONS), dtype=jnp.float32) * (1.0 / np.sqrt(64))
    b3 = jax.random.normal(k_b3, (N_ACTIONS,), dtype=jnp.float32) * 0.01
    return {"x": x, "embedding_matrix": embedding_matrix, "W1": W1, "b1": b1, "W2": W2, "b2": b2, "W3": W3, "b3": b3}


def reference(x, embedding_matrix, W1, b1, W2, b2, W3, b3):
    # F.embedding(x, embedding_matrix) -> gather rows
    e = jnp.take(embedding_matrix, x, axis=0)  # [B, L, 2]
    h = jax.nn.relu(jnp.dot(e, W1) + b1)       # [B, L, 128]
    h = jax.nn.relu(jnp.dot(h, W2) + b2)       # [B, L, 64]
    out = jnp.dot(h, W3) + b3                  # [B, L, 18]
    return out

if __name__ == "__main__":
    import jax
    _d = setup_inputs()
    print(jax.jit(kernel)(*tuple(_d.values())))

</pallas_src>

<mosaic_0001>
#map = affine_map<(d0, d1) -> (0, 0)>
module attributes {stable_mosaic.version = 14 : i64} {
  func.func @gk(%arg0: i32, %arg1: i32, %arg2: memref<125000x16xf32, #tpu.memory_space<hbm>>, %arg3: memref<32x6400xi32, #tpu.memory_space<hbm>>, %arg4: memref<1600x128xf32, #tpu.memory_space<hbm>>, %arg5: memref<1600x128xf32, #tpu.memory_space<hbm>>, %arg6: memref<6400xi32, #tpu.memory_space<vmem>>, %arg7: memref<6400xi32, #tpu.memory_space<vmem>>, %arg8: memref<6400xi32, #tpu.memory_space<vmem>>, %arg9: memref<1600x16xf32, #tpu.memory_space<vmem>>, %arg10: memref<1600x16xf32, #tpu.memory_space<vmem>>, %arg11: memref<50x128xf32, #tpu.memory_space<vmem>>, %arg12: memref<50x128xf32, #tpu.memory_space<vmem>>, %arg13: memref<!tpu.dma_semaphore, #tpu.memory_space<semaphore_mem>>, %arg14: memref<!tpu.dma_semaphore, #tpu.memory_space<semaphore_mem>>) attributes {dimension_semantics = [#tpu.dimension_semantics<core_parallel>, #tpu.dimension_semantics<subcore_parallel>], iteration_bounds = array<i64: 2, 16>, scalar_prefetch = 0 : i64, scratch_operands = 9 : i64, tpu.core_type = #tpu.core_type<sc_vector_subcore>, window_params = [{transform_indices = #map}, {transform_indices = #map}, {transform_indices = #map}, {transform_indices = #map}]} {
    %mul3A = arith.constant 2 : i32
    %mul3A_0 = arith.muli %arg1, %mul3A : i32
    %add3A = arith.addi %mul3A_0, %arg0 : i32
    "tpu.region"() ({
      %run_scoped3A = tpu.sem_alloc : memref<!tpu.dma_semaphore, #tpu.memory_space<semaphore_mem>>
      %dma_start3A_170 = arith.constant 0 : i32
      %dma_start3A_171 = tpu.memref_slice %arg3[%add3A, %dma_start3A_170] : memref<32x6400xi32, #tpu.memory_space<hbm>> -> memref<1x6400xi32, #tpu.memory_space<hbm>>
      %dma_start3A_172 = tpu.memref_squeeze %dma_start3A_171 : memref<1x6400xi32, #tpu.memory_space<hbm>> -> memref<6400xi32, #tpu.memory_space<hbm>>
      %dma_start3A_173 = arith.constant 0 : i32
      %dma_start3A_174 = tpu.memref_slice %arg3[%add3A, %dma_start3A_173] : memref<32x6400xi32, #tpu.memory_space<hbm>> -> memref<1x6400xi32, #tpu.memory_space<hbm>>
      %dma_start3A_175 = tpu.memref_squeeze %dma_start3A_174 : memref<1x6400xi32, #tpu.memory_space<hbm>> -> memref<6400xi32, #tpu.memory_space<hbm>>
      tpu.enqueue_dma source(%dma_start3A_175 : memref<6400xi32, #tpu.memory_space<hbm>>) target(%arg6 : memref<6400xi32, #tpu.memory_space<vmem>>) target_semaphore(%run_scoped3A : memref<!tpu.dma_semaphore, #tpu.memory_space<semaphore_mem>>)
      %dma_wait3A_176 = arith.constant 0 : i32
      %dma_wait3A_177 = tpu.memref_slice %arg3[%add3A, %dma_wait3A_176] : memref<32x6400xi32, #tpu.memory_space<hbm>> -> memref<1x6400xi32, #tpu.memory_space<hbm>>
      %dma_wait3A_178 = tpu.memref_squeeze %dma_wait3A_177 : memref<1x6400xi32, #tpu.memory_space<hbm>> -> memref<6400xi32, #tpu.memory_space<hbm>>
      %dma_wait3A_179 = arith.constant 0 : i32
      %dma_wait3A_180 = tpu.memref_slice %arg3[%add3A, %dma_wait3A_179] : memref<32x6400xi32, #tpu.memory_space<hbm>> -> memref<1x6400xi32, #tpu.memory_space<hbm>>
      %dma_wait3A_181 = tpu.memref_squeeze %dma_wait3A_180 : memref<1x6400xi32, #tpu.memory_space<hbm>> -> memref<6400xi32, #tpu.memory_space<hbm>>
      tpu.wait_dma2 semaphore(%run_scoped3A : memref<!tpu.dma_semaphore, #tpu.memory_space<semaphore_mem>>) src(%dma_wait3A_181 : memref<6400xi32, #tpu.memory_space<hbm>>) dst(%arg6 : memref<6400xi32, #tpu.memory_space<vmem>>)
      tpu.yield
    }) : () -> ()
    %scan3A = arith.constant 0 : i32
    %scan3A_1 = arith.constant 0 : i32
    %scan3A_2 = arith.constant 400 : i32
    %scan3A_3 = arith.addi %scan3A_1, %scan3A_2 : i32
    %scan3A_4 = arith.constant 1 : i32
    scf.for %scan3A_170 = %scan3A_1 to %scan3A_3 step %scan3A_4  : i32 {
      %mul3A_171 = arith.constant 16 : i32
      %mul3A_172 = arith.muli %scan3A_170, %mul3A_171 : i32
      %get3A = arith.index_cast %mul3A_172 : i32 to index
      %get3A_173 = tpu.vector_load %arg6[%get3A] {strides = array<i32>} : memref<6400xi32, #tpu.memory_space<vmem>>, vector<16xi32>,
      %get3A_174 = vector.shape_cast %get3A_173 : vector<16xi32> to vector<16xi32>
      %shift_right_arithmetic3A = arith.constant 4 : i32
      %shift_right_arithmetic3A_175 = vector.broadcast %shift_right_arithmetic3A : i32 to vector<16xi32>
      %shift_right_arithmetic3A_176 = arith.shrsi %get3A_174, %shift_right_arithmetic3A_175 : vector<16xi32>
      %swap3A = arith.index_cast %mul3A_172 : i32 to index
      %swap3A_177 = tpu.vector_load %arg7[%swap3A] {strides = array<i32>} : memref<6400xi32, #tpu.memory_space<vmem>>, vector<16xi32>,
      %swap3A_178 = vector.shape_cast %swap3A_177 : vector<16xi32> to vector<16xi32>
      %swap3A_179 = vector.shape_cast %shift_right_arithmetic3A_176 : vector<16xi32> to vector<16xi32>
      tpu.vector_store %arg7[%swap3A], %swap3A_179 {strides = array<i32>} : memref<6400xi32, #tpu.memory_space<vmem>>, vector<16xi32>,
      %add3A_180 = arith.constant 62500 : i32
      %add3A_181 = vector.broadcast %add3A_180 : i32 to vector<16xi32>
      %add3A_182 = arith.addi %shift_right_arithmetic3A_176, %add3A_181 : vector<16xi32>
      %swap3A_183 = arith.index_cast %mul3A_172 : i32 to index
      %swap3A_184 = tpu.vector_load %arg8[%swap3A_183] {strides = array<i32>} : memref<6400xi32, #tpu.memory_space<vmem>>, vector<16xi32>,
      %swap3A_185 = vector.shape_cast %swap3A_184 : vector<16xi32> to vector<16xi32>
      %swap3A_186 = vector.shape_cast %add3A_182 : vector<16xi32> to vector<16xi32>
      tpu.vector_store %arg8[%swap3A_183], %swap3A_186 {strides = array<i32>} : memref<6400xi32, #tpu.memory_space<vmem>>, vector<16xi32>,
      %and3A = arith.constant 15 : i32
      %and3A_187 = vector.broadcast %and3A : i32 to vector<16xi32>
      %and3A_188 = arith.andi %get3A_174, %and3A_187 : vector<16xi32>
      %swap3A_189 = arith.index_cast %mul3A_172 : i32 to index
      %swap3A_190 = tpu.vector_load %arg6[%swap3A_189] {strides = array<i32>} : memref<6400xi32, #tpu.memory_space<vmem>>, vector<16xi32>,
      %swap3A_191 = vector.shape_cast %swap3A_190 : vector<16xi32> to vector<16xi32>
      %swap3A_192 = vector.shape_cast %and3A_188 : vector<16xi32> to vector<16xi32>
      tpu.vector_store %arg6[%swap3A_189], %swap3A_192 {strides = array<i32>} : memref<6400xi32, #tpu.memory_space<vmem>>, vector<16xi32>,
    }
    %scan3A_5 = arith.constant 400 : i32
    %iota3A = tpu.iota {dimensions = array<i32: 0>} : vector<16xi32>
    %eq3A = arith.constant 1 : i32
    %eq3A_6 = vector.broadcast %eq3A : i32 to vector<16xi32>
    %eq3A_7 = arith.cmpi eq, %iota3A, %eq3A_6 : vector<16xi32>
    %iota3A_8 = tpu.iota {dimensions = array<i32: 0>} : vector<16xi32>
    %eq3A_9 = arith.constant 2 : i32
    %eq3A_10 = vector.broadcast %eq3A_9 : i32 to vector<16xi32>
    %eq3A_11 = arith.cmpi eq, %iota3A_8, %eq3A_10 : vector<16xi32>
    %iota3A_12 = tpu.iota {dimensions = array<i32: 0>} : vector<16xi32>
    %eq3A_13 = arith.constant 3 : i32
    %eq3A_14 = vector.broadcast %eq3A_13 : i32 to vector<16xi32>
    %eq3A_15 = arith.cmpi eq, %iota3A_12, %eq3A_14 : vector<16xi32>
    %iota3A_16 = tpu.iota {dimensions = array<i32: 0>} : vector<16xi32>
    %eq3A_17 = arith.constant 4 : i32
    %eq3A_18 = vector.broadcast %eq3A_17 : i32 to vector<16xi32>
    %eq3A_19 = arith.cmpi eq, %iota3A_16, %eq3A_18 : vector<16xi32>
    %iota3A_20 = tpu.iota {dimensions = array<i32: 0>} : vector<16xi32>
    %eq3A_21 = arith.constant 5 : i32
    %eq3A_22 = vector.broadcast %eq3A_21 : i32 to vector<16xi32>
    %eq3A_23 = arith.cmpi eq, %iota3A_20, %eq3A_22 : vector<16xi32>
    %iota3A_24 = tpu.iota {dimensions = array<i32: 0>} : vector<16xi32>
    %eq3A_25 = arith.constant 6 : i32
    %eq3A_26 = vector.broadcast %eq3A_25 : i32 to vector<16xi32>
    %eq3A_27 = arith.cmpi eq, %iota3A_24, %eq3A_26 : vector<16xi32>
    %iota3A_28 = tpu.iota {dimensions = array<i32: 0>} : vector<16xi32>
    %eq3A_29 = arith.constant 7 : i32
    %eq3A_30 = vector.broadcast %eq3A_29 : i32 to vector<16xi32>
    %eq3A_31 = arith.cmpi eq, %iota3A_28, %eq3A_30 : vector<16xi32>
    %iota3A_32 = tpu.iota {dimensions = array<i32: 0>} : vector<16xi32>
    %eq3A_33 = arith.constant 8 : i32
    %eq3A_34 = vector.broadcast %eq3A_33 : i32 to vector<16xi32>
    %eq3A_35 = arith.cmpi eq, %iota3A_32, %eq3A_34 : vector<16xi32>
    %iota3A_36 = tpu.iota {dimensions = array<i32: 0>} : vector<16xi32>
    %eq3A_37 = arith.constant 9 : i32
    %eq3A_38 = vector.broadcast %eq3A_37 : i32 to vector<16xi32>
    %eq3A_39 = arith.cmpi eq, %iota3A_36, %eq3A_38 : vector<16xi32>
    %iota3A_40 = tpu.iota {dimensions = array<i32: 0>} : vector<16xi32>
    %eq3A_41 = arith.constant 10 : i32
    %eq3A_42 = vector.broadcast %eq3A_41 : i32 to vector<16xi32>
    %eq3A_43 = arith.cmpi eq, %iota3A_40, %eq3A_42 : vector<16xi32>
    %iota3A_44 = tpu.iota {dimensions = array<i32: 0>} : vector<16xi32>
    %eq3A_45 = arith.constant 11 : i32
    %eq3A_46 = vector.broadcast %eq3A_45 : i32 to vector<16xi32>
    %eq3A_47 = arith.cmpi eq, %iota3A_44, %eq3A_46 : vector<16xi32>
    %iota3A_48 = tpu.iota {dimensions = array<i32: 0>} : vector<16xi32>
    %eq3A_49 = arith.constant 12 : i32
    %eq3A_50 = vector.broadcast %eq3A_49 : i32 to vector<16xi32>
    %eq3A_51 = arith.cmpi eq, %iota3A_48, %eq3A_50 : vector<16xi32>
    %iota3A_52 = tpu.iota {dimensions = array<i32: 0>} : vector<16xi32>
    %eq3A_53 = arith.constant 13 : i32
    %eq3A_54 = vector.broadcast %eq3A_53 : i32 to vector<16xi32>
    %eq3A_55 = arith.cmpi eq, %iota3A_52, %eq3A_54 : vector<16xi32>
    %iota3A_56 = tpu.iota {dimensions = array<i32: 0>} : vector<16xi32>
    %eq3A_57 = arith.constant 14 : i32
    %eq3A_58 = vector.broadcast %eq3A_57 : i32 to vector<16xi32>
    %eq3A_59 = arith.cmpi eq, %iota3A_56, %eq3A_58 : vector<16xi32>
    %iota3A_60 = tpu.iota {dimensions = array<i32: 0>} : vector<16xi32>
    %eq3A_61 = arith.constant 15 : i32
    %eq3A_62 = vector.broadcast %eq3A_61 : i32 to vector<16xi32>
    %eq3A_63 = arith.cmpi eq, %iota3A_60, %eq3A_62 : vector<16xi32>
    %dma_start3A = arith.constant 0 : i32
    %dma_start3A_64 = tpu.memref_slice %arg7[%dma_start3A] : memref<6400xi32, #tpu.memory_space<vmem>> -> memref<1600xi32, #tpu.memory_space<vmem>>
    %dma_start3A_65 = arith.constant 0 : i32
    %dma_start3A_66 = arith.constant 0 : i32
    %dma_start3A_67 = tpu.memref_slice %arg2[%dma_start3A_65, %dma_start3A_66] : memref<125000x16xf32, #tpu.memory_space<hbm>> -> memref<125000x16xf32, #tpu.memory_space<hbm>>
    tpu.enqueue_indirect_dma source(%dma_start3A_67 : memref<125000x16xf32, #tpu.memory_space<hbm>>) target(%arg9 : memref<1600x16xf32, #tpu.memory_space<vmem>>) offsets(%dma_start3A_64 : memref<1600xi32, #tpu.memory_space<vmem>>) semaphore(%arg13 : memref<!tpu.dma_semaphore, #tpu.memory_space<semaphore_mem>>)
    %dma_start3A_68 = arith.constant 0 : i32
    %dma_start3A_69 = tpu.memref_slice %arg8[%dma_start3A_68] : memref<6400xi32, #tpu.memory_space<vmem>> -> memref<1600xi32, #tpu.memory_space<vmem>>
    %dma_start3A_70 = arith.constant 0 : i32
    %dma_start3A_71 = arith.constant 0 : i32
    %dma_start3A_72 = tpu.memref_slice %arg2[%dma_start3A_70, %dma_start3A_71] : memref<125000x16xf32, #tpu.memory_space<hbm>> -> memref<125000x16xf32, #tpu.memory_space<hbm>>
    tpu.enqueue_indirect_dma source(%dma_start3A_72 : memref<125000x16xf32, #tpu.memory_space<hbm>>) target(%arg10 : memref<1600x16xf32, #tpu.memory_space<vmem>>) offsets(%dma_start3A_69 : memref<1600xi32, #tpu.memory_space<vmem>>) semaphore(%arg14 : memref<!tpu.dma_semaphore, #tpu.memory_space<semaphore_mem>>)
    %dma_wait3A = arith.constant 0 : i32
    %dma_wait3A_73 = tpu.memref_slice %arg7[%dma_wait3A] : memref<6400xi32, #tpu.memory_space<vmem>> -> memref<1600xi32, #tpu.memory_space<vmem>>
    %dma_wait3A_74 = arith.constant 0 : i32
    %dma_wait3A_75 = arith.constant 0 : i32
    %dma_wait3A_76 = tpu.memref_slice %arg2[%dma_wait3A_74, %dma_wait3A_75] : memref<125000x16xf32, #tpu.memory_space<hbm>> -> memref<125000x16xf32, #tpu.memory_space<hbm>>
    tpu.wait_indirect_dma semaphore(%arg13 : memref<!tpu.dma_semaphore, #tpu.memory_space<semaphore_mem>>) src(%dma_wait3A_76 : memref<125000x16xf32, #tpu.memory_space<hbm>>) dst(%arg9 : memref<1600x16xf32, #tpu.memory_space<vmem>>)
    %dma_wait3A_77 = arith.constant 0 : i32
    %dma_wait3A_78 = tpu.memref_slice %arg8[%dma_wait3A_77] : memref<6400xi32, #tpu.memory_space<vmem>> -> memref<1600xi32, #tpu.memory_space<vmem>>
    %dma_wait3A_79 = arith.constant 0 : i32
    %dma_wait3A_80 = arith.constant 0 : i32
    %dma_wait3A_81 = tpu.memref_slice %arg2[%dma_wait3A_79, %dma_wait3A_80] : memref<125000x16xf32, #tpu.memory_space<hbm>> -> memref<125000x16xf32, #tpu.memory_space<hbm>>
    tpu.wait_indirect_dma semaphore(%arg14 : memref<!tpu.dma_semaphore, #tpu.memory_space<semaphore_mem>>) src(%dma_wait3A_81 : memref<125000x16xf32, #tpu.memory_space<hbm>>) dst(%arg10 : memref<1600x16xf32, #tpu.memory_space<vmem>>)
    %scan3A_82 = arith.constant 0 : i32
    %scan3A_83 = arith.constant 0 : i32
    %scan3A_84 = arith.constant 100 : i32
    %scan3A_85 = arith.addi %scan3A_83, %scan3A_84 : i32
    %scan3A_86 = arith.constant 1 : i32
    scf.for %scan3A_170 = %scan3A_83 to %scan3A_85 step %scan3A_86  : i32 {
      %mul3A_171 = arith.constant 16 : i32
      %mul3A_172 = arith.muli %scan3A_170, %mul3A_171 : i32
      %add3A_173 = arith.constant 0 : i32
      %add3A_174 = arith.addi %add3A_173, %mul3A_172 : i32
      %get3A = arith.index_cast %add3A_174 : i32 to index
      %get3A_175 = tpu.vector_load %arg6[%get3A] {strides = array<i32>} : memref<6400xi32, #tpu.memory_space<vmem>>, vector<16xi32>,
      %get3A_176 = vector.shape_cast %get3A_175 : vector<16xi32> to vector<16xi32>
      %mul3A_177 = arith.constant 16 : i32
      %mul3A_178 = arith.muli %scan3A_170, %mul3A_177 : i32
      %get3A_179 = arith.index_cast %mul3A_178 : i32 to index
      %get3A_180 = arith.constant 0 : index
      %get3A_181 = tpu.vector_load %arg9[%get3A_179, %get3A_180] {strides = array<i32>} : memref<1600x16xf32, #tpu.memory_space<vmem>>, vector<1x16xf32>,
      %get3A_182 = vector.shape_cast %get3A_181 : vector<1x16xf32> to vector<16xf32>
      %broadcast_in_dim3A = vector.shape_cast %get3A_176 : vector<16xi32> to vector<16x1xi32>
      %gather3A = vector.shape_cast %broadcast_in_dim3A : vector<16x1xi32> to vector<16xi32>
      %gather3A_183 = tpu.dynamic_gather %get3A_182[%gather3A] in [0] : vector<16xf32>, vector<16xi32> -> vector<16xf32>
      %mul3A_184 = arith.constant 16 : i32
      %mul3A_185 = arith.muli %scan3A_170, %mul3A_184 : i32
      %get3A_186 = arith.index_cast %mul3A_185 : i32 to index
      %get3A_187 = arith.constant 0 : index
      %get3A_188 = tpu.vector_load %arg10[%get3A_186, %get3A_187] {strides = array<i32>} : memref<1600x16xf32, #tpu.memory_space<vmem>>, vector<1x16xf32>,
      %get3A_189 = vector.shape_cast %get3A_188 : vector<1x16xf32> to vector<16xf32>
      %broadcast_in_dim3A_190 = vector.shape_cast %get3A_176 : vector<16xi32> to vector<16x1xi32>
      %gather3A_191 = vector.shape_cast %broadcast_in_dim3A_190 : vector<16x1xi32> to vector<16xi32>
      %gather3A_192 = tpu.dynamic_gather %get3A_189[%gather3A_191] in [0] : vector<16xf32>, vector<16xi32> -> vector<16xf32>
      %mul3A_193 = arith.constant 16 : i32
      %mul3A_194 = arith.muli %scan3A_170, %mul3A_193 : i32
      %add3A_195 = arith.constant 1 : i32
      %add3A_196 = arith.addi %mul3A_194, %add3A_195 : i32
      %get3A_197 = arith.index_cast %add3A_196 : i32 to index
      %get3A_198 = arith.constant 0 : index
      %get3A_199 = tpu.vector_load %arg9[%get3A_197, %get3A_198] {strides = array<i32>} : memref<1600x16xf32, #tpu.memory_space<vmem>>, vector<1x16xf32>,
      %get3A_200 = vector.shape_cast %get3A_199 : vector<1x16xf32> to vector<16xf32>
      %broadcast_in_dim3A_201 = vector.shape_cast %get3A_176 : vector<16xi32> to vector<16x1xi32>
      %gather3A_202 = vector.shape_cast %broadcast_in_dim3A_201 : vector<16x1xi32> to vector<16xi32>
      %gather3A_203 = tpu.dynamic_gather %get3A_200[%gather3A_202] in [0] : vector<16xf32>, vector<16xi32> -> vector<16xf32>
      %mul3A_204 = arith.constant 16 : i32
      %mul3A_205 = arith.muli %scan3A_170, %mul3A_204 : i32
      %add3A_206 = arith.constant 1 : i32
      %add3A_207 = arith.addi %mul3A_205, %add3A_206 : i32
      %get3A_208 = arith.index_cast %add3A_207 : i32 to index
      %get3A_209 = arith.constant 0 : index
      %get3A_210 = tpu.vector_load %arg10[%get3A_208, %get3A_209] {strides = array<i32>} : memref<1600x16xf32, #tpu.memory_space<vmem>>, vector<1x16xf32>,
      %get3A_211 = vector.shape_cast %get3A_210 : vector<1x16xf32> to vector<16xf32>
      %broadcast_in_dim3A_212 = vector.shape_cast %get3A_176 : vector<16xi32> to vector<16x1xi32>
      %gather3A_213 = vector.shape_cast %broadcast_in_dim3A_212 : vector<16x1xi32> to vector<16xi32>
      %gather3A_214 = tpu.dynamic_gather %get3A_211[%gather3A_213] in [0] : vector<16xf32>, vector<16xi32> -> vector<16xf32>
      %select_n3A = arith.select %eq3A_7, %gather3A_203, %gather3A_183 : vector<16xi1>, vector<16xf32>
      %select_n3A_215 = arith.select %eq3A_7, %gather3A_214, %gather3A_192 : vector<16xi1>, vector<16xf32>
      %mul3A_216 = arith.constant 16 : i32
      %mul3A_217 = arith.muli %scan3A_170, %mul3A_216 : i32
      %add3A_218 = arith.constant 2 : i32
      %add3A_219 = arith.addi %mul3A_217, %add3A_218 : i32
      %get3A_220 = arith.index_cast %add3A_219 : i32 to index
      %get3A_221 = arith.constant 0 : index
      %get3A_222 = tpu.vector_load %arg9[%get3A_220, %get3A_221] {strides = array<i32>} : memref<1600x16xf32, #tpu.memory_space<vmem>>, vector<1x16xf32>,
      %get3A_223 = vector.shape_cast %get3A_222 : vector<1x16xf32> to vector<16xf32>
      %broadcast_in_dim3A_224 = vector.shape_cast %get3A_176 : vector<16xi32> to vector<16x1xi32>
      %gather3A_225 = vector.shape_cast %broadcast_in_dim3A_224 : vector<16x1xi32> to vector<16xi32>
      %gather3A_226 = tpu.dynamic_gather %get3A_223[%gather3A_225] in [0] : vector<16xf32>, vector<16xi32> -> vector<16xf32>
      %mul3A_227 = arith.constant 16 : i32
      %mul3A_228 = arith.muli %scan3A_170, %mul3A_227 : i32
      %add3A_229 = arith.constant 2 : i32
      %add3A_230 = arith.addi %mul3A_228, %add3A_229 : i32
      %get3A_231 = arith.index_cast %add3A_230 : i32 to index
      %get3A_232 = arith.constant 0 : index
      %get3A_233 = tpu.vector_load %arg10[%get3A_231, %get3A_232] {strides = array<i32>} : memref<1600x16xf32, #tpu.memory_space<vmem>>, vector<1x16xf32>,
      %get3A_234 = vector.shape_cast %get3A_233 : vector<1x16xf32> to vector<16xf32>
      %broadcast_in_dim3A_235 = vector.shape_cast %get3A_176 : vector<16xi32> to vector<16x1xi32>
      %gather3A_236 = vector.shape_cast %broadcast_in_dim3A_235 : vector<16x1xi32> to vector<16xi32>
      %gather3A_237 = tpu.dynamic_gather %get3A_234[%gather3A_236] in [0] : vector<16xf32>, vector<16xi32> -> vector<16xf32>
      %select_n3A_238 = arith.select %eq3A_11, %gather3A_226, %select_n3A : vector<16xi1>, vector<16xf32>
      %select_n3A_239 = arith.select %eq3A_11, %gather3A_237, %select_n3A_215 : vector<16xi1>, vector<16xf32>
      %mul3A_240 = arith.constant 16 : i32
      %mul3A_241 = arith.muli %scan3A_170, %mul3A_240 : i32
      %add3A_242 = arith.constant 3 : i32
      %add3A_243 = arith.addi %mul3A_241, %add3A_242 : i32
      %get3A_244 = arith.index_cast %add3A_243 : i32 to index
      %get3A_245 = arith.constant 0 : index
      %get3A_246 = tpu.vector_load %arg9[%get3A_244, %get3A_245] {strides = array<i32>} : memref<1600x16xf32, #tpu.memory_space<vmem>>, vector<1x16xf32>,
      %get3A_247 = vector.shape_cast %get3A_246 : vector<1x16xf32> to vector<16xf32>
      %broadcast_in_dim3A_248 = vector.shape_cast %get3A_176 : vector<16xi32> to vector<16x1xi32>
      %gather3A_249 = vector.shape_cast %broadcast_in_dim3A_248 : vector<16x1xi32> to vector<16xi32>
      %gather3A_250 = tpu.dynamic_gather %get3A_247[%gather3A_249] in [0] : vector<16xf32>, vector<16xi32> -> vector<16xf32>
      %mul3A_251 = arith.constant 16 : i32
      %mul3A_252 = arith.muli %scan3A_170, %mul3A_251 : i32
      %add3A_253 = arith.constant 3 : i32
      %add3A_254 = arith.addi %mul3A_252, %add3A_253 : i32
      %get3A_255 = arith.index_cast %add3A_254 : i32 to index
      %get3A_256 = arith.constant 0 : index
      %get3A_257 = tpu.vector_load %arg10[%get3A_255, %get3A_256] {strides = array<i32>} : memref<1600x16xf32, #tpu.memory_space<vmem>>, vector<1x16xf32>,
      %get3A_258 = vector.shape_cast %get3A_257 : vector<1x16xf32> to vector<16xf32>
      %broadcast_in_dim3A_259 = vector.shape_cast %get3A_176 : vector<16xi32> to vector<16x1xi32>
      %gather3A_260 = vector.shape_cast %broadcast_in_dim3A_259 : vector<16x1xi32> to vector<16xi32>
      %gather3A_261 = tpu.dynamic_gather %get3A_258[%gather3A_260] in [0] : vector<16xf32>, vector<16xi32> -> vector<16xf32>
      %select_n3A_262 = arith.select %eq3A_15, %gather3A_250, %select_n3A_238 : vector<16xi1>, vector<16xf32>
      %select_n3A_263 = arith.select %eq3A_15, %gather3A_261, %select_n3A_239 : vector<16xi1>, vector<16xf32>
      %mul3A_264 = arith.constant 16 : i32
      %mul3A_265 = arith.muli %scan3A_170, %mul3A_264 : i32
      %add3A_266 = arith.constant 4 : i32
      %add3A_267 = arith.addi %mul3A_265, %add3A_266 : i32
      %get3A_268 = arith.index_cast %add3A_267 : i32 to index
      %get3A_269 = arith.constant 0 : index
      %get3A_270 = tpu.vector_load %arg9[%get3A_268, %get3A_269] {strides = array<i32>} : memref<1600x16xf32, #tpu.memory_space<vmem>>, vector<1x16xf32>,
      %get3A_271 = vector.shape_cast %get3A_270 : vector<1x16xf32> to vector<16xf32>
      %broadcast_in_dim3A_272 = vector.shape_cast %get3A_176 : vector<16xi32> to vector<16x1xi32>
      %gather3A_273 = vector.shape_cast %broadcast_in_dim3A_272 : vector<16x1xi32> to vector<16xi32>
      %gather3A_274 = tpu.dynamic_gather %get3A_271[%gather3A_273] in [0] : vector<16xf32>, vector<16xi32> -> vector<16xf32>
      %mul3A_275 = arith.constant 16 : i32
      %mul3A_276 = arith.muli %scan3A_170, %mul3A_275 : i32
      %add3A_277 = arith.constant 4 : i32
      %add3A_278 = arith.addi %mul3A_276, %add3A_277 : i32
      %get3A_279 = arith.index_cast %add3A_278 : i32 to index
      %get3A_280 = arith.constant 0 : index
      %get3A_281 = tpu.vector_load %arg10[%get3A_279, %get3A_280] {strides = array<i32>} : memref<1600x16xf32, #tpu.memory_space<vmem>>, vector<1x16xf32>,
      %get3A_282 = vector.shape_cast %get3A_281 : vector<1x16xf32> to vector<16xf32>
      %broadcast_in_dim3A_283 = vector.shape_cast %get3A_176 : vector<16xi32> to vector<16x1xi32>
      %gather3A_284 = vector.shape_cast %broadcast_in_dim3A_283 : vector<16x1xi32> to vector<16xi32>
      %gather3A_285 = tpu.dynamic_gather %get3A_282[%gather3A_284] in [0] : vector<16xf32>, vector<16xi32> -> vector<16xf32>
      %select_n3A_286 = arith.select %eq3A_19, %gather3A_274, %select_n3A_262 : vector<16xi1>, vector<16xf32>
      %select_n3A_287 = arith.select %eq3A_19, %gather3A_285, %select_n3A_263 : vector<16xi1>, vector<16xf32>
      %mul3A_288 = arith.constant 16 : i32
      %mul3A_289 = arith.muli %scan3A_170, %mul3A_288 : i32
      %add3A_290 = arith.constant 5 : i32
      %add3A_291 = arith.addi %mul3A_289, %add3A_290 : i32
      %get3A_292 = arith.index_cast %add3A_291 : i32 to index
      %get3A_293 = arith.constant 0 : index
      %get3A_294 = tpu.vector_load %arg9[%get3A_292, %get3A_293] {strides = array<i32>} : memref<1600x16xf32, #tpu.memory_space<vmem>>, vector<1x16xf32>,
      %get3A_295 = vector.shape_cast %get3A_294 : vector<1x16xf32> to vector<16xf32>
      %broadcast_in_dim3A_296 = vector.shape_cast %get3A_176 : vector<16xi32> to vector<16x1xi32>
      %gather3A_297 = vector.shape_cast %broadcast_in_dim3A_296 : vector<16x1xi32> to vector<16xi32>
      %gather3A_298 = tpu.dynamic_gather %get3A_295[%gather3A_297] in [0] : vector<16xf32>, vector<16xi32> -> vector<16xf32>
      %mul3A_299 = arith.constant 16 : i32
      %mul3A_300 = arith.muli %scan3A_170, %mul3A_299 : i32
      %add3A_301 = arith.constant 5 : i32
      %add3A_302 = arith.addi %mul3A_300, %add3A_301 : i32
      %get3A_303 = arith.index_cast %add3A_302 : i32 to index
      %get3A_304 = arith.constant 0 : index
      %get3A_305 = tpu.vector_load %arg10[%get3A_303, %get3A_304] {strides = array<i32>} : memref<1600x16xf32, #tpu.memory_space<vmem>>, vector<1x16xf32>,
      %get3A_306 = vector.shape_cast %get3A_305 : vector<1x16xf32> to vector<16xf32>
      %broadcast_in_dim3A_307 = vector.shape_cast %get3A_176 : vector<16xi32> to vector<16x1xi32>
      %gather3A_308 = vector.shape_cast %broadcast_in_dim3A_307 : vector<16x1xi32> to vector<16xi32>
      %gather3A_309 = tpu.dynamic_gather %get3A_306[%gather3A_308] in [0] : vector<16xf32>, vector<16xi32> -> vector<16xf32>
      %select_n3A_310 = arith.select %eq3A_23, %gather3A_298, %select_n3A_286 : vector<16xi1>, vector<16xf32>
      %select_n3A_311 = arith.select %eq3A_23, %gather3A_309, %select_n3A_287 : vector<16xi1>, vector<16xf32>
      %mul3A_312 = arith.constant 16 : i32
      %mul3A_313 = arith.muli %scan3A_170, %mul3A_312 : i32
      %add3A_314 = arith.constant 6 : i32
      %add3A_315 = arith.addi %mul3A_313, %add3A_314 : i32
      %get3A_316 = arith.index_cast %add3A_315 : i32 to index
      %get3A_317 = arith.constant 0 : index
      %get3A_318 = tpu.vector_load %arg9[%get3A_316, %get3A_317] {strides = array<i32>} : memref<1600x16xf32, #tpu.memory_space<vmem>>, vector<1x16xf32>,
      %get3A_319 = vector.shape_cast %get3A_318 : vector<1x16xf32> to vector<16xf32>
      %broadcast_in_dim3A_320 = vector.shape_cast %get3A_176 : vector<16xi32> to vector<16x1xi32>
      %gather3A_321 = vector.shape_cast %broadcast_in_dim3A_320 : vector<16x1xi32> to vector<16xi32>
      %gather3A_322 = tpu.dynamic_gather %get3A_319[%gather3A_321] in [0] : vector<16xf32>, vector<16xi32> -> vector<16xf32>
      %mul3A_323 = arith.constant 16 : i32
      %mul3A_324 = arith.muli %scan3A_170, %mul3A_323 : i32
      %add3A_325 = arith.constant 6 : i32
      %add3A_326 = arith.addi %mul3A_324, %add3A_325 : i32
      %get3A_327 = arith.index_cast %add3A_326 : i32 to index
      %get3A_328 = arith.constant 0 : index
      %get3A_329 = tpu.vector_load %arg10[%get3A_327, %get3A_328] {strides = array<i32>} : memref<1600x16xf32, #tpu.memory_space<vmem>>, vector<1x16xf32>,
      %get3A_330 = vector.shape_cast %get3A_329 : vector<1x16xf32> to vector<16xf32>
      %broadcast_in_dim3A_331 = vector.shape_cast %get3A_176 : vector<16xi32> to vector<16x1xi32>
      %gather3A_332 = vector.shape_cast %broadcast_in_dim3A_331 : vector<16x1xi32> to vector<16xi32>
      %gather3A_333 = tpu.dynamic_gather %get3A_330[%gather3A_332] in [0] : vector<16xf32>, vector<16xi32> -> vector<16xf32>
      %select_n3A_334 = arith.select %eq3A_27, %gather3A_322, %select_n3A_310 : vector<16xi1>, vector<16xf32>
      %select_n3A_335 = arith.select %eq3A_27, %gather3A_333, %select_n3A_311 : vector<16xi1>, vector<16xf32>
      %mul3A_336 = arith.constant 16 : i32
      %mul3A_337 = arith.muli %scan3A_170, %mul3A_336 : i32
      %add3A_338 = arith.constant 7 : i32
      %add3A_339 = arith.addi %mul3A_337, %add3A_338 : i32
      %get3A_340 = arith.index_cast %add3A_339 : i32 to index
      %get3A_341 = arith.constant 0 : index
      %get3A_342 = tpu.vector_load %arg9[%get3A_340, %get3A_341] {strides = array<i32>} : memref<1600x16xf32, #tpu.memory_space<vmem>>, vector<1x16xf32>,
      %get3A_343 = vector.shape_cast %get3A_342 : vector<1x16xf32> to vector<16xf32>
      %broadcast_in_dim3A_344 = vector.shape_cast %get3A_176 : vector<16xi32> to vector<16x1xi32>
      %gather3A_345 = vector.shape_cast %broadcast_in_dim3A_344 : vector<16x1xi32> to vector<16xi32>
      %gather3A_346 = tpu.dynamic_gather %get3A_343[%gather3A_345] in [0] : vector<16xf32>, vector<16xi32> -> vector<16xf32>
      %mul3A_347 = arith.constant 16 : i32
      %mul3A_348 = arith.muli %scan3A_170, %mul3A_347 : i32
      %add3A_349 = arith.constant 7 : i32
      %add3A_350 = arith.addi %mul3A_348, %add3A_349 : i32
      %get3A_351 = arith.index_cast %add3A_350 : i32 to index
      %get3A_352 = arith.constant 0 : index
      %get3A_353 = tpu.vector_load %arg10[%get3A_351, %get3A_352] {strides = array<i32>} : memref<1600x16xf32, #tpu.memory_space<vmem>>, vector<1x16xf32>,
      %get3A_354 = vector.shape_cast %get3A_353 : vector<1x16xf32> to vector<16xf32>
      %broadcast_in_dim3A_355 = vector.shape_cast %get3A_176 : vector<16xi32> to vector<16x1xi32>
      %gather3A_356 = vector.shape_cast %broadcast_in_dim3A_355 : vector<16x1xi32> to vector<16xi32>
      %gather3A_357 = tpu.dynamic_gather %get3A_354[%gather3A_356] in [0] : vector<16xf32>, vector<16xi32> -> vector<16xf32>
      %select_n3A_358 = arith.select %eq3A_31, %gather3A_346, %select_n3A_334 : vector<16xi1>, vector<16xf32>
      %select_n3A_359 = arith.select %eq3A_31, %gather3A_357, %select_n3A_335 : vector<16xi1>, vector<16xf32>
      %mul3A_360 = arith.constant 16 : i32
      %mul3A_361 = arith.muli %scan3A_170, %mul3A_360 : i32
      %add3A_362 = arith.constant 8 : i32
      %add3A_363 = arith.addi %mul3A_361, %add3A_362 : i32
      %get3A_364 = arith.index_cast %add3A_363 : i32 to index
      %get3A_365 = arith.constant 0 : index
      %get3A_366 = tpu.vector_load %arg9[%get3A_364, %get3A_365] {strides = array<i32>} : memref<1600x16xf32, #tpu.memory_space<vmem>>, vector<1x16xf32>,
      %get3A_367 = vector.shape_cast %get3A_366 : vector<1x16xf32> to vector<16xf32>
      %broadcast_in_dim3A_368 = vector.shape_cast %get3A_176 : vector<16xi32> to vector<16x1xi32>
      %gather3A_369 = vector.shape_cast %broadcast_in_dim3A_368 : vector<16x1xi32> to vector<16xi32>
      %gather3A_370 = tpu.dynamic_gather %get3A_367[%gather3A_369] in [0] : vector<16xf32>, vector<16xi32> -> vector<16xf32>
      %mul3A_371 = arith.constant 16 : i32
      %mul3A_372 = arith.muli %scan3A_170, %mul3A_371 : i32
      %add3A_373 = arith.constant 8 : i32
      %add3A_374 = arith.addi %mul3A_372, %add3A_373 : i32
      %get3A_375 = arith.index_cast %add3A_374 : i32 to index
      %get3A_376 = arith.constant 0 : index
      %get3A_377 = tpu.vector_load %arg10[%get3A_375, %get3A_376] {strides = array<i32>} : memref<1600x16xf32, #tpu.memory_space<vmem>>, vector<1x16xf32>,
      %get3A_378 = vector.shape_cast %get3A_377 : vector<1x16xf32> to vector<16xf32>
      %broadcast_in_dim3A_379 = vector.shape_cast %get3A_176 : vector<16xi32> to vector<16x1xi32>
      %gather3A_380 = vector.shape_cast %broadcast_in_dim3A_379 : vector<16x1xi32> to vector<16xi32>
      %gather3A_381 = tpu.dynamic_gather %get3A_378[%gather3A_380] in [0] : vector<16xf32>, vector<16xi32> -> vector<16xf32>
      %select_n3A_382 = arith.select %eq3A_35, %gather3A_370, %select_n3A_358 : vector<16xi1>, vector<16xf32>
      %select_n3A_383 = arith.select %eq3A_35, %gather3A_381, %select_n3A_359 : vector<16xi1>, vector<16xf32>
      %mul3A_384 = arith.constant 16 : i32
      %mul3A_385 = arith.muli %scan3A_170, %mul3A_384 : i32
      %add3A_386 = arith.constant 9 : i32
      %add3A_387 = arith.addi %mul3A_385, %add3A_386 : i32
      %get3A_388 = arith.index_cast %add3A_387 : i32 to index
      %get3A_389 = arith.constant 0 : index
      %get3A_390 = tpu.vector_load %arg9[%get3A_388, %get3A_389] {strides = array<i32>} : memref<1600x16xf32, #tpu.memory_space<vmem>>, vector<1x16xf32>,
      %get3A_391 = vector.shape_cast %get3A_390 : vector<1x16xf32> to vector<16xf32>
      %broadcast_in_dim3A_392 = vector.shape_cast %get3A_176 : vector<16xi32> to vector<16x1xi32>
      %gather3A_393 = vector.shape_cast %broadcast_in_dim3A_392 : vector<16x1xi32> to vector<16xi32>
      %gather3A_394 = tpu.dynamic_gather %get3A_391[%gather3A_393] in [0] : vector<16xf32>, vector<16xi32> -> vector<16xf32>
      %mul3A_395 = arith.constant 16 : i32
      %mul3A_396 = arith.muli %scan3A_170, %mul3A_395 : i32
      %add3A_397 = arith.constant 9 : i32
      %add3A_398 = arith.addi %mul3A_396, %add3A_397 : i32
      %get3A_399 = arith.index_cast %add3A_398 : i32 to index
      %get3A_400 = arith.constant 0 : index
      %get3A_401 = tpu.vector_load %arg10[%get3A_399, %get3A_400] {strides = array<i32>} : memref<1600x16xf32, #tpu.memory_space<vmem>>, vector<1x16xf32>,
      %get3A_402 = vector.shape_cast %get3A_401 : vector<1x16xf32> to vector<16xf32>
      %broadcast_in_dim3A_403 = vector.shape_cast %get3A_176 : vector<16xi32> to vector<16x1xi32>
      %gather3A_404 = vector.shape_cast %broadcast_in_dim3A_403 : vector<16x1xi32> to vector<16xi32>
      %gather3A_405 = tpu.dynamic_gather %get3A_402[%gather3A_404] in [0] : vector<16xf32>, vector<16xi32> -> vector<16xf32>
      %select_n3A_406 = arith.select %eq3A_39, %gather3A_394, %select_n3A_382 : vector<16xi1>, vector<16xf32>
      %select_n3A_407 = arith.select %eq3A_39, %gather3A_405, %select_n3A_383 : vector<16xi1>, vector<16xf32>
      %mul3A_408 = arith.constant 16 : i32
      %mul3A_409 = arith.muli %scan3A_170, %mul3A_408 : i32
      %add3A_410 = arith.constant 10 : i32
      %add3A_411 = arith.addi %mul3A_409, %add3A_410 : i32
      %get3A_412 = arith.index_cast %add3A_411 : i32 to index
      %get3A_413 = arith.constant 0 : index
      %get3A_414 = tpu.vector_load %arg9[%get3A_412, %get3A_413] {strides = array<i32>} : memref<1600x16xf32, #tpu.memory_space<vmem>>, vector<1x16xf32>,
      %get3A_415 = vector.shape_cast %get3A_414 : vector<1x16xf32> to vector<16xf32>
      %broadcast_in_dim3A_416 = vector.shape_cast %get3A_176 : vector<16xi32> to vector<16x1xi32>
      %gather3A_417 = vector.shape_cast %broadcast_in_dim3A_416 : vector<16x1xi32> to vector<16xi32>
      %gather3A_418 = tpu.dynamic_gather %get3A_415[%gather3A_417] in [0] : vector<16xf32>, vector<16xi32> -> vector<16xf32>
      %mul3A_419 = arith.constant 16 : i32
      %mul3A_420 = arith.muli %scan3A_170, %mul3A_419 : i32
      %add3A_421 = arith.constant 10 : i32
      %add3A_422 = arith.addi %mul3A_420, %add3A_421 : i32
      %get3A_423 = arith.index_cast %add3A_422 : i32 to index
      %get3A_424 = arith.constant 0 : index
      %get3A_425 = tpu.vector_load %arg10[%get3A_423, %get3A_424] {strides = array<i32>} : memref<1600x16xf32, #tpu.memory_space<vmem>>, vector<1x16xf32>,
      %get3A_426 = vector.shape_cast %get3A_425 : vector<1x16xf32> to vector<16xf32>
      %broadcast_in_dim3A_427 = vector.shape_cast %get3A_176 : vector<16xi32> to vector<16x1xi32>
      %gather3A_428 = vector.shape_cast %broadcast_in_dim3A_427 : vector<16x1xi32> to vector<16xi32>
      %gather3A_429 = tpu.dynamic_gather %get3A_426[%gather3A_428] in [0] : vector<16xf32>, vector<16xi32> -> vector<16xf32>
      %select_n3A_430 = arith.select %eq3A_43, %gather3A_418, %select_n3A_406 : vector<16xi1>, vector<16xf32>
      %select_n3A_431 = arith.select %eq3A_43, %gather3A_429, %select_n3A_407 : vector<16xi1>, vector<16xf32>
      %mul3A_432 = arith.constant 16 : i32
      %mul3A_433 = arith.muli %scan3A_170, %mul3A_432 : i32
      %add3A_434 = arith.constant 11 : i32
      %add3A_435 = arith.addi %mul3A_433, %add3A_434 : i32
      %get3A_436 = arith.index_cast %add3A_435 : i32 to index
      %get3A_437 = arith.constant 0 : index
      %get3A_438 = tpu.vector_load %arg9[%get3A_436, %get3A_437] {strides = array<i32>} : memref<1600x16xf32, #tpu.memory_space<vmem>>, vector<1x16xf32>,
      %get3A_439 = vector.shape_cast %get3A_438 : vector<1x16xf32> to vector<16xf32>
      %broadcast_in_dim3A_440 = vector.shape_cast %get3A_176 : vector<16xi32> to vector<16x1xi32>
      %gather3A_441 = vector.shape_cast %broadcast_in_dim3A_440 : vector<16x1xi32> to vector<16xi32>
      %gather3A_442 = tpu.dynamic_gather %get3A_439[%gather3A_441] in [0] : vector<16xf32>, vector<16xi32> -> vector<16xf32>
      %mul3A_443 = arith.constant 16 : i32
      %mul3A_444 = arith.muli %scan3A_170, %mul3A_443 : i32
      %add3A_445 = arith.constant 11 : i32
      %add3A_446 = arith.addi %mul3A_444, %add3A_445 : i32
      %get3A_447 = arith.index_cast %add3A_446 : i32 to index
      %get3A_448 = arith.constant 0 : index
      %get3A_449 = tpu.vector_load %arg10[%get3A_447, %get3A_448] {strides = array<i32>} : memref<1600x16xf32, #tpu.memory_space<vmem>>, vector<1x16xf32>,
      %get3A_450 = vector.shape_cast %get3A_449 : vector<1x16xf32> to vector<16xf32>
      %broadcast_in_dim3A_451 = vector.shape_cast %get3A_176 : vector<16xi32> to vector<16x1xi32>
      %gather3A_452 = vector.shape_cast %broadcast_in_dim3A_451 : vector<16x1xi32> to vector<16xi32>
      %gather3A_453 = tpu.dynamic_gather %get3A_450[%gather3A_452] in [0] : vector<16xf32>, vector<16xi32> -> vector<16xf32>
      %select_n3A_454 = arith.select %eq3A_47, %gather3A_442, %select_n3A_430 : vector<16xi1>, vector<16xf32>
      %select_n3A_455 = arith.select %eq3A_47, %gather3A_453, %select_n3A_431 : vector<16xi1>, vector<16xf32>
      %mul3A_456 = arith.constant 16 : i32
      %mul3A_457 = arith.muli %scan3A_170, %mul3A_456 : i32
      %add3A_458 = arith.constant 12 : i32
      %add3A_459 = arith.addi %mul3A_457, %add3A_458 : i32
      %get3A_460 = arith.index_cast %add3A_459 : i32 to index
      %get3A_461 = arith.constant 0 : index
      %get3A_462 = tpu.vector_load %arg9[%get3A_460, %get3A_461] {strides = array<i32>} : memref<1600x16xf32, #tpu.memory_space<vmem>>, vector<1x16xf32>,
      %get3A_463 = vector.shape_cast %get3A_462 : vector<1x16xf32> to vector<16xf32>
      %broadcast_in_dim3A_464 = vector.shape_cast %get3A_176 : vector<16xi32> to vector<16x1xi32>
      %gather3A_465 = vector.shape_cast %broadcast_in_dim3A_464 : vector<16x1xi32> to vector<16xi32>
      %gather3A_466 = tpu.dynamic_gather %get3A_463[%gather3A_465] in [0] : vector<16xf32>, vector<16xi32> -> vector<16xf32>
      %mul3A_467 = arith.constant 16 : i32
      %mul3A_468 = arith.muli %scan3A_170, %mul3A_467 : i32
      %add3A_469 = arith.constant 12 : i32
      %add3A_470 = arith.addi %mul3A_468, %add3A_469 : i32
      %get3A_471 = arith.index_cast %add3A_470 : i32 to index
      %get3A_472 = arith.constant 0 : index
      %get3A_473 = tpu.vector_load %arg10[%get3A_471, %get3A_472] {strides = array<i32>} : memref<1600x16xf32, #tpu.memory_space<vmem>>, vector<1x16xf32>,
      %get3A_474 = vector.shape_cast %get3A_473 : vector<1x16xf32> to vector<16xf32>
      %broadcast_in_dim3A_475 = vector.shape_cast %get3A_176 : vector<16xi32> to vector<16x1xi32>
      %gather3A_476 = vector.shape_cast %broadcast_in_dim3A_475 : vector<16x1xi32> to vector<16xi32>
      %gather3A_477 = tpu.dynamic_gather %get3A_474[%gather3A_476] in [0] : vector<16xf32>, vector<16xi32> -> vector<16xf32>
      %select_n3A_478 = arith.select %eq3A_51, %gather3A_466, %select_n3A_454 : vector<16xi1>, vector<16xf32>
      %select_n3A_479 = arith.select %eq3A_51, %gather3A_477, %select_n3A_455 : vector<16xi1>, vector<16xf32>
      %mul3A_480 = arith.constant 16 : i32
      %mul3A_481 = arith.muli %scan3A_170, %mul3A_480 : i32
      %add3A_482 = arith.constant 13 : i32
      %add3A_483 = arith.addi %mul3A_481, %add3A_482 : i32
      %get3A_484 = arith.index_cast %add3A_483 : i32 to index
      %get3A_485 = arith.constant 0 : index
      %get3A_486 = tpu.vector_load %arg9[%get3A_484, %get3A_485] {strides = array<i32>} : memref<1600x16xf32, #tpu.memory_space<vmem>>, vector<1x16xf32>,
      %get3A_487 = vector.shape_cast %get3A_486 : vector<1x16xf32> to vector<16xf32>
      %broadcast_in_dim3A_488 = vector.shape_cast %get3A_176 : vector<16xi32> to vector<16x1xi32>
      %gather3A_489 = vector.shape_cast %broadcast_in_dim3A_488 : vector<16x1xi32> to vector<16xi32>
      %gather3A_490 = tpu.dynamic_gather %get3A_487[%gather3A_489] in [0] : vector<16xf32>, vector<16xi32> -> vector<16xf32>
      %mul3A_491 = arith.constant 16 : i32
      %mul3A_492 = arith.muli %scan3A_170, %mul3A_491 : i32
      %add3A_493 = arith.constant 13 : i32
      %add3A_494 = arith.addi %mul3A_492, %add3A_493 : i32
      %get3A_495 = arith.index_cast %add3A_494 : i32 to index
      %get3A_496 = arith.constant 0 : index
      %get3A_497 = tpu.vector_load %arg10[%get3A_495, %get3A_496] {strides = array<i32>} : memref<1600x16xf32, #tpu.memory_space<vmem>>, vector<1x16xf32>,
      %get3A_498 = vector.shape_cast %get3A_497 : vector<1x16xf32> to vector<16xf32>
      %broadcast_in_dim3A_499 = vector.shape_cast %get3A_176 : vector<16xi32> to vector<16x1xi32>
      %gather3A_500 = vector.shape_cast %broadcast_in_dim3A_499 : vector<16x1xi32> to vector<16xi32>
      %gather3A_501 = tpu.dynamic_gather %get3A_498[%gather3A_500] in [0] : vector<16xf32>, vector<16xi32> -> vector<16xf32>
      %select_n3A_502 = arith.select %eq3A_55, %gather3A_490, %select_n3A_478 : vector<16xi1>, vector<16xf32>
      %select_n3A_503 = arith.select %eq3A_55, %gather3A_501, %select_n3A_479 : vector<16xi1>, vector<16xf32>
      %mul3A_504 = arith.constant 16 : i32
      %mul3A_505 = arith.muli %scan3A_170, %mul3A_504 : i32
      %add3A_506 = arith.constant 14 : i32
      %add3A_507 = arith.addi %mul3A_505, %add3A_506 : i32
      %get3A_508 = arith.index_cast %add3A_507 : i32 to index
      %get3A_509 = arith.constant 0 : index
      %get3A_510 = tpu.vector_load %arg9[%get3A_508, %get3A_509] {strides = array<i32>} : memref<1600x16xf32, #tpu.memory_space<vmem>>, vector<1x16xf32>,
      %get3A_511 = vector.shape_cast %get3A_510 : vector<1x16xf32> to vector<16xf32>
      %broadcast_in_dim3A_512 = vector.shape_cast %get3A_176 : vector<16xi32> to vector<16x1xi32>
      %gather3A_513 = vector.shape_cast %broadcast_in_dim3A_512 : vector<16x1xi32> to vector<16xi32>
      %gather3A_514 = tpu.dynamic_gather %get3A_511[%gather3A_513] in [0] : vector<16xf32>, vector<16xi32> -> vector<16xf32>
      %mul3A_515 = arith.constant 16 : i32
      %mul3A_516 = arith.muli %scan3A_170, %mul3A_515 : i32
      %add3A_517 = arith.constant 14 : i32
      %add3A_518 = arith.addi %mul3A_516, %add3A_517 : i32
      %get3A_519 = arith.index_cast %add3A_518 : i32 to index
      %get3A_520 = arith.constant 0 : index
      %get3A_521 = tpu.vector_load %arg10[%get3A_519, %get3A_520] {strides = array<i32>} : memref<1600x16xf32, #tpu.memory_space<vmem>>, vector<1x16xf32>,
      %get3A_522 = vector.shape_cast %get3A_521 : vector<1x16xf32> to vector<16xf32>
      %broadcast_in_dim3A_523 = vector.shape_cast %get3A_176 : vector<16xi32> to vector<16x1xi32>
      %gather3A_524 = vector.shape_cast %broadcast_in_dim3A_523 : vector<16x1xi32> to vector<16xi32>
      %gather3A_525 = tpu.dynamic_gather %get3A_522[%gather3A_524] in [0] : vector<16xf32>, vector<16xi32> -> vector<16xf32>
      %select_n3A_526 = arith.select %eq3A_59, %gather3A_514, %select_n3A_502 : vector<16xi1>, vector<16xf32>
      %select_n3A_527 = arith.select %eq3A_59, %gather3A_525, %select_n3A_503 : vector<16xi1>, vector<16xf32>
      %mul3A_528 = arith.constant 16 : i32
      %mul3A_529 = arith.muli %scan3A_170, %mul3A_528 : i32
      %add3A_530 = arith.constant 15 : i32
      %add3A_531 = arith.addi %mul3A_529, %add3A_530 : i32
      %get3A_532 = arith.index_cast %add3A_531 : i32 to index
      %get3A_533 = arith.constant 0 : index
      %get3A_534 = tpu.vector_load %arg9[%get3A_532, %get3A_533] {strides = array<i32>} : memref<1600x16xf32, #tpu.memory_space<vmem>>, vector<1x16xf32>,
      %get3A_535 = vector.shape_cast %get3A_534 : vector<1x16xf32> to vector<16xf32>
      %broadcast_in_dim3A_536 = vector.shape_cast %get3A_176 : vector<16xi32> to vector<16x1xi32>
      %gather3A_537 = vector.shape_cast %broadcast_in_dim3A_536 : vector<16x1xi32> to vector<16xi32>
      %gather3A_538 = tpu.dynamic_gather %get3A_535[%gather3A_537] in [0] : vector<16xf32>, vector<16xi32> -> vector<16xf32>
      %mul3A_539 = arith.constant 16 : i32
      %mul3A_540 = arith.muli %scan3A_170, %mul3A_539 : i32
      %add3A_541 = arith.constant 15 : i32
      %add3A_542 = arith.addi %mul3A_540, %add3A_541 : i32
      %get3A_543 = arith.index_cast %add3A_542 : i32 to index
      %get3A_544 = arith.constant 0 : index
      %get3A_545 = tpu.vector_load %arg10[%get3A_543, %get3A_544] {strides = array<i32>} : memref<1600x16xf32, #tpu.memory_space<vmem>>, vector<1x16xf32>,
      %get3A_546 = vector.shape_cast %get3A_545 : vector<1x16xf32> to vector<16xf32>
      %broadcast_in_dim3A_547 = vector.shape_cast %get3A_176 : vector<16xi32> to vector<16x1xi32>
      %gather3A_548 = vector.shape_cast %broadcast_in_dim3A_547 : vector<16x1xi32> to vector<16xi32>
      %gather3A_549 = tpu.dynamic_gather %get3A_546[%gather3A_548] in [0] : vector<16xf32>, vector<16xi32> -> vector<16xf32>
      %select_n3A_550 = arith.select %eq3A_63, %gather3A_538, %select_n3A_526 : vector<16xi1>, vector<16xf32>
      %select_n3A_551 = arith.select %eq3A_63, %gather3A_549, %select_n3A_527 : vector<16xi1>, vector<16xf32>
      %jit3A = arith.constant 128 : i32
      %div3A = arith.divsi %add3A_174, %jit3A : i32
      %sign3A = arith.constant 0 : i32
      %sign3A_552 = arith.cmpi sgt, %add3A_174, %sign3A : i32
      %sign3A_553 = arith.extui %sign3A_552 : i1 to i32
      %sign3A_554 = arith.constant 0 : i32
      %sign3A_555 = arith.cmpi slt, %add3A_174, %sign3A_554 : i32
      %sign3A_556 = arith.extui %sign3A_555 : i1 to i32
      %sign3A_557 = arith.subi %sign3A_553, %sign3A_556 : i32
      %sign3A_558 = arith.constant 0 : i32
      %sign3A_559 = arith.cmpi sgt, %jit3A, %sign3A_558 : i32
      %sign3A_560 = arith.extui %sign3A_559 : i1 to i32
      %sign3A_561 = arith.constant 0 : i32
      %sign3A_562 = arith.cmpi slt, %jit3A, %sign3A_561 : i32
      %sign3A_563 = arith.extui %sign3A_562 : i1 to i32
      %sign3A_564 = arith.subi %sign3A_560, %sign3A_563 : i32
      %ne3A = arith.cmpi ne, %sign3A_557, %sign3A_564 : i32
      %rem3A = arith.remsi %add3A_174, %jit3A : i32
      %ne3A_565 = arith.constant 0 : i32
      %ne3A_566 = arith.cmpi ne, %rem3A, %ne3A_565 : i32
      %and3A = arith.andi %ne3A, %ne3A_566 : i1
      %sub3A = arith.constant 1 : i32
      %sub3A_567 = arith.subi %div3A, %sub3A : i32
      %select_n3A_568 = arith.select %and3A, %sub3A_567, %div3A : i32
      %jit3A_569 = arith.constant 128 : i32
      %eq3A_570 = arith.constant 0 : i32
      %eq3A_571 = arith.cmpi eq, %jit3A_569, %eq3A_570 : i32
      %jit3A_572 = arith.constant 1 : i32
      %select_n3A_573 = arith.select %eq3A_571, %jit3A_572, %jit3A_569 : i32
      %rem3A_574 = arith.remsi %add3A_174, %select_n3A_573 : i32
      %ne3A_575 = arith.constant 0 : i32
      %ne3A_576 = arith.cmpi ne, %rem3A_574, %ne3A_575 : i32
      %lt3A = arith.constant 0 : i32
      %lt3A_577 = arith.cmpi slt, %rem3A_574, %lt3A : i32
      %lt3A_578 = arith.constant 0 : i32
      %lt3A_579 = arith.cmpi slt, %select_n3A_573, %lt3A_578 : i32
      %ne3A_580 = arith.xori %lt3A_577, %lt3A_579 : i1
      %and3A_581 = arith.andi %ne3A_580, %ne3A_576 : i1
      %add3A_582 = arith.addi %rem3A_574, %select_n3A_573 : i32
      %select_n3A_583 = arith.select %and3A_581, %add3A_582, %rem3A_574 : i32
      %swap3A = arith.index_cast %select_n3A_568 : i32 to index
      %swap3A_584 = arith.index_cast %select_n3A_583 : i32 to index
      %swap3A_585 = tpu.vector_load %arg11[%swap3A, %swap3A_584] {strides = array<i32>} : memref<50x128xf32, #tpu.memory_space<vmem>>, vector<1x16xf32>,
      %swap3A_586 = vector.shape_cast %swap3A_585 : vector<1x16xf32> to vector<16xf32>
      %swap3A_587 = vector.shape_cast %select_n3A_550 : vector<16xf32> to vector<1x16xf32>
      tpu.vector_store %arg11[%swap3A, %swap3A_584], %swap3A_587 {strides = array<i32>} : memref<50x128xf32, #tpu.memory_space<vmem>>, vector<1x16xf32>,
      %swap3A_588 = arith.index_cast %select_n3A_568 : i32 to index
      %swap3A_589 = arith.index_cast %select_n3A_583 : i32 to index
      %swap3A_590 = tpu.vector_load %arg12[%swap3A_588, %swap3A_589] {strides = array<i32>} : memref<50x128xf32, #tpu.memory_space<vmem>>, vector<1x16xf32>,
      %swap3A_591 = vector.shape_cast %swap3A_590 : vector<1x16xf32> to vector<16xf32>
      %swap3A_592 = vector.shape_cast %select_n3A_551 : vector<16xf32> to vector<1x16xf32>
      tpu.vector_store %arg12[%swap3A_588, %swap3A_589], %swap3A_592 {strides = array<i32>} : memref<50x128xf32, #tpu.memory_space<vmem>>, vector<1x16xf32>,
    }
    %scan3A_87 = arith.constant 100 : i32
    %dma_start3A_88 = arith.constant 1600 : i32
    %dma_start3A_89 = tpu.memref_slice %arg7[%dma_start3A_88] : memref<6400xi32, #tpu.memory_space<vmem>> -> memref<1600xi32, #tpu.memory_space<vmem>>
    %dma_start3A_90 = arith.constant 0 : i32
    %dma_start3A_91 = arith.constant 0 : i32
    %dma_start3A_92 = tpu.memref_slice %arg2[%dma_start3A_90, %dma_start3A_91] : memref<125000x16xf32, #tpu.memory_space<hbm>> -> memref<125000x16xf32, #tpu.memory_space<hbm>>
    tpu.enqueue_indirect_dma source(%dma_start3A_92 : memref<125000x16xf32, #tpu.memory_space<hbm>>) target(%arg9 : memref<1600x16xf32, #tpu.memory_space<vmem>>) offsets(%dma_start3A_89 : memref<1600xi32, #tpu.memory_space<vmem>>) semaphore(%arg13 : memref<!tpu.dma_semaphore, #tpu.memory_space<semaphore_mem>>)
    %dma_start3A_93 = arith.constant 1600 : i32
    %dma_start3A_94 = tpu.memref_slice %arg8[%dma_start3A_93] : memref<6400xi32, #tpu.memory_space<vmem>> -> memref<1600xi32, #tpu.memory_space<vmem>>
    %dma_start3A_95 = arith.constant 0 : i32
    %dma_start3A_96 = arith.constant 0 : i32
    %dma_start3A_97 = tpu.memref_slice %arg2[%dma_start3A_95, %dma_start3A_96] : memref<125000x16xf32, #tpu.memory_space<hbm>> -> memref<125000x16xf32, #tpu.memory_space<hbm>>
    tpu.enqueue_indirect_dma source(%dma_start3A_97 : memref<125000x16xf32, #tpu.memory_space<hbm>>) target(%arg10 : memref<1600x16xf32, #tpu.memory_space<vmem>>) offsets(%dma_start3A_94 : memref<1600xi32, #tpu.memory_space<vmem>>) semaphore(%arg14 : memref<!tpu.dma_semaphore, #tpu.memory_space<semaphore_mem>>)
    %dma_wait3A_98 = arith.constant 1600 : i32
    %dma_wait3A_99 = tpu.memref_slice %arg7[%dma_wait3A_98] : memref<6400xi32, #tpu.memory_space<vmem>> -> memref<1600xi32, #tpu.memory_space<vmem>>
    %dma_wait3A_100 = arith.constant 0 : i32
    %dma_wait3A_101 = arith.constant 0 : i32
    %dma_wait3A_102 = tpu.memref_slice %arg2[%dma_wait3A_100, %dma_wait3A_101] : memref<125000x16xf32, #tpu.memory_space<hbm>> -> memref<125000x16xf32, #tpu.memory_space<hbm>>
    tpu.wait_indirect_dma semaphore(%arg13 : memref<!tpu.dma_semaphore, #tpu.memory_space<semaphore_mem>>) src(%dma_wait3A_102 : memref<125000x16xf32, #tpu.memory_space<hbm>>) dst(%arg9 : memref<1600x16xf32, #tpu.memory_space<vmem>>)
    %dma_wait3A_103 = arith.constant 1600 : i32
    %dma_wait3A_104 = tpu.memref_slice %arg8[%dma_wait3A_103] : memref<6400xi32, #tpu.memory_space<vmem>> -> memref<1600xi32, #tpu.memory_space<vmem>>
    %dma_wait3A_105 = arith.constant 0 : i32
    %dma_wait3A_106 = arith.constant 0 : i32
    %dma_wait3A_107 = tpu.memref_slice %arg2[%dma_wait3A_105, %dma_wait3A_106] : memref<125000x16xf32, #tpu.memory_space<hbm>> -> memref<125000x16xf32, #tpu.memory_space<hbm>>
    tpu.wait_indirect_dma semaphore(%arg14 : memref<!tpu.dma_semaphore, #tpu.memory_space<semaphore_mem>>) src(%dma_wait3A_107 : memref<125000x16xf32, #tpu.memory_space<hbm>>) dst(%arg10 : memref<1600x16xf32, #tpu.memory_space<vmem>>)
    %scan3A_108 = arith.constant 0 : i32
    %scan3A_109 = arith.constant 0 : i32
    %scan3A_110 = arith.constant 100 : i32
    %scan3A_111 = arith.addi %scan3A_109, %scan3A_110 : i32
    %scan3A_112 = arith.constant 1 : i32
    scf.for %scan3A_170 = %scan3A_109 to %scan3A_111 step %scan3A_112  : i32 {
      %mul3A_171 = arith.constant 16 : i32
      %mul3A_172 = arith.muli %scan3A_170, %mul3A_171 : i32
      %add3A_173 = arith.constant 1600 : i32
      %add3A_174 = arith.addi %add3A_173, %mul3A_172 : i32
      %get3A = arith.index_cast %add3A_174 : i32 to index
      %get3A_175 = tpu.vector_load %arg6[%get3A] {strides = array<i32>} : memref<6400xi32, #tpu.memory_space<vmem>>, vector<16xi32>,
      %get3A_176 = vector.shape_cast %get3A_175 : vector<16xi32> to vector<16xi32>
      %mul3A_177 = arith.constant 16 : i32
      %mul3A_178 = arith.muli %scan3A_170, %mul3A_177 : i32
      %get3A_179 = arith.index_cast %mul3A_178 : i32 to index
      %get3A_180 = arith.constant 0 : index
      %get3A_181 = tpu.vector_load %arg9[%get3A_179, %get3A_180] {strides = array<i32>} : memref<1600x16xf32, #tpu.memory_space<vmem>>, vector<1x16xf32>,
      %get3A_182 = vector.shape_cast %get3A_181 : vector<1x16xf32> to vector<16xf32>
      %broadcast_in_dim3A = vector.shape_cast %get3A_176 : vector<16xi32> to vector<16x1xi32>
      %gather3A = vector.shape_cast %broadcast_in_dim3A : vector<16x1xi32> to vector<16xi32>
      %gather3A_183 = tpu.dynamic_gather %get3A_182[%gather3A] in [0] : vector<16xf32>, vector<16xi32> -> vector<16xf32>
      %mul3A_184 = arith.constant 16 : i32
      %mul3A_185 = arith.muli %scan3A_170, %mul3A_184 : i32
      %get3A_186 = arith.index_cast %mul3A_185 : i32 to index
      %get3A_187 = arith.constant 0 : index
      %get3A_188 = tpu.vector_load %arg10[%get3A_186, %get3A_187] {strides = array<i32>} : memref<1600x16xf32, #tpu.memory_space<vmem>>, vector<1x16xf32>,
      %get3A_189 = vector.shape_cast %get3A_188 : vector<1x16xf32> to vector<16xf32>
      %broadcast_in_dim3A_190 = vector.shape_cast %get3A_176 : vector<16xi32> to vector<16x1xi32>
      %gather3A_191 = vector.shape_cast %broadcast_in_dim3A_190 : vector<16x1xi32> to vector<16xi32>
      %gather3A_192 = tpu.dynamic_gather %get3A_189[%gather3A_191] in [0] : vector<16xf32>, vector<16xi32> -> vector<16xf32>
      %mul3A_193 = arith.constant 16 : i32
      %mul3A_194 = arith.muli %scan3A_170, %mul3A_193 : i32
      %add3A_195 = arith.constant 1 : i32
      %add3A_196 = arith.addi %mul3A_194, %add3A_195 : i32
      %get3A_197 = arith.index_cast %add3A_196 : i32 to index
      %get3A_198 = arith.constant 0 : index
      %get3A_199 = tpu.vector_load %arg9[%get3A_197, %get3A_198] {strides = array<i32>} : memref<1600x16xf32, #tpu.memory_space<vmem>>, vector<1x16xf32>,
      %get3A_200 = vector.shape_cast %get3A_199 : vector<1x16xf32> to vector<16xf32>
      %broadcast_in_dim3A_201 = vector.shape_cast %get3A_176 : vector<16xi32> to vector<16x1xi32>
      %gather3A_202 = vector.shape_cast %broadcast_in_dim3A_201 : vector<16x1xi32> to vector<16xi32>
      %gather3A_203 = tpu.dynamic_gather %get3A_200[%gather3A_202] in [0] : vector<16xf32>, vector<16xi32> -> vector<16xf32>
      %mul3A_204 = arith.constant 16 : i32
      %mul3A_205 = arith.muli %scan3A_170, %mul3A_204 : i32
      %add3A_206 = arith.constant 1 : i32
      %add3A_207 = arith.addi %mul3A_205, %add3A_206 : i32
      %get3A_208 = arith.index_cast %add3A_207 : i32 to index
      %get3A_209 = arith.constant 0 : index
      %get3A_210 = tpu.vector_load %arg10[%get3A_208, %get3A_209] {strides = array<i32>} : memref<1600x16xf32, #tpu.memory_space<vmem>>, vector<1x16xf32>,
      %get3A_211 = vector.shape_cast %get3A_210 : vector<1x16xf32> to vector<16xf32>
      %broadcast_in_dim3A_212 = vector.shape_cast %get3A_176 : vector<16xi32> to vector<16x1xi32>
      %gather3A_213 = vector.shape_cast %broadcast_in_dim3A_212 : vector<16x1xi32> to vector<16xi32>
      %gather3A_214 = tpu.dynamic_gather %get3A_211[%gather3A_213] in [0] : vector<16xf32>, vector<16xi32> -> vector<16xf32>
      %select_n3A = arith.select %eq3A_7, %gather3A_203, %gather3A_183 : vector<16xi1>, vector<16xf32>
      %select_n3A_215 = arith.select %eq3A_7, %gather3A_214, %gather3A_192 : vector<16xi1>, vector<16xf32>
      %mul3A_216 = arith.constant 16 : i32
      %mul3A_217 = arith.muli %scan3A_170, %mul3A_216 : i32
      %add3A_218 = arith.constant 2 : i32
      %add3A_219 = arith.addi %mul3A_217, %add3A_218 : i32
      %get3A_220 = arith.index_cast %add3A_219 : i32 to index
      %get3A_221 = arith.constant 0 : index
      %get3A_222 = tpu.vector_load %arg9[%get3A_220, %get3A_221] {strides = array<i32>} : memref<1600x16xf32, #tpu.memory_space<vmem>>, vector<1x16xf32>,
      %get3A_223 = vector.shape_cast %get3A_222 : vector<1x16xf32> to vector<16xf32>
      %broadcast_in_dim3A_224 = vector.shape_cast %get3A_176 : vector<16xi32> to vector<16x1xi32>
      %gather3A_225 = vector.shape_cast %broadcast_in_dim3A_224 : vector<16x1xi32> to vector<16xi32>
      %gather3A_226 = tpu.dynamic_gather %get3A_223[%gather3A_225] in [0] : vector<16xf32>, vector<16xi32> -> vector<16xf32>
      %mul3A_227 = arith.constant 16 : i32
      %mul3A_228 = arith.muli %scan3A_170, %mul3A_227 : i32
      %add3A_229 = arith.constant 2 : i32
      %add3A_230 = arith.addi %mul3A_228, %add3A_229 : i32
      %get3A_231 = arith.index_cast %add3A_230 : i32 to index
      %get3A_232 = arith.constant 0 : index
      %get3A_233 = tpu.vector_load %arg10[%get3A_231, %get3A_232] {strides = array<i32>} : memref<1600x16xf32, #tpu.memory_space<vmem>>, vector<1x16xf32>,
      %get3A_234 = vector.shape_cast %get3A_233 : vector<1x16xf32> to vector<16xf32>
      %broadcast_in_dim3A_235 = vector.shape_cast %get3A_176 : vector<16xi32> to vector<16x1xi32>
      %gather3A_236 = vector.shape_cast %broadcast_in_dim3A_235 : vector<16x1xi32> to vector<16xi32>
      %gather3A_237 = tpu.dynamic_gather %get3A_234[%gather3A_236] in [0] : vector<16xf32>, vector<16xi32> -> vector<16xf32>
      %select_n3A_238 = arith.select %eq3A_11, %gather3A_226, %select_n3A : vector<16xi1>, vector<16xf32>
      %select_n3A_239 = arith.select %eq3A_11, %gather3A_237, %select_n3A_215 : vector<16xi1>, vector<16xf32>
      %mul3A_240 = arith.constant 16 : i32
      %mul3A_241 = arith.muli %scan3A_170, %mul3A_240 : i32
      %add3A_242 = arith.constant 3 : i32
      %add3A_243 = arith.addi %mul3A_241, %add3A_242 : i32
      %get3A_244 = arith.index_cast %add3A_243 : i32 to index
      %get3A_245 = arith.constant 0 : index
      %get3A_246 = tpu.vector_load %arg9[%get3A_244, %get3A_245] {strides = array<i32>} : memref<1600x16xf32, #tpu.memory_space<vmem>>, vector<1x16xf32>,
      %get3A_247 = vector.shape_cast %get3A_246 : vector<1x16xf32> to vector<16xf32>
      %broadcast_in_dim3A_248 = vector.shape_cast %get3A_176 : vector<16xi32> to vector<16x1xi32>
      %gather3A_249 = vector.shape_cast %broadcast_in_dim3A_248 : vector<16x1xi32> to vector<16xi32>
      %gather3A_250 = tpu.dynamic_gather %get3A_247[%gather3A_249] in [0] : vector<16xf32>, vector<16xi32> -> vector<16xf32>
      %mul3A_251 = arith.constant 16 : i32
      %mul3A_252 = arith.muli %scan3A_170, %mul3A_251 : i32
      %add3A_253 = arith.constant 3 : i32
      %add3A_254 = arith.addi %mul3A_252, %add3A_253 : i32
      %get3A_255 = arith.index_cast %add3A_254 : i32 to index
      %get3A_256 = arith.constant 0 : index
      %get3A_257 = tpu.vector_load %arg10[%get3A_255, %get3A_256] {strides = array<i32>} : memref<1600x16xf32, #tpu.memory_space<vmem>>, vector<1x16xf32>,
      %get3A_258 = vector.shape_cast %get3A_257 : vector<1x16xf32> to vector<16xf32>
      %broadcast_in_dim3A_259 = vector.shape_cast %get3A_176 : vector<16xi32> to vector<16x1xi32>
      %gather3A_260 = vector.shape_cast %broadcast_in_dim3A_259 : vector<16x1xi32> to vector<16xi32>
      %gather3A_261 = tpu.dynamic_gather %get3A_258[%gather3A_260] in [0] : vector<16xf32>, vector<16xi32> -> vector<16xf32>
      %select_n3A_262 = arith.select %eq3A_15, %gather3A_250, %select_n3A_238 : vector<16xi1>, vector<16xf32>
      %select_n3A_263 = arith.select %eq3A_15, %gather3A_261, %select_n3A_239 : vector<16xi1>, vector<16xf32>
      %mul3A_264 = arith.constant 16 : i32
      %mul3A_265 = arith.muli %scan3A_170, %mul3A_264 : i32
      %add3A_266 = arith.constant 4 : i32
      %add3A_267 = arith.addi %mul3A_265, %add3A_266 : i32
      %get3A_268 = arith.index_cast %add3A_267 : i32 to index
      %get3A_269 = arith.constant 0 : index
      %get3A_270 = tpu.vector_load %arg9[%get3A_268, %get3A_269] {strides = array<i32>} : memref<1600x16xf32, #tpu.memory_space<vmem>>, vector<1x16xf32>,
      %get3A_271 = vector.shape_cast %get3A_270 : vector<1x16xf32> to vector<16xf32>
      %broadcast_in_dim3A_272 = vector.shape_cast %get3A_176 : vector<16xi32> to vector<16x1xi32>
      %gather3A_273 = vector.shape_cast %broadcast_in_dim3A_272 : vector<16x1xi32> to vector<16xi32>
      %gather3A_274 = tpu.dynamic_gather %get3A_271[%gather3A_273] in [0] : vector<16xf32>, vector<16xi32> -> vector<16xf32>
      %mul3A_275 = arith.constant 16 : i32
      %mul3A_276 = arith.muli %scan3A_170, %mul3A_275 : i32
      %add3A_277 = arith.constant 4 : i32
      %add3A_278 = arith.addi %mul3A_276, %add3A_277 : i32
      %get3A_279 = arith.index_cast %add3A_278 : i32 to index
      %get3A_280 = arith.constant 0 : index
      %get3A_281 = tpu.vector_load %arg10[%get3A_279, %get3A_280] {strides = array<i32>} : memref<1600x16xf32, #tpu.memory_space<vmem>>, vector<1x16xf32>,
      %get3A_282 = vector.shape_cast %get3A_281 : vector<1x16xf32> to vector<16xf32>
      %broadcast_in_dim3A_283 = vector.shape_cast %get3A_176 : vector<16xi32> to vector<16x1xi32>
      %gather3A_284 = vector.shape_cast %broadcast_in_dim3A_283 : vector<16x1xi32> to vector<16xi32>
      %gather3A_285 = tpu.dynamic_gather %get3A_282[%gather3A_284] in [0] : vector<16xf32>, vector<16xi32> -> vector<16xf32>
      %select_n3A_286 = arith.select %eq3A_19, %gather3A_274, %select_n3A_262 : vector<16xi1>, vector<16xf32>
      %select_n3A_287 = arith.select %eq3A_19, %gather3A_285, %select_n3A_263 : vector<16xi1>, vector<16xf32>
      %mul3A_288 = arith.constant 16 : i32
      %mul3A_289 = arith.muli %scan3A_170, %mul3A_288 : i32
      %add3A_290 = arith.constant 5 : i32
      %add3A_291 = arith.addi %mul3A_289, %add3A_290 : i32
      %get3A_292 = arith.index_cast %add3A_291 : i32 to index
      %get3A_293 = arith.constant 0 : index
      %get3A_294 = tpu.vector_load %arg9[%get3A_292, %get3A_293] {strides = array<i32>} : memref<1600x16xf32, #tpu.memory_space<vmem>>, vector<1x16xf32>,
      %get3A_295 = vector.shape_cast %get3A_294 : vector<1x16xf32> to vector<16xf32>
      %broadcast_in_dim3A_296 = vector.shape_cast %get3A_176 : vector<16xi32> to vector<16x1xi32>
      %gather3A_297 = vector.shape_cast %broadcast_in_dim3A_296 : vector<16x1xi32> to vector<16xi32>
      %gather3A_298 = tpu.dynamic_gather %get3A_295[%gather3A_297] in [0] : vector<16xf32>, vector<16xi32> -> vector<16xf32>
      %mul3A_299 = arith.constant 16 : i32
      %mul3A_300 = arith.muli %scan3A_170, %mul3A_299 : i32
      %add3A_301 = arith.constant 5 : i32
      %add3A_302 = arith.addi %mul3A_300, %add3A_301 : i32
      %get3A_303 = arith.index_cast %add3A_302 : i32 to index
      %get3A_304 = arith.constant 0 : index
      %get3A_305 = tpu.vector_load %arg10[%get3A_303, %get3A_304] {strides = array<i32>} : memref<1600x16xf32, #tpu.memory_space<vmem>>, vector<1x16xf32>,
      %get3A_306 = vector.shape_cast %get3A_305 : vector<1x16xf32> to vector<16xf32>
      %broadcast_in_dim3A_307 = vector.shape_cast %get3A_176 : vector<16xi32> to vector<16x1xi32>
      %gather3A_308 = vector.shape_cast %broadcast_in_dim3A_307 : vector<16x1xi32> to vector<16xi32>
      %gather3A_309 = tpu.dynamic_gather %get3A_306[%gather3A_308] in [0] : vector<16xf32>, vector<16xi32> -> vector<16xf32>
      %select_n3A_310 = arith.select %eq3A_23, %gather3A_298, %select_n3A_286 : vector<16xi1>, vector<16xf32>
      %select_n3A_311 = arith.select %eq3A_23, %gather3A_309, %select_n3A_287 : vector<16xi1>, vector<16xf32>
      %mul3A_312 = arith.constant 16 : i32
      %mul3A_313 = arith.muli %scan3A_170, %mul3A_312 : i32
      %add3A_314 = arith.constant 6 : i32
      %add3A_315 = arith.addi %mul3A_313, %add3A_314 : i32
      %get3A_316 = arith.index_cast %add3A_315 : i32 to index
      %get3A_317 = arith.constant 0 : index
      %get3A_318 = tpu.vector_load %arg9[%get3A_316, %get3A_317] {strides = array<i32>} : memref<1600x16xf32, #tpu.memory_space<vmem>>, vector<1x16xf32>,
      %get3A_319 = vector.shape_cast %get3A_318 : vector<1x16xf32> to vector<16xf32>
      %broadcast_in_dim3A_320 = vector.shape_cast %get3A_176 : vector<16xi32> to vector<16x1xi32>
      %gather3A_321 = vector.shape_cast %broadcast_in_dim3A_320 : vector<16x1xi32> to vector<16xi32>
      %gather3A_322 = tpu.dynamic_gather %get3A_319[%gather3A_321] in [0] : vector<16xf32>, vector<16xi32> -> vector<16xf32>
      %mul3A_323 = arith.constant 16 : i32
      %mul3A_324 = arith.muli %scan3A_170, %mul3A_323 : i32
      %add3A_325 = arith.constant 6 : i32
      %add3A_326 = arith.addi %mul3A_324, %add3A_325 : i32
      %get3A_327 = arith.index_cast %add3A_326 : i32 to index
      %get3A_328 = arith.constant 0 : index
      %get3A_329 = tpu.vector_load %arg10[%get3A_327, %get3A_328] {strides = array<i32>} : memref<1600x16xf32, #tpu.memory_space<vmem>>, vector<1x16xf32>,
      %get3A_330 = vector.shape_cast %get3A_329 : vector<1x16xf32> to vector<16xf32>
      %broadcast_in_dim3A_331 = vector.shape_cast %get3A_176 : vector<16xi32> to vector<16x1xi32>
      %gather3A_332 = vector.shape_cast %broadcast_in_dim3A_331 : vector<16x1xi32> to vector<16xi32>
      %gather3A_333 = tpu.dynamic_gather %get3A_330[%gather3A_332] in [0] : vector<16xf32>, vector<16xi32> -> vector<16xf32>
      %select_n3A_334 = arith.select %eq3A_27, %gather3A_322, %select_n3A_310 : vector<16xi1>, vector<16xf32>
      %select_n3A_335 = arith.select %eq3A_27, %gather3A_333, %select_n3A_311 : vector<16xi1>, vector<16xf32>
      %mul3A_336 = arith.constant 16 : i32
      %mul3A_337 = arith.muli %scan3A_170, %mul3A_336 : i32
      %add3A_338 = arith.constant 7 : i32
      %add3A_339 = arith.addi %mul3A_337, %add3A_338 : i32
      %get3A_340 = arith.index_cast %add3A_339 : i32 to index
      %get3A_341 = arith.constant 0 : index
      %get3A_342 = tpu.vector_load %arg9[%get3A_340, %get3A_341] {strides = array<i32>} : memref<1600x16xf32, #tpu.memory_space<vmem>>, vector<1x16xf32>,
      %get3A_343 = vector.shape_cast %get3A_342 : vector<1x16xf32> to vector<16xf32>
      %broadcast_in_dim3A_344 = vector.shape_cast %get3A_176 : vector<16xi32> to vector<16x1xi32>
      %gather3A_345 = vector.shape_cast %broadcast_in_dim3A_344 : vector<16x1xi32> to vector<16xi32>
      %gather3A_346 = tpu.dynamic_gather %get3A_343[%gather3A_345] in [0] : vector<16xf32>, vector<16xi32> -> vector<16xf32>
      %mul3A_347 = arith.constant 16 : i32
      %mul3A_348 = arith.muli %scan3A_170, %mul3A_347 : i32
      %add3A_349 = arith.constant 7 : i32
      %add3A_350 = arith.addi %mul3A_348, %add3A_349 : i32
      %get3A_351 = arith.index_cast %add3A_350 : i32 to index
      %get3A_352 = arith.constant 0 : index
      %get3A_353 = tpu.vector_load %arg10[%get3A_351, %get3A_352] {strides = array<i32>} : memref<1600x16xf32, #tpu.memory_space<vmem>>, vector<1x16xf32>,
      %get3A_354 = vector.shape_cast %get3A_353 : vector<1x16xf32> to vector<16xf32>
      %broadcast_in_dim3A_355 = vector.shape_cast %get3A_176 : vector<16xi32> to vector<16x1xi32>
      %gather3A_356 = vector.shape_cast %broadcast_in_dim3A_355 : vector<16x1xi32> to vector<16xi32>
      %gather3A_357 = tpu.dynamic_gather %get3A_354[%gather3A_356] in [0] : vector<16xf32>, vector<16xi32> -> vector<16xf32>
      %select_n3A_358 = arith.select %eq3A_31, %gather3A_346, %select_n3A_334 : vector<16xi1>, vector<16xf32>
      %select_n3A_359 = arith.select %eq3A_31, %gather3A_357, %select_n3A_335 : vector<16xi1>, vector<16xf32>
      %mul3A_360 = arith.constant 16 : i32
      %mul3A_361 = arith.muli %scan3A_170, %mul3A_360 : i32
      %add3A_362 = arith.constant 8 : i32
      %add3A_363 = arith.addi %mul3A_361, %add3A_362 : i32
      %get3A_364 = arith.index_cast %add3A_363 : i32 to index
      %get3A_365 = arith.constant 0 : index
      %get3A_366 = tpu.vector_load %arg9[%get3A_364, %get3A_365] {strides = array<i32>} : memref<1600x16xf32, #tpu.memory_space<vmem>>, vector<1x16xf32>,
      %get3A_367 = vector.shape_cast %get3A_366 : vector<1x16xf32> to vector<16xf32>
      %broadcast_in_dim3A_368 = vector.shape_cast %get3A_176 : vector<16xi32> to vector<16x1xi32>
      %gather3A_369 = vector.shape_cast %broadcast_in_dim3A_368 : vector<16x1xi32> to vector<16xi32>
      %gather3A_370 = tpu.dynamic_gather %get3A_367[%gather3A_369] in [0] : vector<16xf32>, vector<16xi32> -> vector<16xf32>
      %mul3A_371 = arith.constant 16 : i32
      %mul3A_372 = arith.muli %scan3A_170, %mul3A_371 : i32
      %add3A_373 = arith.constant 8 : i32
      %add3A_374 = arith.addi %mul3A_372, %add3A_373 : i32
      %get3A_375 = arith.index_cast %add3A_374 : i32 to index
      %get3A_376 = arith.constant 0 : index
      %get3A_377 = tpu.vector_load %arg10[%get3A_375, %get3A_376] {strides = array<i32>} : memref<1600x16xf32, #tpu.memory_space<vmem>>, vector<1x16xf32>,
      %get3A_378 = vector.shape_cast %get3A_377 : vector<1x16xf32> to vector<16xf32>
      %broadcast_in_dim3A_379 = vector.shape_cast %get3A_176 : vector<16xi32> to vector<16x1xi32>
      %gather3A_380 = vector.shape_cast %broadcast_in_dim3A_379 : vector<16x1xi32> to vector<16xi32>
      %gather3A_381 = tpu.dynamic_gather %get3A_378[%gather3A_380] in [0] : vector<16xf32>, vector<16xi32> -> vector<16xf32>
      %select_n3A_382 = arith.select %eq3A_35, %gather3A_370, %select_n3A_358 : vector<16xi1>, vector<16xf32>
      %select_n3A_383 = arith.select %eq3A_35, %gather3A_381, %select_n3A_359 : vector<16xi1>, vector<16xf32>
      %mul3A_384 = arith.constant 16 : i32
      %mul3A_385 = arith.muli %scan3A_170, %mul3A_384 : i32
      %add3A_386 = arith.constant 9 : i32
      %add3A_387 = arith.addi %mul3A_385, %add3A_386 : i32
      %get3A_388 = arith.index_cast %add3A_387 : i32 to index
      %get3A_389 = arith.constant 0 : index
      %get3A_390 = tpu.vector_load %arg9[%get3A_388, %get3A_389] {strides = array<i32>} : memref<1600x16xf32, #tpu.memory_space<vmem>>, vector<1x16xf32>,
      %get3A_391 = vector.shape_cast %get3A_390 : vector<1x16xf32> to vector<16xf32>
      %broadcast_in_dim3A_392 = vector.shape_cast %get3A_176 : vector<16xi32> to vector<16x1xi32>
      %gather3A_393 = vector.shape_cast %broadcast_in_dim3A_392 : vector<16x1xi32> to vector<16xi32>
      %gather3A_394 = tpu.dynamic_gather %get3A_391[%gather3A_393] in [0] : vector<16xf32>, vector<16xi32> -> vector<16xf32>
      %mul3A_395 = arith.constant 16 : i32
      %mul3A_396 = arith.muli %scan3A_170, %mul3A_395 : i32
      %add3A_397 = arith.constant 9 : i32
      %add3A_398 = arith.addi %mul3A_396, %add3A_397 : i32
      %get3A_399 = arith.index_cast %add3A_398 : i32 to index
      %get3A_400 = arith.constant 0 : index
      %get3A_401 = tpu.vector_load %arg10[%get3A_399, %get3A_400] {strides = array<i32>} : memref<1600x16xf32, #tpu.memory_space<vmem>>, vector<1x16xf32>,
      %get3A_402 = vector.shape_cast %get3A_401 : vector<1x16xf32> to vector<16xf32>
      %broadcast_in_dim3A_403 = vector.shape_cast %get3A_176 : vector<16xi32> to vector<16x1xi32>
      %gather3A_404 = vector.shape_cast %broadcast_in_dim3A_403 : vector<16x1xi32> to vector<16xi32>
      %gather3A_405 = tpu.dynamic_gather %get3A_402[%gather3A_404] in [0] : vector<16xf32>, vector<16xi32> -> vector<16xf32>
      %select_n3A_406 = arith.select %eq3A_39, %gather3A_394, %select_n3A_382 : vector<16xi1>, vector<16xf32>
      %select_n3A_407 = arith.select %eq3A_39, %gather3A_405, %select_n3A_383 : vector<16xi1>, vector<16xf32>
      %mul3A_408 = arith.constant 16 : i32
      %mul3A_409 = arith.muli %scan3A_170, %mul3A_408 : i32
      %add3A_410 = arith.constant 10 : i32
      %add3A_411 = arith.addi %mul3A_409, %add3A_410 : i32
      %get3A_412 = arith.index_cast %add3A_411 : i32 to index
      %get3A_413 = arith.constant 0 : index
      %get3A_414 = tpu.vector_load %arg9[%get3A_412, %get3A_413] {strides = array<i32>} : memref<1600x16xf32, #tpu.memory_space<vmem>>, vector<1x16xf32>,
      %get3A_415 = vector.shape_cast %get3A_414 : vector<1x16xf32> to vector<16xf32>
      %broadcast_in_dim3A_416 = vector.shape_cast %get3A_176 : vector<16xi32> to vector<16x1xi32>
      %gather3A_417 = vector.shape_cast %broadcast_in_dim3A_416 : vector<16x1xi32> to vector<16xi32>
      %gather3A_418 = tpu.dynamic_gather %get3A_415[%gather3A_417] in [0] : vector<16xf32>, vector<16xi32> -> vector<16xf32>
      %mul3A_419 = arith.constant 16 : i32
      %mul3A_420 = arith.muli %scan3A_170, %mul3A_419 : i32
      %add3A_421 = arith.constant 10 : i32
      %add3A_422 = arith.addi %mul3A_420, %add3A_421 : i32
      %get3A_423 = arith.index_cast %add3A_422 : i32 to index
      %get3A_424 = arith.constant 0 : index
      %get3A_425 = tpu.vector_load %arg10[%get3A_423, %get3A_424] {strides = array<i32>} : memref<1600x16xf32, #tpu.memory_space<vmem>>, vector<1x16xf32>,
      %get3A_426 = vector.shape_cast %get3A_425 : vector<1x16xf32> to vector<16xf32>
      %broadcast_in_dim3A_427 = vector.shape_cast %get3A_176 : vector<16xi32> to vector<16x1xi32>
      %gather3A_428 = vector.shape_cast %broadcast_in_dim3A_427 : vector<16x1xi32> to vector<16xi32>
      %gather3A_429 = tpu.dynamic_gather %get3A_426[%gather3A_428] in [0] : vector<16xf32>, vector<16xi32> -> vector<16xf32>
      %select_n3A_430 = arith.select %eq3A_43, %gather3A_418, %select_n3A_406 : vector<16xi1>, vector<16xf32>
      %select_n3A_431 = arith.select %eq3A_43, %gather3A_429, %select_n3A_407 : vector<16xi1>, vector<16xf32>
      %mul3A_432 = arith.constant 16 : i32
      %mul3A_433 = arith.muli %scan3A_170, %mul3A_432 : i32
      %add3A_434 = arith.constant 11 : i32
      %add3A_435 = arith.addi %mul3A_433, %add3A_434 : i32
      %get3A_436 = arith.index_cast %add3A_435 : i32 to index
      %get3A_437 = arith.constant 0 : index
      %get3A_438 = tpu.vector_load %arg9[%get3A_436, %get3A_437] {strides = array<i32>} : memref<1600x16xf32, #tpu.memory_space<vmem>>, vector<1x16xf32>,
      %get3A_439 = vector.shape_cast %get3A_438 : vector<1x16xf32> to vector<16xf32>
      %broadcast_in_dim3A_440 = vector.shape_cast %get3A_176 : vector<16xi32> to vector<16x1xi32>
      %gather3A_441 = vector.shape_cast %broadcast_in_dim3A_440 : vector<16x1xi32> to vector<16xi32>
      %gather3A_442 = tpu.dynamic_gather %get3A_439[%gather3A_441] in [0] : vector<16xf32>, vector<16xi32> -> vector<16xf32>
      %mul3A_443 = arith.constant 16 : i32
      %mul3A_444 = arith.muli %scan3A_170, %mul3A_443 : i32
      %add3A_445 = arith.constant 11 : i32
      %add3A_446 = arith.addi %mul3A_444, %add3A_445 : i32
      %get3A_447 = arith.index_cast %add3A_446 : i32 to index
      %get3A_448 = arith.constant 0 : index
      %get3A_449 = tpu.vector_load %arg10[%get3A_447, %get3A_448] {strides = array<i32>} : memref<1600x16xf32, #tpu.memory_space<vmem>>, vector<1x16xf32>,
      %get3A_450 = vector.shape_cast %get3A_449 : vector<1x16xf32> to vector<16xf32>
      %broadcast_in_dim3A_451 = vector.shape_cast %get3A_176 : vector<16xi32> to vector<16x1xi32>
      %gather3A_452 = vector.shape_cast %broadcast_in_dim3A_451 : vector<16x1xi32> to vector<16xi32>
      %gather3A_453 = tpu.dynamic_gather %get3A_450[%gather3A_452] in [0] : vector<16xf32>, vector<16xi32> -> vector<16xf32>
      %select_n3A_454 = arith.select %eq3A_47, %gather3A_442, %select_n3A_430 : vector<16xi1>, vector<16xf32>
      %select_n3A_455 = arith.select %eq3A_47, %gather3A_453, %select_n3A_431 : vector<16xi1>, vector<16xf32>
      %mul3A_456 = arith.constant 16 : i32
      %mul3A_457 = arith.muli %scan3A_170, %mul3A_456 : i32
      %add3A_458 = arith.constant 12 : i32
      %add3A_459 = arith.addi %mul3A_457, %add3A_458 : i32
      %get3A_460 = arith.index_cast %add3A_459 : i32 to index
      %get3A_461 = arith.constant 0 : index
      %get3A_462 = tpu.vector_load %arg9[%get3A_460, %get3A_461] {strides = array<i32>} : memref<1600x16xf32, #tpu.memory_space<vmem>>, vector<1x16xf32>,
      %get3A_463 = vector.shape_cast %get3A_462 : vector<1x16xf32> to vector<16xf32>
      %broadcast_in_dim3A_464 = vector.shape_cast %get3A_176 : vector<16xi32> to vector<16x1xi32>
      %gather3A_465 = vector.shape_cast %broadcast_in_dim3A_464 : vector<16x1xi32> to vector<16xi32>
      %gather3A_466 = tpu.dynamic_gather %get3A_463[%gather3A_465] in [0] : vector<16xf32>, vector<16xi32> -> vector<16xf32>
      %mul3A_467 = arith.constant 16 : i32
      %mul3A_468 = arith.muli %scan3A_170, %mul3A_467 : i32
      %add3A_469 = arith.constant 12 : i32
      %add3A_470 = arith.addi %mul3A_468, %add3A_469 : i32
      %get3A_471 = arith.index_cast %add3A_470 : i32 to index
      %get3A_472 = arith.constant 0 : index
      %get3A_473 = tpu.vector_load %arg10[%get3A_471, %get3A_472] {strides = array<i32>} : memref<1600x16xf32, #tpu.memory_space<vmem>>, vector<1x16xf32>,
      %get3A_474 = vector.shape_cast %get3A_473 : vector<1x16xf32> to vector<16xf32>
      %broadcast_in_dim3A_475 = vector.shape_cast %get3A_176 : vector<16xi32> to vector<16x1xi32>
      %gather3A_476 = vector.shape_cast %broadcast_in_dim3A_475 : vector<16x1xi32> to vector<16xi32>
      %gather3A_477 = tpu.dynamic_gather %get3A_474[%gather3A_476] in [0] : vector<16xf32>, vector<16xi32> -> vector<16xf32>
      %select_n3A_478 = arith.select %eq3A_51, %gather3A_466, %select_n3A_454 : vector<16xi1>, vector<16xf32>
      %select_n3A_479 = arith.select %eq3A_51, %gather3A_477, %select_n3A_455 : vector<16xi1>, vector<16xf32>
      %mul3A_480 = arith.constant 16 : i32
      %mul3A_481 = arith.muli %scan3A_170, %mul3A_480 : i32
      %add3A_482 = arith.constant 13 : i32
      %add3A_483 = arith.addi %mul3A_481, %add3A_482 : i32
      %get3A_484 = arith.index_cast %add3A_483 : i32 to index
      %get3A_485 = arith.constant 0 : index
      %get3A_486 = tpu.vector_load %arg9[%get3A_484, %get3A_485] {strides = array<i32>} : memref<1600x16xf32, #tpu.memory_space<vmem>>, vector<1x16xf32>,
      %get3A_487 = vector.shape_cast %get3A_486 : vector<1x16xf32> to vector<16xf32>
      %broadcast_in_dim3A_488 = vector.shape_cast %get3A_176 : vector<16xi32> to vector<16x1xi32>
      %gather3A_489 = vector.shape_cast %broadcast_in_dim3A_488 : vector<16x1xi32> to vector<16xi32>
      %gather3A_490 = tpu.dynamic_gather %get3A_487[%gather3A_489] in [0] : vector<16xf32>, vector<16xi32> -> vector<16xf32>
      %mul3A_491 = arith.constant 16 : i32
      %mul3A_492 = arith.muli %scan3A_170, %mul3A_491 : i32
      %add3A_493 = arith.constant 13 : i32
      %add3A_494 = arith.addi %mul3A_492, %add3A_493 : i32
      %get3A_495 = arith.index_cast %add3A_494 : i32 to index
      %get3A_496 = arith.constant 0 : index
      %get3A_497 = tpu.vector_load %arg10[%get3A_495, %get3A_496] {strides = array<i32>} : memref<1600x16xf32, #tpu.memory_space<vmem>>, vector<1x16xf32>,
      %get3A_498 = vector.shape_cast %get3A_497 : vector<1x16xf32> to vector<16xf32>
      %broadcast_in_dim3A_499 = vector.shape_cast %get3A_176 : vector<16xi32> to vector<16x1xi32>
      %gather3A_500 = vector.shape_cast %broadcast_in_dim3A_499 : vector<16x1xi32> to vector<16xi32>
      %gather3A_501 = tpu.dynamic_gather %get3A_498[%gather3A_500] in [0] : vector<16xf32>, vector<16xi32> -> vector<16xf32>
      %select_n3A_502 = arith.select %eq3A_55, %gather3A_490, %select_n3A_478 : vector<16xi1>, vector<16xf32>
      %select_n3A_503 = arith.select %eq3A_55, %gather3A_501, %select_n3A_479 : vector<16xi1>, vector<16xf32>
      %mul3A_504 = arith.constant 16 : i32
      %mul3A_505 = arith.muli %scan3A_170, %mul3A_504 : i32
      %add3A_506 = arith.constant 14 : i32
      %add3A_507 = arith.addi %mul3A_505, %add3A_506 : i32
      %get3A_508 = arith.index_cast %add3A_507 : i32 to index
      %get3A_509 = arith.constant 0 : index
      %get3A_510 = tpu.vector_load %arg9[%get3A_508, %get3A_509] {strides = array<i32>} : memref<1600x16xf32, #tpu.memory_space<vmem>>, vector<1x16xf32>,
      %get3A_511 = vector.shape_cast %get3A_510 : vector<1x16xf32> to vector<16xf32>
      %broadcast_in_dim3A_512 = vector.shape_cast %get3A_176 : vector<16xi32> to vector<16x1xi32>
      %gather3A_513 = vector.shape_cast %broadcast_in_dim3A_512 : vector<16x1xi32> to vector<16xi32>
      %gather3A_514 = tpu.dynamic_gather %get3A_511[%gather3A_513] in [0] : vector<16xf32>, vector<16xi32> -> vector<16xf32>
      %mul3A_515 = arith.constant 16 : i32
      %mul3A_516 = arith.muli %scan3A_170, %mul3A_515 : i32
      %add3A_517 = arith.constant 14 : i32
      %add3A_518 = arith.addi %mul3A_516, %add3A_517 : i32
      %get3A_519 = arith.index_cast %add3A_518 : i32 to index
      %get3A_520 = arith.constant 0 : index
      %get3A_521 = tpu.vector_load %arg10[%get3A_519, %get3A_520] {strides = array<i32>} : memref<1600x16xf32, #tpu.memory_space<vmem>>, vector<1x16xf32>,
      %get3A_522 = vector.shape_cast %get3A_521 : vector<1x16xf32> to vector<16xf32>
      %broadcast_in_dim3A_523 = vector.shape_cast %get3A_176 : vector<16xi32> to vector<16x1xi32>
      %gather3A_524 = vector.shape_cast %broadcast_in_dim3A_523 : vector<16x1xi32> to vector<16xi32>
      %gather3A_525 = tpu.dynamic_gather %get3A_522[%gather3A_524] in [0] : vector<16xf32>, vector<16xi32> -> vector<16xf32>
      %select_n3A_526 = arith.select %eq3A_59, %gather3A_514, %select_n3A_502 : vector<16xi1>, vector<16xf32>
      %select_n3A_527 = arith.select %eq3A_59, %gather3A_525, %select_n3A_503 : vector<16xi1>, vector<16xf32>
      %mul3A_528 = arith.constant 16 : i32
      %mul3A_529 = arith.muli %scan3A_170, %mul3A_528 : i32
      %add3A_530 = arith.constant 15 : i32
      %add3A_531 = arith.addi %mul3A_529, %add3A_530 : i32
      %get3A_532 = arith.index_cast %add3A_531 : i32 to index
      %get3A_533 = arith.constant 0 : index
      %get3A_534 = tpu.vector_load %arg9[%get3A_532, %get3A_533] {strides = array<i32>} : memref<1600x16xf32, #tpu.memory_space<vmem>>, vector<1x16xf32>,
      %get3A_535 = vector.shape_cast %get3A_534 : vector<1x16xf32> to vector<16xf32>
      %broadcast_in_dim3A_536 = vector.shape_cast %get3A_176 : vector<16xi32> to vector<16x1xi32>
      %gather3A_537 = vector.shape_cast %broadcast_in_dim3A_536 : vector<16x1xi32> to vector<16xi32>
      %gather3A_538 = tpu.dynamic_gather %get3A_535[%gather3A_537] in [0] : vector<16xf32>, vector<16xi32> -> vector<16xf32>
      %mul3A_539 = arith.constant 16 : i32
      %mul3A_540 = arith.muli %scan3A_170, %mul3A_539 : i32
      %add3A_541 = arith.constant 15 : i32
      %add3A_542 = arith.addi %mul3A_540, %add3A_541 : i32
      %get3A_543 = arith.index_cast %add3A_542 : i32 to index
      %get3A_544 = arith.constant 0 : index
      %get3A_545 = tpu.vector_load %arg10[%get3A_543, %get3A_544] {strides = array<i32>} : memref<1600x16xf32, #tpu.memory_space<vmem>>, vector<1x16xf32>,
      %get3A_546 = vector.shape_cast %get3A_545 : vector<1x16xf32> to vector<16xf32>
      %broadcast_in_dim3A_547 = vector.shape_cast %get3A_176 : vector<16xi32> to vector<16x1xi32>
      %gather3A_548 = vector.shape_cast %broadcast_in_dim3A_547 : vector<16x1xi32> to vector<16xi32>
      %gather3A_549 = tpu.dynamic_gather %get3A_546[%gather3A_548] in [0] : vector<16xf32>, vector<16xi32> -> vector<16xf32>
      %select_n3A_550 = arith.select %eq3A_63, %gather3A_538, %select_n3A_526 : vector<16xi1>, vector<16xf32>
      %select_n3A_551 = arith.select %eq3A_63, %gather3A_549, %select_n3A_527 : vector<16xi1>, vector<16xf32>
      %jit3A = arith.constant 128 : i32
      %div3A = arith.divsi %add3A_174, %jit3A : i32
      %sign3A = arith.constant 0 : i32
      %sign3A_552 = arith.cmpi sgt, %add3A_174, %sign3A : i32
      %sign3A_553 = arith.extui %sign3A_552 : i1 to i32
      %sign3A_554 = arith.constant 0 : i32
      %sign3A_555 = arith.cmpi slt, %add3A_174, %sign3A_554 : i32
      %sign3A_556 = arith.extui %sign3A_555 : i1 to i32
      %sign3A_557 = arith.subi %sign3A_553, %sign3A_556 : i32
      %sign3A_558 = arith.constant 0 : i32
      %sign3A_559 = arith.cmpi sgt, %jit3A, %sign3A_558 : i32
      %sign3A_560 = arith.extui %sign3A_559 : i1 to i32
      %sign3A_561 = arith.constant 0 : i32
      %sign3A_562 = arith.cmpi slt, %jit3A, %sign3A_561 : i32
      %sign3A_563 = arith.extui %sign3A_562 : i1 to i32
      %sign3A_564 = arith.subi %sign3A_560, %sign3A_563 : i32
      %ne3A = arith.cmpi ne, %sign3A_557, %sign3A_564 : i32
      %rem3A = arith.remsi %add3A_174, %jit3A : i32
      %ne3A_565 = arith.constant 0 : i32
      %ne3A_566 = arith.cmpi ne, %rem3A, %ne3A_565 : i32
      %and3A = arith.andi %ne3A, %ne3A_566 : i1
      %sub3A = arith.constant 1 : i32
      %sub3A_567 = arith.subi %div3A, %sub3A : i32
      %select_n3A_568 = arith.select %and3A, %sub3A_567, %div3A : i32
      %jit3A_569 = arith.constant 128 : i32
      %eq3A_570 = arith.constant 0 : i32
      %eq3A_571 = arith.cmpi eq, %jit3A_569, %eq3A_570 : i32
      %jit3A_572 = arith.constant 1 : i32
      %select_n3A_573 = arith.select %eq3A_571, %jit3A_572, %jit3A_569 : i32
      %rem3A_574 = arith.remsi %add3A_174, %select_n3A_573 : i32
      %ne3A_575 = arith.constant 0 : i32
      %ne3A_576 = arith.cmpi ne, %rem3A_574, %ne3A_575 : i32
      %lt3A = arith.constant 0 : i32
      %lt3A_577 = arith.cmpi slt, %rem3A_574, %lt3A : i32
      %lt3A_578 = arith.constant 0 : i32
      %lt3A_579 = arith.cmpi slt, %select_n3A_573, %lt3A_578 : i32
      %ne3A_580 = arith.xori %lt3A_577, %lt3A_579 : i1
      %and3A_581 = arith.andi %ne3A_580, %ne3A_576 : i1
      %add3A_582 = arith.addi %rem3A_574, %select_n3A_573 : i32
      %select_n3A_583 = arith.select %and3A_581, %add3A_582, %rem3A_574 : i32
      %swap3A = arith.index_cast %select_n3A_568 : i32 to index
      %swap3A_584 = arith.index_cast %select_n3A_583 : i32 to index
      %swap3A_585 = tpu.vector_load %arg11[%swap3A, %swap3A_584] {strides = array<i32>} : memref<50x128xf32, #tpu.memory_space<vmem>>, vector<1x16xf32>,
      %swap3A_586 = vector.shape_cast %swap3A_585 : vector<1x16xf32> to vector<16xf32>
      %swap3A_587 = vector.shape_cast %select_n3A_550 : vector<16xf32> to vector<1x16xf32>
      tpu.vector_store %arg11[%swap3A, %swap3A_584], %swap3A_587 {strides = array<i32>} : memref<50x128xf32, #tpu.memory_space<vmem>>, vector<1x16xf32>,
      %swap3A_588 = arith.index_cast %select_n3A_568 : i32 to index
      %swap3A_589 = arith.index_cast %select_n3A_583 : i32 to index
      %swap3A_590 = tpu.vector_load %arg12[%swap3A_588, %swap3A_589] {strides = array<i32>} : memref<50x128xf32, #tpu.memory_space<vmem>>, vector<1x16xf32>,
      %swap3A_591 = vector.shape_cast %swap3A_590 : vector<1x16xf32> to vector<16xf32>
      %swap3A_592 = vector.shape_cast %select_n3A_551 : vector<16xf32> to vector<1x16xf32>
      tpu.vector_store %arg12[%swap3A_588, %swap3A_589], %swap3A_592 {strides = array<i32>} : memref<50x128xf32, #tpu.memory_space<vmem>>, vector<1x16xf32>,
    }
    %scan3A_113 = arith.constant 100 : i32
    %dma_start3A_114 = arith.constant 3200 : i32
    %dma_start3A_115 = tpu.memref_slice %arg7[%dma_start3A_114] : memref<6400xi32, #tpu.memory_space<vmem>> -> memref<1600xi32, #tpu.memory_space<vmem>>
    %dma_start3A_116 = arith.constant 0 : i32
    %dma_start3A_117 = arith.constant 0 : i32
    %dma_start3A_118 = tpu.memref_slice %arg2[%dma_start3A_116, %dma_start3A_117] : memref<125000x16xf32, #tpu.memory_space<hbm>> -> memref<125000x16xf32, #tpu.memory_space<hbm>>
    tpu.enqueue_indirect_dma source(%dma_start3A_118 : memref<125000x16xf32, #tpu.memory_space<hbm>>) target(%arg9 : memref<1600x16xf32, #tpu.memory_space<vmem>>) offsets(%dma_start3A_115 : memref<1600xi32, #tpu.memory_space<vmem>>) semaphore(%arg13 : memref<!tpu.dma_semaphore, #tpu.memory_space<semaphore_mem>>)
    %dma_start3A_119 = arith.constant 3200 : i32
    %dma_start3A_120 = tpu.memref_slice %arg8[%dma_start3A_119] : memref<6400xi32, #tpu.memory_space<vmem>> -> memref<1600xi32, #tpu.memory_space<vmem>>
    %dma_start3A_121 = arith.constant 0 : i32
    %dma_start3A_122 = arith.constant 0 : i32
    %dma_start3A_123 = tpu.memref_slice %arg2[%dma_start3A_121, %dma_start3A_122] : memref<125000x16xf32, #tpu.memory_space<hbm>> -> memref<125000x16xf32, #tpu.memory_space<hbm>>
    tpu.enqueue_indirect_dma source(%dma_start3A_123 : memref<125000x16xf32, #tpu.memory_space<hbm>>) target(%arg10 : memref<1600x16xf32, #tpu.memory_space<vmem>>) offsets(%dma_start3A_120 : memref<1600xi32, #tpu.memory_space<vmem>>) semaphore(%arg14 : memref<!tpu.dma_semaphore, #tpu.memory_space<semaphore_mem>>)
    %dma_wait3A_124 = arith.constant 3200 : i32
    %dma_wait3A_125 = tpu.memref_slice %arg7[%dma_wait3A_124] : memref<6400xi32, #tpu.memory_space<vmem>> -> memref<1600xi32, #tpu.memory_space<vmem>>
    %dma_wait3A_126 = arith.constant 0 : i32
    %dma_wait3A_127 = arith.constant 0 : i32
    %dma_wait3A_128 = tpu.memref_slice %arg2[%dma_wait3A_126, %dma_wait3A_127] : memref<125000x16xf32, #tpu.memory_space<hbm>> -> memref<125000x16xf32, #tpu.memory_space<hbm>>
    tpu.wait_indirect_dma semaphore(%arg13 : memref<!tpu.dma_semaphore, #tpu.memory_space<semaphore_mem>>) src(%dma_wait3A_128 : memref<125000x16xf32, #tpu.memory_space<hbm>>) dst(%arg9 : memref<1600x16xf32, #tpu.memory_space<vmem>>)
    %dma_wait3A_129 = arith.constant 3200 : i32
    %dma_wait3A_130 = tpu.memref_slice %arg8[%dma_wait3A_129] : memref<6400xi32, #tpu.memory_space<vmem>> -> memref<1600xi32, #tpu.memory_space<vmem>>
    %dma_wait3A_131 = arith.constant 0 : i32
    %dma_wait3A_132 = arith.constant 0 : i32
    %dma_wait3A_133 = tpu.memref_slice %arg2[%dma_wait3A_131, %dma_wait3A_132] : memref<125000x16xf32, #tpu.memory_space<hbm>> -> memref<125000x16xf32, #tpu.memory_space<hbm>>
    tpu.wait_indirect_dma semaphore(%arg14 : memref<!tpu.dma_semaphore, #tpu.memory_space<semaphore_mem>>) src(%dma_wait3A_133 : memref<125000x16xf32, #tpu.memory_space<hbm>>) dst(%arg10 : memref<1600x16xf32, #tpu.memory_space<vmem>>)
    %scan3A_134 = arith.constant 0 : i32
    %scan3A_135 = arith.constant 0 : i32
    %scan3A_136 = arith.constant 100 : i32
    %scan3A_137 = arith.addi %scan3A_135, %scan3A_136 : i32
    %scan3A_138 = arith.constant 1 : i32
    scf.for %scan3A_170 = %scan3A_135 to %scan3A_137 step %scan3A_138  : i32 {
      %mul3A_171 = arith.constant 16 : i32
      %mul3A_172 = arith.muli %scan3A_170, %mul3A_171 : i32
      %add3A_173 = arith.constant 3200 : i32
      %add3A_174 = arith.addi %add3A_173, %mul3A_172 : i32
      %get3A = arith.index_cast %add3A_174 : i32 to index
      %get3A_175 = tpu.vector_load %arg6[%get3A] {strides = array<i32>} : memref<6400xi32, #tpu.memory_space<vmem>>, vector<16xi32>,
      %get3A_176 = vector.shape_cast %get3A_175 : vector<16xi32> to vector<16xi32>
      %mul3A_177 = arith.constant 16 : i32
      %mul3A_178 = arith.muli %scan3A_170, %mul3A_177 : i32
      %get3A_179 = arith.index_cast %mul3A_178 : i32 to index
      %get3A_180 = arith.constant 0 : index
      %get3A_181 = tpu.vector_load %arg9[%get3A_179, %get3A_180] {strides = array<i32>} : memref<1600x16xf32, #tpu.memory_space<vmem>>, vector<1x16xf32>,
      %get3A_182 = vector.shape_cast %get3A_181 : vector<1x16xf32> to vector<16xf32>
      %broadcast_in_dim3A = vector.shape_cast %get3A_176 : vector<16xi32> to vector<16x1xi32>
      %gather3A = vector.shape_cast %broadcast_in_dim3A : vector<16x1xi32> to vector<16xi32>
      %gather3A_183 = tpu.dynamic_gather %get3A_182[%gather3A] in [0] : vector<16xf32>, vector<16xi32> -> vector<16xf32>
      %mul3A_184 = arith.constant 16 : i32
      %mul3A_185 = arith.muli %scan3A_170, %mul3A_184 : i32
      %get3A_186 = arith.index_cast %mul3A_185 : i32 to index
      %get3A_187 = arith.constant 0 : index
      %get3A_188 = tpu.vector_load %arg10[%get3A_186, %get3A_187] {strides = array<i32>} : memref<1600x16xf32, #tpu.memory_space<vmem>>, vector<1x16xf32>,
      %get3A_189 = vector.shape_cast %get3A_188 : vector<1x16xf32> to vector<16xf32>
      %broadcast_in_dim3A_190 = vector.shape_cast %get3A_176 : vector<16xi32> to vector<16x1xi32>
      %gather3A_191 = vector.shape_cast %broadcast_in_dim3A_190 : vector<16x1xi32> to vector<16xi32>
      %gather3A_192 = tpu.dynamic_gather %get3A_189[%gather3A_191] in [0] : vector<16xf32>, vector<16xi32> -> vector<16xf32>
      %mul3A_193 = arith.constant 16 : i32
      %mul3A_194 = arith.muli %scan3A_170, %mul3A_193 : i32
      %add3A_195 = arith.constant 1 : i32
      %add3A_196 = arith.addi %mul3A_194, %add3A_195 : i32
      %get3A_197 = arith.index_cast %add3A_196 : i32 to index
      %get3A_198 = arith.constant 0 : index
      %get3A_199 = tpu.vector_load %arg9[%get3A_197, %get3A_198] {strides = array<i32>} : memref<1600x16xf32, #tpu.memory_space<vmem>>, vector<1x16xf32>,
      %get3A_200 = vector.shape_cast %get3A_199 : vector<1x16xf32> to vector<16xf32>
      %broadcast_in_dim3A_201 = vector.shape_cast %get3A_176 : vector<16xi32> to vector<16x1xi32>
      %gather3A_202 = vector.shape_cast %broadcast_in_dim3A_201 : vector<16x1xi32> to vector<16xi32>
      %gather3A_203 = tpu.dynamic_gather %get3A_200[%gather3A_202] in [0] : vector<16xf32>, vector<16xi32> -> vector<16xf32>
      %mul3A_204 = arith.constant 16 : i32
      %mul3A_205 = arith.muli %scan3A_170, %mul3A_204 : i32
      %add3A_206 = arith.constant 1 : i32
      %add3A_207 = arith.addi %mul3A_205, %add3A_206 : i32
      %get3A_208 = arith.index_cast %add3A_207 : i32 to index
      %get3A_209 = arith.constant 0 : index
      %get3A_210 = tpu.vector_load %arg10[%get3A_208, %get3A_209] {strides = array<i32>} : memref<1600x16xf32, #tpu.memory_space<vmem>>, vector<1x16xf32>,
      %get3A_211 = vector.shape_cast %get3A_210 : vector<1x16xf32> to vector<16xf32>
      %broadcast_in_dim3A_212 = vector.shape_cast %get3A_176 : vector<16xi32> to vector<16x1xi32>
      %gather3A_213 = vector.shape_cast %broadcast_in_dim3A_212 : vector<16x1xi32> to vector<16xi32>
      %gather3A_214 = tpu.dynamic_gather %get3A_211[%gather3A_213] in [0] : vector<16xf32>, vector<16xi32> -> vector<16xf32>
      %select_n3A = arith.select %eq3A_7, %gather3A_203, %gather3A_183 : vector<16xi1>, vector<16xf32>
      %select_n3A_215 = arith.select %eq3A_7, %gather3A_214, %gather3A_192 : vector<16xi1>, vector<16xf32>
      %mul3A_216 = arith.constant 16 : i32
      %mul3A_217 = arith.muli %scan3A_170, %mul3A_216 : i32
      %add3A_218 = arith.constant 2 : i32
      %add3A_219 = arith.addi %mul3A_217, %add3A_218 : i32
      %get3A_220 = arith.index_cast %add3A_219 : i32 to index
      %get3A_221 = arith.constant 0 : index
      %get3A_222 = tpu.vector_load %arg9[%get3A_220, %get3A_221] {strides = array<i32>} : memref<1600x16xf32, #tpu.memory_space<vmem>>, vector<1x16xf32>,
      %get3A_223 = vector.shape_cast %get3A_222 : vector<1x16xf32> to vector<16xf32>
      %broadcast_in_dim3A_224 = vector.shape_cast %get3A_176 : vector<16xi32> to vector<16x1xi32>
      %gather3A_225 = vector.shape_cast %broadcast_in_dim3A_224 : vector<16x1xi32> to vector<16xi32>
      %gather3A_226 = tpu.dynamic_gather %get3A_223[%gather3A_225] in [0] : vector<16xf32>, vector<16xi32> -> vector<16xf32>
      %mul3A_227 = arith.constant 16 : i32
      %mul3A_228 = arith.muli %scan3A_170, %mul3A_227 : i32
      %add3A_229 = arith.constant 2 : i32
      %add3A_230 = arith.addi %mul3A_228, %add3A_229 : i32
      %get3A_231 = arith.index_cast %add3A_230 : i32 to index
      %get3A_232 = arith.constant 0 : index
      %get3A_233 = tpu.vector_load %arg10[%get3A_231, %get3A_232] {strides = array<i32>} : memref<1600x16xf32, #tpu.memory_space<vmem>>, vector<1x16xf32>,
      %get3A_234 = vector.shape_cast %get3A_233 : vector<1x16xf32> to vector<16xf32>
      %broadcast_in_dim3A_235 = vector.shape_cast %get3A_176 : vector<16xi32> to vector<16x1xi32>
      %gather3A_236 = vector.shape_cast %broadcast_in_dim3A_235 : vector<16x1xi32> to vector<16xi32>
      %gather3A_237 = tpu.dynamic_gather %get3A_234[%gather3A_236] in [0] : vector<16xf32>, vector<16xi32> -> vector<16xf32>
      %select_n3A_238 = arith.select %eq3A_11, %gather3A_226, %select_n3A : vector<16xi1>, vector<16xf32>
      %select_n3A_239 = arith.select %eq3A_11, %gather3A_237, %select_n3A_215 : vector<16xi1>, vector<16xf32>
      %mul3A_240 = arith.constant 16 : i32
      %mul3A_241 = arith.muli %scan3A_170, %mul3A_240 : i32
      %add3A_242 = arith.constant 3 : i32
      %add3A_243 = arith.addi %mul3A_241, %add3A_242 : i32
      %get3A_244 = arith.index_cast %add3A_243 : i32 to index
      %get3A_245 = arith.constant 0 : index
      %get3A_246 = tpu.vector_load %arg9[%get3A_244, %get3A_245] {strides = array<i32>} : memref<1600x16xf32, #tpu.memory_space<vmem>>, vector<1x16xf32>,
      %get3A_247 = vector.shape_cast %get3A_246 : vector<1x16xf32> to vector<16xf32>
      %broadcast_in_dim3A_248 = vector.shape_cast %get3A_176 : vector<16xi32> to vector<16x1xi32>
      %gather3A_249 = vector.shape_cast %broadcast_in_dim3A_248 : vector<16x1xi32> to vector<16xi32>
      %gather3A_250 = tpu.dynamic_gather %get3A_247[%gather3A_249] in [0] : vector<16xf32>, vector<16xi32> -> vector<16xf32>
      %mul3A_251 = arith.constant 16 : i32
      %mul3A_252 = arith.muli %scan3A_170, %mul3A_251 : i32
      %add3A_253 = arith.constant 3 : i32
      %add3A_254 = arith.addi %mul3A_252, %add3A_253 : i32
      %get3A_255 = arith.index_cast %add3A_254 : i32 to index
      %get3A_256 = arith.constant 0 : index
      %get3A_257 = tpu.vector_load %arg10[%get3A_255, %get3A_256] {strides = array<i32>} : memref<1600x16xf32, #tpu.memory_space<vmem>>, vector<1x16xf32>,
      %get3A_258 = vector.shape_cast %get3A_257 : vector<1x16xf32> to vector<16xf32>
      %broadcast_in_dim3A_259 = vector.shape_cast %get3A_176 : vector<16xi32> to vector<16x1xi32>
      %gather3A_260 = vector.shape_cast %broadcast_in_dim3A_259 : vector<16x1xi32> to vector<16xi32>
      %gather3A_261 = tpu.dynamic_gather %get3A_258[%gather3A_260] in [0] : vector<16xf32>, vector<16xi32> -> vector<16xf32>
      %select_n3A_262 = arith.select %eq3A_15, %gather3A_250, %select_n3A_238 : vector<16xi1>, vector<16xf32>
      %select_n3A_263 = arith.select %eq3A_15, %gather3A_261, %select_n3A_239 : vector<16xi1>, vector<16xf32>
      %mul3A_264 = arith.constant 16 : i32
      %mul3A_265 = arith.muli %scan3A_170, %mul3A_264 : i32
      %add3A_266 = arith.constant 4 : i32
      %add3A_267 = arith.addi %mul3A_265, %add3A_266 : i32
      %get3A_268 = arith.index_cast %add3A_267 : i32 to index
      %get3A_269 = arith.constant 0 : index
      %get3A_270 = tpu.vector_load %arg9[%get3A_268, %get3A_269] {strides = array<i32>} : memref<1600x16xf32, #tpu.memory_space<vmem>>, vector<1x16xf32>,
      %get3A_271 = vector.shape_cast %get3A_270 : vector<1x16xf32> to vector<16xf32>
      %broadcast_in_dim3A_272 = vector.shape_cast %get3A_176 : vector<16xi32> to vector<16x1xi32>
      %gather3A_273 = vector.shape_cast %broadcast_in_dim3A_272 : vector<16x1xi32> to vector<16xi32>
      %gather3A_274 = tpu.dynamic_gather %get3A_271[%gather3A_273] in [0] : vector<16xf32>, vector<16xi32> -> vector<16xf32>
      %mul3A_275 = arith.constant 16 : i32
      %mul3A_276 = arith.muli %scan3A_170, %mul3A_275 : i32
      %add3A_277 = arith.constant 4 : i32
      %add3A_278 = arith.addi %mul3A_276, %add3A_277 : i32
      %get3A_279 = arith.index_cast %add3A_278 : i32 to index
      %get3A_280 = arith.constant 0 : index
      %get3A_281 = tpu.vector_load %arg10[%get3A_279, %get3A_280] {strides = array<i32>} : memref<1600x16xf32, #tpu.memory_space<vmem>>, vector<1x16xf32>,
      %get3A_282 = vector.shape_cast %get3A_281 : vector<1x16xf32> to vector<16xf32>
      %broadcast_in_dim3A_283 = vector.shape_cast %get3A_176 : vector<16xi32> to vector<16x1xi32>
      %gather3A_284 = vector.shape_cast %broadcast_in_dim3A_283 : vector<16x1xi32> to vector<16xi32>
      %gather3A_285 = tpu.dynamic_gather %get3A_282[%gather3A_284] in [0] : vector<16xf32>, vector<16xi32> -> vector<16xf32>
      %select_n3A_286 = arith.select %eq3A_19, %gather3A_274, %select_n3A_262 : vector<16xi1>, vector<16xf32>
      %select_n3A_287 = arith.select %eq3A_19, %gather3A_285, %select_n3A_263 : vector<16xi1>, vector<16xf32>
      %mul3A_288 = arith.constant 16 : i32
      %mul3A_289 = arith.muli %scan3A_170, %mul3A_288 : i32
      %add3A_290 = arith.constant 5 : i32
      %add3A_291 = arith.addi %mul3A_289, %add3A_290 : i32
      %get3A_292 = arith.index_cast %add3A_291 : i32 to index
      %get3A_293 = arith.constant 0 : index
      %get3A_294 = tpu.vector_load %arg9[%get3A_292, %get3A_293] {strides = array<i32>} : memref<1600x16xf32, #tpu.memory_space<vmem>>, vector<1x16xf32>,
      %get3A_295 = vector.shape_cast %get3A_294 : vector<1x16xf32> to vector<16xf32>
      %broadcast_in_dim3A_296 = vector.shape_cast %get3A_176 : vector<16xi32> to vector<16x1xi32>
      %gather3A_297 = vector.shape_cast %broadcast_in_dim3A_296 : vector<16x1xi32> to vector<16xi32>
      %gather3A_298 = tpu.dynamic_gather %get3A_295[%gather3A_297] in [0] : vector<16xf32>, vector<16xi32> -> vector<16xf32>
      %mul3A_299 = arith.constant 16 : i32
      %mul3A_300 = arith.muli %scan3A_170, %mul3A_299 : i32
      %add3A_301 = arith.constant 5 : i32
      %add3A_302 = arith.addi %mul3A_300, %add3A_301 : i32
      %get3A_303 = arith.index_cast %add3A_302 : i32 to index
      %get3A_304 = arith.constant 0 : index
      %get3A_305 = tpu.vector_load %arg10[%get3A_303, %get3A_304] {strides = array<i32>} : memref<1600x16xf32, #tpu.memory_space<vmem>>, vector<1x16xf32>,
      %get3A_306 = vector.shape_cast %get3A_305 : vector<1x16xf32> to vector<16xf32>
      %broadcast_in_dim3A_307 = vector.shape_cast %get3A_176 : vector<16xi32> to vector<16x1xi32>
      %gather3A_308 = vector.shape_cast %broadcast_in_dim3A_307 : vector<16x1xi32> to vector<16xi32>
      %gather3A_309 = tpu.dynamic_gather %get3A_306[%gather3A_308] in [0] : vector<16xf32>, vector<16xi32> -> vector<16xf32>
      %select_n3A_310 = arith.select %eq3A_23, %gather3A_298, %select_n3A_286 : vector<16xi1>, vector<16xf32>
      %select_n3A_311 = arith.select %eq3A_23, %gather3A_309, %select_n3A_287 : vector<16xi1>, vector<16xf32>
      %mul3A_312 = arith.constant 16 : i32
      %mul3A_313 = arith.muli %scan3A_170, %mul3A_312 : i32
      %add3A_314 = arith.constant 6 : i32
      %add3A_315 = arith.addi %mul3A_313, %add3A_314 : i32
      %get3A_316 = arith.index_cast %add3A_315 : i32 to index
      %get3A_317 = arith.constant 0 : index
      %get3A_318 = tpu.vector_load %arg9[%get3A_316, %get3A_317] {strides = array<i32>} : memref<1600x16xf32, #tpu.memory_space<vmem>>, vector<1x16xf32>,
      %get3A_319 = vector.shape_cast %get3A_318 : vector<1x16xf32> to vector<16xf32>
      %broadcast_in_dim3A_320 = vector.shape_cast %get3A_176 : vector<16xi32> to vector<16x1xi32>
      %gather3A_321 = vector.shape_cast %broadcast_in_dim3A_320 : vector<16x1xi32> to vector<16xi32>
      %gather3A_322 = tpu.dynamic_gather %get3A_319[%gather3A_321] in [0] : vector<16xf32>, vector<16xi32> -> vector<16xf32>
      %mul3A_323 = arith.constant 16 : i32
      %mul3A_324 = arith.muli %scan3A_170, %mul3A_323 : i32
      %add3A_325 = arith.constant 6 : i32
      %add3A_326 = arith.addi %mul3A_324, %add3A_325 : i32
      %get3A_327 = arith.index_cast %add3A_326 : i32 to index
      %get3A_328 = arith.constant 0 : index
      %get3A_329 = tpu.vector_load %arg10[%get3A_327, %get3A_328] {strides = array<i32>} : memref<1600x16xf32, #tpu.memory_space<vmem>>, vector<1x16xf32>,
      %get3A_330 = vector.shape_cast %get3A_329 : vector<1x16xf32> to vector<16xf32>
      %broadcast_in_dim3A_331 = vector.shape_cast %get3A_176 : vector<16xi32> to vector<16x1xi32>
      %gather3A_332 = vector.shape_cast %broadcast_in_dim3A_331 : vector<16x1xi32> to vector<16xi32>
      %gather3A_333 = tpu.dynamic_gather %get3A_330[%gather3A_332] in [0] : vector<16xf32>, vector<16xi32> -> vector<16xf32>
      %select_n3A_334 = arith.select %eq3A_27, %gather3A_322, %select_n3A_310 : vector<16xi1>, vector<16xf32>
      %select_n3A_335 = arith.select %eq3A_27, %gather3A_333, %select_n3A_311 : vector<16xi1>, vector<16xf32>
      %mul3A_336 = arith.constant 16 : i32
      %mul3A_337 = arith.muli %scan3A_170, %mul3A_336 : i32
      %add3A_338 = arith.constant 7 : i32
      %add3A_339 = arith.addi %mul3A_337, %add3A_338 : i32
      %get3A_340 = arith.index_cast %add3A_339 : i32 to index
      %get3A_341 = arith.constant 0 : index
      %get3A_342 = tpu.vector_load %arg9[%get3A_340, %get3A_341] {strides = array<i32>} : memref<1600x16xf32, #tpu.memory_space<vmem>>, vector<1x16xf32>,
      %get3A_343 = vector.shape_cast %get3A_342 : vector<1x16xf32> to vector<16xf32>
      %broadcast_in_dim3A_344 = vector.shape_cast %get3A_176 : vector<16xi32> to vector<16x1xi32>
      %gather3A_345 = vector.shape_cast %broadcast_in_dim3A_344 : vector<16x1xi32> to vector<16xi32>
      %gather3A_346 = tpu.dynamic_gather %get3A_343[%gather3A_345] in [0] : vector<16xf32>, vector<16xi32> -> vector<16xf32>
      %mul3A_347 = arith.constant 16 : i32
      %mul3A_348 = arith.muli %scan3A_170, %mul3A_347 : i32
      %add3A_349 = arith.constant 7 : i32
      %add3A_350 = arith.addi %mul3A_348, %add3A_349 : i32
      %get3A_351 = arith.index_cast %add3A_350 : i32 to index
      %get3A_352 = arith.constant 0 : index
      %get3A_353 = tpu.vector_load %arg10[%get3A_351, %get3A_352] {strides = array<i32>} : memref<1600x16xf32, #tpu.memory_space<vmem>>, vector<1x16xf32>,
      %get3A_354 = vector.shape_cast %get3A_353 : vector<1x16xf32> to vector<16xf32>
      %broadcast_in_dim3A_355 = vector.shape_cast %get3A_176 : vector<16xi32> to vector<16x1xi32>
      %gather3A_356 = vector.shape_cast %broadcast_in_dim3A_355 : vector<16x1xi32> to vector<16xi32>
      %gather3A_357 = tpu.dynamic_gather %get3A_354[%gather3A_356] in [0] : vector<16xf32>, vector<16xi32> -> vector<16xf32>
      %select_n3A_358 = arith.select %eq3A_31, %gather3A_346, %select_n3A_334 : vector<16xi1>, vector<16xf32>
      %select_n3A_359 = arith.select %eq3A_31, %gather3A_357, %select_n3A_335 : vector<16xi1>, vector<16xf32>
      %mul3A_360 = arith.constant 16 : i32
      %mul3A_361 = arith.muli %scan3A_170, %mul3A_360 : i32
      %add3A_362 = arith.constant 8 : i32
      %add3A_363 = arith.addi %mul3A_361, %add3A_362 : i32
      %get3A_364 = arith.index_cast %add3A_363 : i32 to index
      %get3A_365 = arith.constant 0 : index
      %get3A_366 = tpu.vector_load %arg9[%get3A_364, %get3A_365] {strides = array<i32>} : memref<1600x16xf32, #tpu.memory_space<vmem>>, vector<1x16xf32>,
      %get3A_367 = vector.shape_cast %get3A_366 : vector<1x16xf32> to vector<16xf32>
      %broadcast_in_dim3A_368 = vector.shape_cast %get3A_176 : vector<16xi32> to vector<16x1xi32>
      %gather3A_369 = vector.shape_cast %broadcast_in_dim3A_368 : vector<16x1xi32> to vector<16xi32>
      %gather3A_370 = tpu.dynamic_gather %get3A_367[%gather3A_369] in [0] : vector<16xf32>, vector<16xi32> -> vector<16xf32>
      %mul3A_371 = arith.constant 16 : i32
      %mul3A_372 = arith.muli %scan3A_170, %mul3A_371 : i32
      %add3A_373 = arith.constant 8 : i32
      %add3A_374 = arith.addi %mul3A_372, %add3A_373 : i32
      %get3A_375 = arith.index_cast %add3A_374 : i32 to index
      %get3A_376 = arith.constant 0 : index
      %get3A_377 = tpu.vector_load %arg10[%get3A_375, %get3A_376] {strides = array<i32>} : memref<1600x16xf32, #tpu.memory_space<vmem>>, vector<1x16xf32>,
      %get3A_378 = vector.shape_cast %get3A_377 : vector<1x16xf32> to vector<16xf32>
      %broadcast_in_dim3A_379 = vector.shape_cast %get3A_176 : vector<16xi32> to vector<16x1xi32>
      %gather3A_380 = vector.shape_cast %broadcast_in_dim3A_379 : vector<16x1xi32> to vector<16xi32>
      %gather3A_381 = tpu.dynamic_gather %get3A_378[%gather3A_380] in [0] : vector<16xf32>, vector<16xi32> -> vector<16xf32>
      %select_n3A_382 = arith.select %eq3A_35, %gather3A_370, %select_n3A_358 : vector<16xi1>, vector<16xf32>
      %select_n3A_383 = arith.select %eq3A_35, %gather3A_381, %select_n3A_359 : vector<16xi1>, vector<16xf32>
      %mul3A_384 = arith.constant 16 : i32
      %mul3A_385 = arith.muli %scan3A_170, %mul3A_384 : i32
      %add3A_386 = arith.constant 9 : i32
      %add3A_387 = arith.addi %mul3A_385, %add3A_386 : i32
      %get3A_388 = arith.index_cast %add3A_387 : i32 to index
      %get3A_389 = arith.constant 0 : index
      %get3A_390 = tpu.vector_load %arg9[%get3A_388, %get3A_389] {strides = array<i32>} : memref<1600x16xf32, #tpu.memory_space<vmem>>, vector<1x16xf32>,
      %get3A_391 = vector.shape_cast %get3A_390 : vector<1x16xf32> to vector<16xf32>
      %broadcast_in_dim3A_392 = vector.shape_cast %get3A_176 : vector<16xi32> to vector<16x1xi32>
      %gather3A_393 = vector.shape_cast %broadcast_in_dim3A_392 : vector<16x1xi32> to vector<16xi32>
      %gather3A_394 = tpu.dynamic_gather %get3A_391[%gather3A_393] in [0] : vector<16xf32>, vector<16xi32> -> vector<16xf32>
      %mul3A_395 = arith.constant 16 : i32
      %mul3A_396 = arith.muli %scan3A_170, %mul3A_395 : i32
      %add3A_397 = arith.constant 9 : i32
      %add3A_398 = arith.addi %mul3A_396, %add3A_397 : i32
      %get3A_399 = arith.index_cast %add3A_398 : i32 to index
      %get3A_400 = arith.constant 0 : index
      %get3A_401 = tpu.vector_load %arg10[%get3A_399, %get3A_400] {strides = array<i32>} : memref<1600x16xf32, #tpu.memory_space<vmem>>, vector<1x16xf32>,
      %get3A_402 = vector.shape_cast %get3A_401 : vector<1x16xf32> to vector<16xf32>
      %broadcast_in_dim3A_403 = vector.shape_cast %get3A_176 : vector<16xi32> to vector<16x1xi32>
      %gather3A_404 = vector.shape_cast %broadcast_in_dim3A_403 : vector<16x1xi32> to vector<16xi32>
      %gather3A_405 = tpu.dynamic_gather %get3A_402[%gather3A_404] in [0] : vector<16xf32>, vector<16xi32> -> vector<16xf32>
      %select_n3A_406 = arith.select %eq3A_39, %gather3A_394, %select_n3A_382 : vector<16xi1>, vector<16xf32>
      %select_n3A_407 = arith.select %eq3A_39, %gather3A_405, %select_n3A_383 : vector<16xi1>, vector<16xf32>
      %mul3A_408 = arith.constant 16 : i32
      %mul3A_409 = arith.muli %scan3A_170, %mul3A_408 : i32
      %add3A_410 = arith.constant 10 : i32
      %add3A_411 = arith.addi %mul3A_409, %add3A_410 : i32
      %get3A_412 = arith.index_cast %add3A_411 : i32 to index
      %get3A_413 = arith.constant 0 : index
      %get3A_414 = tpu.vector_load %arg9[%get3A_412, %get3A_413] {strides = array<i32>} : memref<1600x16xf32, #tpu.memory_space<vmem>>, vector<1x16xf32>,
      %get3A_415 = vector.shape_cast %get3A_414 : vector<1x16xf32> to vector<16xf32>
      %broadcast_in_dim3A_416 = vector.shape_cast %get3A_176 : vector<16xi32> to vector<16x1xi32>
      %gather3A_417 = vector.shape_cast %broadcast_in_dim3A_416 : vector<16x1xi32> to vector<16xi32>
      %gather3A_418 = tpu.dynamic_gather %get3A_415[%gather3A_417] in [0] : vector<16xf32>, vector<16xi32> -> vector<16xf32>
      %mul3A_419 = arith.constant 16 : i32
      %mul3A_420 = arith.muli %scan3A_170, %mul3A_419 : i32
      %add3A_421 = arith.constant 10 : i32
      %add3A_422 = arith.addi %mul3A_420, %add3A_421 : i32
      %get3A_423 = arith.index_cast %add3A_422 : i32 to index
      %get3A_424 = arith.constant 0 : index
      %get3A_425 = tpu.vector_load %arg10[%get3A_423, %get3A_424] {strides = array<i32>} : memref<1600x16xf32, #tpu.memory_space<vmem>>, vector<1x16xf32>,
      %get3A_426 = vector.shape_cast %get3A_425 : vector<1x16xf32> to vector<16xf32>
      %broadcast_in_dim3A_427 = vector.shape_cast %get3A_176 : vector<16xi32> to vector<16x1xi32>
      %gather3A_428 = vector.shape_cast %broadcast_in_dim3A_427 : vector<16x1xi32> to vector<16xi32>
      %gather3A_429 = tpu.dynamic_gather %get3A_426[%gather3A_428] in [0] : vector<16xf32>, vector<16xi32> -> vector<16xf32>
      %select_n3A_430 = arith.select %eq3A_43, %gather3A_418, %select_n3A_406 : vector<16xi1>, vector<16xf32>
      %select_n3A_431 = arith.select %eq3A_43, %gather3A_429, %select_n3A_407 : vector<16xi1>, vector<16xf32>
      %mul3A_432 = arith.constant 16 : i32
      %mul3A_433 = arith.muli %scan3A_170, %mul3A_432 : i32
      %add3A_434 = arith.constant 11 : i32
      %add3A_435 = arith.addi %mul3A_433, %add3A_434 : i32
      %get3A_436 = arith.index_cast %add3A_435 : i32 to index
      %get3A_437 = arith.constant 0 : index
      %get3A_438 = tpu.vector_load %arg9[%get3A_436, %get3A_437] {strides = array<i32>} : memref<1600x16xf32, #tpu.memory_space<vmem>>, vector<1x16xf32>,
      %get3A_439 = vector.shape_cast %get3A_438 : vector<1x16xf32> to vector<16xf32>
      %broadcast_in_dim3A_440 = vector.shape_cast %get3A_176 : vector<16xi32> to vector<16x1xi32>
      %gather3A_441 = vector.shape_cast %broadcast_in_dim3A_440 : vector<16x1xi32> to vector<16xi32>
      %gather3A_442 = tpu.dynamic_gather %get3A_439[%gather3A_441] in [0] : vector<16xf32>, vector<16xi32> -> vector<16xf32>
      %mul3A_443 = arith.constant 16 : i32
      %mul3A_444 = arith.muli %scan3A_170, %mul3A_443 : i32
      %add3A_445 = arith.constant 11 : i32
      %add3A_446 = arith.addi %mul3A_444, %add3A_445 : i32
      %get3A_447 = arith.index_cast %add3A_446 : i32 to index
      %get3A_448 = arith.constant 0 : index
      %get3A_449 = tpu.vector_load %arg10[%get3A_447, %get3A_448] {strides = array<i32>} : memref<1600x16xf32, #tpu.memory_space<vmem>>, vector<1x16xf32>,
      %get3A_450 = vector.shape_cast %get3A_449 : vector<1x16xf32> to vector<16xf32>
      %broadcast_in_dim3A_451 = vector.shape_cast %get3A_176 : vector<16xi32> to vector<16x1xi32>
      %gather3A_452 = vector.shape_cast %broadcast_in_dim3A_451 : vector<16x1xi32> to vector<16xi32>
      %gather3A_453 = tpu.dynamic_gather %get3A_450[%gather3A_452] in [0] : vector<16xf32>, vector<16xi32> -> vector<16xf32>
      %select_n3A_454 = arith.select %eq3A_47, %gather3A_442, %select_n3A_430 : vector<16xi1>, vector<16xf32>
      %select_n3A_455 = arith.select %eq3A_47, %gather3A_453, %select_n3A_431 : vector<16xi1>, vector<16xf32>
      %mul3A_456 = arith.constant 16 : i32
      %mul3A_457 = arith.muli %scan3A_170, %mul3A_456 : i32
      %add3A_458 = arith.constant 12 : i32
      %add3A_459 = arith.addi %mul3A_457, %add3A_458 : i32
      %get3A_460 = arith.index_cast %add3A_459 : i32 to index
      %get3A_461 = arith.constant 0 : index
      %get3A_462 = tpu.vector_load %arg9[%get3A_460, %get3A_461] {strides = array<i32>} : memref<1600x16xf32, #tpu.memory_space<vmem>>, vector<1x16xf32>,
      %get3A_463 = vector.shape_cast %get3A_462 : vector<1x16xf32> to vector<16xf32>
      %broadcast_in_dim3A_464 = vector.shape_cast %get3A_176 : vector<16xi32> to vector<16x1xi32>
      %gather3A_465 = vector.shape_cast %broadcast_in_dim3A_464 : vector<16x1xi32> to vector<16xi32>
      %gather3A_466 = tpu.dynamic_gather %get3A_463[%gather3A_465] in [0] : vector<16xf32>, vector<16xi32> -> vector<16xf32>
      %mul3A_467 = arith.constant 16 : i32
      %mul3A_468 = arith.muli %scan3A_170, %mul3A_467 : i32
      %add3A_469 = arith.constant 12 : i32
      %add3A_470 = arith.addi %mul3A_468, %add3A_469 : i32
      %get3A_471 = arith.index_cast %add3A_470 : i32 to index
      %get3A_472 = arith.constant 0 : index
      %get3A_473 = tpu.vector_load %arg10[%get3A_471, %get3A_472] {strides = array<i32>} : memref<1600x16xf32, #tpu.memory_space<vmem>>, vector<1x16xf32>,
      %get3A_474 = vector.shape_cast %get3A_473 : vector<1x16xf32> to vector<16xf32>
      %broadcast_in_dim3A_475 = vector.shape_cast %get3A_176 : vector<16xi32> to vector<16x1xi32>
      %gather3A_476 = vector.shape_cast %broadcast_in_dim3A_475 : vector<16x1xi32> to vector<16xi32>
      %gather3A_477 = tpu.dynamic_gather %get3A_474[%gather3A_476] in [0] : vector<16xf32>, vector<16xi32> -> vector<16xf32>
      %select_n3A_478 = arith.select %eq3A_51, %gather3A_466, %select_n3A_454 : vector<16xi1>, vector<16xf32>
      %select_n3A_479 = arith.select %eq3A_51, %gather3A_477, %select_n3A_455 : vector<16xi1>, vector<16xf32>
      %mul3A_480 = arith.constant 16 : i32
      %mul3A_481 = arith.muli %scan3A_170, %mul3A_480 : i32
      %add3A_482 = arith.constant 13 : i32
      %add3A_483 = arith.addi %mul3A_481, %add3A_482 : i32
      %get3A_484 = arith.index_cast %add3A_483 : i32 to index
      %get3A_485 = arith.constant 0 : index
      %get3A_486 = tpu.vector_load %arg9[%get3A_484, %get3A_485] {strides = array<i32>} : memref<1600x16xf32, #tpu.memory_space<vmem>>, vector<1x16xf32>,
      %get3A_487 = vector.shape_cast %get3A_486 : vector<1x16xf32> to vector<16xf32>
      %broadcast_in_dim3A_488 = vector.shape_cast %get3A_176 : vector<16xi32> to vector<16x1xi32>
      %gather3A_489 = vector.shape_cast %broadcast_in_dim3A_488 : vector<16x1xi32> to vector<16xi32>
      %gather3A_490 = tpu.dynamic_gather %get3A_487[%gather3A_489] in [0] : vector<16xf32>, vector<16xi32> -> vector<16xf32>
      %mul3A_491 = arith.constant 16 : i32
      %mul3A_492 = arith.muli %scan3A_170, %mul3A_491 : i32
      %add3A_493 = arith.constant 13 : i32
      %add3A_494 = arith.addi %mul3A_492, %add3A_493 : i32
      %get3A_495 = arith.index_cast %add3A_494 : i32 to index
      %get3A_496 = arith.constant 0 : index
      %get3A_497 = tpu.vector_load %arg10[%get3A_495, %get3A_496] {strides = array<i32>} : memref<1600x16xf32, #tpu.memory_space<vmem>>, vector<1x16xf32>,
      %get3A_498 = vector.shape_cast %get3A_497 : vector<1x16xf32> to vector<16xf32>
      %broadcast_in_dim3A_499 = vector.shape_cast %get3A_176 : vector<16xi32> to vector<16x1xi32>
      %gather3A_500 = vector.shape_cast %broadcast_in_dim3A_499 : vector<16x1xi32> to vector<16xi32>
      %gather3A_501 = tpu.dynamic_gather %get3A_498[%gather3A_500] in [0] : vector<16xf32>, vector<16xi32> -> vector<16xf32>
      %select_n3A_502 = arith.select %eq3A_55, %gather3A_490, %select_n3A_478 : vector<16xi1>, vector<16xf32>
      %select_n3A_503 = arith.select %eq3A_55, %gather3A_501, %select_n3A_479 : vector<16xi1>, vector<16xf32>
      %mul3A_504 = arith.constant 16 : i32
      %mul3A_505 = arith.muli %scan3A_170, %mul3A_504 : i32
      %add3A_506 = arith.constant 14 : i32
      %add3A_507 = arith.addi %mul3A_505, %add3A_506 : i32
      %get3A_508 = arith.index_cast %add3A_507 : i32 to index
      %get3A_509 = arith.constant 0 : index
      %get3A_510 = tpu.vector_load %arg9[%get3A_508, %get3A_509] {strides = array<i32>} : memref<1600x16xf32, #tpu.memory_space<vmem>>, vector<1x16xf32>,
      %get3A_511 = vector.shape_cast %get3A_510 : vector<1x16xf32> to vector<16xf32>
      %broadcast_in_dim3A_512 = vector.shape_cast %get3A_176 : vector<16xi32> to vector<16x1xi32>
      %gather3A_513 = vector.shape_cast %broadcast_in_dim3A_512 : vector<16x1xi32> to vector<16xi32>
      %gather3A_514 = tpu.dynamic_gather %get3A_511[%gather3A_513] in [0] : vector<16xf32>, vector<16xi32> -> vector<16xf32>
      %mul3A_515 = arith.constant 16 : i32
      %mul3A_516 = arith.muli %scan3A_170, %mul3A_515 : i32
      %add3A_517 = arith.constant 14 : i32
      %add3A_518 = arith.addi %mul3A_516, %add3A_517 : i32
      %get3A_519 = arith.index_cast %add3A_518 : i32 to index
      %get3A_520 = arith.constant 0 : index
      %get3A_521 = tpu.vector_load %arg10[%get3A_519, %get3A_520] {strides = array<i32>} : memref<1600x16xf32, #tpu.memory_space<vmem>>, vector<1x16xf32>,
      %get3A_522 = vector.shape_cast %get3A_521 : vector<1x16xf32> to vector<16xf32>
      %broadcast_in_dim3A_523 = vector.shape_cast %get3A_176 : vector<16xi32> to vector<16x1xi32>
      %gather3A_524 = vector.shape_cast %broadcast_in_dim3A_523 : vector<16x1xi32> to vector<16xi32>
      %gather3A_525 = tpu.dynamic_gather %get3A_522[%gather3A_524] in [0] : vector<16xf32>, vector<16xi32> -> vector<16xf32>
      %select_n3A_526 = arith.select %eq3A_59, %gather3A_514, %select_n3A_502 : vector<16xi1>, vector<16xf32>
      %select_n3A_527 = arith.select %eq3A_59, %gather3A_525, %select_n3A_503 : vector<16xi1>, vector<16xf32>
      %mul3A_528 = arith.constant 16 : i32
      %mul3A_529 = arith.muli %scan3A_170, %mul3A_528 : i32
      %add3A_530 = arith.constant 15 : i32
      %add3A_531 = arith.addi %mul3A_529, %add3A_530 : i32
      %get3A_532 = arith.index_cast %add3A_531 : i32 to index
      %get3A_533 = arith.constant 0 : index
      %get3A_534 = tpu.vector_load %arg9[%get3A_532, %get3A_533] {strides = array<i32>} : memref<1600x16xf32, #tpu.memory_space<vmem>>, vector<1x16xf32>,
      %get3A_535 = vector.shape_cast %get3A_534 : vector<1x16xf32> to vector<16xf32>
      %broadcast_in_dim3A_536 = vector.shape_cast %get3A_176 : vector<16xi32> to vector<16x1xi32>
      %gather3A_537 = vector.shape_cast %broadcast_in_dim3A_536 : vector<16x1xi32> to vector<16xi32>
      %gather3A_538 = tpu.dynamic_gather %get3A_535[%gather3A_537] in [0] : vector<16xf32>, vector<16xi32> -> vector<16xf32>
      %mul3A_539 = arith.constant 16 : i32
      %mul3A_540 = arith.muli %scan3A_170, %mul3A_539 : i32
      %add3A_541 = arith.constant 15 : i32
      %add3A_542 = arith.addi %mul3A_540, %add3A_541 : i32
      %get3A_543 = arith.index_cast %add3A_542 : i32 to index
      %get3A_544 = arith.constant 0 : index
      %get3A_545 = tpu.vector_load %arg10[%get3A_543, %get3A_544] {strides = array<i32>} : memref<1600x16xf32, #tpu.memory_space<vmem>>, vector<1x16xf32>,
      %get3A_546 = vector.shape_cast %get3A_545 : vector<1x16xf32> to vector<16xf32>
      %broadcast_in_dim3A_547 = vector.shape_cast %get3A_176 : vector<16xi32> to vector<16x1xi32>
      %gather3A_548 = vector.shape_cast %broadcast_in_dim3A_547 : vector<16x1xi32> to vector<16xi32>
      %gather3A_549 = tpu.dynamic_gather %get3A_546[%gather3A_548] in [0] : vector<16xf32>, vector<16xi32> -> vector<16xf32>
      %select_n3A_550 = arith.select %eq3A_63, %gather3A_538, %select_n3A_526 : vector<16xi1>, vector<16xf32>
      %select_n3A_551 = arith.select %eq3A_63, %gather3A_549, %select_n3A_527 : vector<16xi1>, vector<16xf32>
      %jit3A = arith.constant 128 : i32
      %div3A = arith.divsi %add3A_174, %jit3A : i32
      %sign3A = arith.constant 0 : i32
      %sign3A_552 = arith.cmpi sgt, %add3A_174, %sign3A : i32
      %sign3A_553 = arith.extui %sign3A_552 : i1 to i32
      %sign3A_554 = arith.constant 0 : i32
      %sign3A_555 = arith.cmpi slt, %add3A_174, %sign3A_554 : i32
      %sign3A_556 = arith.extui %sign3A_555 : i1 to i32
      %sign3A_557 = arith.subi %sign3A_553, %sign3A_556 : i32
      %sign3A_558 = arith.constant 0 : i32
      %sign3A_559 = arith.cmpi sgt, %jit3A, %sign3A_558 : i32
      %sign3A_560 = arith.extui %sign3A_559 : i1 to i32
      %sign3A_561 = arith.constant 0 : i32
      %sign3A_562 = arith.cmpi slt, %jit3A, %sign3A_561 : i32
      %sign3A_563 = arith.extui %sign3A_562 : i1 to i32
      %sign3A_564 = arith.subi %sign3A_560, %sign3A_563 : i32
      %ne3A = arith.cmpi ne, %sign3A_557, %sign3A_564 : i32
      %rem3A = arith.remsi %add3A_174, %jit3A : i32
      %ne3A_565 = arith.constant 0 : i32
      %ne3A_566 = arith.cmpi ne, %rem3A, %ne3A_565 : i32
      %and3A = arith.andi %ne3A, %ne3A_566 : i1
      %sub3A = arith.constant 1 : i32
      %sub3A_567 = arith.subi %div3A, %sub3A : i32
      %select_n3A_568 = arith.select %and3A, %sub3A_567, %div3A : i32
      %jit3A_569 = arith.constant 128 : i32
      %eq3A_570 = arith.constant 0 : i32
      %eq3A_571 = arith.cmpi eq, %jit3A_569, %eq3A_570 : i32
      %jit3A_572 = arith.constant 1 : i32
      %select_n3A_573 = arith.select %eq3A_571, %jit3A_572, %jit3A_569 : i32
      %rem3A_574 = arith.remsi %add3A_174, %select_n3A_573 : i32
      %ne3A_575 = arith.constant 0 : i32
      %ne3A_576 = arith.cmpi ne, %rem3A_574, %ne3A_575 : i32
      %lt3A = arith.constant 0 : i32
      %lt3A_577 = arith.cmpi slt, %rem3A_574, %lt3A : i32
      %lt3A_578 = arith.constant 0 : i32
      %lt3A_579 = arith.cmpi slt, %select_n3A_573, %lt3A_578 : i32
      %ne3A_580 = arith.xori %lt3A_577, %lt3A_579 : i1
      %and3A_581 = arith.andi %ne3A_580, %ne3A_576 : i1
      %add3A_582 = arith.addi %rem3A_574, %select_n3A_573 : i32
      %select_n3A_583 = arith.select %and3A_581, %add3A_582, %rem3A_574 : i32
      %swap3A = arith.index_cast %select_n3A_568 : i32 to index
      %swap3A_584 = arith.index_cast %select_n3A_583 : i32 to index
      %swap3A_585 = tpu.vector_load %arg11[%swap3A, %swap3A_584] {strides = array<i32>} : memref<50x128xf32, #tpu.memory_space<vmem>>, vector<1x16xf32>,
      %swap3A_586 = vector.shape_cast %swap3A_585 : vector<1x16xf32> to vector<16xf32>
      %swap3A_587 = vector.shape_cast %select_n3A_550 : vector<16xf32> to vector<1x16xf32>
      tpu.vector_store %arg11[%swap3A, %swap3A_584], %swap3A_587 {strides = array<i32>} : memref<50x128xf32, #tpu.memory_space<vmem>>, vector<1x16xf32>,
      %swap3A_588 = arith.index_cast %select_n3A_568 : i32 to index
      %swap3A_589 = arith.index_cast %select_n3A_583 : i32 to index
      %swap3A_590 = tpu.vector_load %arg12[%swap3A_588, %swap3A_589] {strides = array<i32>} : memref<50x128xf32, #tpu.memory_space<vmem>>, vector<1x16xf32>,
      %swap3A_591 = vector.shape_cast %swap3A_590 : vector<1x16xf32> to vector<16xf32>
      %swap3A_592 = vector.shape_cast %select_n3A_551 : vector<16xf32> to vector<1x16xf32>
      tpu.vector_store %arg12[%swap3A_588, %swap3A_589], %swap3A_592 {strides = array<i32>} : memref<50x128xf32, #tpu.memory_space<vmem>>, vector<1x16xf32>,
    }
    %scan3A_139 = arith.constant 100 : i32
    %dma_start3A_140 = arith.constant 4800 : i32
    %dma_start3A_141 = tpu.memref_slice %arg7[%dma_start3A_140] : memref<6400xi32, #tpu.memory_space<vmem>> -> memref<1600xi32, #tpu.memory_space<vmem>>
    %dma_start3A_142 = arith.constant 0 : i32
    %dma_start3A_143 = arith.constant 0 : i32
    %dma_start3A_144 = tpu.memref_slice %arg2[%dma_start3A_142, %dma_start3A_143] : memref<125000x16xf32, #tpu.memory_space<hbm>> -> memref<125000x16xf32, #tpu.memory_space<hbm>>
    tpu.enqueue_indirect_dma source(%dma_start3A_144 : memref<125000x16xf32, #tpu.memory_space<hbm>>) target(%arg9 : memref<1600x16xf32, #tpu.memory_space<vmem>>) offsets(%dma_start3A_141 : memref<1600xi32, #tpu.memory_space<vmem>>) semaphore(%arg13 : memref<!tpu.dma_semaphore, #tpu.memory_space<semaphore_mem>>)
    %dma_start3A_145 = arith.constant 4800 : i32
    %dma_start3A_146 = tpu.memref_slice %arg8[%dma_start3A_145] : memref<6400xi32, #tpu.memory_space<vmem>> -> memref<1600xi32, #tpu.memory_space<vmem>>
    %dma_start3A_147 = arith.constant 0 : i32
    %dma_start3A_148 = arith.constant 0 : i32
    %dma_start3A_149 = tpu.memref_slice %arg2[%dma_start3A_147, %dma_start3A_148] : memref<125000x16xf32, #tpu.memory_space<hbm>> -> memref<125000x16xf32, #tpu.memory_space<hbm>>
    tpu.enqueue_indirect_dma source(%dma_start3A_149 : memref<125000x16xf32, #tpu.memory_space<hbm>>) target(%arg10 : memref<1600x16xf32, #tpu.memory_space<vmem>>) offsets(%dma_start3A_146 : memref<1600xi32, #tpu.memory_space<vmem>>) semaphore(%arg14 : memref<!tpu.dma_semaphore, #tpu.memory_space<semaphore_mem>>)
    %dma_wait3A_150 = arith.constant 4800 : i32
    %dma_wait3A_151 = tpu.memref_slice %arg7[%dma_wait3A_150] : memref<6400xi32, #tpu.memory_space<vmem>> -> memref<1600xi32, #tpu.memory_space<vmem>>
    %dma_wait3A_152 = arith.constant 0 : i32
    %dma_wait3A_153 = arith.constant 0 : i32
    %dma_wait3A_154 = tpu.memref_slice %arg2[%dma_wait3A_152, %dma_wait3A_153] : memref<125000x16xf32, #tpu.memory_space<hbm>> -> memref<125000x16xf32, #tpu.memory_space<hbm>>
    tpu.wait_indirect_dma semaphore(%arg13 : memref<!tpu.dma_semaphore, #tpu.memory_space<semaphore_mem>>) src(%dma_wait3A_154 : memref<125000x16xf32, #tpu.memory_space<hbm>>) dst(%arg9 : memref<1600x16xf32, #tpu.memory_space<vmem>>)
    %dma_wait3A_155 = arith.constant 4800 : i32
    %dma_wait3A_156 = tpu.memref_slice %arg8[%dma_wait3A_155] : memref<6400xi32, #tpu.memory_space<vmem>> -> memref<1600xi32, #tpu.memory_space<vmem>>
    %dma_wait3A_157 = arith.constant 0 : i32
    %dma_wait3A_158 = arith.constant 0 : i32
    %dma_wait3A_159 = tpu.memref_slice %arg2[%dma_wait3A_157, %dma_wait3A_158] : memref<125000x16xf32, #tpu.memory_space<hbm>> -> memref<125000x16xf32, #tpu.memory_space<hbm>>
    tpu.wait_indirect_dma semaphore(%arg14 : memref<!tpu.dma_semaphore, #tpu.memory_space<semaphore_mem>>) src(%dma_wait3A_159 : memref<125000x16xf32, #tpu.memory_space<hbm>>) dst(%arg10 : memref<1600x16xf32, #tpu.memory_space<vmem>>)
    %scan3A_160 = arith.constant 0 : i32
    %scan3A_161 = arith.constant 0 : i32
    %scan3A_162 = arith.constant 100 : i32
    %scan3A_163 = arith.addi %scan3A_161, %scan3A_162 : i32
    %scan3A_164 = arith.constant 1 : i32
    scf.for %scan3A_170 = %scan3A_161 to %scan3A_163 step %scan3A_164  : i32 {
      %mul3A_171 = arith.constant 16 : i32
      %mul3A_172 = arith.muli %scan3A_170, %mul3A_171 : i32
      %add3A_173 = arith.constant 4800 : i32
      %add3A_174 = arith.addi %add3A_173, %mul3A_172 : i32
      %get3A = arith.index_cast %add3A_174 : i32 to index
      %get3A_175 = tpu.vector_load %arg6[%get3A] {strides = array<i32>} : memref<6400xi32, #tpu.memory_space<vmem>>, vector<16xi32>,
      %get3A_176 = vector.shape_cast %get3A_175 : vector<16xi32> to vector<16xi32>
      %mul3A_177 = arith.constant 16 : i32
      %mul3A_178 = arith.muli %scan3A_170, %mul3A_177 : i32
      %get3A_179 = arith.index_cast %mul3A_178 : i32 to index
      %get3A_180 = arith.constant 0 : index
      %get3A_181 = tpu.vector_load %arg9[%get3A_179, %get3A_180] {strides = array<i32>} : memref<1600x16xf32, #tpu.memory_space<vmem>>, vector<1x16xf32>,
      %get3A_182 = vector.shape_cast %get3A_181 : vector<1x16xf32> to vector<16xf32>
      %broadcast_in_dim3A = vector.shape_cast %get3A_176 : vector<16xi32> to vector<16x1xi32>
      %gather3A = vector.shape_cast %broadcast_in_dim3A : vector<16x1xi32> to vector<16xi32>
      %gather3A_183 = tpu.dynamic_gather %get3A_182[%gather3A] in [0] : vector<16xf32>, vector<16xi32> -> vector<16xf32>
      %mul3A_184 = arith.constant 16 : i32
      %mul3A_185 = arith.muli %scan3A_170, %mul3A_184 : i32
      %get3A_186 = arith.index_cast %mul3A_185 : i32 to index
      %get3A_187 = arith.constant 0 : index
      %get3A_188 = tpu.vector_load %arg10[%get3A_186, %get3A_187] {strides = array<i32>} : memref<1600x16xf32, #tpu.memory_space<vmem>>, vector<1x16xf32>,
      %get3A_189 = vector.shape_cast %get3A_188 : vector<1x16xf32> to vector<16xf32>
      %broadcast_in_dim3A_190 = vector.shape_cast %get3A_176 : vector<16xi32> to vector<16x1xi32>
      %gather3A_191 = vector.shape_cast %broadcast_in_dim3A_190 : vector<16x1xi32> to vector<16xi32>
      %gather3A_192 = tpu.dynamic_gather %get3A_189[%gather3A_191] in [0] : vector<16xf32>, vector<16xi32> -> vector<16xf32>
      %mul3A_193 = arith.constant 16 : i32
      %mul3A_194 = arith.muli %scan3A_170, %mul3A_193 : i32
      %add3A_195 = arith.constant 1 : i32
      %add3A_196 = arith.addi %mul3A_194, %add3A_195 : i32
      %get3A_197 = arith.index_cast %add3A_196 : i32 to index
      %get3A_198 = arith.constant 0 : index
      %get3A_199 = tpu.vector_load %arg9[%get3A_197, %get3A_198] {strides = array<i32>} : memref<1600x16xf32, #tpu.memory_space<vmem>>, vector<1x16xf32>,
      %get3A_200 = vector.shape_cast %get3A_199 : vector<1x16xf32> to vector<16xf32>
      %broadcast_in_dim3A_201 = vector.shape_cast %get3A_176 : vector<16xi32> to vector<16x1xi32>
      %gather3A_202 = vector.shape_cast %broadcast_in_dim3A_201 : vector<16x1xi32> to vector<16xi32>
      %gather3A_203 = tpu.dynamic_gather %get3A_200[%gather3A_202] in [0] : vector<16xf32>, vector<16xi32> -> vector<16xf32>
      %mul3A_204 = arith.constant 16 : i32
      %mul3A_205 = arith.muli %scan3A_170, %mul3A_204 : i32
      %add3A_206 = arith.constant 1 : i32
      %add3A_207 = arith.addi %mul3A_205, %add3A_206 : i32
      %get3A_208 = arith.index_cast %add3A_207 : i32 to index
      %get3A_209 = arith.constant 0 : index
      %get3A_210 = tpu.vector_load %arg10[%get3A_208, %get3A_209] {strides = array<i32>} : memref<1600x16xf32, #tpu.memory_space<vmem>>, vector<1x16xf32>,
      %get3A_211 = vector.shape_cast %get3A_210 : vector<1x16xf32> to vector<16xf32>
      %broadcast_in_dim3A_212 = vector.shape_cast %get3A_176 : vector<16xi32> to vector<16x1xi32>
      %gather3A_213 = vector.shape_cast %broadcast_in_dim3A_212 : vector<16x1xi32> to vector<16xi32>
      %gather3A_214 = tpu.dynamic_gather %get3A_211[%gather3A_213] in [0] : vector<16xf32>, vector<16xi32> -> vector<16xf32>
      %select_n3A = arith.select %eq3A_7, %gather3A_203, %gather3A_183 : vector<16xi1>, vector<16xf32>
      %select_n3A_215 = arith.select %eq3A_7, %gather3A_214, %gather3A_192 : vector<16xi1>, vector<16xf32>
      %mul3A_216 = arith.constant 16 : i32
      %mul3A_217 = arith.muli %scan3A_170, %mul3A_216 : i32
      %add3A_218 = arith.constant 2 : i32
      %add3A_219 = arith.addi %mul3A_217, %add3A_218 : i32
      %get3A_220 = arith.index_cast %add3A_219 : i32 to index
      %get3A_221 = arith.constant 0 : index
      %get3A_222 = tpu.vector_load %arg9[%get3A_220, %get3A_221] {strides = array<i32>} : memref<1600x16xf32, #tpu.memory_space<vmem>>, vector<1x16xf32>,
      %get3A_223 = vector.shape_cast %get3A_222 : vector<1x16xf32> to vector<16xf32>
      %broadcast_in_dim3A_224 = vector.shape_cast %get3A_176 : vector<16xi32> to vector<16x1xi32>
      %gather3A_225 = vector.shape_cast %broadcast_in_dim3A_224 : vector<16x1xi32> to vector<16xi32>
      %gather3A_226 = tpu.dynamic_gather %get3A_223[%gather3A_225] in [0] : vector<16xf32>, vector<16xi32> -> vector<16xf32>
      %mul3A_227 = arith.constant 16 : i32
      %mul3A_228 = arith.muli %scan3A_170, %mul3A_227 : i32
      %add3A_229 = arith.constant 2 : i32
      %add3A_230 = arith.addi %mul3A_228, %add3A_229 : i32
      %get3A_231 = arith.index_cast %add3A_230 : i32 to index
      %get3A_232 = arith.constant 0 : index
      %get3A_233 = tpu.vector_load %arg10[%get3A_231, %get3A_232] {strides = array<i32>} : memref<1600x16xf32, #tpu.memory_space<vmem>>, vector<1x16xf32>,
      %get3A_234 = vector.shape_cast %get3A_233 : vector<1x16xf32> to vector<16xf32>
      %broadcast_in_dim3A_235 = vector.shape_cast %get3A_176 : vector<16xi32> to vector<16x1xi32>
      %gather3A_236 = vector.shape_cast %broadcast_in_dim3A_235 : vector<16x1xi32> to vector<16xi32>
      %gather3A_237 = tpu.dynamic_gather %get3A_234[%gather3A_236] in [0] : vector<16xf32>, vector<16xi32> -> vector<16xf32>
      %select_n3A_238 = arith.select %eq3A_11, %gather3A_226, %select_n3A : vector<16xi1>, vector<16xf32>
      %select_n3A_239 = arith.select %eq3A_11, %gather3A_237, %select_n3A_215 : vector<16xi1>, vector<16xf32>
      %mul3A_240 = arith.constant 16 : i32
      %mul3A_241 = arith.muli %scan3A_170, %mul3A_240 : i32
      %add3A_242 = arith.constant 3 : i32
      %add3A_243 = arith.addi %mul3A_241, %add3A_242 : i32
      %get3A_244 = arith.index_cast %add3A_243 : i32 to index
      %get3A_245 = arith.constant 0 : index
      %get3A_246 = tpu.vector_load %arg9[%get3A_244, %get3A_245] {strides = array<i32>} : memref<1600x16xf32, #tpu.memory_space<vmem>>, vector<1x16xf32>,
      %get3A_247 = vector.shape_cast %get3A_246 : vector<1x16xf32> to vector<16xf32>
      %broadcast_in_dim3A_248 = vector.shape_cast %get3A_176 : vector<16xi32> to vector<16x1xi32>
      %gather3A_249 = vector.shape_cast %broadcast_in_dim3A_248 : vector<16x1xi32> to vector<16xi32>
      %gather3A_250 = tpu.dynamic_gather %get3A_247[%gather3A_249] in [0] : vector<16xf32>, vector<16xi32> -> vector<16xf32>
      %mul3A_251 = arith.constant 16 : i32
      %mul3A_252 = arith.muli %scan3A_170, %mul3A_251 : i32
      %add3A_253 = arith.constant 3 : i32
      %add3A_254 = arith.addi %mul3A_252, %add3A_253 : i32
      %get3A_255 = arith.index_cast %add3A_254 : i32 to index
      %get3A_256 = arith.constant 0 : index
      %get3A_257 = tpu.vector_load %arg10[%get3A_255, %get3A_256] {strides = array<i32>} : memref<1600x16xf32, #tpu.memory_space<vmem>>, vector<1x16xf32>,
      %get3A_258 = vector.shape_cast %get3A_257 : vector<1x16xf32> to vector<16xf32>
      %broadcast_in_dim3A_259 = vector.shape_cast %get3A_176 : vector<16xi32> to vector<16x1xi32>
      %gather3A_260 = vector.shape_cast %broadcast_in_dim3A_259 : vector<16x1xi32> to vector<16xi32>
      %gather3A_261 = tpu.dynamic_gather %get3A_258[%gather3A_260] in [0] : vector<16xf32>, vector<16xi32> -> vector<16xf32>
      %select_n3A_262 = arith.select %eq3A_15, %gather3A_250, %select_n3A_238 : vector<16xi1>, vector<16xf32>
      %select_n3A_263 = arith.select %eq3A_15, %gather3A_261, %select_n3A_239 : vector<16xi1>, vector<16xf32>
      %mul3A_264 = arith.constant 16 : i32
      %mul3A_265 = arith.muli %scan3A_170, %mul3A_264 : i32
      %add3A_266 = arith.constant 4 : i32
      %add3A_267 = arith.addi %mul3A_265, %add3A_266 : i32
      %get3A_268 = arith.index_cast %add3A_267 : i32 to index
      %get3A_269 = arith.constant 0 : index
      %get3A_270 = tpu.vector_load %arg9[%get3A_268, %get3A_269] {strides = array<i32>} : memref<1600x16xf32, #tpu.memory_space<vmem>>, vector<1x16xf32>,
      %get3A_271 = vector.shape_cast %get3A_270 : vector<1x16xf32> to vector<16xf32>
      %broadcast_in_dim3A_272 = vector.shape_cast %get3A_176 : vector<16xi32> to vector<16x1xi32>
      %gather3A_273 = vector.shape_cast %broadcast_in_dim3A_272 : vector<16x1xi32> to vector<16xi32>
      %gather3A_274 = tpu.dynamic_gather %get3A_271[%gather3A_273] in [0] : vector<16xf32>, vector<16xi32> -> vector<16xf32>
      %mul3A_275 = arith.constant 16 : i32
      %mul3A_276 = arith.muli %scan3A_170, %mul3A_275 : i32
      %add3A_277 = arith.constant 4 : i32
      %add3A_278 = arith.addi %mul3A_276, %add3A_277 : i32
      %get3A_279 = arith.index_cast %add3A_278 : i32 to index
      %get3A_280 = arith.constant 0 : index
      %get3A_281 = tpu.vector_load %arg10[%get3A_279, %get3A_280] {strides = array<i32>} : memref<1600x16xf32, #tpu.memory_space<vmem>>, vector<1x16xf32>,
      %get3A_282 = vector.shape_cast %get3A_281 : vector<1x16xf32> to vector<16xf32>
      %broadcast_in_dim3A_283 = vector.shape_cast %get3A_176 : vector<16xi32> to vector<16x1xi32>
      %gather3A_284 = vector.shape_cast %broadcast_in_dim3A_283 : vector<16x1xi32> to vector<16xi32>
      %gather3A_285 = tpu.dynamic_gather %get3A_282[%gather3A_284] in [0] : vector<16xf32>, vector<16xi32> -> vector<16xf32>
      %select_n3A_286 = arith.select %eq3A_19, %gather3A_274, %select_n3A_262 : vector<16xi1>, vector<16xf32>
      %select_n3A_287 = arith.select %eq3A_19, %gather3A_285, %select_n3A_263 : vector<16xi1>, vector<16xf32>
      %mul3A_288 = arith.constant 16 : i32
      %mul3A_289 = arith.muli %scan3A_170, %mul3A_288 : i32
      %add3A_290 = arith.constant 5 : i32
      %add3A_291 = arith.addi %mul3A_289, %add3A_290 : i32
      %get3A_292 = arith.index_cast %add3A_291 : i32 to index
      %get3A_293 = arith.constant 0 : index
      %get3A_294 = tpu.vector_load %arg9[%get3A_292, %get3A_293] {strides = array<i32>} : memref<1600x16xf32, #tpu.memory_space<vmem>>, vector<1x16xf32>,
      %get3A_295 = vector.shape_cast %get3A_294 : vector<1x16xf32> to vector<16xf32>
      %broadcast_in_dim3A_296 = vector.shape_cast %get3A_176 : vector<16xi32> to vector<16x1xi32>
      %gather3A_297 = vector.shape_cast %broadcast_in_dim3A_296 : vector<16x1xi32> to vector<16xi32>
      %gather3A_298 = tpu.dynamic_gather %get3A_295[%gather3A_297] in [0] : vector<16xf32>, vector<16xi32> -> vector<16xf32>
      %mul3A_299 = arith.constant 16 : i32
      %mul3A_300 = arith.muli %scan3A_170, %mul3A_299 : i32
      %add3A_301 = arith.constant 5 : i32
      %add3A_302 = arith.addi %mul3A_300, %add3A_301 : i32
      %get3A_303 = arith.index_cast %add3A_302 : i32 to index
      %get3A_304 = arith.constant 0 : index
      %get3A_305 = tpu.vector_load %arg10[%get3A_303, %get3A_304] {strides = array<i32>} : memref<1600x16xf32, #tpu.memory_space<vmem>>, vector<1x16xf32>,
      %get3A_306 = vector.shape_cast %get3A_305 : vector<1x16xf32> to vector<16xf32>
      %broadcast_in_dim3A_307 = vector.shape_cast %get3A_176 : vector<16xi32> to vector<16x1xi32>
      %gather3A_308 = vector.shape_cast %broadcast_in_dim3A_307 : vector<16x1xi32> to vector<16xi32>
      %gather3A_309 = tpu.dynamic_gather %get3A_306[%gather3A_308] in [0] : vector<16xf32>, vector<16xi32> -> vector<16xf32>
      %select_n3A_310 = arith.select %eq3A_23, %gather3A_298, %select_n3A_286 : vector<16xi1>, vector<16xf32>
      %select_n3A_311 = arith.select %eq3A_23, %gather3A_309, %select_n3A_287 : vector<16xi1>, vector<16xf32>
      %mul3A_312 = arith.constant 16 : i32
      %mul3A_313 = arith.muli %scan3A_170, %mul3A_312 : i32
      %add3A_314 = arith.constant 6 : i32
      %add3A_315 = arith.addi %mul3A_313, %add3A_314 : i32
      %get3A_316 = arith.index_cast %add3A_315 : i32 to index
      %get3A_317 = arith.constant 0 : index
      %get3A_318 = tpu.vector_load %arg9[%get3A_316, %get3A_317] {strides = array<i32>} : memref<1600x16xf32, #tpu.memory_space<vmem>>, vector<1x16xf32>,
      %get3A_319 = vector.shape_cast %get3A_318 : vector<1x16xf32> to vector<16xf32>
      %broadcast_in_dim3A_320 = vector.shape_cast %get3A_176 : vector<16xi32> to vector<16x1xi32>
      %gather3A_321 = vector.shape_cast %broadcast_in_dim3A_320 : vector<16x1xi32> to vector<16xi32>
      %gather3A_322 = tpu.dynamic_gather %get3A_319[%gather3A_321] in [0] : vector<16xf32>, vector<16xi32> -> vector<16xf32>
      %mul3A_323 = arith.constant 16 : i32
      %mul3A_324 = arith.muli %scan3A_170, %mul3A_323 : i32
      %add3A_325 = arith.constant 6 : i32
      %add3A_326 = arith.addi %mul3A_324, %add3A_325 : i32
      %get3A_327 = arith.index_cast %add3A_326 : i32 to index
      %get3A_328 = arith.constant 0 : index
      %get3A_329 = tpu.vector_load %arg10[%get3A_327, %get3A_328] {strides = array<i32>} : memref<1600x16xf32, #tpu.memory_space<vmem>>, vector<1x16xf32>,
      %get3A_330 = vector.shape_cast %get3A_329 : vector<1x16xf32> to vector<16xf32>
      %broadcast_in_dim3A_331 = vector.shape_cast %get3A_176 : vector<16xi32> to vector<16x1xi32>
      %gather3A_332 = vector.shape_cast %broadcast_in_dim3A_331 : vector<16x1xi32> to vector<16xi32>
      %gather3A_333 = tpu.dynamic_gather %get3A_330[%gather3A_332] in [0] : vector<16xf32>, vector<16xi32> -> vector<16xf32>
      %select_n3A_334 = arith.select %eq3A_27, %gather3A_322, %select_n3A_310 : vector<16xi1>, vector<16xf32>
      %select_n3A_335 = arith.select %eq3A_27, %gather3A_333, %select_n3A_311 : vector<16xi1>, vector<16xf32>
      %mul3A_336 = arith.constant 16 : i32
      %mul3A_337 = arith.muli %scan3A_170, %mul3A_336 : i32
      %add3A_338 = arith.constant 7 : i32
      %add3A_339 = arith.addi %mul3A_337, %add3A_338 : i32
      %get3A_340 = arith.index_cast %add3A_339 : i32 to index
      %get3A_341 = arith.constant 0 : index
      %get3A_342 = tpu.vector_load %arg9[%get3A_340, %get3A_341] {strides = array<i32>} : memref<1600x16xf32, #tpu.memory_space<vmem>>, vector<1x16xf32>,
      %get3A_343 = vector.shape_cast %get3A_342 : vector<1x16xf32> to vector<16xf32>
      %broadcast_in_dim3A_344 = vector.shape_cast %get3A_176 : vector<16xi32> to vector<16x1xi32>
      %gather3A_345 = vector.shape_cast %broadcast_in_dim3A_344 : vector<16x1xi32> to vector<16xi32>
      %gather3A_346 = tpu.dynamic_gather %get3A_343[%gather3A_345] in [0] : vector<16xf32>, vector<16xi32> -> vector<16xf32>
      %mul3A_347 = arith.constant 16 : i32
      %mul3A_348 = arith.muli %scan3A_170, %mul3A_347 : i32
      %add3A_349 = arith.constant 7 : i32
      %add3A_350 = arith.addi %mul3A_348, %add3A_349 : i32
      %get3A_351 = arith.index_cast %add3A_350 : i32 to index
      %get3A_352 = arith.constant 0 : index
      %get3A_353 = tpu.vector_load %arg10[%get3A_351, %get3A_352] {strides = array<i32>} : memref<1600x16xf32, #tpu.memory_space<vmem>>, vector<1x16xf32>,
      %get3A_354 = vector.shape_cast %get3A_353 : vector<1x16xf32> to vector<16xf32>
      %broadcast_in_dim3A_355 = vector.shape_cast %get3A_176 : vector<16xi32> to vector<16x1xi32>
      %gather3A_356 = vector.shape_cast %broadcast_in_dim3A_355 : vector<16x1xi32> to vector<16xi32>
      %gather3A_357 = tpu.dynamic_gather %get3A_354[%gather3A_356] in [0] : vector<16xf32>, vector<16xi32> -> vector<16xf32>
      %select_n3A_358 = arith.select %eq3A_31, %gather3A_346, %select_n3A_334 : vector<16xi1>, vector<16xf32>
      %select_n3A_359 = arith.select %eq3A_31, %gather3A_357, %select_n3A_335 : vector<16xi1>, vector<16xf32>
      %mul3A_360 = arith.constant 16 : i32
      %mul3A_361 = arith.muli %scan3A_170, %mul3A_360 : i32
      %add3A_362 = arith.constant 8 : i32
      %add3A_363 = arith.addi %mul3A_361, %add3A_362 : i32
      %get3A_364 = arith.index_cast %add3A_363 : i32 to index
      %get3A_365 = arith.constant 0 : index
      %get3A_366 = tpu.vector_load %arg9[%get3A_364, %get3A_365] {strides = array<i32>} : memref<1600x16xf32, #tpu.memory_space<vmem>>, vector<1x16xf32>,
      %get3A_367 = vector.shape_cast %get3A_366 : vector<1x16xf32> to vector<16xf32>
      %broadcast_in_dim3A_368 = vector.shape_cast %get3A_176 : vector<16xi32> to vector<16x1xi32>
      %gather3A_369 = vector.shape_cast %broadcast_in_dim3A_368 : vector<16x1xi32> to vector<16xi32>
      %gather3A_370 = tpu.dynamic_gather %get3A_367[%gather3A_369] in [0] : vector<16xf32>, vector<16xi32> -> vector<16xf32>
      %mul3A_371 = arith.constant 16 : i32
      %mul3A_372 = arith.muli %scan3A_170, %mul3A_371 : i32
      %add3A_373 = arith.constant 8 : i32
      %add3A_374 = arith.addi %mul3A_372, %add3A_373 : i32
      %get3A_375 = arith.index_cast %add3A_374 : i32 to index
      %get3A_376 = arith.constant 0 : index
      %get3A_377 = tpu.vector_load %arg10[%get3A_375, %get3A_376] {strides = array<i32>} : memref<1600x16xf32, #tpu.memory_space<vmem>>, vector<1x16xf32>,
      %get3A_378 = vector.shape_cast %get3A_377 : vector<1x16xf32> to vector<16xf32>
      %broadcast_in_dim3A_379 = vector.shape_cast %get3A_176 : vector<16xi32> to vector<16x1xi32>
      %gather3A_380 = vector.shape_cast %broadcast_in_dim3A_379 : vector<16x1xi32> to vector<16xi32>
      %gather3A_381 = tpu.dynamic_gather %get3A_378[%gather3A_380] in [0] : vector<16xf32>, vector<16xi32> -> vector<16xf32>
      %select_n3A_382 = arith.select %eq3A_35, %gather3A_370, %select_n3A_358 : vector<16xi1>, vector<16xf32>
      %select_n3A_383 = arith.select %eq3A_35, %gather3A_381, %select_n3A_359 : vector<16xi1>, vector<16xf32>
      %mul3A_384 = arith.constant 16 : i32
      %mul3A_385 = arith.muli %scan3A_170, %mul3A_384 : i32
      %add3A_386 = arith.constant 9 : i32
      %add3A_387 = arith.addi %mul3A_385, %add3A_386 : i32
      %get3A_388 = arith.index_cast %add3A_387 : i32 to index
      %get3A_389 = arith.constant 0 : index
      %get3A_390 = tpu.vector_load %arg9[%get3A_388, %get3A_389] {strides = array<i32>} : memref<1600x16xf32, #tpu.memory_space<vmem>>, vector<1x16xf32>,
      %get3A_391 = vector.shape_cast %get3A_390 : vector<1x16xf32> to vector<16xf32>
      %broadcast_in_dim3A_392 = vector.shape_cast %get3A_176 : vector<16xi32> to vector<16x1xi32>
      %gather3A_393 = vector.shape_cast %broadcast_in_dim3A_392 : vector<16x1xi32> to vector<16xi32>
      %gather3A_394 = tpu.dynamic_gather %get3A_391[%gather3A_393] in [0] : vector<16xf32>, vector<16xi32> -> vector<16xf32>
      %mul3A_395 = arith.constant 16 : i32
      %mul3A_396 = arith.muli %scan3A_170, %mul3A_395 : i32
      %add3A_397 = arith.constant 9 : i32
      %add3A_398 = arith.addi %mul3A_396, %add3A_397 : i32
      %get3A_399 = arith.index_cast %add3A_398 : i32 to index
      %get3A_400 = arith.constant 0 : index
      %get3A_401 = tpu.vector_load %arg10[%get3A_399, %get3A_400] {strides = array<i32>} : memref<1600x16xf32, #tpu.memory_space<vmem>>, vector<1x16xf32>,
      %get3A_402 = vector.shape_cast %get3A_401 : vector<1x16xf32> to vector<16xf32>
      %broadcast_in_dim3A_403 = vector.shape_cast %get3A_176 : vector<16xi32> to vector<16x1xi32>
      %gather3A_404 = vector.shape_cast %broadcast_in_dim3A_403 : vector<16x1xi32> to vector<16xi32>
      %gather3A_405 = tpu.dynamic_gather %get3A_402[%gather3A_404] in [0] : vector<16xf32>, vector<16xi32> -> vector<16xf32>
      %select_n3A_406 = arith.select %eq3A_39, %gather3A_394, %select_n3A_382 : vector<16xi1>, vector<16xf32>
      %select_n3A_407 = arith.select %eq3A_39, %gather3A_405, %select_n3A_383 : vector<16xi1>, vector<16xf32>
      %mul3A_408 = arith.constant 16 : i32
      %mul3A_409 = arith.muli %scan3A_170, %mul3A_408 : i32
      %add3A_410 = arith.constant 10 : i32
      %add3A_411 = arith.addi %mul3A_409, %add3A_410 : i32
      %get3A_412 = arith.index_cast %add3A_411 : i32 to index
      %get3A_413 = arith.constant 0 : index
      %get3A_414 = tpu.vector_load %arg9[%get3A_412, %get3A_413] {strides = array<i32>} : memref<1600x16xf32, #tpu.memory_space<vmem>>, vector<1x16xf32>,
      %get3A_415 = vector.shape_cast %get3A_414 : vector<1x16xf32> to vector<16xf32>
      %broadcast_in_dim3A_416 = vector.shape_cast %get3A_176 : vector<16xi32> to vector<16x1xi32>
      %gather3A_417 = vector.shape_cast %broadcast_in_dim3A_416 : vector<16x1xi32> to vector<16xi32>
      %gather3A_418 = tpu.dynamic_gather %get3A_415[%gather3A_417] in [0] : vector<16xf32>, vector<16xi32> -> vector<16xf32>
      %mul3A_419 = arith.constant 16 : i32
      %mul3A_420 = arith.muli %scan3A_170, %mul3A_419 : i32
      %add3A_421 = arith.constant 10 : i32
      %add3A_422 = arith.addi %mul3A_420, %add3A_421 : i32
      %get3A_423 = arith.index_cast %add3A_422 : i32 to index
      %get3A_424 = arith.constant 0 : index
      %get3A_425 = tpu.vector_load %arg10[%get3A_423, %get3A_424] {strides = array<i32>} : memref<1600x16xf32, #tpu.memory_space<vmem>>, vector<1x16xf32>,
      %get3A_426 = vector.shape_cast %get3A_425 : vector<1x16xf32> to vector<16xf32>
      %broadcast_in_dim3A_427 = vector.shape_cast %get3A_176 : vector<16xi32> to vector<16x1xi32>
      %gather3A_428 = vector.shape_cast %broadcast_in_dim3A_427 : vector<16x1xi32> to vector<16xi32>
      %gather3A_429 = tpu.dynamic_gather %get3A_426[%gather3A_428] in [0] : vector<16xf32>, vector<16xi32> -> vector<16xf32>
      %select_n3A_430 = arith.select %eq3A_43, %gather3A_418, %select_n3A_406 : vector<16xi1>, vector<16xf32>
      %select_n3A_431 = arith.select %eq3A_43, %gather3A_429, %select_n3A_407 : vector<16xi1>, vector<16xf32>
      %mul3A_432 = arith.constant 16 : i32
      %mul3A_433 = arith.muli %scan3A_170, %mul3A_432 : i32
      %add3A_434 = arith.constant 11 : i32
      %add3A_435 = arith.addi %mul3A_433, %add3A_434 : i32
      %get3A_436 = arith.index_cast %add3A_435 : i32 to index
      %get3A_437 = arith.constant 0 : index
      %get3A_438 = tpu.vector_load %arg9[%get3A_436, %get3A_437] {strides = array<i32>} : memref<1600x16xf32, #tpu.memory_space<vmem>>, vector<1x16xf32>,
      %get3A_439 = vector.shape_cast %get3A_438 : vector<1x16xf32> to vector<16xf32>
      %broadcast_in_dim3A_440 = vector.shape_cast %get3A_176 : vector<16xi32> to vector<16x1xi32>
      %gather3A_441 = vector.shape_cast %broadcast_in_dim3A_440 : vector<16x1xi32> to vector<16xi32>
      %gather3A_442 = tpu.dynamic_gather %get3A_439[%gather3A_441] in [0] : vector<16xf32>, vector<16xi32> -> vector<16xf32>
      %mul3A_443 = arith.constant 16 : i32
      %mul3A_444 = arith.muli %scan3A_170, %mul3A_443 : i32
      %add3A_445 = arith.constant 11 : i32
      %add3A_446 = arith.addi %mul3A_444, %add3A_445 : i32
      %get3A_447 = arith.index_cast %add3A_446 : i32 to index
      %get3A_448 = arith.constant 0 : index
      %get3A_449 = tpu.vector_load %arg10[%get3A_447, %get3A_448] {strides = array<i32>} : memref<1600x16xf32, #tpu.memory_space<vmem>>, vector<1x16xf32>,
      %get3A_450 = vector.shape_cast %get3A_449 : vector<1x16xf32> to vector<16xf32>
      %broadcast_in_dim3A_451 = vector.shape_cast %get3A_176 : vector<16xi32> to vector<16x1xi32>
      %gather3A_452 = vector.shape_cast %broadcast_in_dim3A_451 : vector<16x1xi32> to vector<16xi32>
      %gather3A_453 = tpu.dynamic_gather %get3A_450[%gather3A_452] in [0] : vector<16xf32>, vector<16xi32> -> vector<16xf32>
      %select_n3A_454 = arith.select %eq3A_47, %gather3A_442, %select_n3A_430 : vector<16xi1>, vector<16xf32>
      %select_n3A_455 = arith.select %eq3A_47, %gather3A_453, %select_n3A_431 : vector<16xi1>, vector<16xf32>
      %mul3A_456 = arith.constant 16 : i32
      %mul3A_457 = arith.muli %scan3A_170, %mul3A_456 : i32
      %add3A_458 = arith.constant 12 : i32
      %add3A_459 = arith.addi %mul3A_457, %add3A_458 : i32
      %get3A_460 = arith.index_cast %add3A_459 : i32 to index
      %get3A_461 = arith.constant 0 : index
      %get3A_462 = tpu.vector_load %arg9[%get3A_460, %get3A_461] {strides = array<i32>} : memref<1600x16xf32, #tpu.memory_space<vmem>>, vector<1x16xf32>,
      %get3A_463 = vector.shape_cast %get3A_462 : vector<1x16xf32> to vector<16xf32>
      %broadcast_in_dim3A_464 = vector.shape_cast %get3A_176 : vector<16xi32> to vector<16x1xi32>
      %gather3A_465 = vector.shape_cast %broadcast_in_dim3A_464 : vector<16x1xi32> to vector<16xi32>
      %gather3A_466 = tpu.dynamic_gather %get3A_463[%gather3A_465] in [0] : vector<16xf32>, vector<16xi32> -> vector<16xf32>
      %mul3A_467 = arith.constant 16 : i32
      %mul3A_468 = arith.muli %scan3A_170, %mul3A_467 : i32
      %add3A_469 = arith.constant 12 : i32
      %add3A_470 = arith.addi %mul3A_468, %add3A_469 : i32
      %get3A_471 = arith.index_cast %add3A_470 : i32 to index
      %get3A_472 = arith.constant 0 : index
      %get3A_473 = tpu.vector_load %arg10[%get3A_471, %get3A_472] {strides = array<i32>} : memref<1600x16xf32, #tpu.memory_space<vmem>>, vector<1x16xf32>,
      %get3A_474 = vector.shape_cast %get3A_473 : vector<1x16xf32> to vector<16xf32>
      %broadcast_in_dim3A_475 = vector.shape_cast %get3A_176 : vector<16xi32> to vector<16x1xi32>
      %gather3A_476 = vector.shape_cast %broadcast_in_dim3A_475 : vector<16x1xi32> to vector<16xi32>
      %gather3A_477 = tpu.dynamic_gather %get3A_474[%gather3A_476] in [0] : vector<16xf32>, vector<16xi32> -> vector<16xf32>
      %select_n3A_478 = arith.select %eq3A_51, %gather3A_466, %select_n3A_454 : vector<16xi1>, vector<16xf32>
      %select_n3A_479 = arith.select %eq3A_51, %gather3A_477, %select_n3A_455 : vector<16xi1>, vector<16xf32>
      %mul3A_480 = arith.constant 16 : i32
      %mul3A_481 = arith.muli %scan3A_170, %mul3A_480 : i32
      %add3A_482 = arith.constant 13 : i32
      %add3A_483 = arith.addi %mul3A_481, %add3A_482 : i32
      %get3A_484 = arith.index_cast %add3A_483 : i32 to index
      %get3A_485 = arith.constant 0 : index
      %get3A_486 = tpu.vector_load %arg9[%get3A_484, %get3A_485] {strides = array<i32>} : memref<1600x16xf32, #tpu.memory_space<vmem>>, vector<1x16xf32>,
      %get3A_487 = vector.shape_cast %get3A_486 : vector<1x16xf32> to vector<16xf32>
      %broadcast_in_dim3A_488 = vector.shape_cast %get3A_176 : vector<16xi32> to vector<16x1xi32>
      %gather3A_489 = vector.shape_cast %broadcast_in_dim3A_488 : vector<16x1xi32> to vector<16xi32>
      %gather3A_490 = tpu.dynamic_gather %get3A_487[%gather3A_489] in [0] : vector<16xf32>, vector<16xi32> -> vector<16xf32>
      %mul3A_491 = arith.constant 16 : i32
      %mul3A_492 = arith.muli %scan3A_170, %mul3A_491 : i32
      %add3A_493 = arith.constant 13 : i32
      %add3A_494 = arith.addi %mul3A_492, %add3A_493 : i32
      %get3A_495 = arith.index_cast %add3A_494 : i32 to index
      %get3A_496 = arith.constant 0 : index
      %get3A_497 = tpu.vector_load %arg10[%get3A_495, %get3A_496] {strides = array<i32>} : memref<1600x16xf32, #tpu.memory_space<vmem>>, vector<1x16xf32>,
      %get3A_498 = vector.shape_cast %get3A_497 : vector<1x16xf32> to vector<16xf32>
      %broadcast_in_dim3A_499 = vector.shape_cast %get3A_176 : vector<16xi32> to vector<16x1xi32>
      %gather3A_500 = vector.shape_cast %broadcast_in_dim3A_499 : vector<16x1xi32> to vector<16xi32>
      %gather3A_501 = tpu.dynamic_gather %get3A_498[%gather3A_500] in [0] : vector<16xf32>, vector<16xi32> -> vector<16xf32>
      %select_n3A_502 = arith.select %eq3A_55, %gather3A_490, %select_n3A_478 : vector<16xi1>, vector<16xf32>
      %select_n3A_503 = arith.select %eq3A_55, %gather3A_501, %select_n3A_479 : vector<16xi1>, vector<16xf32>
      %mul3A_504 = arith.constant 16 : i32
      %mul3A_505 = arith.muli %scan3A_170, %mul3A_504 : i32
      %add3A_506 = arith.constant 14 : i32
      %add3A_507 = arith.addi %mul3A_505, %add3A_506 : i32
      %get3A_508 = arith.index_cast %add3A_507 : i32 to index
      %get3A_509 = arith.constant 0 : index
      %get3A_510 = tpu.vector_load %arg9[%get3A_508, %get3A_509] {strides = array<i32>} : memref<1600x16xf32, #tpu.memory_space<vmem>>, vector<1x16xf32>,
      %get3A_511 = vector.shape_cast %get3A_510 : vector<1x16xf32> to vector<16xf32>
      %broadcast_in_dim3A_512 = vector.shape_cast %get3A_176 : vector<16xi32> to vector<16x1xi32>
      %gather3A_513 = vector.shape_cast %broadcast_in_dim3A_512 : vector<16x1xi32> to vector<16xi32>
      %gather3A_514 = tpu.dynamic_gather %get3A_511[%gather3A_513] in [0] : vector<16xf32>, vector<16xi32> -> vector<16xf32>
      %mul3A_515 = arith.constant 16 : i32
      %mul3A_516 = arith.muli %scan3A_170, %mul3A_515 : i32
      %add3A_517 = arith.constant 14 : i32
      %add3A_518 = arith.addi %mul3A_516, %add3A_517 : i32
      %get3A_519 = arith.index_cast %add3A_518 : i32 to index
      %get3A_520 = arith.constant 0 : index
      %get3A_521 = tpu.vector_load %arg10[%get3A_519, %get3A_520] {strides = array<i32>} : memref<1600x16xf32, #tpu.memory_space<vmem>>, vector<1x16xf32>,
      %get3A_522 = vector.shape_cast %get3A_521 : vector<1x16xf32> to vector<16xf32>
      %broadcast_in_dim3A_523 = vector.shape_cast %get3A_176 : vector<16xi32> to vector<16x1xi32>
      %gather3A_524 = vector.shape_cast %broadcast_in_dim3A_523 : vector<16x1xi32> to vector<16xi32>
      %gather3A_525 = tpu.dynamic_gather %get3A_522[%gather3A_524] in [0] : vector<16xf32>, vector<16xi32> -> vector<16xf32>
      %select_n3A_526 = arith.select %eq3A_59, %gather3A_514, %select_n3A_502 : vector<16xi1>, vector<16xf32>
      %select_n3A_527 = arith.select %eq3A_59, %gather3A_525, %select_n3A_503 : vector<16xi1>, vector<16xf32>
      %mul3A_528 = arith.constant 16 : i32
      %mul3A_529 = arith.muli %scan3A_170, %mul3A_528 : i32
      %add3A_530 = arith.constant 15 : i32
      %add3A_531 = arith.addi %mul3A_529, %add3A_530 : i32
      %get3A_532 = arith.index_cast %add3A_531 : i32 to index
      %get3A_533 = arith.constant 0 : index
      %get3A_534 = tpu.vector_load %arg9[%get3A_532, %get3A_533] {strides = array<i32>} : memref<1600x16xf32, #tpu.memory_space<vmem>>, vector<1x16xf32>,
      %get3A_535 = vector.shape_cast %get3A_534 : vector<1x16xf32> to vector<16xf32>
      %broadcast_in_dim3A_536 = vector.shape_cast %get3A_176 : vector<16xi32> to vector<16x1xi32>
      %gather3A_537 = vector.shape_cast %broadcast_in_dim3A_536 : vector<16x1xi32> to vector<16xi32>
      %gather3A_538 = tpu.dynamic_gather %get3A_535[%gather3A_537] in [0] : vector<16xf32>, vector<16xi32> -> vector<16xf32>
      %mul3A_539 = arith.constant 16 : i32
      %mul3A_540 = arith.muli %scan3A_170, %mul3A_539 : i32
      %add3A_541 = arith.constant 15 : i32
      %add3A_542 = arith.addi %mul3A_540, %add3A_541 : i32
      %get3A_543 = arith.index_cast %add3A_542 : i32 to index
      %get3A_544 = arith.constant 0 : index
      %get3A_545 = tpu.vector_load %arg10[%get3A_543, %get3A_544] {strides = array<i32>} : memref<1600x16xf32, #tpu.memory_space<vmem>>, vector<1x16xf32>,
      %get3A_546 = vector.shape_cast %get3A_545 : vector<1x16xf32> to vector<16xf32>
      %broadcast_in_dim3A_547 = vector.shape_cast %get3A_176 : vector<16xi32> to vector<16x1xi32>
      %gather3A_548 = vector.shape_cast %broadcast_in_dim3A_547 : vector<16x1xi32> to vector<16xi32>
      %gather3A_549 = tpu.dynamic_gather %get3A_546[%gather3A_548] in [0] : vector<16xf32>, vector<16xi32> -> vector<16xf32>
      %select_n3A_550 = arith.select %eq3A_63, %gather3A_538, %select_n3A_526 : vector<16xi1>, vector<16xf32>
      %select_n3A_551 = arith.select %eq3A_63, %gather3A_549, %select_n3A_527 : vector<16xi1>, vector<16xf32>
      %jit3A = arith.constant 128 : i32
      %div3A = arith.divsi %add3A_174, %jit3A : i32
      %sign3A = arith.constant 0 : i32
      %sign3A_552 = arith.cmpi sgt, %add3A_174, %sign3A : i32
      %sign3A_553 = arith.extui %sign3A_552 : i1 to i32
      %sign3A_554 = arith.constant 0 : i32
      %sign3A_555 = arith.cmpi slt, %add3A_174, %sign3A_554 : i32
      %sign3A_556 = arith.extui %sign3A_555 : i1 to i32
      %sign3A_557 = arith.subi %sign3A_553, %sign3A_556 : i32
      %sign3A_558 = arith.constant 0 : i32
      %sign3A_559 = arith.cmpi sgt, %jit3A, %sign3A_558 : i32
      %sign3A_560 = arith.extui %sign3A_559 : i1 to i32
      %sign3A_561 = arith.constant 0 : i32
      %sign3A_562 = arith.cmpi slt, %jit3A, %sign3A_561 : i32
      %sign3A_563 = arith.extui %sign3A_562 : i1 to i32
      %sign3A_564 = arith.subi %sign3A_560, %sign3A_563 : i32
      %ne3A = arith.cmpi ne, %sign3A_557, %sign3A_564 : i32
      %rem3A = arith.remsi %add3A_174, %jit3A : i32
      %ne3A_565 = arith.constant 0 : i32
      %ne3A_566 = arith.cmpi ne, %rem3A, %ne3A_565 : i32
      %and3A = arith.andi %ne3A, %ne3A_566 : i1
      %sub3A = arith.constant 1 : i32
      %sub3A_567 = arith.subi %div3A, %sub3A : i32
      %select_n3A_568 = arith.select %and3A, %sub3A_567, %div3A : i32
      %jit3A_569 = arith.constant 128 : i32
      %eq3A_570 = arith.constant 0 : i32
      %eq3A_571 = arith.cmpi eq, %jit3A_569, %eq3A_570 : i32
      %jit3A_572 = arith.constant 1 : i32
      %select_n3A_573 = arith.select %eq3A_571, %jit3A_572, %jit3A_569 : i32
      %rem3A_574 = arith.remsi %add3A_174, %select_n3A_573 : i32
      %ne3A_575 = arith.constant 0 : i32
      %ne3A_576 = arith.cmpi ne, %rem3A_574, %ne3A_575 : i32
      %lt3A = arith.constant 0 : i32
      %lt3A_577 = arith.cmpi slt, %rem3A_574, %lt3A : i32
      %lt3A_578 = arith.constant 0 : i32
      %lt3A_579 = arith.cmpi slt, %select_n3A_573, %lt3A_578 : i32
      %ne3A_580 = arith.xori %lt3A_577, %lt3A_579 : i1
      %and3A_581 = arith.andi %ne3A_580, %ne3A_576 : i1
      %add3A_582 = arith.addi %rem3A_574, %select_n3A_573 : i32
      %select_n3A_583 = arith.select %and3A_581, %add3A_582, %rem3A_574 : i32
      %swap3A = arith.index_cast %select_n3A_568 : i32 to index
      %swap3A_584 = arith.index_cast %select_n3A_583 : i32 to index
      %swap3A_585 = tpu.vector_load %arg11[%swap3A, %swap3A_584] {strides = array<i32>} : memref<50x128xf32, #tpu.memory_space<vmem>>, vector<1x16xf32>,
      %swap3A_586 = vector.shape_cast %swap3A_585 : vector<1x16xf32> to vector<16xf32>
      %swap3A_587 = vector.shape_cast %select_n3A_550 : vector<16xf32> to vector<1x16xf32>
      tpu.vector_store %arg11[%swap3A, %swap3A_584], %swap3A_587 {strides = array<i32>} : memref<50x128xf32, #tpu.memory_space<vmem>>, vector<1x16xf32>,
      %swap3A_588 = arith.index_cast %select_n3A_568 : i32 to index
      %swap3A_589 = arith.index_cast %select_n3A_583 : i32 to index
      %swap3A_590 = tpu.vector_load %arg12[%swap3A_588, %swap3A_589] {strides = array<i32>} : memref<50x128xf32, #tpu.memory_space<vmem>>, vector<1x16xf32>,
      %swap3A_591 = vector.shape_cast %swap3A_590 : vector<1x16xf32> to vector<16xf32>
      %swap3A_592 = vector.shape_cast %select_n3A_551 : vector<16xf32> to vector<1x16xf32>
      tpu.vector_store %arg12[%swap3A_588, %swap3A_589], %swap3A_592 {strides = array<i32>} : memref<50x128xf32, #tpu.memory_space<vmem>>, vector<1x16xf32>,
    }
    %scan3A_165 = arith.constant 100 : i32
    %mul3A_166 = arith.constant 50 : i32
    %mul3A_167 = arith.muli %add3A, %mul3A_166 : i32
    "tpu.region"() ({
      %run_scoped3A = tpu.sem_alloc : memref<!tpu.dma_semaphore, #tpu.memory_space<semaphore_mem>>
      %dma_start3A_170 = arith.constant 0 : i32
      %dma_start3A_171 = tpu.memref_slice %arg4[%mul3A_167, %dma_start3A_170] : memref<1600x128xf32, #tpu.memory_space<hbm>> -> memref<50x128xf32, #tpu.memory_space<hbm>>
      %dma_start3A_172 = arith.constant 0 : i32
      %dma_start3A_173 = tpu.memref_slice %arg4[%mul3A_167, %dma_start3A_172] : memref<1600x128xf32, #tpu.memory_space<hbm>> -> memref<50x128xf32, #tpu.memory_space<hbm>>
      tpu.enqueue_dma source(%arg11 : memref<50x128xf32, #tpu.memory_space<vmem>>) target(%dma_start3A_173 : memref<50x128xf32, #tpu.memory_space<hbm>>) target_semaphore(%run_scoped3A : memref<!tpu.dma_semaphore, #tpu.memory_space<semaphore_mem>>)
      %dma_wait3A_174 = arith.constant 0 : i32
      %dma_wait3A_175 = tpu.memref_slice %arg4[%mul3A_167, %dma_wait3A_174] : memref<1600x128xf32, #tpu.memory_space<hbm>> -> memref<50x128xf32, #tpu.memory_space<hbm>>
      %dma_wait3A_176 = arith.constant 0 : i32
      %dma_wait3A_177 = tpu.memref_slice %arg4[%mul3A_167, %dma_wait3A_176] : memref<1600x128xf32, #tpu.memory_space<hbm>> -> memref<50x128xf32, #tpu.memory_space<hbm>>
      tpu.wait_dma2 semaphore(%run_scoped3A : memref<!tpu.dma_semaphore, #tpu.memory_space<semaphore_mem>>) src(%arg11 : memref<50x128xf32, #tpu.memory_space<vmem>>) dst(%dma_wait3A_177 : memref<50x128xf32, #tpu.memory_space<hbm>>)
      tpu.yield
    }) : () -> ()
    %mul3A_168 = arith.constant 50 : i32
    %mul3A_169 = arith.muli %add3A, %mul3A_168 : i32
    "tpu.region"() ({
      %run_scoped3A = tpu.sem_alloc : memref<!tpu.dma_semaphore, #tpu.memory_space<semaphore_mem>>
      %dma_start3A_170 = arith.constant 0 : i32
      %dma_start3A_171 = tpu.memref_slice %arg5[%mul3A_169, %dma_start3A_170] : memref<1600x128xf32, #tpu.memory_space<hbm>> -> memref<50x128xf32, #tpu.memory_space<hbm>>
      %dma_start3A_172 = arith.constant 0 : i32
      %dma_start3A_173 = tpu.memref_slice %arg5[%mul3A_169, %dma_start3A_172] : memref<1600x128xf32, #tpu.memory_space<hbm>> -> memref<50x128xf32, #tpu.memory_space<hbm>>
      tpu.enqueue_dma source(%arg12 : memref<50x128xf32, #tpu.memory_space<vmem>>) target(%dma_start3A_173 : memref<50x128xf32, #tpu.memory_space<hbm>>) target_semaphore(%run_scoped3A : memref<!tpu.dma_semaphore, #tpu.memory_space<semaphore_mem>>)
      %dma_wait3A_174 = arith.constant 0 : i32
      %dma_wait3A_175 = tpu.memref_slice %arg5[%mul3A_169, %dma_wait3A_174] : memref<1600x128xf32, #tpu.memory_space<hbm>> -> memref<50x128xf32, #tpu.memory_space<hbm>>
      %dma_wait3A_176 = arith.constant 0 : i32
      %dma_wait3A_177 = tpu.memref_slice %arg5[%mul3A_169, %dma_wait3A_176] : memref<1600x128xf32, #tpu.memory_space<hbm>> -> memref<50x128xf32, #tpu.memory_space<hbm>>
      tpu.wait_dma2 semaphore(%run_scoped3A : memref<!tpu.dma_semaphore, #tpu.memory_space<semaphore_mem>>) src(%arg12 : memref<50x128xf32, #tpu.memory_space<vmem>>) dst(%dma_wait3A_177 : memref<50x128xf32, #tpu.memory_space<hbm>>)
      tpu.yield
    }) : () -> ()
    return
  }
}

module attributes {stable_mosaic.version = 14 : i64} {
  func.func @_mlp_body(%arg0: i32, %arg1: i32, %arg2: memref<8x16x128xf32, #tpu.memory_space<vmem>>, %arg3: memref<8x16x128xf32, #tpu.memory_space<vmem>>, %arg4: memref<128x2xf32, #tpu.memory_space<vmem>>, %arg5: memref<128x1xf32, #tpu.memory_space<vmem>>, %arg6: memref<64x128xf32, #tpu.memory_space<vmem>>, %arg7: memref<64x1xf32, #tpu.memory_space<vmem>>, %arg8: memref<64x18xf32, #tpu.memory_space<vmem>>, %arg9: memref<18x1xf32, #tpu.memory_space<vmem>>, %arg10: memref<18x8x2048xf32, #tpu.memory_space<vmem>>, %arg11: memref<2x2048xf32, #tpu.memory_space<vmem>>) attributes {dimension_semantics = [#tpu.dimension_semantics<arbitrary>, #tpu.dimension_semantics<arbitrary>], iteration_bounds = array<i64: 7, 2>, scalar_prefetch = 0 : i64, scratch_operands = 1 : i64, tpu.core_type = #tpu.core_type<tc>, window_params = [{transform_indices = @transform_0, window_bounds = array<i64: 8, 16, 128>}, {transform_indices = @transform_1, window_bounds = array<i64: 8, 16, 128>}, {pipeline_mode = #tpu.pipeline_mode<synchronous>, transform_indices = @transform_2, window_bounds = array<i64: 128, 2>}, {pipeline_mode = #tpu.pipeline_mode<synchronous>, transform_indices = @transform_3, window_bounds = array<i64: 128, 1>}, {pipeline_mode = #tpu.pipeline_mode<synchronous>, transform_indices = @transform_4, window_bounds = array<i64: 64, 128>}, {pipeline_mode = #tpu.pipeline_mode<synchronous>, transform_indices = @transform_5, window_bounds = array<i64: 64, 1>}, {pipeline_mode = #tpu.pipeline_mode<synchronous>, transform_indices = @transform_6, window_bounds = array<i64: 64, 18>}, {pipeline_mode = #tpu.pipeline_mode<synchronous>, transform_indices = @transform_7, window_bounds = array<i64: 18, 1>}, {transform_indices = @transform_8, window_bounds = array<i64: 18, 8, 2048>}]} {
    %get3A = arith.constant 0 : index
    %get3A_0 = arith.constant 0 : index
    %get3A_1 = vector.load %arg4[%get3A, %get3A_0] : memref<128x2xf32, #tpu.memory_space<vmem>>, vector<128x2xf32>
    %get3A_2 = arith.constant 0 : index
    %get3A_3 = arith.constant 0 : index
    %get3A_4 = vector.load %arg5[%get3A_2, %get3A_3] : memref<128x1xf32, #tpu.memory_space<vmem>>, vector<128x1xf32>
    %get3A_5 = arith.constant 0 : index
    %get3A_6 = arith.constant 0 : index
    %get3A_7 = vector.load %arg6[%get3A_5, %get3A_6] : memref<64x128xf32, #tpu.memory_space<vmem>>, vector<64x128xf32>
    %get3A_8 = arith.constant 0 : index
    %get3A_9 = arith.constant 0 : index
    %get3A_10 = vector.load %arg7[%get3A_8, %get3A_9] : memref<64x1xf32, #tpu.memory_space<vmem>>, vector<64x1xf32>
    %get3A_11 = arith.constant 0 : index
    %get3A_12 = arith.constant 0 : index
    %get3A_13 = vector.load %arg8[%get3A_11, %get3A_12] : memref<64x18xf32, #tpu.memory_space<vmem>>, vector<64x18xf32>
    %get3A_14 = arith.constant 0 : index
    %get3A_15 = arith.constant 0 : index
    %get3A_16 = vector.load %arg9[%get3A_14, %get3A_15] : memref<18x1xf32, #tpu.memory_space<vmem>>, vector<18x1xf32>
    %get3A_17 = arith.constant 0 : index
    %get3A_18 = arith.constant 0 : index
    %get3A_19 = arith.constant 0 : index
    %get3A_20 = vector.load %arg2[%get3A_17, %get3A_18, %get3A_19] : memref<8x16x128xf32, #tpu.memory_space<vmem>>, vector<1x16x128xf32>
    %get3A_21 = vector.shape_cast %get3A_20 : vector<1x16x128xf32> to vector<16x128xf32>
    %get3A_22 = arith.constant 0 : index
    %get3A_23 = arith.constant 0 : index
    %get3A_24 = arith.constant 0 : index
    %get3A_25 = vector.load %arg3[%get3A_22, %get3A_23, %get3A_24] : memref<8x16x128xf32, #tpu.memory_space<vmem>>, vector<1x16x128xf32>
    %get3A_26 = vector.shape_cast %get3A_25 : vector<1x16x128xf32> to vector<16x128xf32>
    %slice3A = vector.extract_strided_slice %get3A_21 {offsets = [0, 0], sizes = [1, 128], strides = [1, 1]} : vector<16x128xf32> to vector<1x128xf32>
    %swap3A = arith.constant 0 : index
    %swap3A_27 = arith.constant 0 : index
    %swap3A_28 = vector.load %arg11[%swap3A, %swap3A_27] : memref<2x2048xf32, #tpu.memory_space<vmem>>, vector<1x128xf32>
    tpu.vector_store %arg11[%swap3A, %swap3A_27], %slice3A {strides = array<i32>} : memref<2x2048xf32, #tpu.memory_space<vmem>>, vector<1x128xf32>,
    %slice3A_29 = vector.extract_strided_slice %get3A_26 {offsets = [0, 0], sizes = [1, 128], strides = [1, 1]} : vector<16x128xf32> to vector<1x128xf32>
    %swap3A_30 = arith.constant 1 : index
    %swap3A_31 = arith.constant 0 : index
    %swap3A_32 = vector.load %arg11[%swap3A_30, %swap3A_31] : memref<2x2048xf32, #tpu.memory_space<vmem>>, vector<1x128xf32>
    tpu.vector_store %arg11[%swap3A_30, %swap3A_31], %slice3A_29 {strides = array<i32>} : memref<2x2048xf32, #tpu.memory_space<vmem>>, vector<1x128xf32>,
    %slice3A_33 = vector.extract_strided_slice %get3A_21 {offsets = [1, 0], sizes = [1, 128], strides = [1, 1]} : vector<16x128xf32> to vector<1x128xf32>
    %swap3A_34 = arith.constant 0 : index
    %swap3A_35 = arith.constant 128 : index
    %swap3A_36 = vector.load %arg11[%swap3A_34, %swap3A_35] : memref<2x2048xf32, #tpu.memory_space<vmem>>, vector<1x128xf32>
    tpu.vector_store %arg11[%swap3A_34, %swap3A_35], %slice3A_33 {strides = array<i32>} : memref<2x2048xf32, #tpu.memory_space<vmem>>, vector<1x128xf32>,
    %slice3A_37 = vector.extract_strided_slice %get3A_26 {offsets = [1, 0], sizes = [1, 128], strides = [1, 1]} : vector<16x128xf32> to vector<1x128xf32>
    %swap3A_38 = arith.constant 1 : index
    %swap3A_39 = arith.constant 128 : index
    %swap3A_40 = vector.load %arg11[%swap3A_38, %swap3A_39] : memref<2x2048xf32, #tpu.memory_space<vmem>>, vector<1x128xf32>
    tpu.vector_store %arg11[%swap3A_38, %swap3A_39], %slice3A_37 {strides = array<i32>} : memref<2x2048xf32, #tpu.memory_space<vmem>>, vector<1x128xf32>,
    %slice3A_41 = vector.extract_strided_slice %get3A_21 {offsets = [2, 0], sizes = [1, 128], strides = [1, 1]} : vector<16x128xf32> to vector<1x128xf32>
    %swap3A_42 = arith.constant 0 : index
    %swap3A_43 = arith.constant 256 : index
    %swap3A_44 = vector.load %arg11[%swap3A_42, %swap3A_43] : memref<2x2048xf32, #tpu.memory_space<vmem>>, vector<1x128xf32>
    tpu.vector_store %arg11[%swap3A_42, %swap3A_43], %slice3A_41 {strides = array<i32>} : memref<2x2048xf32, #tpu.memory_space<vmem>>, vector<1x128xf32>,
    %slice3A_45 = vector.extract_strided_slice %get3A_26 {offsets = [2, 0], sizes = [1, 128], strides = [1, 1]} : vector<16x128xf32> to vector<1x128xf32>
    %swap3A_46 = arith.constant 1 : index
    %swap3A_47 = arith.constant 256 : index
    %swap3A_48 = vector.load %arg11[%swap3A_46, %swap3A_47] : memref<2x2048xf32, #tpu.memory_space<vmem>>, vector<1x128xf32>
    tpu.vector_store %arg11[%swap3A_46, %swap3A_47], %slice3A_45 {strides = array<i32>} : memref<2x2048xf32, #tpu.memory_space<vmem>>, vector<1x128xf32>,
    %slice3A_49 = vector.extract_strided_slice %get3A_21 {offsets = [3, 0], sizes = [1, 128], strides = [1, 1]} : vector<16x128xf32> to vector<1x128xf32>
    %swap3A_50 = arith.constant 0 : index
    %swap3A_51 = arith.constant 384 : index
    %swap3A_52 = vector.load %arg11[%swap3A_50, %swap3A_51] : memref<2x2048xf32, #tpu.memory_space<vmem>>, vector<1x128xf32>
    tpu.vector_store %arg11[%swap3A_50, %swap3A_51], %slice3A_49 {strides = array<i32>} : memref<2x2048xf32, #tpu.memory_space<vmem>>, vector<1x128xf32>,
    %slice3A_53 = vector.extract_strided_slice %get3A_26 {offsets = [3, 0], sizes = [1, 128], strides = [1, 1]} : vector<16x128xf32> to vector<1x128xf32>
    %swap3A_54 = arith.constant 1 : index
    %swap3A_55 = arith.constant 384 : index
    %swap3A_56 = vector.load %arg11[%swap3A_54, %swap3A_55] : memref<2x2048xf32, #tpu.memory_space<vmem>>, vector<1x128xf32>
    tpu.vector_store %arg11[%swap3A_54, %swap3A_55], %slice3A_53 {strides = array<i32>} : memref<2x2048xf32, #tpu.memory_space<vmem>>, vector<1x128xf32>,
    %slice3A_57 = vector.extract_strided_slice %get3A_21 {offsets = [4, 0], sizes = [1, 128], strides = [1, 1]} : vector<16x128xf32> to vector<1x128xf32>
    %swap3A_58 = arith.constant 0 : index
    %swap3A_59 = arith.constant 512 : index
    %swap3A_60 = vector.load %arg11[%swap3A_58, %swap3A_59] : memref<2x2048xf32, #tpu.memory_space<vmem>>, vector<1x128xf32>
    tpu.vector_store %arg11[%swap3A_58, %swap3A_59], %slice3A_57 {strides = array<i32>} : memref<2x2048xf32, #tpu.memory_space<vmem>>, vector<1x128xf32>,
    %slice3A_61 = vector.extract_strided_slice %get3A_26 {offsets = [4, 0], sizes = [1, 128], strides = [1, 1]} : vector<16x128xf32> to vector<1x128xf32>
    %swap3A_62 = arith.constant 1 : index
    %swap3A_63 = arith.constant 512 : index
    %swap3A_64 = vector.load %arg11[%swap3A_62, %swap3A_63] : memref<2x2048xf32, #tpu.memory_space<vmem>>, vector<1x128xf32>
    tpu.vector_store %arg11[%swap3A_62, %swap3A_63], %slice3A_61 {strides = array<i32>} : memref<2x2048xf32, #tpu.memory_space<vmem>>, vector<1x128xf32>,
    %slice3A_65 = vector.extract_strided_slice %get3A_21 {offsets = [5, 0], sizes = [1, 128], strides = [1, 1]} : vector<16x128xf32> to vector<1x128xf32>
    %swap3A_66 = arith.constant 0 : index
    %swap3A_67 = arith.constant 640 : index
    %swap3A_68 = vector.load %arg11[%swap3A_66, %swap3A_67] : memref<2x2048xf32, #tpu.memory_space<vmem>>, vector<1x128xf32>
    tpu.vector_store %arg11[%swap3A_66, %swap3A_67], %slice3A_65 {strides = array<i32>} : memref<2x2048xf32, #tpu.memory_space<vmem>>, vector<1x128xf32>,
    %slice3A_69 = vector.extract_strided_slice %get3A_26 {offsets = [5, 0], sizes = [1, 128], strides = [1, 1]} : vector<16x128xf32> to vector<1x128xf32>
    %swap3A_70 = arith.constant 1 : index
    %swap3A_71 = arith.constant 640 : index
    %swap3A_72 = vector.load %arg11[%swap3A_70, %swap3A_71] : memref<2x2048xf32, #tpu.memory_space<vmem>>, vector<1x128xf32>
    tpu.vector_store %arg11[%swap3A_70, %swap3A_71], %slice3A_69 {strides = array<i32>} : memref<2x2048xf32, #tpu.memory_space<vmem>>, vector<1x128xf32>,
    %slice3A_73 = vector.extract_strided_slice %get3A_21 {offsets = [6, 0], sizes = [1, 128], strides = [1, 1]} : vector<16x128xf32> to vector<1x128xf32>
    %swap3A_74 = arith.constant 0 : index
    %swap3A_75 = arith.constant 768 : index
    %swap3A_76 = vector.load %arg11[%swap3A_74, %swap3A_75] : memref<2x2048xf32, #tpu.memory_space<vmem>>, vector<1x128xf32>
    tpu.vector_store %arg11[%swap3A_74, %swap3A_75], %slice3A_73 {strides = array<i32>} : memref<2x2048xf32, #tpu.memory_space<vmem>>, vector<1x128xf32>,
    %slice3A_77 = vector.extract_strided_slice %get3A_26 {offsets = [6, 0], sizes = [1, 128], strides = [1, 1]} : vector<16x128xf32> to vector<1x128xf32>
    %swap3A_78 = arith.constant 1 : index
    %swap3A_79 = arith.constant 768 : index
    %swap3A_80 = vector.load %arg11[%swap3A_78, %swap3A_79] : memref<2x2048xf32, #tpu.memory_space<vmem>>, vector<1x128xf32>
    tpu.vector_store %arg11[%swap3A_78, %swap3A_79], %slice3A_77 {strides = array<i32>} : memref<2x2048xf32, #tpu.memory_space<vmem>>, vector<1x128xf32>,
    %slice3A_81 = vector.extract_strided_slice %get3A_21 {offsets = [7, 0], sizes = [1, 128], strides = [1, 1]} : vector<16x128xf32> to vector<1x128xf32>
    %swap3A_82 = arith.constant 0 : index
    %swap3A_83 = arith.constant 896 : index
    %swap3A_84 = vector.load %arg11[%swap3A_82, %swap3A_83] : memref<2x2048xf32, #tpu.memory_space<vmem>>, vector<1x128xf32>
    tpu.vector_store %arg11[%swap3A_82, %swap3A_83], %slice3A_81 {strides = array<i32>} : memref<2x2048xf32, #tpu.memory_space<vmem>>, vector<1x128xf32>,
    %slice3A_85 = vector.extract_strided_slice %get3A_26 {offsets = [7, 0], sizes = [1, 128], strides = [1, 1]} : vector<16x128xf32> to vector<1x128xf32>
    %swap3A_86 = arith.constant 1 : index
    %swap3A_87 = arith.constant 896 : index
    %swap3A_88 = vector.load %arg11[%swap3A_86, %swap3A_87] : memref<2x2048xf32, #tpu.memory_space<vmem>>, vector<1x128xf32>
    tpu.vector_store %arg11[%swap3A_86, %swap3A_87], %slice3A_85 {strides = array<i32>} : memref<2x2048xf32, #tpu.memory_space<vmem>>, vector<1x128xf32>,
    %slice3A_89 = vector.extract_strided_slice %get3A_21 {offsets = [8, 0], sizes = [1, 128], strides = [1, 1]} : vector<16x128xf32> to vector<1x128xf32>
    %swap3A_90 = arith.constant 0 : index
    %swap3A_91 = arith.constant 1024 : index
    %swap3A_92 = vector.load %arg11[%swap3A_90, %swap3A_91] : memref<2x2048xf32, #tpu.memory_space<vmem>>, vector<1x128xf32>
    tpu.vector_store %arg11[%swap3A_90, %swap3A_91], %slice3A_89 {strides = array<i32>} : memref<2x2048xf32, #tpu.memory_space<vmem>>, vector<1x128xf32>,
    %slice3A_93 = vector.extract_strided_slice %get3A_26 {offsets = [8, 0], sizes = [1, 128], strides = [1, 1]} : vector<16x128xf32> to vector<1x128xf32>
    %swap3A_94 = arith.constant 1 : index
    %swap3A_95 = arith.constant 1024 : index
    %swap3A_96 = vector.load %arg11[%swap3A_94, %swap3A_95] : memref<2x2048xf32, #tpu.memory_space<vmem>>, vector<1x128xf32>
    tpu.vector_store %arg11[%swap3A_94, %swap3A_95], %slice3A_93 {strides = array<i32>} : memref<2x2048xf32, #tpu.memory_space<vmem>>, vector<1x128xf32>,
    %slice3A_97 = vector.extract_strided_slice %get3A_21 {offsets = [9, 0], sizes = [1, 128], strides = [1, 1]} : vector<16x128xf32> to vector<1x128xf32>
    %swap3A_98 = arith.constant 0 : index
    %swap3A_99 = arith.constant 1152 : index
    %swap3A_100 = vector.load %arg11[%swap3A_98, %swap3A_99] : memref<2x2048xf32, #tpu.memory_space<vmem>>, vector<1x128xf32>
    tpu.vector_store %arg11[%swap3A_98, %swap3A_99], %slice3A_97 {strides = array<i32>} : memref<2x2048xf32, #tpu.memory_space<vmem>>, vector<1x128xf32>,
    %slice3A_101 = vector.extract_strided_slice %get3A_26 {offsets = [9, 0], sizes = [1, 128], strides = [1, 1]} : vector<16x128xf32> to vector<1x128xf32>
    %swap3A_102 = arith.constant 1 : index
    %swap3A_103 = arith.constant 1152 : index
    %swap3A_104 = vector.load %arg11[%swap3A_102, %swap3A_103] : memref<2x2048xf32, #tpu.memory_space<vmem>>, vector<1x128xf32>
    tpu.vector_store %arg11[%swap3A_102, %swap3A_103], %slice3A_101 {strides = array<i32>} : memref<2x2048xf32, #tpu.memory_space<vmem>>, vector<1x128xf32>,
    %slice3A_105 = vector.extract_strided_slice %get3A_21 {offsets = [10, 0], sizes = [1, 128], strides = [1, 1]} : vector<16x128xf32> to vector<1x128xf32>
    %swap3A_106 = arith.constant 0 : index
    %swap3A_107 = arith.constant 1280 : index
    %swap3A_108 = vector.load %arg11[%swap3A_106, %swap3A_107] : memref<2x2048xf32, #tpu.memory_space<vmem>>, vector<1x128xf32>
    tpu.vector_store %arg11[%swap3A_106, %swap3A_107], %slice3A_105 {strides = array<i32>} : memref<2x2048xf32, #tpu.memory_space<vmem>>, vector<1x128xf32>,
    %slice3A_109 = vector.extract_strided_slice %get3A_26 {offsets = [10, 0], sizes = [1, 128], strides = [1, 1]} : vector<16x128xf32> to vector<1x128xf32>
    %swap3A_110 = arith.constant 1 : index
    %swap3A_111 = arith.constant 1280 : index
    %swap3A_112 = vector.load %arg11[%swap3A_110, %swap3A_111] : memref<2x2048xf32, #tpu.memory_space<vmem>>, vector<1x128xf32>
    tpu.vector_store %arg11[%swap3A_110, %swap3A_111], %slice3A_109 {strides = array<i32>} : memref<2x2048xf32, #tpu.memory_space<vmem>>, vector<1x128xf32>,
    %slice3A_113 = vector.extract_strided_slice %get3A_21 {offsets = [11, 0], sizes = [1, 128], strides = [1, 1]} : vector<16x128xf32> to vector<1x128xf32>
    %swap3A_114 = arith.constant 0 : index
    %swap3A_115 = arith.constant 1408 : index
    %swap3A_116 = vector.load %arg11[%swap3A_114, %swap3A_115] : memref<2x2048xf32, #tpu.memory_space<vmem>>, vector<1x128xf32>
    tpu.vector_store %arg11[%swap3A_114, %swap3A_115], %slice3A_113 {strides = array<i32>} : memref<2x2048xf32, #tpu.memory_space<vmem>>, vector<1x128xf32>,
    %slice3A_117 = vector.extract_strided_slice %get3A_26 {offsets = [11, 0], sizes = [1, 128], strides = [1, 1]} : vector<16x128xf32> to vector<1x128xf32>
    %swap3A_118 = arith.constant 1 : index
    %swap3A_119 = arith.constant 1408 : index
    %swap3A_120 = vector.load %arg11[%swap3A_118, %swap3A_119] : memref<2x2048xf32, #tpu.memory_space<vmem>>, vector<1x128xf32>
    tpu.vector_store %arg11[%swap3A_118, %swap3A_119], %slice3A_117 {strides = array<i32>} : memref<2x2048xf32, #tpu.memory_space<vmem>>, vector<1x128xf32>,
    %slice3A_121 = vector.extract_strided_slice %get3A_21 {offsets = [12, 0], sizes = [1, 128], strides = [1, 1]} : vector<16x128xf32> to vector<1x128xf32>
    %swap3A_122 = arith.constant 0 : index
    %swap3A_123 = arith.constant 1536 : index
    %swap3A_124 = vector.load %arg11[%swap3A_122, %swap3A_123] : memref<2x2048xf32, #tpu.memory_space<vmem>>, vector<1x128xf32>
    tpu.vector_store %arg11[%swap3A_122, %swap3A_123], %slice3A_121 {strides = array<i32>} : memref<2x2048xf32, #tpu.memory_space<vmem>>, vector<1x128xf32>,
    %slice3A_125 = vector.extract_strided_slice %get3A_26 {offsets = [12, 0], sizes = [1, 128], strides = [1, 1]} : vector<16x128xf32> to vector<1x128xf32>
    %swap3A_126 = arith.constant 1 : index
    %swap3A_127 = arith.constant 1536 : index
    %swap3A_128 = vector.load %arg11[%swap3A_126, %swap3A_127] : memref<2x2048xf32, #tpu.memory_space<vmem>>, vector<1x128xf32>
    tpu.vector_store %arg11[%swap3A_126, %swap3A_127], %slice3A_125 {strides = array<i32>} : memref<2x2048xf32, #tpu.memory_space<vmem>>, vector<1x128xf32>,
    %slice3A_129 = vector.extract_strided_slice %get3A_21 {offsets = [13, 0], sizes = [1, 128], strides = [1, 1]} : vector<16x128xf32> to vector<1x128xf32>
    %swap3A_130 = arith.constant 0 : index
    %swap3A_131 = arith.constant 1664 : index
    %swap3A_132 = vector.load %arg11[%swap3A_130, %swap3A_131] : memref<2x2048xf32, #tpu.memory_space<vmem>>, vector<1x128xf32>
    tpu.vector_store %arg11[%swap3A_130, %swap3A_131], %slice3A_129 {strides = array<i32>} : memref<2x2048xf32, #tpu.memory_space<vmem>>, vector<1x128xf32>,
    %slice3A_133 = vector.extract_strided_slice %get3A_26 {offsets = [13, 0], sizes = [1, 128], strides = [1, 1]} : vector<16x128xf32> to vector<1x128xf32>
    %swap3A_134 = arith.constant 1 : index
    %swap3A_135 = arith.constant 1664 : index
    %swap3A_136 = vector.load %arg11[%swap3A_134, %swap3A_135] : memref<2x2048xf32, #tpu.memory_space<vmem>>, vector<1x128xf32>
    tpu.vector_store %arg11[%swap3A_134, %swap3A_135], %slice3A_133 {strides = array<i32>} : memref<2x2048xf32, #tpu.memory_space<vmem>>, vector<1x128xf32>,
    %slice3A_137 = vector.extract_strided_slice %get3A_21 {offsets = [14, 0], sizes = [1, 128], strides = [1, 1]} : vector<16x128xf32> to vector<1x128xf32>
    %swap3A_138 = arith.constant 0 : index
    %swap3A_139 = arith.constant 1792 : index
    %swap3A_140 = vector.load %arg11[%swap3A_138, %swap3A_139] : memref<2x2048xf32, #tpu.memory_space<vmem>>, vector<1x128xf32>
    tpu.vector_store %arg11[%swap3A_138, %swap3A_139], %slice3A_137 {strides = array<i32>} : memref<2x2048xf32, #tpu.memory_space<vmem>>, vector<1x128xf32>,
    %slice3A_141 = vector.extract_strided_slice %get3A_26 {offsets = [14, 0], sizes = [1, 128], strides = [1, 1]} : vector<16x128xf32> to vector<1x128xf32>
    %swap3A_142 = arith.constant 1 : index
    %swap3A_143 = arith.constant 1792 : index
    %swap3A_144 = vector.load %arg11[%swap3A_142, %swap3A_143] : memref<2x2048xf32, #tpu.memory_space<vmem>>, vector<1x128xf32>
    tpu.vector_store %arg11[%swap3A_142, %swap3A_143], %slice3A_141 {strides = array<i32>} : memref<2x2048xf32, #tpu.memory_space<vmem>>, vector<1x128xf32>,
    %slice3A_145 = vector.extract_strided_slice %get3A_21 {offsets = [15, 0], sizes = [1, 128], strides = [1, 1]} : vector<16x128xf32> to vector<1x128xf32>
    %swap3A_146 = arith.constant 0 : index
    %swap3A_147 = arith.constant 1920 : index
    %swap3A_148 = vector.load %arg11[%swap3A_146, %swap3A_147] : memref<2x2048xf32, #tpu.memory_space<vmem>>, vector<1x128xf32>
    tpu.vector_store %arg11[%swap3A_146, %swap3A_147], %slice3A_145 {strides = array<i32>} : memref<2x2048xf32, #tpu.memory_space<vmem>>, vector<1x128xf32>,
    %slice3A_149 = vector.extract_strided_slice %get3A_26 {offsets = [15, 0], sizes = [1, 128], strides = [1, 1]} : vector<16x128xf32> to vector<1x128xf32>
    %swap3A_150 = arith.constant 1 : index
    %swap3A_151 = arith.constant 1920 : index
    %swap3A_152 = vector.load %arg11[%swap3A_150, %swap3A_151] : memref<2x2048xf32, #tpu.memory_space<vmem>>, vector<1x128xf32>
    tpu.vector_store %arg11[%swap3A_150, %swap3A_151], %slice3A_149 {strides = array<i32>} : memref<2x2048xf32, #tpu.memory_space<vmem>>, vector<1x128xf32>,
    %get3A_153 = arith.constant 0 : index
    %get3A_154 = arith.constant 0 : index
    %get3A_155 = vector.load %arg11[%get3A_153, %get3A_154] : memref<2x2048xf32, #tpu.memory_space<vmem>>, vector<2x2048xf32>
    %dot_general3A = arith.constant dense<0.000000e+00> : vector<128x2048xf32>
    %dot_general3A_156 = tpu.matmul %get3A_1, %get3A_155, %dot_general3A {dimension_numbers = #tpu.dot_dimension_numbers<[1], [0], [0], [1], [0, 0, 1, 1], [], []>, transpose_lhs_hint = false} : vector<128x2xf32>, vector<2x2048xf32>, vector<128x2048xf32> -> vector<128x2048xf32>
    %add3A = vector.broadcast %get3A_4 : vector<128x1xf32> to vector<128x2048xf32>
    %add3A_157 = arith.addf %dot_general3A_156, %add3A : vector<128x2048xf32>
    %max3A = arith.constant 0.000000e+00 : f32
    %max3A_158 = vector.broadcast %max3A : f32 to vector<128x2048xf32>
    %max3A_159 = arith.maximumf %add3A_157, %max3A_158 : vector<128x2048xf32>
    %dot_general3A_160 = arith.constant dense<0.000000e+00> : vector<64x2048xf32>
    %dot_general3A_161 = tpu.matmul %get3A_7, %max3A_159, %dot_general3A_160 {dimension_numbers = #tpu.dot_dimension_numbers<[1], [0], [0], [1], [0, 0, 1, 1], [], []>, transpose_lhs_hint = false} : vector<64x128xf32>, vector<128x2048xf32>, vector<64x2048xf32> -> vector<64x2048xf32>
    %add3A_162 = vector.broadcast %get3A_10 : vector<64x1xf32> to vector<64x2048xf32>
    %add3A_163 = arith.addf %dot_general3A_161, %add3A_162 : vector<64x2048xf32>
    %max3A_164 = arith.constant 0.000000e+00 : f32
    %max3A_165 = vector.broadcast %max3A_164 : f32 to vector<64x2048xf32>
    %max3A_166 = arith.maximumf %add3A_163, %max3A_165 : vector<64x2048xf32>
    %dot_general3A_167 = arith.constant dense<0.000000e+00> : vector<18x2048xf32>
    %dot_general3A_168 = tpu.matmul %get3A_13, %max3A_166, %dot_general3A_167 {dimension_numbers = #tpu.dot_dimension_numbers<[0], [0], [1], [1], [0, 1, 1, 1], [], []>, transpose_lhs_hint = false} : vector<64x18xf32>, vector<64x2048xf32>, vector<18x2048xf32> -> vector<18x2048xf32>
    %add3A_169 = vector.broadcast %get3A_16 : vector<18x1xf32> to vector<18x2048xf32>
    %add3A_170 = arith.addf %dot_general3A_168, %add3A_169 : vector<18x2048xf32>
    %swap3A_171 = arith.constant 0 : index
    %swap3A_172 = arith.constant 0 : index
    %swap3A_173 = arith.constant 0 : index
    %swap3A_174 = vector.load %arg10[%swap3A_171, %swap3A_172, %swap3A_173] : memref<18x8x2048xf32, #tpu.memory_space<vmem>>, vector<18x1x2048xf32>
    %swap3A_175 = vector.shape_cast %swap3A_174 : vector<18x1x2048xf32> to vector<18x2048xf32>
    %swap3A_176 = vector.shape_cast %add3A_170 : vector<18x2048xf32> to vector<18x1x2048xf32>
    tpu.vector_store %arg10[%swap3A_171, %swap3A_172, %swap3A_173], %swap3A_176 {strides = array<i32>} : memref<18x8x2048xf32, #tpu.memory_space<vmem>>, vector<18x1x2048xf32>,
    %get3A_177 = arith.constant 1 : index
    %get3A_178 = arith.constant 0 : index
    %get3A_179 = arith.constant 0 : index
    %get3A_180 = vector.load %arg2[%get3A_177, %get3A_178, %get3A_179] : memref<8x16x128xf32, #tpu.memory_space<vmem>>, vector<1x16x128xf32>
    %get3A_181 = vector.shape_cast %get3A_180 : vector<1x16x128xf32> to vector<16x128xf32>
    %get3A_182 = arith.constant 1 : index
    %get3A_183 = arith.constant 0 : index
    %get3A_184 = arith.constant 0 : index
    %get3A_185 = vector.load %arg3[%get3A_182, %get3A_183, %get3A_184] : memref<8x16x128xf32, #tpu.memory_space<vmem>>, vector<1x16x128xf32>
    %get3A_186 = vector.shape_cast %get3A_185 : vector<1x16x128xf32> to vector<16x128xf32>
    %slice3A_187 = vector.extract_strided_slice %get3A_181 {offsets = [0, 0], sizes = [1, 128], strides = [1, 1]} : vector<16x128xf32> to vector<1x128xf32>
    %swap3A_188 = arith.constant 0 : index
    %swap3A_189 = arith.constant 0 : index
    %swap3A_190 = vector.load %arg11[%swap3A_188, %swap3A_189] : memref<2x2048xf32, #tpu.memory_space<vmem>>, vector<1x128xf32>
    tpu.vector_store %arg11[%swap3A_188, %swap3A_189], %slice3A_187 {strides = array<i32>} : memref<2x2048xf32, #tpu.memory_space<vmem>>, vector<1x128xf32>,
    %slice3A_191 = vector.extract_strided_slice %get3A_186 {offsets = [0, 0], sizes = [1, 128], strides = [1, 1]} : vector<16x128xf32> to vector<1x128xf32>
    %swap3A_192 = arith.constant 1 : index
    %swap3A_193 = arith.constant 0 : index
    %swap3A_194 = vector.load %arg11[%swap3A_192, %swap3A_193] : memref<2x2048xf32, #tpu.memory_space<vmem>>, vector<1x128xf32>
    tpu.vector_store %arg11[%swap3A_192, %swap3A_193], %slice3A_191 {strides = array<i32>} : memref<2x2048xf32, #tpu.memory_space<vmem>>, vector<1x128xf32>,
    %slice3A_195 = vector.extract_strided_slice %get3A_181 {offsets = [1, 0], sizes = [1, 128], strides = [1, 1]} : vector<16x128xf32> to vector<1x128xf32>
    %swap3A_196 = arith.constant 0 : index
    %swap3A_197 = arith.constant 128 : index
    %swap3A_198 = vector.load %arg11[%swap3A_196, %swap3A_197] : memref<2x2048xf32, #tpu.memory_space<vmem>>, vector<1x128xf32>
    tpu.vector_store %arg11[%swap3A_196, %swap3A_197], %slice3A_195 {strides = array<i32>} : memref<2x2048xf32, #tpu.memory_space<vmem>>, vector<1x128xf32>,
    %slice3A_199 = vector.extract_strided_slice %get3A_186 {offsets = [1, 0], sizes = [1, 128], strides = [1, 1]} : vector<16x128xf32> to vector<1x128xf32>
    %swap3A_200 = arith.constant 1 : index
    %swap3A_201 = arith.constant 128 : index
    %swap3A_202 = vector.load %arg11[%swap3A_200, %swap3A_201] : memref<2x2048xf32, #tpu.memory_space<vmem>>, vector<1x128xf32>
    tpu.vector_store %arg11[%swap3A_200, %swap3A_201], %slice3A_199 {strides = array<i32>} : memref<2x2048xf32, #tpu.memory_space<vmem>>, vector<1x128xf32>,
    %slice3A_203 = vector.extract_strided_slice %get3A_181 {offsets = [2, 0], sizes = [1, 128], strides = [1, 1]} : vector<16x128xf32> to vector<1x128xf32>
    %swap3A_204 = arith.constant 0 : index
    %swap3A_205 = arith.constant 256 : index
    %swap3A_206 = vector.load %arg11[%swap3A_204, %swap3A_205] : memref<2x2048xf32, #tpu.memory_space<vmem>>, vector<1x128xf32>
    tpu.vector_store %arg11[%swap3A_204, %swap3A_205], %slice3A_203 {strides = array<i32>} : memref<2x2048xf32, #tpu.memory_space<vmem>>, vector<1x128xf32>,
    %slice3A_207 = vector.extract_strided_slice %get3A_186 {offsets = [2, 0], sizes = [1, 128], strides = [1, 1]} : vector<16x128xf32> to vector<1x128xf32>
    %swap3A_208 = arith.constant 1 : index
    %swap3A_209 = arith.constant 256 : index
    %swap3A_210 = vector.load %arg11[%swap3A_208, %swap3A_209] : memref<2x2048xf32, #tpu.memory_space<vmem>>, vector<1x128xf32>
    tpu.vector_store %arg11[%swap3A_208, %swap3A_209], %slice3A_207 {strides = array<i32>} : memref<2x2048xf32, #tpu.memory_space<vmem>>, vector<1x128xf32>,
    %slice3A_211 = vector.extract_strided_slice %get3A_181 {offsets = [3, 0], sizes = [1, 128], strides = [1, 1]} : vector<16x128xf32> to vector<1x128xf32>
    %swap3A_212 = arith.constant 0 : index
    %swap3A_213 = arith.constant 384 : index
    %swap3A_214 = vector.load %arg11[%swap3A_212, %swap3A_213] : memref<2x2048xf32, #tpu.memory_space<vmem>>, vector<1x128xf32>
    tpu.vector_store %arg11[%swap3A_212, %swap3A_213], %slice3A_211 {strides = array<i32>} : memref<2x2048xf32, #tpu.memory_space<vmem>>, vector<1x128xf32>,
    %slice3A_215 = vector.extract_strided_slice %get3A_186 {offsets = [3, 0], sizes = [1, 128], strides = [1, 1]} : vector<16x128xf32> to vector<1x128xf32>
    %swap3A_216 = arith.constant 1 : index
    %swap3A_217 = arith.constant 384 : index
    %swap3A_218 = vector.load %arg11[%swap3A_216, %swap3A_217] : memref<2x2048xf32, #tpu.memory_space<vmem>>, vector<1x128xf32>
    tpu.vector_store %arg11[%swap3A_216, %swap3A_217], %slice3A_215 {strides = array<i32>} : memref<2x2048xf32, #tpu.memory_space<vmem>>, vector<1x128xf32>,
    %slice3A_219 = vector.extract_strided_slice %get3A_181 {offsets = [4, 0], sizes = [1, 128], strides = [1, 1]} : vector<16x128xf32> to vector<1x128xf32>
    %swap3A_220 = arith.constant 0 : index
    %swap3A_221 = arith.constant 512 : index
    %swap3A_222 = vector.load %arg11[%swap3A_220, %swap3A_221] : memref<2x2048xf32, #tpu.memory_space<vmem>>, vector<1x128xf32>
    tpu.vector_store %arg11[%swap3A_220, %swap3A_221], %slice3A_219 {strides = array<i32>} : memref<2x2048xf32, #tpu.memory_space<vmem>>, vector<1x128xf32>,
    %slice3A_223 = vector.extract_strided_slice %get3A_186 {offsets = [4, 0], sizes = [1, 128], strides = [1, 1]} : vector<16x128xf32> to vector<1x128xf32>
    %swap3A_224 = arith.constant 1 : index
    %swap3A_225 = arith.constant 512 : index
    %swap3A_226 = vector.load %arg11[%swap3A_224, %swap3A_225] : memref<2x2048xf32, #tpu.memory_space<vmem>>, vector<1x128xf32>
    tpu.vector_store %arg11[%swap3A_224, %swap3A_225], %slice3A_223 {strides = array<i32>} : memref<2x2048xf32, #tpu.memory_space<vmem>>, vector<1x128xf32>,
    %slice3A_227 = vector.extract_strided_slice %get3A_181 {offsets = [5, 0], sizes = [1, 128], strides = [1, 1]} : vector<16x128xf32> to vector<1x128xf32>
    %swap3A_228 = arith.constant 0 : index
    %swap3A_229 = arith.constant 640 : index
    %swap3A_230 = vector.load %arg11[%swap3A_228, %swap3A_229] : memref<2x2048xf32, #tpu.memory_space<vmem>>, vector<1x128xf32>
    tpu.vector_store %arg11[%swap3A_228, %swap3A_229], %slice3A_227 {strides = array<i32>} : memref<2x2048xf32, #tpu.memory_space<vmem>>, vector<1x128xf32>,
    %slice3A_231 = vector.extract_strided_slice %get3A_186 {offsets = [5, 0], sizes = [1, 128], strides = [1, 1]} : vector<16x128xf32> to vector<1x128xf32>
    %swap3A_232 = arith.constant 1 : index
    %swap3A_233 = arith.constant 640 : index
    %swap3A_234 = vector.load %arg11[%swap3A_232, %swap3A_233] : memref<2x2048xf32, #tpu.memory_space<vmem>>, vector<1x128xf32>
    tpu.vector_store %arg11[%swap3A_232, %swap3A_233], %slice3A_231 {strides = array<i32>} : memref<2x2048xf32, #tpu.memory_space<vmem>>, vector<1x128xf32>,
    %slice3A_235 = vector.extract_strided_slice %get3A_181 {offsets = [6, 0], sizes = [1, 128], strides = [1, 1]} : vector<16x128xf32> to vector<1x128xf32>
    %swap3A_236 = arith.constant 0 : index
    %swap3A_237 = arith.constant 768 : index
    %swap3A_238 = vector.load %arg11[%swap3A_236, %swap3A_237] : memref<2x2048xf32, #tpu.memory_space<vmem>>, vector<1x128xf32>
    tpu.vector_store %arg11[%swap3A_236, %swap3A_237], %slice3A_235 {strides = array<i32>} : memref<2x2048xf32, #tpu.memory_space<vmem>>, vector<1x128xf32>,
    %slice3A_239 = vector.extract_strided_slice %get3A_186 {offsets = [6, 0], sizes = [1, 128], strides = [1, 1]} : vector<16x128xf32> to vector<1x128xf32>
    %swap3A_240 = arith.constant 1 : index
    %swap3A_241 = arith.constant 768 : index
    %swap3A_242 = vector.load %arg11[%swap3A_240, %swap3A_241] : memref<2x2048xf32, #tpu.memory_space<vmem>>, vector<1x128xf32>
    tpu.vector_store %arg11[%swap3A_240, %swap3A_241], %slice3A_239 {strides = array<i32>} : memref<2x2048xf32, #tpu.memory_space<vmem>>, vector<1x128xf32>,
    %slice3A_243 = vector.extract_strided_slice %get3A_181 {offsets = [7, 0], sizes = [1, 128], strides = [1, 1]} : vector<16x128xf32> to vector<1x128xf32>
    %swap3A_244 = arith.constant 0 : index
    %swap3A_245 = arith.constant 896 : index
    %swap3A_246 = vector.load %arg11[%swap3A_244, %swap3A_245] : memref<2x2048xf32, #tpu.memory_space<vmem>>, vector<1x128xf32>
    tpu.vector_store %arg11[%swap3A_244, %swap3A_245], %slice3A_243 {strides = array<i32>} : memref<2x2048xf32, #tpu.memory_space<vmem>>, vector<1x128xf32>,
    %slice3A_247 = vector.extract_strided_slice %get3A_186 {offsets = [7, 0], sizes = [1, 128], strides = [1, 1]} : vector<16x128xf32> to vector<1x128xf32>
    %swap3A_248 = arith.constant 1 : index
    %swap3A_249 = arith.constant 896 : index
    %swap3A_250 = vector.load %arg11[%swap3A_248, %swap3A_249] : memref<2x2048xf32, #tpu.memory_space<vmem>>, vector<1x128xf32>
    tpu.vector_store %arg11[%swap3A_248, %swap3A_249], %slice3A_247 {strides = array<i32>} : memref<2x2048xf32, #tpu.memory_space<vmem>>, vector<1x128xf32>,
    %slice3A_251 = vector.extract_strided_slice %get3A_181 {offsets = [8, 0], sizes = [1, 128], strides = [1, 1]} : vector<16x128xf32> to vector<1x128xf32>
    %swap3A_252 = arith.constant 0 : index
    %swap3A_253 = arith.constant 1024 : index
    %swap3A_254 = vector.load %arg11[%swap3A_252, %swap3A_253] : memref<2x2048xf32, #tpu.memory_space<vmem>>, vector<1x128xf32>
    tpu.vector_store %arg11[%swap3A_252, %swap3A_253], %slice3A_251 {strides = array<i32>} : memref<2x2048xf32, #tpu.memory_space<vmem>>, vector<1x128xf32>,
    %slice3A_255 = vector.extract_strided_slice %get3A_186 {offsets = [8, 0], sizes = [1, 128], strides = [1, 1]} : vector<16x128xf32> to vector<1x128xf32>
    %swap3A_256 = arith.constant 1 : index
    %swap3A_257 = arith.constant 1024 : index
    %swap3A_258 = vector.load %arg11[%swap3A_256, %swap3A_257] : memref<2x2048xf32, #tpu.memory_space<vmem>>, vector<1x128xf32>
    tpu.vector_store %arg11[%swap3A_256, %swap3A_257], %slice3A_255 {strides = array<i32>} : memref<2x2048xf32, #tpu.memory_space<vmem>>, vector<1x128xf32>,
    %slice3A_259 = vector.extract_strided_slice %get3A_181 {offsets = [9, 0], sizes = [1, 128], strides = [1, 1]} : vector<16x128xf32> to vector<1x128xf32>
    %swap3A_260 = arith.constant 0 : index
    %swap3A_261 = arith.constant 1152 : index
    %swap3A_262 = vector.load %arg11[%swap3A_260, %swap3A_261] : memref<2x2048xf32, #tpu.memory_space<vmem>>, vector<1x128xf32>
    tpu.vector_store %arg11[%swap3A_260, %swap3A_261], %slice3A_259 {strides = array<i32>} : memref<2x2048xf32, #tpu.memory_space<vmem>>, vector<1x128xf32>,
    %slice3A_263 = vector.extract_strided_slice %get3A_186 {offsets = [9, 0], sizes = [1, 128], strides = [1, 1]} : vector<16x128xf32> to vector<1x128xf32>
    %swap3A_264 = arith.constant 1 : index
    %swap3A_265 = arith.constant 1152 : index
    %swap3A_266 = vector.load %arg11[%swap3A_264, %swap3A_265] : memref<2x2048xf32, #tpu.memory_space<vmem>>, vector<1x128xf32>
    tpu.vector_store %arg11[%swap3A_264, %swap3A_265], %slice3A_263 {strides = array<i32>} : memref<2x2048xf32, #tpu.memory_space<vmem>>, vector<1x128xf32>,
    %slice3A_267 = vector.extract_strided_slice %get3A_181 {offsets = [10, 0], sizes = [1, 128], strides = [1, 1]} : vector<16x128xf32> to vector<1x128xf32>
    %swap3A_268 = arith.constant 0 : index
    %swap3A_269 = arith.constant 1280 : index
    %swap3A_270 = vector.load %arg11[%swap3A_268, %swap3A_269] : memref<2x2048xf32, #tpu.memory_space<vmem>>, vector<1x128xf32>
    tpu.vector_store %arg11[%swap3A_268, %swap3A_269], %slice3A_267 {strides = array<i32>} : memref<2x2048xf32, #tpu.memory_space<vmem>>, vector<1x128xf32>,
    %slice3A_271 = vector.extract_strided_slice %get3A_186 {offsets = [10, 0], sizes = [1, 128], strides = [1, 1]} : vector<16x128xf32> to vector<1x128xf32>
    %swap3A_272 = arith.constant 1 : index
    %swap3A_273 = arith.constant 1280 : index
    %swap3A_274 = vector.load %arg11[%swap3A_272, %swap3A_273] : memref<2x2048xf32, #tpu.memory_space<vmem>>, vector<1x128xf32>
    tpu.vector_store %arg11[%swap3A_272, %swap3A_273], %slice3A_271 {strides = array<i32>} : memref<2x2048xf32, #tpu.memory_space<vmem>>, vector<1x128xf32>,
    %slice3A_275 = vector.extract_strided_slice %get3A_181 {offsets = [11, 0], sizes = [1, 128], strides = [1, 1]} : vector<16x128xf32> to vector<1x128xf32>
    %swap3A_276 = arith.constant 0 : index
    %swap3A_277 = arith.constant 1408 : index
    %swap3A_278 = vector.load %arg11[%swap3A_276, %swap3A_277] : memref<2x2048xf32, #tpu.memory_space<vmem>>, vector<1x128xf32>
    tpu.vector_store %arg11[%swap3A_276, %swap3A_277], %slice3A_275 {strides = array<i32>} : memref<2x2048xf32, #tpu.memory_space<vmem>>, vector<1x128xf32>,
    %slice3A_279 = vector.extract_strided_slice %get3A_186 {offsets = [11, 0], sizes = [1, 128], strides = [1, 1]} : vector<16x128xf32> to vector<1x128xf32>
    %swap3A_280 = arith.constant 1 : index
    %swap3A_281 = arith.constant 1408 : index
    %swap3A_282 = vector.load %arg11[%swap3A_280, %swap3A_281] : memref<2x2048xf32, #tpu.memory_space<vmem>>, vector<1x128xf32>
    tpu.vector_store %arg11[%swap3A_280, %swap3A_281], %slice3A_279 {strides = array<i32>} : memref<2x2048xf32, #tpu.memory_space<vmem>>, vector<1x128xf32>,
    %slice3A_283 = vector.extract_strided_slice %get3A_181 {offsets = [12, 0], sizes = [1, 128], strides = [1, 1]} : vector<16x128xf32> to vector<1x128xf32>
    %swap3A_284 = arith.constant 0 : index
    %swap3A_285 = arith.constant 1536 : index
    %swap3A_286 = vector.load %arg11[%swap3A_284, %swap3A_285] : memref<2x2048xf32, #tpu.memory_space<vmem>>, vector<1x128xf32>
    tpu.vector_store %arg11[%swap3A_284, %swap3A_285], %slice3A_283 {strides = array<i32>} : memref<2x2048xf32, #tpu.memory_space<vmem>>, vector<1x128xf32>,
    %slice3A_287 = vector.extract_strided_slice %get3A_186 {offsets = [12, 0], sizes = [1, 128], strides = [1, 1]} : vector<16x128xf32> to vector<1x128xf32>
    %swap3A_288 = arith.constant 1 : index
    %swap3A_289 = arith.constant 1536 : index
    %swap3A_290 = vector.load %arg11[%swap3A_288, %swap3A_289] : memref<2x2048xf32, #tpu.memory_space<vmem>>, vector<1x128xf32>
    tpu.vector_store %arg11[%swap3A_288, %swap3A_289], %slice3A_287 {strides = array<i32>} : memref<2x2048xf32, #tpu.memory_space<vmem>>, vector<1x128xf32>,
    %slice3A_291 = vector.extract_strided_slice %get3A_181 {offsets = [13, 0], sizes = [1, 128], strides = [1, 1]} : vector<16x128xf32> to vector<1x128xf32>
    %swap3A_292 = arith.constant 0 : index
    %swap3A_293 = arith.constant 1664 : index
    %swap3A_294 = vector.load %arg11[%swap3A_292, %swap3A_293] : memref<2x2048xf32, #tpu.memory_space<vmem>>, vector<1x128xf32>
    tpu.vector_store %arg11[%swap3A_292, %swap3A_293], %slice3A_291 {strides = array<i32>} : memref<2x2048xf32, #tpu.memory_space<vmem>>, vector<1x128xf32>,
    %slice3A_295 = vector.extract_strided_slice %get3A_186 {offsets = [13, 0], sizes = [1, 128], strides = [1, 1]} : vector<16x128xf32> to vector<1x128xf32>
    %swap3A_296 = arith.constant 1 : index
    %swap3A_297 = arith.constant 1664 : index
    %swap3A_298 = vector.load %arg11[%swap3A_296, %swap3A_297] : memref<2x2048xf32, #tpu.memory_space<vmem>>, vector<1x128xf32>
    tpu.vector_store %arg11[%swap3A_296, %swap3A_297], %slice3A_295 {strides = array<i32>} : memref<2x2048xf32, #tpu.memory_space<vmem>>, vector<1x128xf32>,
    %slice3A_299 = vector.extract_strided_slice %get3A_181 {offsets = [14, 0], sizes = [1, 128], strides = [1, 1]} : vector<16x128xf32> to vector<1x128xf32>
    %swap3A_300 = arith.constant 0 : index
    %swap3A_301 = arith.constant 1792 : index
    %swap3A_302 = vector.load %arg11[%swap3A_300, %swap3A_301] : memref<2x2048xf32, #tpu.memory_space<vmem>>, vector<1x128xf32>
    tpu.vector_store %arg11[%swap3A_300, %swap3A_301], %slice3A_299 {strides = array<i32>} : memref<2x2048xf32, #tpu.memory_space<vmem>>, vector<1x128xf32>,
    %slice3A_303 = vector.extract_strided_slice %get3A_186 {offsets = [14, 0], sizes = [1, 128], strides = [1, 1]} : vector<16x128xf32> to vector<1x128xf32>
    %swap3A_304 = arith.constant 1 : index
    %swap3A_305 = arith.constant 1792 : index
    %swap3A_306 = vector.load %arg11[%swap3A_304, %swap3A_305] : memref<2x2048xf32, #tpu.memory_space<vmem>>, vector<1x128xf32>
    tpu.vector_store %arg11[%swap3A_304, %swap3A_305], %slice3A_303 {strides = array<i32>} : memref<2x2048xf32, #tpu.memory_space<vmem>>, vector<1x128xf32>,
    %slice3A_307 = vector.extract_strided_slice %get3A_181 {offsets = [15, 0], sizes = [1, 128], strides = [1, 1]} : vector<16x128xf32> to vector<1x128xf32>
    %swap3A_308 = arith.constant 0 : index
    %swap3A_309 = arith.constant 1920 : index
    %swap3A_310 = vector.load %arg11[%swap3A_308, %swap3A_309] : memref<2x2048xf32, #tpu.memory_space<vmem>>, vector<1x128xf32>
    tpu.vector_store %arg11[%swap3A_308, %swap3A_309], %slice3A_307 {strides = array<i32>} : memref<2x2048xf32, #tpu.memory_space<vmem>>, vector<1x128xf32>,
    %slice3A_311 = vector.extract_strided_slice %get3A_186 {offsets = [15, 0], sizes = [1, 128], strides = [1, 1]} : vector<16x128xf32> to vector<1x128xf32>
    %swap3A_312 = arith.constant 1 : index
    %swap3A_313 = arith.constant 1920 : index
    %swap3A_314 = vector.load %arg11[%swap3A_312, %swap3A_313] : memref<2x2048xf32, #tpu.memory_space<vmem>>, vector<1x128xf32>
    tpu.vector_store %arg11[%swap3A_312, %swap3A_313], %slice3A_311 {strides = array<i32>} : memref<2x2048xf32, #tpu.memory_space<vmem>>, vector<1x128xf32>,
    %get3A_315 = arith.constant 0 : index
    %get3A_316 = arith.constant 0 : index
    %get3A_317 = vector.load %arg11[%get3A_315, %get3A_316] : memref<2x2048xf32, #tpu.memory_space<vmem>>, vector<2x2048xf32>
    %dot_general3A_318 = arith.constant dense<0.000000e+00> : vector<128x2048xf32>
    %dot_general3A_319 = tpu.matmul %get3A_1, %get3A_317, %dot_general3A_318 {dimension_numbers = #tpu.dot_dimension_numbers<[1], [0], [0], [1], [0, 0, 1, 1], [], []>, transpose_lhs_hint = false} : vector<128x2xf32>, vector<2x2048xf32>, vector<128x2048xf32> -> vector<128x2048xf32>
    %add3A_320 = vector.broadcast %get3A_4 : vector<128x1xf32> to vector<128x2048xf32>
    %add3A_321 = arith.addf %dot_general3A_319, %add3A_320 : vector<128x2048xf32>
    %max3A_322 = arith.constant 0.000000e+00 : f32
    %max3A_323 = vector.broadcast %max3A_322 : f32 to vector<128x2048xf32>
    %max3A_324 = arith.maximumf %add3A_321, %max3A_323 : vector<128x2048xf32>
    %dot_general3A_325 = arith.constant dense<0.000000e+00> : vector<64x2048xf32>
    %dot_general3A_326 = tpu.matmul %get3A_7, %max3A_324, %dot_general3A_325 {dimension_numbers = #tpu.dot_dimension_numbers<[1], [0], [0], [1], [0, 0, 1, 1], [], []>, transpose_lhs_hint = false} : vector<64x128xf32>, vector<128x2048xf32>, vector<64x2048xf32> -> vector<64x2048xf32>
    %add3A_327 = vector.broadcast %get3A_10 : vector<64x1xf32> to vector<64x2048xf32>
    %add3A_328 = arith.addf %dot_general3A_326, %add3A_327 : vector<64x2048xf32>
    %max3A_329 = arith.constant 0.000000e+00 : f32
    %max3A_330 = vector.broadcast %max3A_329 : f32 to vector<64x2048xf32>
    %max3A_331 = arith.maximumf %add3A_328, %max3A_330 : vector<64x2048xf32>
    %dot_general3A_332 = arith.constant dense<0.000000e+00> : vector<18x2048xf32>
    %dot_general3A_333 = tpu.matmul %get3A_13, %max3A_331, %dot_general3A_332 {dimension_numbers = #tpu.dot_dimension_numbers<[0], [0], [1], [1], [0, 1, 1, 1], [], []>, transpose_lhs_hint = false} : vector<64x18xf32>, vector<64x2048xf32>, vector<18x2048xf32> -> vector<18x2048xf32>
    %add3A_334 = vector.broadcast %get3A_16 : vector<18x1xf32> to vector<18x2048xf32>
    %add3A_335 = arith.addf %dot_general3A_333, %add3A_334 : vector<18x2048xf32>
    %swap3A_336 = arith.constant 0 : index
    %swap3A_337 = arith.constant 1 : index
    %swap3A_338 = arith.constant 0 : index
    %swap3A_339 = vector.load %arg10[%swap3A_336, %swap3A_337, %swap3A_338] : memref<18x8x2048xf32, #tpu.memory_space<vmem>>, vector<18x1x2048xf32>
    %swap3A_340 = vector.shape_cast %swap3A_339 : vector<18x1x2048xf32> to vector<18x2048xf32>
    %swap3A_341 = vector.shape_cast %add3A_335 : vector<18x2048xf32> to vector<18x1x2048xf32>
    tpu.vector_store %arg10[%swap3A_336, %swap3A_337, %swap3A_338], %swap3A_341 {strides = array<i32>} : memref<18x8x2048xf32, #tpu.memory_space<vmem>>, vector<18x1x2048xf32>,
    %get3A_342 = arith.constant 2 : index
    %get3A_343 = arith.constant 0 : index
    %get3A_344 = arith.constant 0 : index
    %get3A_345 = vector.load %arg2[%get3A_342, %get3A_343, %get3A_344] : memref<8x16x128xf32, #tpu.memory_space<vmem>>, vector<1x16x128xf32>
    %get3A_346 = vector.shape_cast %get3A_345 : vector<1x16x128xf32> to vector<16x128xf32>
    %get3A_347 = arith.constant 2 : index
    %get3A_348 = arith.constant 0 : index
    %get3A_349 = arith.constant 0 : index
    %get3A_350 = vector.load %arg3[%get3A_347, %get3A_348, %get3A_349] : memref<8x16x128xf32, #tpu.memory_space<vmem>>, vector<1x16x128xf32>
    %get3A_351 = vector.shape_cast %get3A_350 : vector<1x16x128xf32> to vector<16x128xf32>
    %slice3A_352 = vector.extract_strided_slice %get3A_346 {offsets = [0, 0], sizes = [1, 128], strides = [1, 1]} : vector<16x128xf32> to vector<1x128xf32>
    %swap3A_353 = arith.constant 0 : index
    %swap3A_354 = arith.constant 0 : index
    %swap3A_355 = vector.load %arg11[%swap3A_353, %swap3A_354] : memref<2x2048xf32, #tpu.memory_space<vmem>>, vector<1x128xf32>
    tpu.vector_store %arg11[%swap3A_353, %swap3A_354], %slice3A_352 {strides = array<i32>} : memref<2x2048xf32, #tpu.memory_space<vmem>>, vector<1x128xf32>,
    %slice3A_356 = vector.extract_strided_slice %get3A_351 {offsets = [0, 0], sizes = [1, 128], strides = [1, 1]} : vector<16x128xf32> to vector<1x128xf32>
    %swap3A_357 = arith.constant 1 : index
    %swap3A_358 = arith.constant 0 : index
    %swap3A_359 = vector.load %arg11[%swap3A_357, %swap3A_358] : memref<2x2048xf32, #tpu.memory_space<vmem>>, vector<1x128xf32>
    tpu.vector_store %arg11[%swap3A_357, %swap3A_358], %slice3A_356 {strides = array<i32>} : memref<2x2048xf32, #tpu.memory_space<vmem>>, vector<1x128xf32>,
    %slice3A_360 = vector.extract_strided_slice %get3A_346 {offsets = [1, 0], sizes = [1, 128], strides = [1, 1]} : vector<16x128xf32> to vector<1x128xf32>
    %swap3A_361 = arith.constant 0 : index
    %swap3A_362 = arith.constant 128 : index
    %swap3A_363 = vector.load %arg11[%swap3A_361, %swap3A_362] : memref<2x2048xf32, #tpu.memory_space<vmem>>, vector<1x128xf32>
    tpu.vector_store %arg11[%swap3A_361, %swap3A_362], %slice3A_360 {strides = array<i32>} : memref<2x2048xf32, #tpu.memory_space<vmem>>, vector<1x128xf32>,
    %slice3A_364 = vector.extract_strided_slice %get3A_351 {offsets = [1, 0], sizes = [1, 128], strides = [1, 1]} : vector<16x128xf32> to vector<1x128xf32>
    %swap3A_365 = arith.constant 1 : index
    %swap3A_366 = arith.constant 128 : index
    %swap3A_367 = vector.load %arg11[%swap3A_365, %swap3A_366] : memref<2x2048xf32, #tpu.memory_space<vmem>>, vector<1x128xf32>
    tpu.vector_store %arg11[%swap3A_365, %swap3A_366], %slice3A_364 {strides = array<i32>} : memref<2x2048xf32, #tpu.memory_space<vmem>>, vector<1x128xf32>,
    %slice3A_368 = vector.extract_strided_slice %get3A_346 {offsets = [2, 0], sizes = [1, 128], strides = [1, 1]} : vector<16x128xf32> to vector<1x128xf32>
    %swap3A_369 = arith.constant 0 : index
    %swap3A_370 = arith.constant 256 : index
    %swap3A_371 = vector.load %arg11[%swap3A_369, %swap3A_370] : memref<2x2048xf32, #tpu.memory_space<vmem>>, vector<1x128xf32>
    tpu.vector_store %arg11[%swap3A_369, %swap3A_370], %slice3A_368 {strides = array<i32>} : memref<2x2048xf32, #tpu.memory_space<vmem>>, vector<1x128xf32>,
    %slice3A_372 = vector.extract_strided_slice %get3A_351 {offsets = [2, 0], sizes = [1, 128], strides = [1, 1]} : vector<16x128xf32> to vector<1x128xf32>
    %swap3A_373 = arith.constant 1 : index
    %swap3A_374 = arith.constant 256 : index
    %swap3A_375 = vector.load %arg11[%swap3A_373, %swap3A_374] : memref<2x2048xf32, #tpu.memory_space<vmem>>, vector<1x128xf32>
    tpu.vector_store %arg11[%swap3A_373, %swap3A_374], %slice3A_372 {strides = array<i32>} : memref<2x2048xf32, #tpu.memory_space<vmem>>, vector<1x128xf32>,
    %slice3A_376 = vector.extract_strided_slice %get3A_346 {offsets = [3, 0], sizes = [1, 128], strides = [1, 1]} : vector<16x128xf32> to vector<1x128xf32>
    %swap3A_377 = arith.constant 0 : index
    %swap3A_378 = arith.constant 384 : index
    %swap3A_379 = vector.load %arg11[%swap3A_377, %swap3A_378] : memref<2x2048xf32, #tpu.memory_space<vmem>>, vector<1x128xf32>
    tpu.vector_store %arg11[%swap3A_377, %swap3A_378], %slice3A_376 {strides = array<i32>} : memref<2x2048xf32, #tpu.memory_space<vmem>>, vector<1x128xf32>,
    %slice3A_380 = vector.extract_strided_slice %get3A_351 {offsets = [3, 0], sizes = [1, 128], strides = [1, 1]} : vector<16x128xf32> to vector<1x128xf32>
    %swap3A_381 = arith.constant 1 : index
    %swap3A_382 = arith.constant 384 : index
    %swap3A_383 = vector.load %arg11[%swap3A_381, %swap3A_382] : memref<2x2048xf32, #tpu.memory_space<vmem>>, vector<1x128xf32>
    tpu.vector_store %arg11[%swap3A_381, %swap3A_382], %slice3A_380 {strides = array<i32>} : memref<2x2048xf32, #tpu.memory_space<vmem>>, vector<1x128xf32>,
    %slice3A_384 = vector.extract_strided_slice %get3A_346 {offsets = [4, 0], sizes = [1, 128], strides = [1, 1]} : vector<16x128xf32> to vector<1x128xf32>
    %swap3A_385 = arith.constant 0 : index
    %swap3A_386 = arith.constant 512 : index
    %swap3A_387 = vector.load %arg11[%swap3A_385, %swap3A_386] : memref<2x2048xf32, #tpu.memory_space<vmem>>, vector<1x128xf32>
    tpu.vector_store %arg11[%swap3A_385, %swap3A_386], %slice3A_384 {strides = array<i32>} : memref<2x2048xf32, #tpu.memory_space<vmem>>, vector<1x128xf32>,
    %slice3A_388 = vector.extract_strided_slice %get3A_351 {offsets = [4, 0], sizes = [1, 128], strides = [1, 1]} : vector<16x128xf32> to vector<1x128xf32>
    %swap3A_389 = arith.constant 1 : index
    %swap3A_390 = arith.constant 512 : index
    %swap3A_391 = vector.load %arg11[%swap3A_389, %swap3A_390] : memref<2x2048xf32, #tpu.memory_space<vmem>>, vector<1x128xf32>
    tpu.vector_store %arg11[%swap3A_389, %swap3A_390], %slice3A_388 {strides = array<i32>} : memref<2x2048xf32, #tpu.memory_space<vmem>>, vector<1x128xf32>,
    %slice3A_392 = vector.extract_strided_slice %get3A_346 {offsets = [5, 0], sizes = [1, 128], strides = [1, 1]} : vector<16x128xf32> to vector<1x128xf32>
    %swap3A_393 = arith.constant 0 : index
    %swap3A_394 = arith.constant 640 : index
    %swap3A_395 = vector.load %arg11[%swap3A_393, %swap3A_394] : memref<2x2048xf32, #tpu.memory_space<vmem>>, vector<1x128xf32>
    tpu.vector_store %arg11[%swap3A_393, %swap3A_394], %slice3A_392 {strides = array<i32>} : memref<2x2048xf32, #tpu.memory_space<vmem>>, vector<1x128xf32>,
    %slice3A_396 = vector.extract_strided_slice %get3A_351 {offsets = [5, 0], sizes = [1, 128], strides = [1, 1]} : vector<16x128xf32> to vector<1x128xf32>
    %swap3A_397 = arith.constant 1 : index
    %swap3A_398 = arith.constant 640 : index
    %swap3A_399 = vector.load %arg11[%swap3A_397, %swap3A_398] : memref<2x2048xf32, #tpu.memory_space<vmem>>, vector<1x128xf32>
    tpu.vector_store %arg11[%swap3A_397, %swap3A_398], %slice3A_396 {strides = array<i32>} : memref<2x2048xf32, #tpu.memory_space<vmem>>, vector<1x128xf32>,
    %slice3A_400 = vector.extract_strided_slice %get3A_346 {offsets = [6, 0], sizes = [1, 128], strides = [1, 1]} : vector<16x128xf32> to vector<1x128xf32>
    %swap3A_401 = arith.constant 0 : index
    %swap3A_402 = arith.constant 768 : index
    %swap3A_403 = vector.load %arg11[%swap3A_401, %swap3A_402] : memref<2x2048xf32, #tpu.memory_space<vmem>>, vector<1x128xf32>
    tpu.vector_store %arg11[%swap3A_401, %swap3A_402], %slice3A_400 {strides = array<i32>} : memref<2x2048xf32, #tpu.memory_space<vmem>>, vector<1x128xf32>,
    %slice3A_404 = vector.extract_strided_slice %get3A_351 {offsets = [6, 0], sizes = [1, 128], strides = [1, 1]} : vector<16x128xf32> to vector<1x128xf32>
    %swap3A_405 = arith.constant 1 : index
    %swap3A_406 = arith.constant 768 : index
    %swap3A_407 = vector.load %arg11[%swap3A_405, %swap3A_406] : memref<2x2048xf32, #tpu.memory_space<vmem>>, vector<1x128xf32>
    tpu.vector_store %arg11[%swap3A_405, %swap3A_406], %slice3A_404 {strides = array<i32>} : memref<2x2048xf32, #tpu.memory_space<vmem>>, vector<1x128xf32>,
    %slice3A_408 = vector.extract_strided_slice %get3A_346 {offsets = [7, 0], sizes = [1, 128], strides = [1, 1]} : vector<16x128xf32> to vector<1x128xf32>
    %swap3A_409 = arith.constant 0 : index
    %swap3A_410 = arith.constant 896 : index
    %swap3A_411 = vector.load %arg11[%swap3A_409, %swap3A_410] : memref<2x2048xf32, #tpu.memory_space<vmem>>, vector<1x128xf32>
    tpu.vector_store %arg11[%swap3A_409, %swap3A_410], %slice3A_408 {strides = array<i32>} : memref<2x2048xf32, #tpu.memory_space<vmem>>, vector<1x128xf32>,
    %slice3A_412 = vector.extract_strided_slice %get3A_351 {offsets = [7, 0], sizes = [1, 128], strides = [1, 1]} : vector<16x128xf32> to vector<1x128xf32>
    %swap3A_413 = arith.constant 1 : index
    %swap3A_414 = arith.constant 896 : index
    %swap3A_415 = vector.load %arg11[%swap3A_413, %swap3A_414] : memref<2x2048xf32, #tpu.memory_space<vmem>>, vector<1x128xf32>
    tpu.vector_store %arg11[%swap3A_413, %swap3A_414], %slice3A_412 {strides = array<i32>} : memref<2x2048xf32, #tpu.memory_space<vmem>>, vector<1x128xf32>,
    %slice3A_416 = vector.extract_strided_slice %get3A_346 {offsets = [8, 0], sizes = [1, 128], strides = [1, 1]} : vector<16x128xf32> to vector<1x128xf32>
    %swap3A_417 = arith.constant 0 : index
    %swap3A_418 = arith.constant 1024 : index
    %swap3A_419 = vector.load %arg11[%swap3A_417, %swap3A_418] : memref<2x2048xf32, #tpu.memory_space<vmem>>, vector<1x128xf32>
    tpu.vector_store %arg11[%swap3A_417, %swap3A_418], %slice3A_416 {strides = array<i32>} : memref<2x2048xf32, #tpu.memory_space<vmem>>, vector<1x128xf32>,
    %slice3A_420 = vector.extract_strided_slice %get3A_351 {offsets = [8, 0], sizes = [1, 128], strides = [1, 1]} : vector<16x128xf32> to vector<1x128xf32>
    %swap3A_421 = arith.constant 1 : index
    %swap3A_422 = arith.constant 1024 : index
    %swap3A_423 = vector.load %arg11[%swap3A_421, %swap3A_422] : memref<2x2048xf32, #tpu.memory_space<vmem>>, vector<1x128xf32>
    tpu.vector_store %arg11[%swap3A_421, %swap3A_422], %slice3A_420 {strides = array<i32>} : memref<2x2048xf32, #tpu.memory_space<vmem>>, vector<1x128xf32>,
    %slice3A_424 = vector.extract_strided_slice %get3A_346 {offsets = [9, 0], sizes = [1, 128], strides = [1, 1]} : vector<16x128xf32> to vector<1x128xf32>
    %swap3A_425 = arith.constant 0 : index
    %swap3A_426 = arith.constant 1152 : index
    %swap3A_427 = vector.load %arg11[%swap3A_425, %swap3A_426] : memref<2x2048xf32, #tpu.memory_space<vmem>>, vector<1x128xf32>
    tpu.vector_store %arg11[%swap3A_425, %swap3A_426], %slice3A_424 {strides = array<i32>} : memref<2x2048xf32, #tpu.memory_space<vmem>>, vector<1x128xf32>,
    %slice3A_428 = vector.extract_strided_slice %get3A_351 {offsets = [9, 0], sizes = [1, 128], strides = [1, 1]} : vector<16x128xf32> to vector<1x128xf32>
    %swap3A_429 = arith.constant 1 : index
    %swap3A_430 = arith.constant 1152 : index
    %swap3A_431 = vector.load %arg11[%swap3A_429, %swap3A_430] : memref<2x2048xf32, #tpu.memory_space<vmem>>, vector<1x128xf32>
    tpu.vector_store %arg11[%swap3A_429, %swap3A_430], %slice3A_428 {strides = array<i32>} : memref<2x2048xf32, #tpu.memory_space<vmem>>, vector<1x128xf32>,
    %slice3A_432 = vector.extract_strided_slice %get3A_346 {offsets = [10, 0], sizes = [1, 128], strides = [1, 1]} : vector<16x128xf32> to vector<1x128xf32>
    %swap3A_433 = arith.constant 0 : index
    %swap3A_434 = arith.constant 1280 : index
    %swap3A_435 = vector.load %arg11[%swap3A_433, %swap3A_434] : memref<2x2048xf32, #tpu.memory_space<vmem>>, vector<1x128xf32>
    tpu.vector_store %arg11[%swap3A_433, %swap3A_434], %slice3A_432 {strides = array<i32>} : memref<2x2048xf32, #tpu.memory_space<vmem>>, vector<1x128xf32>,
    %slice3A_436 = vector.extract_strided_slice %get3A_351 {offsets = [10, 0], sizes = [1, 128], strides = [1, 1]} : vector<16x128xf32> to vector<1x128xf32>
    %swap3A_437 = arith.constant 1 : index
    %swap3A_438 = arith.constant 1280 : index
    %swap3A_439 = vector.load %arg11[%swap3A_437, %swap3A_438] : memref<2x2048xf32, #tpu.memory_space<vmem>>, vector<1x128xf32>
    tpu.vector_store %arg11[%swap3A_437, %swap3A_438], %slice3A_436 {strides = array<i32>} : memref<2x2048xf32, #tpu.memory_space<vmem>>, vector<1x128xf32>,
    %slice3A_440 = vector.extract_strided_slice %get3A_346 {offsets = [11, 0], sizes = [1, 128], strides = [1, 1]} : vector<16x128xf32> to vector<1x128xf32>
    %swap3A_441 = arith.constant 0 : index
    %swap3A_442 = arith.constant 1408 : index
    %swap3A_443 = vector.load %arg11[%swap3A_441, %swap3A_442] : memref<2x2048xf32, #tpu.memory_space<vmem>>, vector<1x128xf32>
    tpu.vector_store %arg11[%swap3A_441, %swap3A_442], %slice3A_440 {strides = array<i32>} : memref<2x2048xf32, #tpu.memory_space<vmem>>, vector<1x128xf32>,
    %slice3A_444 = vector.extract_strided_slice %get3A_351 {offsets = [11, 0], sizes = [1, 128], strides = [1, 1]} : vector<16x128xf32> to vector<1x128xf32>
    %swap3A_445 = arith.constant 1 : index
    %swap3A_446 = arith.constant 1408 : index
    %swap3A_447 = vector.load %arg11[%swap3A_445, %swap3A_446] : memref<2x2048xf32, #tpu.memory_space<vmem>>, vector<1x128xf32>
    tpu.vector_store %arg11[%swap3A_445, %swap3A_446], %slice3A_444 {strides = array<i32>} : memref<2x2048xf32, #tpu.memory_space<vmem>>, vector<1x128xf32>,
    %slice3A_448 = vector.extract_strided_slice %get3A_346 {offsets = [12, 0], sizes = [1, 128], strides = [1, 1]} : vector<16x128xf32> to vector<1x128xf32>
    %swap3A_449 = arith.constant 0 : index
    %swap3A_450 = arith.constant 1536 : index
    %swap3A_451 = vector.load %arg11[%swap3A_449, %swap3A_450] : memref<2x2048xf32, #tpu.memory_space<vmem>>, vector<1x128xf32>
    tpu.vector_store %arg11[%swap3A_449, %swap3A_450], %slice3A_448 {strides = array<i32>} : memref<2x2048xf32, #tpu.memory_space<vmem>>, vector<1x128xf32>,
    %slice3A_452 = vector.extract_strided_slice %get3A_351 {offsets = [12, 0], sizes = [1, 128], strides = [1, 1]} : vector<16x128xf32> to vector<1x128xf32>
    %swap3A_453 = arith.constant 1 : index
    %swap3A_454 = arith.constant 1536 : index
    %swap3A_455 = vector.load %arg11[%swap3A_453, %swap3A_454] : memref<2x2048xf32, #tpu.memory_space<vmem>>, vector<1x128xf32>
    tpu.vector_store %arg11[%swap3A_453, %swap3A_454], %slice3A_452 {strides = array<i32>} : memref<2x2048xf32, #tpu.memory_space<vmem>>, vector<1x128xf32>,
    %slice3A_456 = vector.extract_strided_slice %get3A_346 {offsets = [13, 0], sizes = [1, 128], strides = [1, 1]} : vector<16x128xf32> to vector<1x128xf32>
    %swap3A_457 = arith.constant 0 : index
    %swap3A_458 = arith.constant 1664 : index
    %swap3A_459 = vector.load %arg11[%swap3A_457, %swap3A_458] : memref<2x2048xf32, #tpu.memory_space<vmem>>, vector<1x128xf32>
    tpu.vector_store %arg11[%swap3A_457, %swap3A_458], %slice3A_456 {strides = array<i32>} : memref<2x2048xf32, #tpu.memory_space<vmem>>, vector<1x128xf32>,
    %slice3A_460 = vector.extract_strided_slice %get3A_351 {offsets = [13, 0], sizes = [1, 128], strides = [1, 1]} : vector<16x128xf32> to vector<1x128xf32>
    %swap3A_461 = arith.constant 1 : index
    %swap3A_462 = arith.constant 1664 : index
    %swap3A_463 = vector.load %arg11[%swap3A_461, %swap3A_462] : memref<2x2048xf32, #tpu.memory_space<vmem>>, vector<1x128xf32>
    tpu.vector_store %arg11[%swap3A_461, %swap3A_462], %slice3A_460 {strides = array<i32>} : memref<2x2048xf32, #tpu.memory_space<vmem>>, vector<1x128xf32>,
    %slice3A_464 = vector.extract_strided_slice %get3A_346 {offsets = [14, 0], sizes = [1, 128], strides = [1, 1]} : vector<16x128xf32> to vector<1x128xf32>
    %swap3A_465 = arith.constant 0 : index
    %swap3A_466 = arith.constant 1792 : index
    %swap3A_467 = vector.load %arg11[%swap3A_465, %swap3A_466] : memref<2x2048xf32, #tpu.memory_space<vmem>>, vector<1x128xf32>
    tpu.vector_store %arg11[%swap3A_465, %swap3A_466], %slice3A_464 {strides = array<i32>} : memref<2x2048xf32, #tpu.memory_space<vmem>>, vector<1x128xf32>,
    %slice3A_468 = vector.extract_strided_slice %get3A_351 {offsets = [14, 0], sizes = [1, 128], strides = [1, 1]} : vector<16x128xf32> to vector<1x128xf32>
    %swap3A_469 = arith.constant 1 : index
    %swap3A_470 = arith.constant 1792 : index
    %swap3A_471 = vector.load %arg11[%swap3A_469, %swap3A_470] : memref<2x2048xf32, #tpu.memory_space<vmem>>, vector<1x128xf32>
    tpu.vector_store %arg11[%swap3A_469, %swap3A_470], %slice3A_468 {strides = array<i32>} : memref<2x2048xf32, #tpu.memory_space<vmem>>, vector<1x128xf32>,
    %slice3A_472 = vector.extract_strided_slice %get3A_346 {offsets = [15, 0], sizes = [1, 128], strides = [1, 1]} : vector<16x128xf32> to vector<1x128xf32>
    %swap3A_473 = arith.constant 0 : index
    %swap3A_474 = arith.constant 1920 : index
    %swap3A_475 = vector.load %arg11[%swap3A_473, %swap3A_474] : memref<2x2048xf32, #tpu.memory_space<vmem>>, vector<1x128xf32>
    tpu.vector_store %arg11[%swap3A_473, %swap3A_474], %slice3A_472 {strides = array<i32>} : memref<2x2048xf32, #tpu.memory_space<vmem>>, vector<1x128xf32>,
    %slice3A_476 = vector.extract_strided_slice %get3A_351 {offsets = [15, 0], sizes = [1, 128], strides = [1, 1]} : vector<16x128xf32> to vector<1x128xf32>
    %swap3A_477 = arith.constant 1 : index
    %swap3A_478 = arith.constant 1920 : index
    %swap3A_479 = vector.load %arg11[%swap3A_477, %swap3A_478] : memref<2x2048xf32, #tpu.memory_space<vmem>>, vector<1x128xf32>
    tpu.vector_store %arg11[%swap3A_477, %swap3A_478], %slice3A_476 {strides = array<i32>} : memref<2x2048xf32, #tpu.memory_space<vmem>>, vector<1x128xf32>,
    %get3A_480 = arith.constant 0 : index
    %get3A_481 = arith.constant 0 : index
    %get3A_482 = vector.load %arg11[%get3A_480, %get3A_481] : memref<2x2048xf32, #tpu.memory_space<vmem>>, vector<2x2048xf32>
    %dot_general3A_483 = arith.constant dense<0.000000e+00> : vector<128x2048xf32>
    %dot_general3A_484 = tpu.matmul %get3A_1, %get3A_482, %dot_general3A_483 {dimension_numbers = #tpu.dot_dimension_numbers<[1], [0], [0], [1], [0, 0, 1, 1], [], []>, transpose_lhs_hint = false} : vector<128x2xf32>, vector<2x2048xf32>, vector<128x2048xf32> -> vector<128x2048xf32>
    %add3A_485 = vector.broadcast %get3A_4 : vector<128x1xf32> to vector<128x2048xf32>
    %add3A_486 = arith.addf %dot_general3A_484, %add3A_485 : vector<128x2048xf32>
    %max3A_487 = arith.constant 0.000000e+00 : f32
    %max3A_488 = vector.broadcast %max3A_487 : f32 to vector<128x2048xf32>
    %max3A_489 = arith.maximumf %add3A_486, %max3A_488 : vector<128x2048xf32>
    %dot_general3A_490 = arith.constant dense<0.000000e+00> : vector<64x2048xf32>
    %dot_general3A_491 = tpu.matmul %get3A_7, %max3A_489, %dot_general3A_490 {dimension_numbers = #tpu.dot_dimension_numbers<[1], [0], [0], [1], [0, 0, 1, 1], [], []>, transpose_lhs_hint = false} : vector<64x128xf32>, vector<128x2048xf32>, vector<64x2048xf32> -> vector<64x2048xf32>
    %add3A_492 = vector.broadcast %get3A_10 : vector<64x1xf32> to vector<64x2048xf32>
    %add3A_493 = arith.addf %dot_general3A_491, %add3A_492 : vector<64x2048xf32>
    %max3A_494 = arith.constant 0.000000e+00 : f32
    %max3A_495 = vector.broadcast %max3A_494 : f32 to vector<64x2048xf32>
    %max3A_496 = arith.maximumf %add3A_493, %max3A_495 : vector<64x2048xf32>
    %dot_general3A_497 = arith.constant dense<0.000000e+00> : vector<18x2048xf32>
    %dot_general3A_498 = tpu.matmul %get3A_13, %max3A_496, %dot_general3A_497 {dimension_numbers = #tpu.dot_dimension_numbers<[0], [0], [1], [1], [0, 1, 1, 1], [], []>, transpose_lhs_hint = false} : vector<64x18xf32>, vector<64x2048xf32>, vector<18x2048xf32> -> vector<18x2048xf32>
    %add3A_499 = vector.broadcast %get3A_16 : vector<18x1xf32> to vector<18x2048xf32>
    %add3A_500 = arith.addf %dot_general3A_498, %add3A_499 : vector<18x2048xf32>
    %swap3A_501 = arith.constant 0 : index
    %swap3A_502 = arith.constant 2 : index
    %swap3A_503 = arith.constant 0 : index
    %swap3A_504 = vector.load %arg10[%swap3A_501, %swap3A_502, %swap3A_503] : memref<18x8x2048xf32, #tpu.memory_space<vmem>>, vector<18x1x2048xf32>
    %swap3A_505 = vector.shape_cast %swap3A_504 : vector<18x1x2048xf32> to vector<18x2048xf32>
    %swap3A_506 = vector.shape_cast %add3A_500 : vector<18x2048xf32> to vector<18x1x2048xf32>
    tpu.vector_store %arg10[%swap3A_501, %swap3A_502, %swap3A_503], %swap3A_506 {strides = array<i32>} : memref<18x8x2048xf32, #tpu.memory_space<vmem>>, vector<18x1x2048xf32>,
    %get3A_507 = arith.constant 3 : index
    %get3A_508 = arith.constant 0 : index
    %get3A_509 = arith.constant 0 : index
    %get3A_510 = vector.load %arg2[%get3A_507, %get3A_508, %get3A_509] : memref<8x16x128xf32, #tpu.memory_space<vmem>>, vector<1x16x128xf32>
    %get3A_511 = vector.shape_cast %get3A_510 : vector<1x16x128xf32> to vector<16x128xf32>
    %get3A_512 = arith.constant 3 : index
    %get3A_513 = arith.constant 0 : index
    %get3A_514 = arith.constant 0 : index
    %get3A_515 = vector.load %arg3[%get3A_512, %get3A_513, %get3A_514] : memref<8x16x128xf32, #tpu.memory_space<vmem>>, vector<1x16x128xf32>
    %get3A_516 = vector.shape_cast %get3A_515 : vector<1x16x128xf32> to vector<16x128xf32>
    %slice3A_517 = vector.extract_strided_slice %get3A_511 {offsets = [0, 0], sizes = [1, 128], strides = [1, 1]} : vector<16x128xf32> to vector<1x128xf32>
    %swap3A_518 = arith.constant 0 : index
    %swap3A_519 = arith.constant 0 : index
    %swap3A_520 = vector.load %arg11[%swap3A_518, %swap3A_519] : memref<2x2048xf32, #tpu.memory_space<vmem>>, vector<1x128xf32>
    tpu.vector_store %arg11[%swap3A_518, %swap3A_519], %slice3A_517 {strides = array<i32>} : memref<2x2048xf32, #tpu.memory_space<vmem>>, vector<1x128xf32>,
    %slice3A_521 = vector.extract_strided_slice %get3A_516 {offsets = [0, 0], sizes = [1, 128], strides = [1, 1]} : vector<16x128xf32> to vector<1x128xf32>
    %swap3A_522 = arith.constant 1 : index
    %swap3A_523 = arith.constant 0 : index
    %swap3A_524 = vector.load %arg11[%swap3A_522, %swap3A_523] : memref<2x2048xf32, #tpu.memory_space<vmem>>, vector<1x128xf32>
    tpu.vector_store %arg11[%swap3A_522, %swap3A_523], %slice3A_521 {strides = array<i32>} : memref<2x2048xf32, #tpu.memory_space<vmem>>, vector<1x128xf32>,
    %slice3A_525 = vector.extract_strided_slice %get3A_511 {offsets = [1, 0], sizes = [1, 128], strides = [1, 1]} : vector<16x128xf32> to vector<1x128xf32>
    %swap3A_526 = arith.constant 0 : index
    %swap3A_527 = arith.constant 128 : index
    %swap3A_528 = vector.load %arg11[%swap3A_526, %swap3A_527] : memref<2x2048xf32, #tpu.memory_space<vmem>>, vector<1x128xf32>
    tpu.vector_store %arg11[%swap3A_526, %swap3A_527], %slice3A_525 {strides = array<i32>} : memref<2x2048xf32, #tpu.memory_space<vmem>>, vector<1x128xf32>,
    %slice3A_529 = vector.extract_strided_slice %get3A_516 {offsets = [1, 0], sizes = [1, 128], strides = [1, 1]} : vector<16x128xf32> to vector<1x128xf32>
    %swap3A_530 = arith.constant 1 : index
    %swap3A_531 = arith.constant 128 : index
    %swap3A_532 = vector.load %arg11[%swap3A_530, %swap3A_531] : memref<2x2048xf32, #tpu.memory_space<vmem>>, vector<1x128xf32>
    tpu.vector_store %arg11[%swap3A_530, %swap3A_531], %slice3A_529 {strides = array<i32>} : memref<2x2048xf32, #tpu.memory_space<vmem>>, vector<1x128xf32>,
    %slice3A_533 = vector.extract_strided_slice %get3A_511 {offsets = [2, 0], sizes = [1, 128], strides = [1, 1]} : vector<16x128xf32> to vector<1x128xf32>
    %swap3A_534 = arith.constant 0 : index
    %swap3A_535 = arith.constant 256 : index
    %swap3A_536 = vector.load %arg11[%swap3A_534, %swap3A_535] : memref<2x2048xf32, #tpu.memory_space<vmem>>, vector<1x128xf32>
    tpu.vector_store %arg11[%swap3A_534, %swap3A_535], %slice3A_533 {strides = array<i32>} : memref<2x2048xf32, #tpu.memory_space<vmem>>, vector<1x128xf32>,
    %slice3A_537 = vector.extract_strided_slice %get3A_516 {offsets = [2, 0], sizes = [1, 128], strides = [1, 1]} : vector<16x128xf32> to vector<1x128xf32>
    %swap3A_538 = arith.constant 1 : index
    %swap3A_539 = arith.constant 256 : index
    %swap3A_540 = vector.load %arg11[%swap3A_538, %swap3A_539] : memref<2x2048xf32, #tpu.memory_space<vmem>>, vector<1x128xf32>
    tpu.vector_store %arg11[%swap3A_538, %swap3A_539], %slice3A_537 {strides = array<i32>} : memref<2x2048xf32, #tpu.memory_space<vmem>>, vector<1x128xf32>,
    %slice3A_541 = vector.extract_strided_slice %get3A_511 {offsets = [3, 0], sizes = [1, 128], strides = [1, 1]} : vector<16x128xf32> to vector<1x128xf32>
    %swap3A_542 = arith.constant 0 : index
    %swap3A_543 = arith.constant 384 : index
    %swap3A_544 = vector.load %arg11[%swap3A_542, %swap3A_543] : memref<2x2048xf32, #tpu.memory_space<vmem>>, vector<1x128xf32>
    tpu.vector_store %arg11[%swap3A_542, %swap3A_543], %slice3A_541 {strides = array<i32>} : memref<2x2048xf32, #tpu.memory_space<vmem>>, vector<1x128xf32>,
    %slice3A_545 = vector.extract_strided_slice %get3A_516 {offsets = [3, 0], sizes = [1, 128], strides = [1, 1]} : vector<16x128xf32> to vector<1x128xf32>
    %swap3A_546 = arith.constant 1 : index
    %swap3A_547 = arith.constant 384 : index
    %swap3A_548 = vector.load %arg11[%swap3A_546, %swap3A_547] : memref<2x2048xf32, #tpu.memory_space<vmem>>, vector<1x128xf32>
    tpu.vector_store %arg11[%swap3A_546, %swap3A_547], %slice3A_545 {strides = array<i32>} : memref<2x2048xf32, #tpu.memory_space<vmem>>, vector<1x128xf32>,
    %slice3A_549 = vector.extract_strided_slice %get3A_511 {offsets = [4, 0], sizes = [1, 128], strides = [1, 1]} : vector<16x128xf32> to vector<1x128xf32>
    %swap3A_550 = arith.constant 0 : index
    %swap3A_551 = arith.constant 512 : index
    %swap3A_552 = vector.load %arg11[%swap3A_550, %swap3A_551] : memref<2x2048xf32, #tpu.memory_space<vmem>>, vector<1x128xf32>
    tpu.vector_store %arg11[%swap3A_550, %swap3A_551], %slice3A_549 {strides = array<i32>} : memref<2x2048xf32, #tpu.memory_space<vmem>>, vector<1x128xf32>,
    %slice3A_553 = vector.extract_strided_slice %get3A_516 {offsets = [4, 0], sizes = [1, 128], strides = [1, 1]} : vector<16x128xf32> to vector<1x128xf32>
    %swap3A_554 = arith.constant 1 : index
    %swap3A_555 = arith.constant 512 : index
    %swap3A_556 = vector.load %arg11[%swap3A_554, %swap3A_555] : memref<2x2048xf32, #tpu.memory_space<vmem>>, vector<1x128xf32>
    tpu.vector_store %arg11[%swap3A_554, %swap3A_555], %slice3A_553 {strides = array<i32>} : memref<2x2048xf32, #tpu.memory_space<vmem>>, vector<1x128xf32>,
    %slice3A_557 = vector.extract_strided_slice %get3A_511 {offsets = [5, 0], sizes = [1, 128], strides = [1, 1]} : vector<16x128xf32> to vector<1x128xf32>
    %swap3A_558 = arith.constant 0 : index
    %swap3A_559 = arith.constant 640 : index
    %swap3A_560 = vector.load %arg11[%swap3A_558, %swap3A_559] : memref<2x2048xf32, #tpu.memory_space<vmem>>, vector<1x128xf32>
    tpu.vector_store %arg11[%swap3A_558, %swap3A_559], %slice3A_557 {strides = array<i32>} : memref<2x2048xf32, #tpu.memory_space<vmem>>, vector<1x128xf32>,
    %slice3A_561 = vector.extract_strided_slice %get3A_516 {offsets = [5, 0], sizes = [1, 128], strides = [1, 1]} : vector<16x128xf32> to vector<1x128xf32>
    %swap3A_562 = arith.constant 1 : index
    %swap3A_563 = arith.constant 640 : index
    %swap3A_564 = vector.load %arg11[%swap3A_562, %swap3A_563] : memref<2x2048xf32, #tpu.memory_space<vmem>>, vector<1x128xf32>
    tpu.vector_store %arg11[%swap3A_562, %swap3A_563], %slice3A_561 {strides = array<i32>} : memref<2x2048xf32, #tpu.memory_space<vmem>>, vector<1x128xf32>,
    %slice3A_565 = vector.extract_strided_slice %get3A_511 {offsets = [6, 0], sizes = [1, 128], strides = [1, 1]} : vector<16x128xf32> to vector<1x128xf32>
    %swap3A_566 = arith.constant 0 : index
    %swap3A_567 = arith.constant 768 : index
    %swap3A_568 = vector.load %arg11[%swap3A_566, %swap3A_567] : memref<2x2048xf32, #tpu.memory_space<vmem>>, vector<1x128xf32>
    tpu.vector_store %arg11[%swap3A_566, %swap3A_567], %slice3A_565 {strides = array<i32>} : memref<2x2048xf32, #tpu.memory_space<vmem>>, vector<1x128xf32>,
    %slice3A_569 = vector.extract_strided_slice %get3A_516 {offsets = [6, 0], sizes = [1, 128], strides = [1, 1]} : vector<16x128xf32> to vector<1x128xf32>
    %swap3A_570 = arith.constant 1 : index
    %swap3A_571 = arith.constant 768 : index
    %swap3A_572 = vector.load %arg11[%swap3A_570, %swap3A_571] : memref<2x2048xf32, #tpu.memory_space<vmem>>, vector<1x128xf32>
    tpu.vector_store %arg11[%swap3A_570, %swap3A_571], %slice3A_569 {strides = array<i32>} : memref<2x2048xf32, #tpu.memory_space<vmem>>, vector<1x128xf32>,
    %slice3A_573 = vector.extract_strided_slice %get3A_511 {offsets = [7, 0], sizes = [1, 128], strides = [1, 1]} : vector<16x128xf32> to vector<1x128xf32>
    %swap3A_574 = arith.constant 0 : index
    %swap3A_575 = arith.constant 896 : index
    %swap3A_576 = vector.load %arg11[%swap3A_574, %swap3A_575] : memref<2x2048xf32, #tpu.memory_space<vmem>>, vector<1x128xf32>
    tpu.vector_store %arg11[%swap3A_574, %swap3A_575], %slice3A_573 {strides = array<i32>} : memref<2x2048xf32, #tpu.memory_space<vmem>>, vector<1x128xf32>,
    %slice3A_577 = vector.extract_strided_slice %get3A_516 {offsets = [7, 0], sizes = [1, 128], strides = [1, 1]} : vector<16x128xf32> to vector<1x128xf32>
    %swap3A_578 = arith.constant 1 : index
    %swap3A_579 = arith.constant 896 : index
    %swap3A_580 = vector.load %arg11[%swap3A_578, %swap3A_579] : memref<2x2048xf32, #tpu.memory_space<vmem>>, vector<1x128xf32>
    tpu.vector_store %arg11[%swap3A_578, %swap3A_579], %slice3A_577 {strides = array<i32>} : memref<2x2048xf32, #tpu.memory_space<vmem>>, vector<1x128xf32>,
    %slice3A_581 = vector.extract_strided_slice %get3A_511 {offsets = [8, 0], sizes = [1, 128], strides = [1, 1]} : vector<16x128xf32> to vector<1x128xf32>
    %swap3A_582 = arith.constant 0 : index
    %swap3A_583 = arith.constant 1024 : index
    %swap3A_584 = vector.load %arg11[%swap3A_582, %swap3A_583] : memref<2x2048xf32, #tpu.memory_space<vmem>>, vector<1x128xf32>
    tpu.vector_store %arg11[%swap3A_582, %swap3A_583], %slice3A_581 {strides = array<i32>} : memref<2x2048xf32, #tpu.memory_space<vmem>>, vector<1x128xf32>,
    %slice3A_585 = vector.extract_strided_slice %get3A_516 {offsets = [8, 0], sizes = [1, 128], strides = [1, 1]} : vector<16x128xf32> to vector<1x128xf32>
    %swap3A_586 = arith.constant 1 : index
    %swap3A_587 = arith.constant 1024 : index
    %swap3A_588 = vector.load %arg11[%swap3A_586, %swap3A_587] : memref<2x2048xf32, #tpu.memory_space<vmem>>, vector<1x128xf32>
    tpu.vector_store %arg11[%swap3A_586, %swap3A_587], %slice3A_585 {strides = array<i32>} : memref<2x2048xf32, #tpu.memory_space<vmem>>, vector<1x128xf32>,
    %slice3A_589 = vector.extract_strided_slice %get3A_511 {offsets = [9, 0], sizes = [1, 128], strides = [1, 1]} : vector<16x128xf32> to vector<1x128xf32>
    %swap3A_590 = arith.constant 0 : index
    %swap3A_591 = arith.constant 1152 : index
    %swap3A_592 = vector.load %arg11[%swap3A_590, %swap3A_591] : memref<2x2048xf32, #tpu.memory_space<vmem>>, vector<1x128xf32>
    tpu.vector_store %arg11[%swap3A_590, %swap3A_591], %slice3A_589 {strides = array<i32>} : memref<2x2048xf32, #tpu.memory_space<vmem>>, vector<1x128xf32>,
    %slice3A_593 = vector.extract_strided_slice %get3A_516 {offsets = [9, 0], sizes = [1, 128], strides = [1, 1]} : vector<16x128xf32> to vector<1x128xf32>
    %swap3A_594 = arith.constant 1 : index
    %swap3A_595 = arith.constant 1152 : index
    %swap3A_596 = vector.load %arg11[%swap3A_594, %swap3A_595] : memref<2x2048xf32, #tpu.memory_space<vmem>>, vector<1x128xf32>
    tpu.vector_store %arg11[%swap3A_594, %swap3A_595], %slice3A_593 {strides = array<i32>} : memref<2x2048xf32, #tpu.memory_space<vmem>>, vector<1x128xf32>,
    %slice3A_597 = vector.extract_strided_slice %get3A_511 {offsets = [10, 0], sizes = [1, 128], strides = [1, 1]} : vector<16x128xf32> to vector<1x128xf32>
    %swap3A_598 = arith.constant 0 : index
    %swap3A_599 = arith.constant 1280 : index
    %swap3A_600 = vector.load %arg11[%swap3A_598, %swap3A_599] : memref<2x2048xf32, #tpu.memory_space<vmem>>, vector<1x128xf32>
    tpu.vector_store %arg11[%swap3A_598, %swap3A_599], %slice3A_597 {strides = array<i32>} : memref<2x2048xf32, #tpu.memory_space<vmem>>, vector<1x128xf32>,
    %slice3A_601 = vector.extract_strided_slice %get3A_516 {offsets = [10, 0], sizes = [1, 128], strides = [1, 1]} : vector<16x128xf32> to vector<1x128xf32>
    %swap3A_602 = arith.constant 1 : index
    %swap3A_603 = arith.constant 1280 : index
    %swap3A_604 = vector.load %arg11[%swap3A_602, %swap3A_603] : memref<2x2048xf32, #tpu.memory_space<vmem>>, vector<1x128xf32>
    tpu.vector_store %arg11[%swap3A_602, %swap3A_603], %slice3A_601 {strides = array<i32>} : memref<2x2048xf32, #tpu.memory_space<vmem>>, vector<1x128xf32>,
    %slice3A_605 = vector.extract_strided_slice %get3A_511 {offsets = [11, 0], sizes = [1, 128], strides = [1, 1]} : vector<16x128xf32> to vector<1x128xf32>
    %swap3A_606 = arith.constant 0 : index
    %swap3A_607 = arith.constant 1408 : index
    %swap3A_608 = vector.load %arg11[%swap3A_606, %swap3A_607] : memref<2x2048xf32, #tpu.memory_space<vmem>>, vector<1x128xf32>
    tpu.vector_store %arg11[%swap3A_606, %swap3A_607], %slice3A_605 {strides = array<i32>} : memref<2x2048xf32, #tpu.memory_space<vmem>>, vector<1x128xf32>,
    %slice3A_609 = vector.extract_strided_slice %get3A_516 {offsets = [11, 0], sizes = [1, 128], strides = [1, 1]} : vector<16x128xf32> to vector<1x128xf32>
    %swap3A_610 = arith.constant 1 : index
    %swap3A_611 = arith.constant 1408 : index
    %swap3A_612 = vector.load %arg11[%swap3A_610, %swap3A_611] : memref<2x2048xf32, #tpu.memory_space<vmem>>, vector<1x128xf32>
    tpu.vector_store %arg11[%swap3A_610, %swap3A_611], %slice3A_609 {strides = array<i32>} : memref<2x2048xf32, #tpu.memory_space<vmem>>, vector<1x128xf32>,
    %slice3A_613 = vector.extract_strided_slice %get3A_511 {offsets = [12, 0], sizes = [1, 128], strides = [1, 1]} : vector<16x128xf32> to vector<1x128xf32>
    %swap3A_614 = arith.constant 0 : index
    %swap3A_615 = arith.constant 1536 : index
    %swap3A_616 = vector.load %arg11[%swap3A_614, %swap3A_615] : memref<2x2048xf32, #tpu.memory_space<vmem>>, vector<1x128xf32>
    tpu.vector_store %arg11[%swap3A_614, %swap3A_615], %slice3A_613 {strides = array<i32>} : memref<2x2048xf32, #tpu.memory_space<vmem>>, vector<1x128xf32>,
    %slice3A_617 = vector.extract_strided_slice %get3A_516 {offsets = [12, 0], sizes = [1, 128], strides = [1, 1]} : vector<16x128xf32> to vector<1x128xf32>
    %swap3A_618 = arith.constant 1 : index
    %swap3A_619 = arith.constant 1536 : index
    %swap3A_620 = vector.load %arg11[%swap3A_618, %swap3A_619] : memref<2x2048xf32, #tpu.memory_space<vmem>>, vector<1x128xf32>
    tpu.vector_store %arg11[%swap3A_618, %swap3A_619], %slice3A_617 {strides = array<i32>} : memref<2x2048xf32, #tpu.memory_space<vmem>>, vector<1x128xf32>,
    %slice3A_621 = vector.extract_strided_slice %get3A_511 {offsets = [13, 0], sizes = [1, 128], strides = [1, 1]} : vector<16x128xf32> to vector<1x128xf32>
    %swap3A_622 = arith.constant 0 : index
    %swap3A_623 = arith.constant 1664 : index
    %swap3A_624 = vector.load %arg11[%swap3A_622, %swap3A_623] : memref<2x2048xf32, #tpu.memory_space<vmem>>, vector<1x128xf32>
    tpu.vector_store %arg11[%swap3A_622, %swap3A_623], %slice3A_621 {strides = array<i32>} : memref<2x2048xf32, #tpu.memory_space<vmem>>, vector<1x128xf32>,
    %slice3A_625 = vector.extract_strided_slice %get3A_516 {offsets = [13, 0], sizes = [1, 128], strides = [1, 1]} : vector<16x128xf32> to vector<1x128xf32>
    %swap3A_626 = arith.constant 1 : index
    %swap3A_627 = arith.constant 1664 : index
    %swap3A_628 = vector.load %arg11[%swap3A_626, %swap3A_627] : memref<2x2048xf32, #tpu.memory_space<vmem>>, vector<1x128xf32>
    tpu.vector_store %arg11[%swap3A_626, %swap3A_627], %slice3A_625 {strides = array<i32>} : memref<2x2048xf32, #tpu.memory_space<vmem>>, vector<1x128xf32>,
    %slice3A_629 = vector.extract_strided_slice %get3A_511 {offsets = [14, 0], sizes = [1, 128], strides = [1, 1]} : vector<16x128xf32> to vector<1x128xf32>
    %swap3A_630 = arith.constant 0 : index
    %swap3A_631 = arith.constant 1792 : index
    %swap3A_632 = vector.load %arg11[%swap3A_630, %swap3A_631] : memref<2x2048xf32, #tpu.memory_space<vmem>>, vector<1x128xf32>
    tpu.vector_store %arg11[%swap3A_630, %swap3A_631], %slice3A_629 {strides = array<i32>} : memref<2x2048xf32, #tpu.memory_space<vmem>>, vector<1x128xf32>,
    %slice3A_633 = vector.extract_strided_slice %get3A_516 {offsets = [14, 0], sizes = [1, 128], strides = [1, 1]} : vector<16x128xf32> to vector<1x128xf32>
    %swap3A_634 = arith.constant 1 : index
    %swap3A_635 = arith.constant 1792 : index
    %swap3A_636 = vector.load %arg11[%swap3A_634, %swap3A_635] : memref<2x2048xf32, #tpu.memory_space<vmem>>, vector<1x128xf32>
    tpu.vector_store %arg11[%swap3A_634, %swap3A_635], %slice3A_633 {strides = array<i32>} : memref<2x2048xf32, #tpu.memory_space<vmem>>, vector<1x128xf32>,
    %slice3A_637 = vector.extract_strided_slice %get3A_511 {offsets = [15, 0], sizes = [1, 128], strides = [1, 1]} : vector<16x128xf32> to vector<1x128xf32>
    %swap3A_638 = arith.constant 0 : index
    %swap3A_639 = arith.constant 1920 : index
    %swap3A_640 = vector.load %arg11[%swap3A_638, %swap3A_639] : memref<2x2048xf32, #tpu.memory_space<vmem>>, vector<1x128xf32>
    tpu.vector_store %arg11[%swap3A_638, %swap3A_639], %slice3A_637 {strides = array<i32>} : memref<2x2048xf32, #tpu.memory_space<vmem>>, vector<1x128xf32>,
    %slice3A_641 = vector.extract_strided_slice %get3A_516 {offsets = [15, 0], sizes = [1, 128], strides = [1, 1]} : vector<16x128xf32> to vector<1x128xf32>
    %swap3A_642 = arith.constant 1 : index
    %swap3A_643 = arith.constant 1920 : index
    %swap3A_644 = vector.load %arg11[%swap3A_642, %swap3A_643] : memref<2x2048xf32, #tpu.memory_space<vmem>>, vector<1x128xf32>
    tpu.vector_store %arg11[%swap3A_642, %swap3A_643], %slice3A_641 {strides = array<i32>} : memref<2x2048xf32, #tpu.memory_space<vmem>>, vector<1x128xf32>,
    %get3A_645 = arith.constant 0 : index
    %get3A_646 = arith.constant 0 : index
    %get3A_647 = vector.load %arg11[%get3A_645, %get3A_646] : memref<2x2048xf32, #tpu.memory_space<vmem>>, vector<2x2048xf32>
    %dot_general3A_648 = arith.constant dense<0.000000e+00> : vector<128x2048xf32>
    %dot_general3A_649 = tpu.matmul %get3A_1, %get3A_647, %dot_general3A_648 {dimension_numbers = #tpu.dot_dimension_numbers<[1], [0], [0], [1], [0, 0, 1, 1], [], []>, transpose_lhs_hint = false} : vector<128x2xf32>, vector<2x2048xf32>, vector<128x2048xf32> -> vector<128x2048xf32>
    %add3A_650 = vector.broadcast %get3A_4 : vector<128x1xf32> to vector<128x2048xf32>
    %add3A_651 = arith.addf %dot_general3A_649, %add3A_650 : vector<128x2048xf32>
    %max3A_652 = arith.constant 0.000000e+00 : f32
    %max3A_653 = vector.broadcast %max3A_652 : f32 to vector<128x2048xf32>
    %max3A_654 = arith.maximumf %add3A_651, %max3A_653 : vector<128x2048xf32>
    %dot_general3A_655 = arith.constant dense<0.000000e+00> : vector<64x2048xf32>
    %dot_general3A_656 = tpu.matmul %get3A_7, %max3A_654, %dot_general3A_655 {dimension_numbers = #tpu.dot_dimension_numbers<[1], [0], [0], [1], [0, 0, 1, 1], [], []>, transpose_lhs_hint = false} : vector<64x128xf32>, vector<128x2048xf32>, vector<64x2048xf32> -> vector<64x2048xf32>
    %add3A_657 = vector.broadcast %get3A_10 : vector<64x1xf32> to vector<64x2048xf32>
    %add3A_658 = arith.addf %dot_general3A_656, %add3A_657 : vector<64x2048xf32>
    %max3A_659 = arith.constant 0.000000e+00 : f32
    %max3A_660 = vector.broadcast %max3A_659 : f32 to vector<64x2048xf32>
    %max3A_661 = arith.maximumf %add3A_658, %max3A_660 : vector<64x2048xf32>
    %dot_general3A_662 = arith.constant dense<0.000000e+00> : vector<18x2048xf32>
    %dot_general3A_663 = tpu.matmul %get3A_13, %max3A_661, %dot_general3A_662 {dimension_numbers = #tpu.dot_dimension_numbers<[0], [0], [1], [1], [0, 1, 1, 1], [], []>, transpose_lhs_hint = false} : vector<64x18xf32>, vector<64x2048xf32>, vector<18x2048xf32> -> vector<18x2048xf32>
    %add3A_664 = vector.broadcast %get3A_16 : vector<18x1xf32> to vector<18x2048xf32>
    %add3A_665 = arith.addf %dot_general3A_663, %add3A_664 : vector<18x2048xf32>
    %swap3A_666 = arith.constant 0 : index
    %swap3A_667 = arith.constant 3 : index
    %swap3A_668 = arith.constant 0 : index
    %swap3A_669 = vector.load %arg10[%swap3A_666, %swap3A_667, %swap3A_668] : memref<18x8x2048xf32, #tpu.memory_space<vmem>>, vector<18x1x2048xf32>
    %swap3A_670 = vector.shape_cast %swap3A_669 : vector<18x1x2048xf32> to vector<18x2048xf32>
    %swap3A_671 = vector.shape_cast %add3A_665 : vector<18x2048xf32> to vector<18x1x2048xf32>
    tpu.vector_store %arg10[%swap3A_666, %swap3A_667, %swap3A_668], %swap3A_671 {strides = array<i32>} : memref<18x8x2048xf32, #tpu.memory_space<vmem>>, vector<18x1x2048xf32>,
    %get3A_672 = arith.constant 4 : index
    %get3A_673 = arith.constant 0 : index
    %get3A_674 = arith.constant 0 : index
    %get3A_675 = vector.load %arg2[%get3A_672, %get3A_673, %get3A_674] : memref<8x16x128xf32, #tpu.memory_space<vmem>>, vector<1x16x128xf32>
    %get3A_676 = vector.shape_cast %get3A_675 : vector<1x16x128xf32> to vector<16x128xf32>
    %get3A_677 = arith.constant 4 : index
    %get3A_678 = arith.constant 0 : index
    %get3A_679 = arith.constant 0 : index
    %get3A_680 = vector.load %arg3[%get3A_677, %get3A_678, %get3A_679] : memref<8x16x128xf32, #tpu.memory_space<vmem>>, vector<1x16x128xf32>
    %get3A_681 = vector.shape_cast %get3A_680 : vector<1x16x128xf32> to vector<16x128xf32>
    %slice3A_682 = vector.extract_strided_slice %get3A_676 {offsets = [0, 0], sizes = [1, 128], strides = [1, 1]} : vector<16x128xf32> to vector<1x128xf32>
    %swap3A_683 = arith.constant 0 : index
    %swap3A_684 = arith.constant 0 : index
    %swap3A_685 = vector.load %arg11[%swap3A_683, %swap3A_684] : memref<2x2048xf32, #tpu.memory_space<vmem>>, vector<1x128xf32>
    tpu.vector_store %arg11[%swap3A_683, %swap3A_684], %slice3A_682 {strides = array<i32>} : memref<2x2048xf32, #tpu.memory_space<vmem>>, vector<1x128xf32>,
    %slice3A_686 = vector.extract_strided_slice %get3A_681 {offsets = [0, 0], sizes = [1, 128], strides = [1, 1]} : vector<16x128xf32> to vector<1x128xf32>
    %swap3A_687 = arith.constant 1 : index
    %swap3A_688 = arith.constant 0 : index
    %swap3A_689 = vector.load %arg11[%swap3A_687, %swap3A_688] : memref<2x2048xf32, #tpu.memory_space<vmem>>, vector<1x128xf32>
    tpu.vector_store %arg11[%swap3A_687, %swap3A_688], %slice3A_686 {strides = array<i32>} : memref<2x2048xf32, #tpu.memory_space<vmem>>, vector<1x128xf32>,
    %slice3A_690 = vector.extract_strided_slice %get3A_676 {offsets = [1, 0], sizes = [1, 128], strides = [1, 1]} : vector<16x128xf32> to vector<1x128xf32>
    %swap3A_691 = arith.constant 0 : index
    %swap3A_692 = arith.constant 128 : index
    %swap3A_693 = vector.load %arg11[%swap3A_691, %swap3A_692] : memref<2x2048xf32, #tpu.memory_space<vmem>>, vector<1x128xf32>
    tpu.vector_store %arg11[%swap3A_691, %swap3A_692], %slice3A_690 {strides = array<i32>} : memref<2x2048xf32, #tpu.memory_space<vmem>>, vector<1x128xf32>,
    %slice3A_694 = vector.extract_strided_slice %get3A_681 {offsets = [1, 0], sizes = [1, 128], strides = [1, 1]} : vector<16x128xf32> to vector<1x128xf32>
    %swap3A_695 = arith.constant 1 : index
    %swap3A_696 = arith.constant 128 : index
    %swap3A_697 = vector.load %arg11[%swap3A_695, %swap3A_696] : memref<2x2048xf32, #tpu.memory_space<vmem>>, vector<1x128xf32>
    tpu.vector_store %arg11[%swap3A_695, %swap3A_696], %slice3A_694 {strides = array<i32>} : memref<2x2048xf32, #tpu.memory_space<vmem>>, vector<1x128xf32>,
    %slice3A_698 = vector.extract_strided_slice %get3A_676 {offsets = [2, 0], sizes = [1, 128], strides = [1, 1]} : vector<16x128xf32> to vector<1x128xf32>
    %swap3A_699 = arith.constant 0 : index
    %swap3A_700 = arith.constant 256 : index
    %swap3A_701 = vector.load %arg11[%swap3A_699, %swap3A_700] : memref<2x2048xf32, #tpu.memory_space<vmem>>, vector<1x128xf32>
    tpu.vector_store %arg11[%swap3A_699, %swap3A_700], %slice3A_698 {strides = array<i32>} : memref<2x2048xf32, #tpu.memory_space<vmem>>, vector<1x128xf32>,
    %slice3A_702 = vector.extract_strided_slice %get3A_681 {offsets = [2, 0], sizes = [1, 128], strides = [1, 1]} : vector<16x128xf32> to vector<1x128xf32>
    %swap3A_703 = arith.constant 1 : index
    %swap3A_704 = arith.constant 256 : index
    %swap3A_705 = vector.load %arg11[%swap3A_703, %swap3A_704] : memref<2x2048xf32, #tpu.memory_space<vmem>>, vector<1x128xf32>
    tpu.vector_store %arg11[%swap3A_703, %swap3A_704], %slice3A_702 {strides = array<i32>} : memref<2x2048xf32, #tpu.memory_space<vmem>>, vector<1x128xf32>,
    %slice3A_706 = vector.extract_strided_slice %get3A_676 {offsets = [3, 0], sizes = [1, 128], strides = [1, 1]} : vector<16x128xf32> to vector<1x128xf32>
    %swap3A_707 = arith.constant 0 : index
    %swap3A_708 = arith.constant 384 : index
    %swap3A_709 = vector.load %arg11[%swap3A_707, %swap3A_708] : memref<2x2048xf32, #tpu.memory_space<vmem>>, vector<1x128xf32>
    tpu.vector_store %arg11[%swap3A_707, %swap3A_708], %slice3A_706 {strides = array<i32>} : memref<2x2048xf32, #tpu.memory_space<vmem>>, vector<1x128xf32>,
    %slice3A_710 = vector.extract_strided_slice %get3A_681 {offsets = [3, 0], sizes = [1, 128], strides = [1, 1]} : vector<16x128xf32> to vector<1x128xf32>
    %swap3A_711 = arith.constant 1 : index
    %swap3A_712 = arith.constant 384 : index
    %swap3A_713 = vector.load %arg11[%swap3A_711, %swap3A_712] : memref<2x2048xf32, #tpu.memory_space<vmem>>, vector<1x128xf32>
    tpu.vector_store %arg11[%swap3A_711, %swap3A_712], %slice3A_710 {strides = array<i32>} : memref<2x2048xf32, #tpu.memory_space<vmem>>, vector<1x128xf32>,
    %slice3A_714 = vector.extract_strided_slice %get3A_676 {offsets = [4, 0], sizes = [1, 128], strides = [1, 1]} : vector<16x128xf32> to vector<1x128xf32>
    %swap3A_715 = arith.constant 0 : index
    %swap3A_716 = arith.constant 512 : index
    %swap3A_717 = vector.load %arg11[%swap3A_715, %swap3A_716] : memref<2x2048xf32, #tpu.memory_space<vmem>>, vector<1x128xf32>
    tpu.vector_store %arg11[%swap3A_715, %swap3A_716], %slice3A_714 {strides = array<i32>} : memref<2x2048xf32, #tpu.memory_space<vmem>>, vector<1x128xf32>,
    %slice3A_718 = vector.extract_strided_slice %get3A_681 {offsets = [4, 0], sizes = [1, 128], strides = [1, 1]} : vector<16x128xf32> to vector<1x128xf32>
    %swap3A_719 = arith.constant 1 : index
    %swap3A_720 = arith.constant 512 : index
    %swap3A_721 = vector.load %arg11[%swap3A_719, %swap3A_720] : memref<2x2048xf32, #tpu.memory_space<vmem>>, vector<1x128xf32>
    tpu.vector_store %arg11[%swap3A_719, %swap3A_720], %slice3A_718 {strides = array<i32>} : memref<2x2048xf32, #tpu.memory_space<vmem>>, vector<1x128xf32>,
    %slice3A_722 = vector.extract_strided_slice %get3A_676 {offsets = [5, 0], sizes = [1, 128], strides = [1, 1]} : vector<16x128xf32> to vector<1x128xf32>
    %swap3A_723 = arith.constant 0 : index
    %swap3A_724 = arith.constant 640 : index
    %swap3A_725 = vector.load %arg11[%swap3A_723, %swap3A_724] : memref<2x2048xf32, #tpu.memory_space<vmem>>, vector<1x128xf32>
    tpu.vector_store %arg11[%swap3A_723, %swap3A_724], %slice3A_722 {strides = array<i32>} : memref<2x2048xf32, #tpu.memory_space<vmem>>, vector<1x128xf32>,
    %slice3A_726 = vector.extract_strided_slice %get3A_681 {offsets = [5, 0], sizes = [1, 128], strides = [1, 1]} : vector<16x128xf32> to vector<1x128xf32>
    %swap3A_727 = arith.constant 1 : index
    %swap3A_728 = arith.constant 640 : index
    %swap3A_729 = vector.load %arg11[%swap3A_727, %swap3A_728] : memref<2x2048xf32, #tpu.memory_space<vmem>>, vector<1x128xf32>
    tpu.vector_store %arg11[%swap3A_727, %swap3A_728], %slice3A_726 {strides = array<i32>} : memref<2x2048xf32, #tpu.memory_space<vmem>>, vector<1x128xf32>,
    %slice3A_730 = vector.extract_strided_slice %get3A_676 {offsets = [6, 0], sizes = [1, 128], strides = [1, 1]} : vector<16x128xf32> to vector<1x128xf32>
    %swap3A_731 = arith.constant 0 : index
    %swap3A_732 = arith.constant 768 : index
    %swap3A_733 = vector.load %arg11[%swap3A_731, %swap3A_732] : memref<2x2048xf32, #tpu.memory_space<vmem>>, vector<1x128xf32>
    tpu.vector_store %arg11[%swap3A_731, %swap3A_732], %slice3A_730 {strides = array<i32>} : memref<2x2048xf32, #tpu.memory_space<vmem>>, vector<1x128xf32>,
    %slice3A_734 = vector.extract_strided_slice %get3A_681 {offsets = [6, 0], sizes = [1, 128], strides = [1, 1]} : vector<16x128xf32> to vector<1x128xf32>
    %swap3A_735 = arith.constant 1 : index
    %swap3A_736 = arith.constant 768 : index
    %swap3A_737 = vector.load %arg11[%swap3A_735, %swap3A_736] : memref<2x2048xf32, #tpu.memory_space<vmem>>, vector<1x128xf32>
    tpu.vector_store %arg11[%swap3A_735, %swap3A_736], %slice3A_734 {strides = array<i32>} : memref<2x2048xf32, #tpu.memory_space<vmem>>, vector<1x128xf32>,
    %slice3A_738 = vector.extract_strided_slice %get3A_676 {offsets = [7, 0], sizes = [1, 128], strides = [1, 1]} : vector<16x128xf32> to vector<1x128xf32>
    %swap3A_739 = arith.constant 0 : index
    %swap3A_740 = arith.constant 896 : index
    %swap3A_741 = vector.load %arg11[%swap3A_739, %swap3A_740] : memref<2x2048xf32, #tpu.memory_space<vmem>>, vector<1x128xf32>
    tpu.vector_store %arg11[%swap3A_739, %swap3A_740], %slice3A_738 {strides = array<i32>} : memref<2x2048xf32, #tpu.memory_space<vmem>>, vector<1x128xf32>,
    %slice3A_742 = vector.extract_strided_slice %get3A_681 {offsets = [7, 0], sizes = [1, 128], strides = [1, 1]} : vector<16x128xf32> to vector<1x128xf32>
    %swap3A_743 = arith.constant 1 : index
    %swap3A_744 = arith.constant 896 : index
    %swap3A_745 = vector.load %arg11[%swap3A_743, %swap3A_744] : memref<2x2048xf32, #tpu.memory_space<vmem>>, vector<1x128xf32>
    tpu.vector_store %arg11[%swap3A_743, %swap3A_744], %slice3A_742 {strides = array<i32>} : memref<2x2048xf32, #tpu.memory_space<vmem>>, vector<1x128xf32>,
    %slice3A_746 = vector.extract_strided_slice %get3A_676 {offsets = [8, 0], sizes = [1, 128], strides = [1, 1]} : vector<16x128xf32> to vector<1x128xf32>
    %swap3A_747 = arith.constant 0 : index
    %swap3A_748 = arith.constant 1024 : index
    %swap3A_749 = vector.load %arg11[%swap3A_747, %swap3A_748] : memref<2x2048xf32, #tpu.memory_space<vmem>>, vector<1x128xf32>
    tpu.vector_store %arg11[%swap3A_747, %swap3A_748], %slice3A_746 {strides = array<i32>} : memref<2x2048xf32, #tpu.memory_space<vmem>>, vector<1x128xf32>,
    %slice3A_750 = vector.extract_strided_slice %get3A_681 {offsets = [8, 0], sizes = [1, 128], strides = [1, 1]} : vector<16x128xf32> to vector<1x128xf32>
    %swap3A_751 = arith.constant 1 : index
    %swap3A_752 = arith.constant 1024 : index
    %swap3A_753 = vector.load %arg11[%swap3A_751, %swap3A_752] : memref<2x2048xf32, #tpu.memory_space<vmem>>, vector<1x128xf32>
    tpu.vector_store %arg11[%swap3A_751, %swap3A_752], %slice3A_750 {strides = array<i32>} : memref<2x2048xf32, #tpu.memory_space<vmem>>, vector<1x128xf32>,
    %slice3A_754 = vector.extract_strided_slice %get3A_676 {offsets = [9, 0], sizes = [1, 128], strides = [1, 1]} : vector<16x128xf32> to vector<1x128xf32>
    %swap3A_755 = arith.constant 0 : index
    %swap3A_756 = arith.constant 1152 : index
    %swap3A_757 = vector.load %arg11[%swap3A_755, %swap3A_756] : memref<2x2048xf32, #tpu.memory_space<vmem>>, vector<1x128xf32>
    tpu.vector_store %arg11[%swap3A_755, %swap3A_756], %slice3A_754 {strides = array<i32>} : memref<2x2048xf32, #tpu.memory_space<vmem>>, vector<1x128xf32>,
    %slice3A_758 = vector.extract_strided_slice %get3A_681 {offsets = [9, 0], sizes = [1, 128], strides = [1, 1]} : vector<16x128xf32> to vector<1x128xf32>
    %swap3A_759 = arith.constant 1 : index
    %swap3A_760 = arith.constant 1152 : index
    %swap3A_761 = vector.load %arg11[%swap3A_759, %swap3A_760] : memref<2x2048xf32, #tpu.memory_space<vmem>>, vector<1x128xf32>
    tpu.vector_store %arg11[%swap3A_759, %swap3A_760], %slice3A_758 {strides = array<i32>} : memref<2x2048xf32, #tpu.memory_space<vmem>>, vector<1x128xf32>,
    %slice3A_762 = vector.extract_strided_slice %get3A_676 {offsets = [10, 0], sizes = [1, 128], strides = [1, 1]} : vector<16x128xf32> to vector<1x128xf32>
    %swap3A_763 = arith.constant 0 : index
    %swap3A_764 = arith.constant 1280 : index
    %swap3A_765 = vector.load %arg11[%swap3A_763, %swap3A_764] : memref<2x2048xf32, #tpu.memory_space<vmem>>, vector<1x128xf32>
    tpu.vector_store %arg11[%swap3A_763, %swap3A_764], %slice3A_762 {strides = array<i32>} : memref<2x2048xf32, #tpu.memory_space<vmem>>, vector<1x128xf32>,
    %slice3A_766 = vector.extract_strided_slice %get3A_681 {offsets = [10, 0], sizes = [1, 128], strides = [1, 1]} : vector<16x128xf32> to vector<1x128xf32>
    %swap3A_767 = arith.constant 1 : index
    %swap3A_768 = arith.constant 1280 : index
    %swap3A_769 = vector.load %arg11[%swap3A_767, %swap3A_768] : memref<2x2048xf32, #tpu.memory_space<vmem>>, vector<1x128xf32>
    tpu.vector_store %arg11[%swap3A_767, %swap3A_768], %slice3A_766 {strides = array<i32>} : memref<2x2048xf32, #tpu.memory_space<vmem>>, vector<1x128xf32>,
    %slice3A_770 = vector.extract_strided_slice %get3A_676 {offsets = [11, 0], sizes = [1, 128], strides = [1, 1]} : vector<16x128xf32> to vector<1x128xf32>
    %swap3A_771 = arith.constant 0 : index
    %swap3A_772 = arith.constant 1408 : index
    %swap3A_773 = vector.load %arg11[%swap3A_771, %swap3A_772] : memref<2x2048xf32, #tpu.memory_space<vmem>>, vector<1x128xf32>
    tpu.vector_store %arg11[%swap3A_771, %swap3A_772], %slice3A_770 {strides = array<i32>} : memref<2x2048xf32, #tpu.memory_space<vmem>>, vector<1x128xf32>,
    %slice3A_774 = vector.extract_strided_slice %get3A_681 {offsets = [11, 0], sizes = [1, 128], strides = [1, 1]} : vector<16x128xf32> to vector<1x128xf32>
    %swap3A_775 = arith.constant 1 : index
    %swap3A_776 = arith.constant 1408 : index
    %swap3A_777 = vector.load %arg11[%swap3A_775, %swap3A_776] : memref<2x2048xf32, #tpu.memory_space<vmem>>, vector<1x128xf32>
    tpu.vector_store %arg11[%swap3A_775, %swap3A_776], %slice3A_774 {strides = array<i32>} : memref<2x2048xf32, #tpu.memory_space<vmem>>, vector<1x128xf32>,
    %slice3A_778 = vector.extract_strided_slice %get3A_676 {offsets = [12, 0], sizes = [1, 128], strides = [1, 1]} : vector<16x128xf32> to vector<1x128xf32>
    %swap3A_779 = arith.constant 0 : index
    %swap3A_780 = arith.constant 1536 : index
    %swap3A_781 = vector.load %arg11[%swap3A_779, %swap3A_780] : memref<2x2048xf32, #tpu.memory_space<vmem>>, vector<1x128xf32>
    tpu.vector_store %arg11[%swap3A_779, %swap3A_780], %slice3A_778 {strides = array<i32>} : memref<2x2048xf32, #tpu.memory_space<vmem>>, vector<1x128xf32>,
    %slice3A_782 = vector.extract_strided_slice %get3A_681 {offsets = [12, 0], sizes = [1, 128], strides = [1, 1]} : vector<16x128xf32> to vector<1x128xf32>
    %swap3A_783 = arith.constant 1 : index
    %swap3A_784 = arith.constant 1536 : index
    %swap3A_785 = vector.load %arg11[%swap3A_783, %swap3A_784] : memref<2x2048xf32, #tpu.memory_space<vmem>>, vector<1x128xf32>
    tpu.vector_store %arg11[%swap3A_783, %swap3A_784], %slice3A_782 {strides = array<i32>} : memref<2x2048xf32, #tpu.memory_space<vmem>>, vector<1x128xf32>,
    %slice3A_786 = vector.extract_strided_slice %get3A_676 {offsets = [13, 0], sizes = [1, 128], strides = [1, 1]} : vector<16x128xf32> to vector<1x128xf32>
    %swap3A_787 = arith.constant 0 : index
    %swap3A_788 = arith.constant 1664 : index
    %swap3A_789 = vector.load %arg11[%swap3A_787, %swap3A_788] : memref<2x2048xf32, #tpu.memory_space<vmem>>, vector<1x128xf32>
    tpu.vector_store %arg11[%swap3A_787, %swap3A_788], %slice3A_786 {strides = array<i32>} : memref<2x2048xf32, #tpu.memory_space<vmem>>, vector<1x128xf32>,
    %slice3A_790 = vector.extract_strided_slice %get3A_681 {offsets = [13, 0], sizes = [1, 128], strides = [1, 1]} : vector<16x128xf32> to vector<1x128xf32>
    %swap3A_791 = arith.constant 1 : index
    %swap3A_792 = arith.constant 1664 : index
    %swap3A_793 = vector.load %arg11[%swap3A_791, %swap3A_792] : memref<2x2048xf32, #tpu.memory_space<vmem>>, vector<1x128xf32>
    tpu.vector_store %arg11[%swap3A_791, %swap3A_792], %slice3A_790 {strides = array<i32>} : memref<2x2048xf32, #tpu.memory_space<vmem>>, vector<1x128xf32>,
    %slice3A_794 = vector.extract_strided_slice %get3A_676 {offsets = [14, 0], sizes = [1, 128], strides = [1, 1]} : vector<16x128xf32> to vector<1x128xf32>
    %swap3A_795 = arith.constant 0 : index
    %swap3A_796 = arith.constant 1792 : index
    %swap3A_797 = vector.load %arg11[%swap3A_795, %swap3A_796] : memref<2x2048xf32, #tpu.memory_space<vmem>>, vector<1x128xf32>
    tpu.vector_store %arg11[%swap3A_795, %swap3A_796], %slice3A_794 {strides = array<i32>} : memref<2x2048xf32, #tpu.memory_space<vmem>>, vector<1x128xf32>,
    %slice3A_798 = vector.extract_strided_slice %get3A_681 {offsets = [14, 0], sizes = [1, 128], strides = [1, 1]} : vector<16x128xf32> to vector<1x128xf32>
    %swap3A_799 = arith.constant 1 : index
    %swap3A_800 = arith.constant 1792 : index
    %swap3A_801 = vector.load %arg11[%swap3A_799, %swap3A_800] : memref<2x2048xf32, #tpu.memory_space<vmem>>, vector<1x128xf32>
    tpu.vector_store %arg11[%swap3A_799, %swap3A_800], %slice3A_798 {strides = array<i32>} : memref<2x2048xf32, #tpu.memory_space<vmem>>, vector<1x128xf32>,
    %slice3A_802 = vector.extract_strided_slice %get3A_676 {offsets = [15, 0], sizes = [1, 128], strides = [1, 1]} : vector<16x128xf32> to vector<1x128xf32>
    %swap3A_803 = arith.constant 0 : index
    %swap3A_804 = arith.constant 1920 : index
    %swap3A_805 = vector.load %arg11[%swap3A_803, %swap3A_804] : memref<2x2048xf32, #tpu.memory_space<vmem>>, vector<1x128xf32>
    tpu.vector_store %arg11[%swap3A_803, %swap3A_804], %slice3A_802 {strides = array<i32>} : memref<2x2048xf32, #tpu.memory_space<vmem>>, vector<1x128xf32>,
    %slice3A_806 = vector.extract_strided_slice %get3A_681 {offsets = [15, 0], sizes = [1, 128], strides = [1, 1]} : vector<16x128xf32> to vector<1x128xf32>
    %swap3A_807 = arith.constant 1 : index
    %swap3A_808 = arith.constant 1920 : index
    %swap3A_809 = vector.load %arg11[%swap3A_807, %swap3A_808] : memref<2x2048xf32, #tpu.memory_space<vmem>>, vector<1x128xf32>
    tpu.vector_store %arg11[%swap3A_807, %swap3A_808], %slice3A_806 {strides = array<i32>} : memref<2x2048xf32, #tpu.memory_space<vmem>>, vector<1x128xf32>,
    %get3A_810 = arith.constant 0 : index
    %get3A_811 = arith.constant 0 : index
    %get3A_812 = vector.load %arg11[%get3A_810, %get3A_811] : memref<2x2048xf32, #tpu.memory_space<vmem>>, vector<2x2048xf32>
    %dot_general3A_813 = arith.constant dense<0.000000e+00> : vector<128x2048xf32>
    %dot_general3A_814 = tpu.matmul %get3A_1, %get3A_812, %dot_general3A_813 {dimension_numbers = #tpu.dot_dimension_numbers<[1], [0], [0], [1], [0, 0, 1, 1], [], []>, transpose_lhs_hint = false} : vector<128x2xf32>, vector<2x2048xf32>, vector<128x2048xf32> -> vector<128x2048xf32>
    %add3A_815 = vector.broadcast %get3A_4 : vector<128x1xf32> to vector<128x2048xf32>
    %add3A_816 = arith.addf %dot_general3A_814, %add3A_815 : vector<128x2048xf32>
    %max3A_817 = arith.constant 0.000000e+00 : f32
    %max3A_818 = vector.broadcast %max3A_817 : f32 to vector<128x2048xf32>
    %max3A_819 = arith.maximumf %add3A_816, %max3A_818 : vector<128x2048xf32>
    %dot_general3A_820 = arith.constant dense<0.000000e+00> : vector<64x2048xf32>
    %dot_general3A_821 = tpu.matmul %get3A_7, %max3A_819, %dot_general3A_820 {dimension_numbers = #tpu.dot_dimension_numbers<[1], [0], [0], [1], [0, 0, 1, 1], [], []>, transpose_lhs_hint = false} : vector<64x128xf32>, vector<128x2048xf32>, vector<64x2048xf32> -> vector<64x2048xf32>
    %add3A_822 = vector.broadcast %get3A_10 : vector<64x1xf32> to vector<64x2048xf32>
    %add3A_823 = arith.addf %dot_general3A_821, %add3A_822 : vector<64x2048xf32>
    %max3A_824 = arith.constant 0.000000e+00 : f32
    %max3A_825 = vector.broadcast %max3A_824 : f32 to vector<64x2048xf32>
    %max3A_826 = arith.maximumf %add3A_823, %max3A_825 : vector<64x2048xf32>
    %dot_general3A_827 = arith.constant dense<0.000000e+00> : vector<18x2048xf32>
    %dot_general3A_828 = tpu.matmul %get3A_13, %max3A_826, %dot_general3A_827 {dimension_numbers = #tpu.dot_dimension_numbers<[0], [0], [1], [1], [0, 1, 1, 1], [], []>, transpose_lhs_hint = false} : vector<64x18xf32>, vector<64x2048xf32>, vector<18x2048xf32> -> vector<18x2048xf32>
    %add3A_829 = vector.broadcast %get3A_16 : vector<18x1xf32> to vector<18x2048xf32>
    %add3A_830 = arith.addf %dot_general3A_828, %add3A_829 : vector<18x2048xf32>
    %swap3A_831 = arith.constant 0 : index
    %swap3A_832 = arith.constant 4 : index
    %swap3A_833 = arith.constant 0 : index
    %swap3A_834 = vector.load %arg10[%swap3A_831, %swap3A_832, %swap3A_833] : memref<18x8x2048xf32, #tpu.memory_space<vmem>>, vector<18x1x2048xf32>
    %swap3A_835 = vector.shape_cast %swap3A_834 : vector<18x1x2048xf32> to vector<18x2048xf32>
    %swap3A_836 = vector.shape_cast %add3A_830 : vector<18x2048xf32> to vector<18x1x2048xf32>
    tpu.vector_store %arg10[%swap3A_831, %swap3A_832, %swap3A_833], %swap3A_836 {strides = array<i32>} : memref<18x8x2048xf32, #tpu.memory_space<vmem>>, vector<18x1x2048xf32>,
    %get3A_837 = arith.constant 5 : index
    %get3A_838 = arith.constant 0 : index
    %get3A_839 = arith.constant 0 : index
    %get3A_840 = vector.load %arg2[%get3A_837, %get3A_838, %get3A_839] : memref<8x16x128xf32, #tpu.memory_space<vmem>>, vector<1x16x128xf32>
    %get3A_841 = vector.shape_cast %get3A_840 : vector<1x16x128xf32> to vector<16x128xf32>
    %get3A_842 = arith.constant 5 : index
    %get3A_843 = arith.constant 0 : index
    %get3A_844 = arith.constant 0 : index
    %get3A_845 = vector.load %arg3[%get3A_842, %get3A_843, %get3A_844] : memref<8x16x128xf32, #tpu.memory_space<vmem>>, vector<1x16x128xf32>
    %get3A_846 = vector.shape_cast %get3A_845 : vector<1x16x128xf32> to vector<16x128xf32>
    %slice3A_847 = vector.extract_strided_slice %get3A_841 {offsets = [0, 0], sizes = [1, 128], strides = [1, 1]} : vector<16x128xf32> to vector<1x128xf32>
    %swap3A_848 = arith.constant 0 : index
    %swap3A_849 = arith.constant 0 : index
    %swap3A_850 = vector.load %arg11[%swap3A_848, %swap3A_849] : memref<2x2048xf32, #tpu.memory_space<vmem>>, vector<1x128xf32>
    tpu.vector_store %arg11[%swap3A_848, %swap3A_849], %slice3A_847 {strides = array<i32>} : memref<2x2048xf32, #tpu.memory_space<vmem>>, vector<1x128xf32>,
    %slice3A_851 = vector.extract_strided_slice %get3A_846 {offsets = [0, 0], sizes = [1, 128], strides = [1, 1]} : vector<16x128xf32> to vector<1x128xf32>
    %swap3A_852 = arith.constant 1 : index
    %swap3A_853 = arith.constant 0 : index
    %swap3A_854 = vector.load %arg11[%swap3A_852, %swap3A_853] : memref<2x2048xf32, #tpu.memory_space<vmem>>, vector<1x128xf32>
    tpu.vector_store %arg11[%swap3A_852, %swap3A_853], %slice3A_851 {strides = array<i32>} : memref<2x2048xf32, #tpu.memory_space<vmem>>, vector<1x128xf32>,
    %slice3A_855 = vector.extract_strided_slice %get3A_841 {offsets = [1, 0], sizes = [1, 128], strides = [1, 1]} : vector<16x128xf32> to vector<1x128xf32>
    %swap3A_856 = arith.constant 0 : index
    %swap3A_857 = arith.constant 128 : index
    %swap3A_858 = vector.load %arg11[%swap3A_856, %swap3A_857] : memref<2x2048xf32, #tpu.memory_space<vmem>>, vector<1x128xf32>
    tpu.vector_store %arg11[%swap3A_856, %swap3A_857], %slice3A_855 {strides = array<i32>} : memref<2x2048xf32, #tpu.memory_space<vmem>>, vector<1x128xf32>,
    %slice3A_859 = vector.extract_strided_slice %get3A_846 {offsets = [1, 0], sizes = [1, 128], strides = [1, 1]} : vector<16x128xf32> to vector<1x128xf32>
    %swap3A_860 = arith.constant 1 : index
    %swap3A_861 = arith.constant 128 : index
    %swap3A_862 = vector.load %arg11[%swap3A_860, %swap3A_861] : memref<2x2048xf32, #tpu.memory_space<vmem>>, vector<1x128xf32>
    tpu.vector_store %arg11[%swap3A_860, %swap3A_861], %slice3A_859 {strides = array<i32>} : memref<2x2048xf32, #tpu.memory_space<vmem>>, vector<1x128xf32>,
    %slice3A_863 = vector.extract_strided_slice %get3A_841 {offsets = [2, 0], sizes = [1, 128], strides = [1, 1]} : vector<16x128xf32> to vector<1x128xf32>
    %swap3A_864 = arith.constant 0 : index
    %swap3A_865 = arith.constant 256 : index
    %swap3A_866 = vector.load %arg11[%swap3A_864, %swap3A_865] : memref<2x2048xf32, #tpu.memory_space<vmem>>, vector<1x128xf32>
    tpu.vector_store %arg11[%swap3A_864, %swap3A_865], %slice3A_863 {strides = array<i32>} : memref<2x2048xf32, #tpu.memory_space<vmem>>, vector<1x128xf32>,
    %slice3A_867 = vector.extract_strided_slice %get3A_846 {offsets = [2, 0], sizes = [1, 128], strides = [1, 1]} : vector<16x128xf32> to vector<1x128xf32>
    %swap3A_868 = arith.constant 1 : index
    %swap3A_869 = arith.constant 256 : index
    %swap3A_870 = vector.load %arg11[%swap3A_868, %swap3A_869] : memref<2x2048xf32, #tpu.memory_space<vmem>>, vector<1x128xf32>
    tpu.vector_store %arg11[%swap3A_868, %swap3A_869], %slice3A_867 {strides = array<i32>} : memref<2x2048xf32, #tpu.memory_space<vmem>>, vector<1x128xf32>,
    %slice3A_871 = vector.extract_strided_slice %get3A_841 {offsets = [3, 0], sizes = [1, 128], strides = [1, 1]} : vector<16x128xf32> to vector<1x128xf32>
    %swap3A_872 = arith.constant 0 : index
    %swap3A_873 = arith.constant 384 : index
    %swap3A_874 = vector.load %arg11[%swap3A_872, %swap3A_873] : memref<2x2048xf32, #tpu.memory_space<vmem>>, vector<1x128xf32>
    tpu.vector_store %arg11[%swap3A_872, %swap3A_873], %slice3A_871 {strides = array<i32>} : memref<2x2048xf32, #tpu.memory_space<vmem>>, vector<1x128xf32>,
    %slice3A_875 = vector.extract_strided_slice %get3A_846 {offsets = [3, 0], sizes = [1, 128], strides = [1, 1]} : vector<16x128xf32> to vector<1x128xf32>
    %swap3A_876 = arith.constant 1 : index
    %swap3A_877 = arith.constant 384 : index
    %swap3A_878 = vector.load %arg11[%swap3A_876, %swap3A_877] : memref<2x2048xf32, #tpu.memory_space<vmem>>, vector<1x128xf32>
    tpu.vector_store %arg11[%swap3A_876, %swap3A_877], %slice3A_875 {strides = array<i32>} : memref<2x2048xf32, #tpu.memory_space<vmem>>, vector<1x128xf32>,
    %slice3A_879 = vector.extract_strided_slice %get3A_841 {offsets = [4, 0], sizes = [1, 128], strides = [1, 1]} : vector<16x128xf32> to vector<1x128xf32>
    %swap3A_880 = arith.constant 0 : index
    %swap3A_881 = arith.constant 512 : index
    %swap3A_882 = vector.load %arg11[%swap3A_880, %swap3A_881] : memref<2x2048xf32, #tpu.memory_space<vmem>>, vector<1x128xf32>
    tpu.vector_store %arg11[%swap3A_880, %swap3A_881], %slice3A_879 {strides = array<i32>} : memref<2x2048xf32, #tpu.memory_space<vmem>>, vector<1x128xf32>,
    %slice3A_883 = vector.extract_strided_slice %get3A_846 {offsets = [4, 0], sizes = [1, 128], strides = [1, 1]} : vector<16x128xf32> to vector<1x128xf32>
    %swap3A_884 = arith.constant 1 : index
    %swap3A_885 = arith.constant 512 : index
    %swap3A_886 = vector.load %arg11[%swap3A_884, %swap3A_885] : memref<2x2048xf32, #tpu.memory_space<vmem>>, vector<1x128xf32>
    tpu.vector_store %arg11[%swap3A_884, %swap3A_885], %slice3A_883 {strides = array<i32>} : memref<2x2048xf32, #tpu.memory_space<vmem>>, vector<1x128xf32>,
    %slice3A_887 = vector.extract_strided_slice %get3A_841 {offsets = [5, 0], sizes = [1, 128], strides = [1, 1]} : vector<16x128xf32> to vector<1x128xf32>
    %swap3A_888 = arith.constant 0 : index
    %swap3A_889 = arith.constant 640 : index
    %swap3A_890 = vector.load %arg11[%swap3A_888, %swap3A_889] : memref<2x2048xf32, #tpu.memory_space<vmem>>, vector<1x128xf32>
    tpu.vector_store %arg11[%swap3A_888, %swap3A_889], %slice3A_887 {strides = array<i32>} : memref<2x2048xf32, #tpu.memory_space<vmem>>, vector<1x128xf32>,
    %slice3A_891 = vector.extract_strided_slice %get3A_846 {offsets = [5, 0], sizes = [1, 128], strides = [1, 1]} : vector<16x128xf32> to vector<1x128xf32>
    %swap3A_892 = arith.constant 1 : index
    %swap3A_893 = arith.constant 640 : index
    %swap3A_894 = vector.load %arg11[%swap3A_892, %swap3A_893] : memref<2x2048xf32, #tpu.memory_space<vmem>>, vector<1x128xf32>
    tpu.vector_store %arg11[%swap3A_892, %swap3A_893], %slice3A_891 {strides = array<i32>} : memref<2x2048xf32, #tpu.memory_space<vmem>>, vector<1x128xf32>,
    %slice3A_895 = vector.extract_strided_slice %get3A_841 {offsets = [6, 0], sizes = [1, 128], strides = [1, 1]} : vector<16x128xf32> to vector<1x128xf32>
    %swap3A_896 = arith.constant 0 : index
    %swap3A_897 = arith.constant 768 : index
    %swap3A_898 = vector.load %arg11[%swap3A_896, %swap3A_897] : memref<2x2048xf32, #tpu.memory_space<vmem>>, vector<1x128xf32>
    tpu.vector_store %arg11[%swap3A_896, %swap3A_897], %slice3A_895 {strides = array<i32>} : memref<2x2048xf32, #tpu.memory_space<vmem>>, vector<1x128xf32>,
    %slice3A_899 = vector.extract_strided_slice %get3A_846 {offsets = [6, 0], sizes = [1, 128], strides = [1, 1]} : vector<16x128xf32> to vector<1x128xf32>
    %swap3A_900 = arith.constant 1 : index
    %swap3A_901 = arith.constant 768 : index
    %swap3A_902 = vector.load %arg11[%swap3A_900, %swap3A_901] : memref<2x2048xf32, #tpu.memory_space<vmem>>, vector<1x128xf32>
    tpu.vector_store %arg11[%swap3A_900, %swap3A_901], %slice3A_899 {strides = array<i32>} : memref<2x2048xf32, #tpu.memory_space<vmem>>, vector<1x128xf32>,
    %slice3A_903 = vector.extract_strided_slice %get3A_841 {offsets = [7, 0], sizes = [1, 128], strides = [1, 1]} : vector<16x128xf32> to vector<1x128xf32>
    %swap3A_904 = arith.constant 0 : index
    %swap3A_905 = arith.constant 896 : index
    %swap3A_906 = vector.load %arg11[%swap3A_904, %swap3A_905] : memref<2x2048xf32, #tpu.memory_space<vmem>>, vector<1x128xf32>
    tpu.vector_store %arg11[%swap3A_904, %swap3A_905], %slice3A_903 {strides = array<i32>} : memref<2x2048xf32, #tpu.memory_space<vmem>>, vector<1x128xf32>,
    %slice3A_907 = vector.extract_strided_slice %get3A_846 {offsets = [7, 0], sizes = [1, 128], strides = [1, 1]} : vector<16x128xf32> to vector<1x128xf32>
    %swap3A_908 = arith.constant 1 : index
    %swap3A_909 = arith.constant 896 : index
    %swap3A_910 = vector.load %arg11[%swap3A_908, %swap3A_909] : memref<2x2048xf32, #tpu.memory_space<vmem>>, vector<1x128xf32>
    tpu.vector_store %arg11[%swap3A_908, %swap3A_909], %slice3A_907 {strides = array<i32>} : memref<2x2048xf32, #tpu.memory_space<vmem>>, vector<1x128xf32>,
    %slice3A_911 = vector.extract_strided_slice %get3A_841 {offsets = [8, 0], sizes = [1, 128], strides = [1, 1]} : vector<16x128xf32> to vector<1x128xf32>
    %swap3A_912 = arith.constant 0 : index
    %swap3A_913 = arith.constant 1024 : index
    %swap3A_914 = vector.load %arg11[%swap3A_912, %swap3A_913] : memref<2x2048xf32, #tpu.memory_space<vmem>>, vector<1x128xf32>
    tpu.vector_store %arg11[%swap3A_912, %swap3A_913], %slice3A_911 {strides = array<i32>} : memref<2x2048xf32, #tpu.memory_space<vmem>>, vector<1x128xf32>,
    %slice3A_915 = vector.extract_strided_slice %get3A_846 {offsets = [8, 0], sizes = [1, 128], strides = [1, 1]} : vector<16x128xf32> to vector<1x128xf32>
    %swap3A_916 = arith.constant 1 : index
    %swap3A_917 = arith.constant 1024 : index
    %swap3A_918 = vector.load %arg11[%swap3A_916, %swap3A_917] : memref<2x2048xf32, #tpu.memory_space<vmem>>, vector<1x128xf32>
    tpu.vector_store %arg11[%swap3A_916, %swap3A_917], %slice3A_915 {strides = array<i32>} : memref<2x2048xf32, #tpu.memory_space<vmem>>, vector<1x128xf32>,
    %slice3A_919 = vector.extract_strided_slice %get3A_841 {offsets = [9, 0], sizes = [1, 128], strides = [1, 1]} : vector<16x128xf32> to vector<1x128xf32>
    %swap3A_920 = arith.constant 0 : index
    %swap3A_921 = arith.constant 1152 : index
    %swap3A_922 = vector.load %arg11[%swap3A_920, %swap3A_921] : memref<2x2048xf32, #tpu.memory_space<vmem>>, vector<1x128xf32>
    tpu.vector_store %arg11[%swap3A_920, %swap3A_921], %slice3A_919 {strides = array<i32>} : memref<2x2048xf32, #tpu.memory_space<vmem>>, vector<1x128xf32>,
    %slice3A_923 = vector.extract_strided_slice %get3A_846 {offsets = [9, 0], sizes = [1, 128], strides = [1, 1]} : vector<16x128xf32> to vector<1x128xf32>
    %swap3A_924 = arith.constant 1 : index
    %swap3A_925 = arith.constant 1152 : index
    %swap3A_926 = vector.load %arg11[%swap3A_924, %swap3A_925] : memref<2x2048xf32, #tpu.memory_space<vmem>>, vector<1x128xf32>
    tpu.vector_store %arg11[%swap3A_924, %swap3A_925], %slice3A_923 {strides = array<i32>} : memref<2x2048xf32, #tpu.memory_space<vmem>>, vector<1x128xf32>,
    %slice3A_927 = vector.extract_strided_slice %get3A_841 {offsets = [10, 0], sizes = [1, 128], strides = [1, 1]} : vector<16x128xf32> to vector<1x128xf32>
    %swap3A_928 = arith.constant 0 : index
    %swap3A_929 = arith.constant 1280 : index
    %swap3A_930 = vector.load %arg11[%swap3A_928, %swap3A_929] : memref<2x2048xf32, #tpu.memory_space<vmem>>, vector<1x128xf32>
    tpu.vector_store %arg11[%swap3A_928, %swap3A_929], %slice3A_927 {strides = array<i32>} : memref<2x2048xf32, #tpu.memory_space<vmem>>, vector<1x128xf32>,
    %slice3A_931 = vector.extract_strided_slice %get3A_846 {offsets = [10, 0], sizes = [1, 128], strides = [1, 1]} : vector<16x128xf32> to vector<1x128xf32>
    %swap3A_932 = arith.constant 1 : index
    %swap3A_933 = arith.constant 1280 : index
    %swap3A_934 = vector.load %arg11[%swap3A_932, %swap3A_933] : memref<2x2048xf32, #tpu.memory_space<vmem>>, vector<1x128xf32>
    tpu.vector_store %arg11[%swap3A_932, %swap3A_933], %slice3A_931 {strides = array<i32>} : memref<2x2048xf32, #tpu.memory_space<vmem>>, vector<1x128xf32>,
    %slice3A_935 = vector.extract_strided_slice %get3A_841 {offsets = [11, 0], sizes = [1, 128], strides = [1, 1]} : vector<16x128xf32> to vector<1x128xf32>
    %swap3A_936 = arith.constant 0 : index
    %swap3A_937 = arith.constant 1408 : index
    %swap3A_938 = vector.load %arg11[%swap3A_936, %swap3A_937] : memref<2x2048xf32, #tpu.memory_space<vmem>>, vector<1x128xf32>
    tpu.vector_store %arg11[%swap3A_936, %swap3A_937], %slice3A_935 {strides = array<i32>} : memref<2x2048xf32, #tpu.memory_space<vmem>>, vector<1x128xf32>,
    %slice3A_939 = vector.extract_strided_slice %get3A_846 {offsets = [11, 0], sizes = [1, 128], strides = [1, 1]} : vector<16x128xf32> to vector<1x128xf32>
    %swap3A_940 = arith.constant 1 : index
    %swap3A_941 = arith.constant 1408 : index
    %swap3A_942 = vector.load %arg11[%swap3A_940, %swap3A_941] : memref<2x2048xf32, #tpu.memory_space<vmem>>, vector<1x128xf32>
    tpu.vector_store %arg11[%swap3A_940, %swap3A_941], %slice3A_939 {strides = array<i32>} : memref<2x2048xf32, #tpu.memory_space<vmem>>, vector<1x128xf32>,
    %slice3A_943 = vector.extract_strided_slice %get3A_841 {offsets = [12, 0], sizes = [1, 128], strides = [1, 1]} : vector<16x128xf32> to vector<1x128xf32>
    %swap3A_944 = arith.constant 0 : index
    %swap3A_945 = arith.constant 1536 : index
    %swap3A_946 = vector.load %arg11[%swap3A_944, %swap3A_945] : memref<2x2048xf32, #tpu.memory_space<vmem>>, vector<1x128xf32>
    tpu.vector_store %arg11[%swap3A_944, %swap3A_945], %slice3A_943 {strides = array<i32>} : memref<2x2048xf32, #tpu.memory_space<vmem>>, vector<1x128xf32>,
    %slice3A_947 = vector.extract_strided_slice %get3A_846 {offsets = [12, 0], sizes = [1, 128], strides = [1, 1]} : vector<16x128xf32> to vector<1x128xf32>
    %swap3A_948 = arith.constant 1 : index
    %swap3A_949 = arith.constant 1536 : index
    %swap3A_950 = vector.load %arg11[%swap3A_948, %swap3A_949] : memref<2x2048xf32, #tpu.memory_space<vmem>>, vector<1x128xf32>
    tpu.vector_store %arg11[%swap3A_948, %swap3A_949], %slice3A_947 {strides = array<i32>} : memref<2x2048xf32, #tpu.memory_space<vmem>>, vector<1x128xf32>,
    %slice3A_951 = vector.extract_strided_slice %get3A_841 {offsets = [13, 0], sizes = [1, 128], strides = [1, 1]} : vector<16x128xf32> to vector<1x128xf32>
    %swap3A_952 = arith.constant 0 : index
    %swap3A_953 = arith.constant 1664 : index
    %swap3A_954 = vector.load %arg11[%swap3A_952, %swap3A_953] : memref<2x2048xf32, #tpu.memory_space<vmem>>, vector<1x128xf32>
    tpu.vector_store %arg11[%swap3A_952, %swap3A_953], %slice3A_951 {strides = array<i32>} : memref<2x2048xf32, #tpu.memory_space<vmem>>, vector<1x128xf32>,
    %slice3A_955 = vector.extract_strided_slice %get3A_846 {offsets = [13, 0], sizes = [1, 128], strides = [1, 1]} : vector<16x128xf32> to vector<1x128xf32>
    %swap3A_956 = arith.constant 1 : index
    %swap3A_957 = arith.constant 1664 : index
    %swap3A_958 = vector.load %arg11[%swap3A_956, %swap3A_957] : memref<2x2048xf32, #tpu.memory_space<vmem>>, vector<1x128xf32>
    tpu.vector_store %arg11[%swap3A_956, %swap3A_957], %slice3A_955 {strides = array<i32>} : memref<2x2048xf32, #tpu.memory_space<vmem>>, vector<1x128xf32>,
    %slice3A_959 = vector.extract_strided_slice %get3A_841 {offsets = [14, 0], sizes = [1, 128], strides = [1, 1]} : vector<16x128xf32> to vector<1x128xf32>
    %swap3A_960 = arith.constant 0 : index
    %swap3A_961 = arith.constant 1792 : index
    %swap3A_962 = vector.load %arg11[%swap3A_960, %swap3A_961] : memref<2x2048xf32, #tpu.memory_space<vmem>>, vector<1x128xf32>
    tpu.vector_store %arg11[%swap3A_960, %swap3A_961], %slice3A_959 {strides = array<i32>} : memref<2x2048xf32, #tpu.memory_space<vmem>>, vector<1x128xf32>,
    %slice3A_963 = vector.extract_strided_slice %get3A_846 {offsets = [14, 0], sizes = [1, 128], strides = [1, 1]} : vector<16x128xf32> to vector<1x128xf32>
    %swap3A_964 = arith.constant 1 : index
    %swap3A_965 = arith.constant 1792 : index
    %swap3A_966 = vector.load %arg11[%swap3A_964, %swap3A_965] : memref<2x2048xf32, #tpu.memory_space<vmem>>, vector<1x128xf32>
    tpu.vector_store %arg11[%swap3A_964, %swap3A_965], %slice3A_963 {strides = array<i32>} : memref<2x2048xf32, #tpu.memory_space<vmem>>, vector<1x128xf32>,
    %slice3A_967 = vector.extract_strided_slice %get3A_841 {offsets = [15, 0], sizes = [1, 128], strides = [1, 1]} : vector<16x128xf32> to vector<1x128xf32>
    %swap3A_968 = arith.constant 0 : index
    %swap3A_969 = arith.constant 1920 : index
    %swap3A_970 = vector.load %arg11[%swap3A_968, %swap3A_969] : memref<2x2048xf32, #tpu.memory_space<vmem>>, vector<1x128xf32>
    tpu.vector_store %arg11[%swap3A_968, %swap3A_969], %slice3A_967 {strides = array<i32>} : memref<2x2048xf32, #tpu.memory_space<vmem>>, vector<1x128xf32>,
    %slice3A_971 = vector.extract_strided_slice %get3A_846 {offsets = [15, 0], sizes = [1, 128], strides = [1, 1]} : vector<16x128xf32> to vector<1x128xf32>
    %swap3A_972 = arith.constant 1 : index
    %swap3A_973 = arith.constant 1920 : index
    %swap3A_974 = vector.load %arg11[%swap3A_972, %swap3A_973] : memref<2x2048xf32, #tpu.memory_space<vmem>>, vector<1x128xf32>
    tpu.vector_store %arg11[%swap3A_972, %swap3A_973], %slice3A_971 {strides = array<i32>} : memref<2x2048xf32, #tpu.memory_space<vmem>>, vector<1x128xf32>,
    %get3A_975 = arith.constant 0 : index
    %get3A_976 = arith.constant 0 : index
    %get3A_977 = vector.load %arg11[%get3A_975, %get3A_976] : memref<2x2048xf32, #tpu.memory_space<vmem>>, vector<2x2048xf32>
    %dot_general3A_978 = arith.constant dense<0.000000e+00> : vector<128x2048xf32>
    %dot_general3A_979 = tpu.matmul %get3A_1, %get3A_977, %dot_general3A_978 {dimension_numbers = #tpu.dot_dimension_numbers<[1], [0], [0], [1], [0, 0, 1, 1], [], []>, transpose_lhs_hint = false} : vector<128x2xf32>, vector<2x2048xf32>, vector<128x2048xf32> -> vector<128x2048xf32>
    %add3A_980 = vector.broadcast %get3A_4 : vector<128x1xf32> to vector<128x2048xf32>
    %add3A_981 = arith.addf %dot_general3A_979, %add3A_980 : vector<128x2048xf32>
    %max3A_982 = arith.constant 0.000000e+00 : f32
    %max3A_983 = vector.broadcast %max3A_982 : f32 to vector<128x2048xf32>
    %max3A_984 = arith.maximumf %add3A_981, %max3A_983 : vector<128x2048xf32>
    %dot_general3A_985 = arith.constant dense<0.000000e+00> : vector<64x2048xf32>
    %dot_general3A_986 = tpu.matmul %get3A_7, %max3A_984, %dot_general3A_985 {dimension_numbers = #tpu.dot_dimension_numbers<[1], [0], [0], [1], [0, 0, 1, 1], [], []>, transpose_lhs_hint = false} : vector<64x128xf32>, vector<128x2048xf32>, vector<64x2048xf32> -> vector<64x2048xf32>
    %add3A_987 = vector.broadcast %get3A_10 : vector<64x1xf32> to vector<64x2048xf32>
    %add3A_988 = arith.addf %dot_general3A_986, %add3A_987 : vector<64x2048xf32>
    %max3A_989 = arith.constant 0.000000e+00 : f32
    %max3A_990 = vector.broadcast %max3A_989 : f32 to vector<64x2048xf32>
    %max3A_991 = arith.maximumf %add3A_988, %max3A_990 : vector<64x2048xf32>
    %dot_general3A_992 = arith.constant dense<0.000000e+00> : vector<18x2048xf32>
    %dot_general3A_993 = tpu.matmul %get3A_13, %max3A_991, %dot_general3A_992 {dimension_numbers = #tpu.dot_dimension_numbers<[0], [0], [1], [1], [0, 1, 1, 1], [], []>, transpose_lhs_hint = false} : vector<64x18xf32>, vector<64x2048xf32>, vector<18x2048xf32> -> vector<18x2048xf32>
    %add3A_994 = vector.broadcast %get3A_16 : vector<18x1xf32> to vector<18x2048xf32>
    %add3A_995 = arith.addf %dot_general3A_993, %add3A_994 : vector<18x2048xf32>
    %swap3A_996 = arith.constant 0 : index
    %swap3A_997 = arith.constant 5 : index
    %swap3A_998 = arith.constant 0 : index
    %swap3A_999 = vector.load %arg10[%swap3A_996, %swap3A_997, %swap3A_998] : memref<18x8x2048xf32, #tpu.memory_space<vmem>>, vector<18x1x2048xf32>
    %swap3A_1000 = vector.shape_cast %swap3A_999 : vector<18x1x2048xf32> to vector<18x2048xf32>
    %swap3A_1001 = vector.shape_cast %add3A_995 : vector<18x2048xf32> to vector<18x1x2048xf32>
    tpu.vector_store %arg10[%swap3A_996, %swap3A_997, %swap3A_998], %swap3A_1001 {strides = array<i32>} : memref<18x8x2048xf32, #tpu.memory_space<vmem>>, vector<18x1x2048xf32>,
    %get3A_1002 = arith.constant 6 : index
    %get3A_1003 = arith.constant 0 : index
    %get3A_1004 = arith.constant 0 : index
    %get3A_1005 = vector.load %arg2[%get3A_1002, %get3A_1003, %get3A_1004] : memref<8x16x128xf32, #tpu.memory_space<vmem>>, vector<1x16x128xf32>
    %get3A_1006 = vector.shape_cast %get3A_1005 : vector<1x16x128xf32> to vector<16x128xf32>
    %get3A_1007 = arith.constant 6 : index
    %get3A_1008 = arith.constant 0 : index
    %get3A_1009 = arith.constant 0 : index
    %get3A_1010 = vector.load %arg3[%get3A_1007, %get3A_1008, %get3A_1009] : memref<8x16x128xf32, #tpu.memory_space<vmem>>, vector<1x16x128xf32>
    %get3A_1011 = vector.shape_cast %get3A_1010 : vector<1x16x128xf32> to vector<16x128xf32>
    %slice3A_1012 = vector.extract_strided_slice %get3A_1006 {offsets = [0, 0], sizes = [1, 128], strides = [1, 1]} : vector<16x128xf32> to vector<1x128xf32>
    %swap3A_1013 = arith.constant 0 : index
    %swap3A_1014 = arith.constant 0 : index
    %swap3A_1015 = vector.load %arg11[%swap3A_1013, %swap3A_1014] : memref<2x2048xf32, #tpu.memory_space<vmem>>, vector<1x128xf32>
    tpu.vector_store %arg11[%swap3A_1013, %swap3A_1014], %slice3A_1012 {strides = array<i32>} : memref<2x2048xf32, #tpu.memory_space<vmem>>, vector<1x128xf32>,
    %slice3A_1016 = vector.extract_strided_slice %get3A_1011 {offsets = [0, 0], sizes = [1, 128], strides = [1, 1]} : vector<16x128xf32> to vector<1x128xf32>
    %swap3A_1017 = arith.constant 1 : index
    %swap3A_1018 = arith.constant 0 : index
    %swap3A_1019 = vector.load %arg11[%swap3A_1017, %swap3A_1018] : memref<2x2048xf32, #tpu.memory_space<vmem>>, vector<1x128xf32>
    tpu.vector_store %arg11[%swap3A_1017, %swap3A_1018], %slice3A_1016 {strides = array<i32>} : memref<2x2048xf32, #tpu.memory_space<vmem>>, vector<1x128xf32>,
    %slice3A_1020 = vector.extract_strided_slice %get3A_1006 {offsets = [1, 0], sizes = [1, 128], strides = [1, 1]} : vector<16x128xf32> to vector<1x128xf32>
    %swap3A_1021 = arith.constant 0 : index
    %swap3A_1022 = arith.constant 128 : index
    %swap3A_1023 = vector.load %arg11[%swap3A_1021, %swap3A_1022] : memref<2x2048xf32, #tpu.memory_space<vmem>>, vector<1x128xf32>
    tpu.vector_store %arg11[%swap3A_1021, %swap3A_1022], %slice3A_1020 {strides = array<i32>} : memref<2x2048xf32, #tpu.memory_space<vmem>>, vector<1x128xf32>,
    %slice3A_1024 = vector.extract_strided_slice %get3A_1011 {offsets = [1, 0], sizes = [1, 128], strides = [1, 1]} : vector<16x128xf32> to vector<1x128xf32>
    %swap3A_1025 = arith.constant 1 : index
    %swap3A_1026 = arith.constant 128 : index
    %swap3A_1027 = vector.load %arg11[%swap3A_1025, %swap3A_1026] : memref<2x2048xf32, #tpu.memory_space<vmem>>, vector<1x128xf32>
    tpu.vector_store %arg11[%swap3A_1025, %swap3A_1026], %slice3A_1024 {strides = array<i32>} : memref<2x2048xf32, #tpu.memory_space<vmem>>, vector<1x128xf32>,
    %slice3A_1028 = vector.extract_strided_slice %get3A_1006 {offsets = [2, 0], sizes = [1, 128], strides = [1, 1]} : vector<16x128xf32> to vector<1x128xf32>
    %swap3A_1029 = arith.constant 0 : index
    %swap3A_1030 = arith.constant 256 : index
    %swap3A_1031 = vector.load %arg11[%swap3A_1029, %swap3A_1030] : memref<2x2048xf32, #tpu.memory_space<vmem>>, vector<1x128xf32>
    tpu.vector_store %arg11[%swap3A_1029, %swap3A_1030], %slice3A_1028 {strides = array<i32>} : memref<2x2048xf32, #tpu.memory_space<vmem>>, vector<1x128xf32>,
    %slice3A_1032 = vector.extract_strided_slice %get3A_1011 {offsets = [2, 0], sizes = [1, 128], strides = [1, 1]} : vector<16x128xf32> to vector<1x128xf32>
    %swap3A_1033 = arith.constant 1 : index
    %swap3A_1034 = arith.constant 256 : index
    %swap3A_1035 = vector.load %arg11[%swap3A_1033, %swap3A_1034] : memref<2x2048xf32, #tpu.memory_space<vmem>>, vector<1x128xf32>
    tpu.vector_store %arg11[%swap3A_1033, %swap3A_1034], %slice3A_1032 {strides = array<i32>} : memref<2x2048xf32, #tpu.memory_space<vmem>>, vector<1x128xf32>,
    %slice3A_1036 = vector.extract_strided_slice %get3A_1006 {offsets = [3, 0], sizes = [1, 128], strides = [1, 1]} : vector<16x128xf32> to vector<1x128xf32>
    %swap3A_1037 = arith.constant 0 : index
    %swap3A_1038 = arith.constant 384 : index
    %swap3A_1039 = vector.load %arg11[%swap3A_1037, %swap3A_1038] : memref<2x2048xf32, #tpu.memory_space<vmem>>, vector<1x128xf32>
    tpu.vector_store %arg11[%swap3A_1037, %swap3A_1038], %slice3A_1036 {strides = array<i32>} : memref<2x2048xf32, #tpu.memory_space<vmem>>, vector<1x128xf32>,
    %slice3A_1040 = vector.extract_strided_slice %get3A_1011 {offsets = [3, 0], sizes = [1, 128], strides = [1, 1]} : vector<16x128xf32> to vector<1x128xf32>
    %swap3A_1041 = arith.constant 1 : index
    %swap3A_1042 = arith.constant 384 : index
    %swap3A_1043 = vector.load %arg11[%swap3A_1041, %swap3A_1042] : memref<2x2048xf32, #tpu.memory_space<vmem>>, vector<1x128xf32>
    tpu.vector_store %arg11[%swap3A_1041, %swap3A_1042], %slice3A_1040 {strides = array<i32>} : memref<2x2048xf32, #tpu.memory_space<vmem>>, vector<1x128xf32>,
    %slice3A_1044 = vector.extract_strided_slice %get3A_1006 {offsets = [4, 0], sizes = [1, 128], strides = [1, 1]} : vector<16x128xf32> to vector<1x128xf32>
    %swap3A_1045 = arith.constant 0 : index
    %swap3A_1046 = arith.constant 512 : index
    %swap3A_1047 = vector.load %arg11[%swap3A_1045, %swap3A_1046] : memref<2x2048xf32, #tpu.memory_space<vmem>>, vector<1x128xf32>
    tpu.vector_store %arg11[%swap3A_1045, %swap3A_1046], %slice3A_1044 {strides = array<i32>} : memref<2x2048xf32, #tpu.memory_space<vmem>>, vector<1x128xf32>,
    %slice3A_1048 = vector.extract_strided_slice %get3A_1011 {offsets = [4, 0], sizes = [1, 128], strides = [1, 1]} : vector<16x128xf32> to vector<1x128xf32>
    %swap3A_1049 = arith.constant 1 : index
    %swap3A_1050 = arith.constant 512 : index
    %swap3A_1051 = vector.load %arg11[%swap3A_1049, %swap3A_1050] : memref<2x2048xf32, #tpu.memory_space<vmem>>, vector<1x128xf32>
    tpu.vector_store %arg11[%swap3A_1049, %swap3A_1050], %slice3A_1048 {strides = array<i32>} : memref<2x2048xf32, #tpu.memory_space<vmem>>, vector<1x128xf32>,
    %slice3A_1052 = vector.extract_strided_slice %get3A_1006 {offsets = [5, 0], sizes = [1, 128], strides = [1, 1]} : vector<16x128xf32> to vector<1x128xf32>
    %swap3A_1053 = arith.constant 0 : index
    %swap3A_1054 = arith.constant 640 : index
    %swap3A_1055 = vector.load %arg11[%swap3A_1053, %swap3A_1054] : memref<2x2048xf32, #tpu.memory_space<vmem>>, vector<1x128xf32>
    tpu.vector_store %arg11[%swap3A_1053, %swap3A_1054], %slice3A_1052 {strides = array<i32>} : memref<2x2048xf32, #tpu.memory_space<vmem>>, vector<1x128xf32>,
    %slice3A_1056 = vector.extract_strided_slice %get3A_1011 {offsets = [5, 0], sizes = [1, 128], strides = [1, 1]} : vector<16x128xf32> to vector<1x128xf32>
    %swap3A_1057 = arith.constant 1 : index
    %swap3A_1058 = arith.constant 640 : index
    %swap3A_1059 = vector.load %arg11[%swap3A_1057, %swap3A_1058] : memref<2x2048xf32, #tpu.memory_space<vmem>>, vector<1x128xf32>
    tpu.vector_store %arg11[%swap3A_1057, %swap3A_1058], %slice3A_1056 {strides = array<i32>} : memref<2x2048xf32, #tpu.memory_space<vmem>>, vector<1x128xf32>,
    %slice3A_1060 = vector.extract_strided_slice %get3A_1006 {offsets = [6, 0], sizes = [1, 128], strides = [1, 1]} : vector<16x128xf32> to vector<1x128xf32>
    %swap3A_1061 = arith.constant 0 : index
    %swap3A_1062 = arith.constant 768 : index
    %swap3A_1063 = vector.load %arg11[%swap3A_1061, %swap3A_1062] : memref<2x2048xf32, #tpu.memory_space<vmem>>, vector<1x128xf32>
    tpu.vector_store %arg11[%swap3A_1061, %swap3A_1062], %slice3A_1060 {strides = array<i32>} : memref<2x2048xf32, #tpu.memory_space<vmem>>, vector<1x128xf32>,
    %slice3A_1064 = vector.extract_strided_slice %get3A_1011 {offsets = [6, 0], sizes = [1, 128], strides = [1, 1]} : vector<16x128xf32> to vector<1x128xf32>
    %swap3A_1065 = arith.constant 1 : index
    %swap3A_1066 = arith.constant 768 : index
    %swap3A_1067 = vector.load %arg11[%swap3A_1065, %swap3A_1066] : memref<2x2048xf32, #tpu.memory_space<vmem>>, vector<1x128xf32>
    tpu.vector_store %arg11[%swap3A_1065, %swap3A_1066], %slice3A_1064 {strides = array<i32>} : memref<2x2048xf32, #tpu.memory_space<vmem>>, vector<1x128xf32>,
    %slice3A_1068 = vector.extract_strided_slice %get3A_1006 {offsets = [7, 0], sizes = [1, 128], strides = [1, 1]} : vector<16x128xf32> to vector<1x128xf32>
    %swap3A_1069 = arith.constant 0 : index
    %swap3A_1070 = arith.constant 896 : index
    %swap3A_1071 = vector.load %arg11[%swap3A_1069, %swap3A_1070] : memref<2x2048xf32, #tpu.memory_space<vmem>>, vector<1x128xf32>
    tpu.vector_store %arg11[%swap3A_1069, %swap3A_1070], %slice3A_1068 {strides = array<i32>} : memref<2x2048xf32, #tpu.memory_space<vmem>>, vector<1x128xf32>,
    %slice3A_1072 = vector.extract_strided_slice %get3A_1011 {offsets = [7, 0], sizes = [1, 128], strides = [1, 1]} : vector<16x128xf32> to vector<1x128xf32>
    %swap3A_1073 = arith.constant 1 : index
    %swap3A_1074 = arith.constant 896 : index
    %swap3A_1075 = vector.load %arg11[%swap3A_1073, %swap3A_1074] : memref<2x2048xf32, #tpu.memory_space<vmem>>, vector<1x128xf32>
    tpu.vector_store %arg11[%swap3A_1073, %swap3A_1074], %slice3A_1072 {strides = array<i32>} : memref<2x2048xf32, #tpu.memory_space<vmem>>, vector<1x128xf32>,
    %slice3A_1076 = vector.extract_strided_slice %get3A_1006 {offsets = [8, 0], sizes = [1, 128], strides = [1, 1]} : vector<16x128xf32> to vector<1x128xf32>
    %swap3A_1077 = arith.constant 0 : index
    %swap3A_1078 = arith.constant 1024 : index
    %swap3A_1079 = vector.load %arg11[%swap3A_1077, %swap3A_1078] : memref<2x2048xf32, #tpu.memory_space<vmem>>, vector<1x128xf32>
    tpu.vector_store %arg11[%swap3A_1077, %swap3A_1078], %slice3A_1076 {strides = array<i32>} : memref<2x2048xf32, #tpu.memory_space<vmem>>, vector<1x128xf32>,
    %slice3A_1080 = vector.extract_strided_slice %get3A_1011 {offsets = [8, 0], sizes = [1, 128], strides = [1, 1]} : vector<16x128xf32> to vector<1x128xf32>
    %swap3A_1081 = arith.constant 1 : index
    %swap3A_1082 = arith.constant 1024 : index
    %swap3A_1083 = vector.load %arg11[%swap3A_1081, %swap3A_1082] : memref<2x2048xf32, #tpu.memory_space<vmem>>, vector<1x128xf32>
    tpu.vector_store %arg11[%swap3A_1081, %swap3A_1082], %slice3A_1080 {strides = array<i32>} : memref<2x2048xf32, #tpu.memory_space<vmem>>, vector<1x128xf32>,
    %slice3A_1084 = vector.extract_strided_slice %get3A_1006 {offsets = [9, 0], sizes = [1, 128], strides = [1, 1]} : vector<16x128xf32> to vector<1x128xf32>
    %swap3A_1085 = arith.constant 0 : index
    %swap3A_1086 = arith.constant 1152 : index
    %swap3A_1087 = vector.load %arg11[%swap3A_1085, %swap3A_1086] : memref<2x2048xf32, #tpu.memory_space<vmem>>, vector<1x128xf32>
    tpu.vector_store %arg11[%swap3A_1085, %swap3A_1086], %slice3A_1084 {strides = array<i32>} : memref<2x2048xf32, #tpu.memory_space<vmem>>, vector<1x128xf32>,
    %slice3A_1088 = vector.extract_strided_slice %get3A_1011 {offsets = [9, 0], sizes = [1, 128], strides = [1, 1]} : vector<16x128xf32> to vector<1x128xf32>
    %swap3A_1089 = arith.constant 1 : index
    %swap3A_1090 = arith.constant 1152 : index
    %swap3A_1091 = vector.load %arg11[%swap3A_1089, %swap3A_1090] : memref<2x2048xf32, #tpu.memory_space<vmem>>, vector<1x128xf32>
    tpu.vector_store %arg11[%swap3A_1089, %swap3A_1090], %slice3A_1088 {strides = array<i32>} : memref<2x2048xf32, #tpu.memory_space<vmem>>, vector<1x128xf32>,
    %slice3A_1092 = vector.extract_strided_slice %get3A_1006 {offsets = [10, 0], sizes = [1, 128], strides = [1, 1]} : vector<16x128xf32> to vector<1x128xf32>
    %swap3A_1093 = arith.constant 0 : index
    %swap3A_1094 = arith.constant 1280 : index
    %swap3A_1095 = vector.load %arg11[%swap3A_1093, %swap3A_1094] : memref<2x2048xf32, #tpu.memory_space<vmem>>, vector<1x128xf32>
    tpu.vector_store %arg11[%swap3A_1093, %swap3A_1094], %slice3A_1092 {strides = array<i32>} : memref<2x2048xf32, #tpu.memory_space<vmem>>, vector<1x128xf32>,
    %slice3A_1096 = vector.extract_strided_slice %get3A_1011 {offsets = [10, 0], sizes = [1, 128], strides = [1, 1]} : vector<16x128xf32> to vector<1x128xf32>
    %swap3A_1097 = arith.constant 1 : index
    %swap3A_1098 = arith.constant 1280 : index
    %swap3A_1099 = vector.load %arg11[%swap3A_1097, %swap3A_1098] : memref<2x2048xf32, #tpu.memory_space<vmem>>, vector<1x128xf32>
    tpu.vector_store %arg11[%swap3A_1097, %swap3A_1098], %slice3A_1096 {strides = array<i32>} : memref<2x2048xf32, #tpu.memory_space<vmem>>, vector<1x128xf32>,
    %slice3A_1100 = vector.extract_strided_slice %get3A_1006 {offsets = [11, 0], sizes = [1, 128], strides = [1, 1]} : vector<16x128xf32> to vector<1x128xf32>
    %swap3A_1101 = arith.constant 0 : index
    %swap3A_1102 = arith.constant 1408 : index
    %swap3A_1103 = vector.load %arg11[%swap3A_1101, %swap3A_1102] : memref<2x2048xf32, #tpu.memory_space<vmem>>, vector<1x128xf32>
    tpu.vector_store %arg11[%swap3A_1101, %swap3A_1102], %slice3A_1100 {strides = array<i32>} : memref<2x2048xf32, #tpu.memory_space<vmem>>, vector<1x128xf32>,
    %slice3A_1104 = vector.extract_strided_slice %get3A_1011 {offsets = [11, 0], sizes = [1, 128], strides = [1, 1]} : vector<16x128xf32> to vector<1x128xf32>
    %swap3A_1105 = arith.constant 1 : index
    %swap3A_1106 = arith.constant 1408 : index
    %swap3A_1107 = vector.load %arg11[%swap3A_1105, %swap3A_1106] : memref<2x2048xf32, #tpu.memory_space<vmem>>, vector<1x128xf32>
    tpu.vector_store %arg11[%swap3A_1105, %swap3A_1106], %slice3A_1104 {strides = array<i32>} : memref<2x2048xf32, #tpu.memory_space<vmem>>, vector<1x128xf32>,
    %slice3A_1108 = vector.extract_strided_slice %get3A_1006 {offsets = [12, 0], sizes = [1, 128], strides = [1, 1]} : vector<16x128xf32> to vector<1x128xf32>
    %swap3A_1109 = arith.constant 0 : index
    %swap3A_1110 = arith.constant 1536 : index
    %swap3A_1111 = vector.load %arg11[%swap3A_1109, %swap3A_1110] : memref<2x2048xf32, #tpu.memory_space<vmem>>, vector<1x128xf32>
    tpu.vector_store %arg11[%swap3A_1109, %swap3A_1110], %slice3A_1108 {strides = array<i32>} : memref<2x2048xf32, #tpu.memory_space<vmem>>, vector<1x128xf32>,
    %slice3A_1112 = vector.extract_strided_slice %get3A_1011 {offsets = [12, 0], sizes = [1, 128], strides = [1, 1]} : vector<16x128xf32> to vector<1x128xf32>
    %swap3A_1113 = arith.constant 1 : index
    %swap3A_1114 = arith.constant 1536 : index
    %swap3A_1115 = vector.load %arg11[%swap3A_1113, %swap3A_1114] : memref<2x2048xf32, #tpu.memory_space<vmem>>, vector<1x128xf32>
    tpu.vector_store %arg11[%swap3A_1113, %swap3A_1114], %slice3A_1112 {strides = array<i32>} : memref<2x2048xf32, #tpu.memory_space<vmem>>, vector<1x128xf32>,
    %slice3A_1116 = vector.extract_strided_slice %get3A_1006 {offsets = [13, 0], sizes = [1, 128], strides = [1, 1]} : vector<16x128xf32> to vector<1x128xf32>
    %swap3A_1117 = arith.constant 0 : index
    %swap3A_1118 = arith.constant 1664 : index
    %swap3A_1119 = vector.load %arg11[%swap3A_1117, %swap3A_1118] : memref<2x2048xf32, #tpu.memory_space<vmem>>, vector<1x128xf32>
    tpu.vector_store %arg11[%swap3A_1117, %swap3A_1118], %slice3A_1116 {strides = array<i32>} : memref<2x2048xf32, #tpu.memory_space<vmem>>, vector<1x128xf32>,
    %slice3A_1120 = vector.extract_strided_slice %get3A_1011 {offsets = [13, 0], sizes = [1, 128], strides = [1, 1]} : vector<16x128xf32> to vector<1x128xf32>
    %swap3A_1121 = arith.constant 1 : index
    %swap3A_1122 = arith.constant 1664 : index
    %swap3A_1123 = vector.load %arg11[%swap3A_1121, %swap3A_1122] : memref<2x2048xf32, #tpu.memory_space<vmem>>, vector<1x128xf32>
    tpu.vector_store %arg11[%swap3A_1121, %swap3A_1122], %slice3A_1120 {strides = array<i32>} : memref<2x2048xf32, #tpu.memory_space<vmem>>, vector<1x128xf32>,
    %slice3A_1124 = vector.extract_strided_slice %get3A_1006 {offsets = [14, 0], sizes = [1, 128], strides = [1, 1]} : vector<16x128xf32> to vector<1x128xf32>
    %swap3A_1125 = arith.constant 0 : index
    %swap3A_1126 = arith.constant 1792 : index
    %swap3A_1127 = vector.load %arg11[%swap3A_1125, %swap3A_1126] : memref<2x2048xf32, #tpu.memory_space<vmem>>, vector<1x128xf32>
    tpu.vector_store %arg11[%swap3A_1125, %swap3A_1126], %slice3A_1124 {strides = array<i32>} : memref<2x2048xf32, #tpu.memory_space<vmem>>, vector<1x128xf32>,
    %slice3A_1128 = vector.extract_strided_slice %get3A_1011 {offsets = [14, 0], sizes = [1, 128], strides = [1, 1]} : vector<16x128xf32> to vector<1x128xf32>
    %swap3A_1129 = arith.constant 1 : index
    %swap3A_1130 = arith.constant 1792 : index
    %swap3A_1131 = vector.load %arg11[%swap3A_1129, %swap3A_1130] : memref<2x2048xf32, #tpu.memory_space<vmem>>, vector<1x128xf32>
    tpu.vector_store %arg11[%swap3A_1129, %swap3A_1130], %slice3A_1128 {strides = array<i32>} : memref<2x2048xf32, #tpu.memory_space<vmem>>, vector<1x128xf32>,
    %slice3A_1132 = vector.extract_strided_slice %get3A_1006 {offsets = [15, 0], sizes = [1, 128], strides = [1, 1]} : vector<16x128xf32> to vector<1x128xf32>
    %swap3A_1133 = arith.constant 0 : index
    %swap3A_1134 = arith.constant 1920 : index
    %swap3A_1135 = vector.load %arg11[%swap3A_1133, %swap3A_1134] : memref<2x2048xf32, #tpu.memory_space<vmem>>, vector<1x128xf32>
    tpu.vector_store %arg11[%swap3A_1133, %swap3A_1134], %slice3A_1132 {strides = array<i32>} : memref<2x2048xf32, #tpu.memory_space<vmem>>, vector<1x128xf32>,
    %slice3A_1136 = vector.extract_strided_slice %get3A_1011 {offsets = [15, 0], sizes = [1, 128], strides = [1, 1]} : vector<16x128xf32> to vector<1x128xf32>
    %swap3A_1137 = arith.constant 1 : index
    %swap3A_1138 = arith.constant 1920 : index
    %swap3A_1139 = vector.load %arg11[%swap3A_1137, %swap3A_1138] : memref<2x2048xf32, #tpu.memory_space<vmem>>, vector<1x128xf32>
    tpu.vector_store %arg11[%swap3A_1137, %swap3A_1138], %slice3A_1136 {strides = array<i32>} : memref<2x2048xf32, #tpu.memory_space<vmem>>, vector<1x128xf32>,
    %get3A_1140 = arith.constant 0 : index
    %get3A_1141 = arith.constant 0 : index
    %get3A_1142 = vector.load %arg11[%get3A_1140, %get3A_1141] : memref<2x2048xf32, #tpu.memory_space<vmem>>, vector<2x2048xf32>
    %dot_general3A_1143 = arith.constant dense<0.000000e+00> : vector<128x2048xf32>
    %dot_general3A_1144 = tpu.matmul %get3A_1, %get3A_1142, %dot_general3A_1143 {dimension_numbers = #tpu.dot_dimension_numbers<[1], [0], [0], [1], [0, 0, 1, 1], [], []>, transpose_lhs_hint = false} : vector<128x2xf32>, vector<2x2048xf32>, vector<128x2048xf32> -> vector<128x2048xf32>
    %add3A_1145 = vector.broadcast %get3A_4 : vector<128x1xf32> to vector<128x2048xf32>
    %add3A_1146 = arith.addf %dot_general3A_1144, %add3A_1145 : vector<128x2048xf32>
    %max3A_1147 = arith.constant 0.000000e+00 : f32
    %max3A_1148 = vector.broadcast %max3A_1147 : f32 to vector<128x2048xf32>
    %max3A_1149 = arith.maximumf %add3A_1146, %max3A_1148 : vector<128x2048xf32>
    %dot_general3A_1150 = arith.constant dense<0.000000e+00> : vector<64x2048xf32>
    %dot_general3A_1151 = tpu.matmul %get3A_7, %max3A_1149, %dot_general3A_1150 {dimension_numbers = #tpu.dot_dimension_numbers<[1], [0], [0], [1], [0, 0, 1, 1], [], []>, transpose_lhs_hint = false} : vector<64x128xf32>, vector<128x2048xf32>, vector<64x2048xf32> -> vector<64x2048xf32>
    %add3A_1152 = vector.broadcast %get3A_10 : vector<64x1xf32> to vector<64x2048xf32>
    %add3A_1153 = arith.addf %dot_general3A_1151, %add3A_1152 : vector<64x2048xf32>
    %max3A_1154 = arith.constant 0.000000e+00 : f32
    %max3A_1155 = vector.broadcast %max3A_1154 : f32 to vector<64x2048xf32>
    %max3A_1156 = arith.maximumf %add3A_1153, %max3A_1155 : vector<64x2048xf32>
    %dot_general3A_1157 = arith.constant dense<0.000000e+00> : vector<18x2048xf32>
    %dot_general3A_1158 = tpu.matmul %get3A_13, %max3A_1156, %dot_general3A_1157 {dimension_numbers = #tpu.dot_dimension_numbers<[0], [0], [1], [1], [0, 1, 1, 1], [], []>, transpose_lhs_hint = false} : vector<64x18xf32>, vector<64x2048xf32>, vector<18x2048xf32> -> vector<18x2048xf32>
    %add3A_1159 = vector.broadcast %get3A_16 : vector<18x1xf32> to vector<18x2048xf32>
    %add3A_1160 = arith.addf %dot_general3A_1158, %add3A_1159 : vector<18x2048xf32>
    %swap3A_1161 = arith.constant 0 : index
    %swap3A_1162 = arith.constant 6 : index
    %swap3A_1163 = arith.constant 0 : index
    %swap3A_1164 = vector.load %arg10[%swap3A_1161, %swap3A_1162, %swap3A_1163] : memref<18x8x2048xf32, #tpu.memory_space<vmem>>, vector<18x1x2048xf32>
    %swap3A_1165 = vector.shape_cast %swap3A_1164 : vector<18x1x2048xf32> to vector<18x2048xf32>
    %swap3A_1166 = vector.shape_cast %add3A_1160 : vector<18x2048xf32> to vector<18x1x2048xf32>
    tpu.vector_store %arg10[%swap3A_1161, %swap3A_1162, %swap3A_1163], %swap3A_1166 {strides = array<i32>} : memref<18x8x2048xf32, #tpu.memory_space<vmem>>, vector<18x1x2048xf32>,
    %get3A_1167 = arith.constant 7 : index
    %get3A_1168 = arith.constant 0 : index
    %get3A_1169 = arith.constant 0 : index
    %get3A_1170 = vector.load %arg2[%get3A_1167, %get3A_1168, %get3A_1169] : memref<8x16x128xf32, #tpu.memory_space<vmem>>, vector<1x16x128xf32>
    %get3A_1171 = vector.shape_cast %get3A_1170 : vector<1x16x128xf32> to vector<16x128xf32>
    %get3A_1172 = arith.constant 7 : index
    %get3A_1173 = arith.constant 0 : index
    %get3A_1174 = arith.constant 0 : index
    %get3A_1175 = vector.load %arg3[%get3A_1172, %get3A_1173, %get3A_1174] : memref<8x16x128xf32, #tpu.memory_space<vmem>>, vector<1x16x128xf32>
    %get3A_1176 = vector.shape_cast %get3A_1175 : vector<1x16x128xf32> to vector<16x128xf32>
    %slice3A_1177 = vector.extract_strided_slice %get3A_1171 {offsets = [0, 0], sizes = [1, 128], strides = [1, 1]} : vector<16x128xf32> to vector<1x128xf32>
    %swap3A_1178 = arith.constant 0 : index
    %swap3A_1179 = arith.constant 0 : index
    %swap3A_1180 = vector.load %arg11[%swap3A_1178, %swap3A_1179] : memref<2x2048xf32, #tpu.memory_space<vmem>>, vector<1x128xf32>
    tpu.vector_store %arg11[%swap3A_1178, %swap3A_1179], %slice3A_1177 {strides = array<i32>} : memref<2x2048xf32, #tpu.memory_space<vmem>>, vector<1x128xf32>,
    %slice3A_1181 = vector.extract_strided_slice %get3A_1176 {offsets = [0, 0], sizes = [1, 128], strides = [1, 1]} : vector<16x128xf32> to vector<1x128xf32>
    %swap3A_1182 = arith.constant 1 : index
    %swap3A_1183 = arith.constant 0 : index
    %swap3A_1184 = vector.load %arg11[%swap3A_1182, %swap3A_1183] : memref<2x2048xf32, #tpu.memory_space<vmem>>, vector<1x128xf32>
    tpu.vector_store %arg11[%swap3A_1182, %swap3A_1183], %slice3A_1181 {strides = array<i32>} : memref<2x2048xf32, #tpu.memory_space<vmem>>, vector<1x128xf32>,
    %slice3A_1185 = vector.extract_strided_slice %get3A_1171 {offsets = [1, 0], sizes = [1, 128], strides = [1, 1]} : vector<16x128xf32> to vector<1x128xf32>
    %swap3A_1186 = arith.constant 0 : index
    %swap3A_1187 = arith.constant 128 : index
    %swap3A_1188 = vector.load %arg11[%swap3A_1186, %swap3A_1187] : memref<2x2048xf32, #tpu.memory_space<vmem>>, vector<1x128xf32>
    tpu.vector_store %arg11[%swap3A_1186, %swap3A_1187], %slice3A_1185 {strides = array<i32>} : memref<2x2048xf32, #tpu.memory_space<vmem>>, vector<1x128xf32>,
    %slice3A_1189 = vector.extract_strided_slice %get3A_1176 {offsets = [1, 0], sizes = [1, 128], strides = [1, 1]} : vector<16x128xf32> to vector<1x128xf32>
    %swap3A_1190 = arith.constant 1 : index
    %swap3A_1191 = arith.constant 128 : index
    %swap3A_1192 = vector.load %arg11[%swap3A_1190, %swap3A_1191] : memref<2x2048xf32, #tpu.memory_space<vmem>>, vector<1x128xf32>
    tpu.vector_store %arg11[%swap3A_1190, %swap3A_1191], %slice3A_1189 {strides = array<i32>} : memref<2x2048xf32, #tpu.memory_space<vmem>>, vector<1x128xf32>,
    %slice3A_1193 = vector.extract_strided_slice %get3A_1171 {offsets = [2, 0], sizes = [1, 128], strides = [1, 1]} : vector<16x128xf32> to vector<1x128xf32>
    %swap3A_1194 = arith.constant 0 : index
    %swap3A_1195 = arith.constant 256 : index
    %swap3A_1196 = vector.load %arg11[%swap3A_1194, %swap3A_1195] : memref<2x2048xf32, #tpu.memory_space<vmem>>, vector<1x128xf32>
    tpu.vector_store %arg11[%swap3A_1194, %swap3A_1195], %slice3A_1193 {strides = array<i32>} : memref<2x2048xf32, #tpu.memory_space<vmem>>, vector<1x128xf32>,
    %slice3A_1197 = vector.extract_strided_slice %get3A_1176 {offsets = [2, 0], sizes = [1, 128], strides = [1, 1]} : vector<16x128xf32> to vector<1x128xf32>
    %swap3A_1198 = arith.constant 1 : index
    %swap3A_1199 = arith.constant 256 : index
    %swap3A_1200 = vector.load %arg11[%swap3A_1198, %swap3A_1199] : memref<2x2048xf32, #tpu.memory_space<vmem>>, vector<1x128xf32>
    tpu.vector_store %arg11[%swap3A_1198, %swap3A_1199], %slice3A_1197 {strides = array<i32>} : memref<2x2048xf32, #tpu.memory_space<vmem>>, vector<1x128xf32>,
    %slice3A_1201 = vector.extract_strided_slice %get3A_1171 {offsets = [3, 0], sizes = [1, 128], strides = [1, 1]} : vector<16x128xf32> to vector<1x128xf32>
    %swap3A_1202 = arith.constant 0 : index
    %swap3A_1203 = arith.constant 384 : index
    %swap3A_1204 = vector.load %arg11[%swap3A_1202, %swap3A_1203] : memref<2x2048xf32, #tpu.memory_space<vmem>>, vector<1x128xf32>
    tpu.vector_store %arg11[%swap3A_1202, %swap3A_1203], %slice3A_1201 {strides = array<i32>} : memref<2x2048xf32, #tpu.memory_space<vmem>>, vector<1x128xf32>,
    %slice3A_1205 = vector.extract_strided_slice %get3A_1176 {offsets = [3, 0], sizes = [1, 128], strides = [1, 1]} : vector<16x128xf32> to vector<1x128xf32>
    %swap3A_1206 = arith.constant 1 : index
    %swap3A_1207 = arith.constant 384 : index
    %swap3A_1208 = vector.load %arg11[%swap3A_1206, %swap3A_1207] : memref<2x2048xf32, #tpu.memory_space<vmem>>, vector<1x128xf32>
    tpu.vector_store %arg11[%swap3A_1206, %swap3A_1207], %slice3A_1205 {strides = array<i32>} : memref<2x2048xf32, #tpu.memory_space<vmem>>, vector<1x128xf32>,
    %slice3A_1209 = vector.extract_strided_slice %get3A_1171 {offsets = [4, 0], sizes = [1, 128], strides = [1, 1]} : vector<16x128xf32> to vector<1x128xf32>
    %swap3A_1210 = arith.constant 0 : index
    %swap3A_1211 = arith.constant 512 : index
    %swap3A_1212 = vector.load %arg11[%swap3A_1210, %swap3A_1211] : memref<2x2048xf32, #tpu.memory_space<vmem>>, vector<1x128xf32>
    tpu.vector_store %arg11[%swap3A_1210, %swap3A_1211], %slice3A_1209 {strides = array<i32>} : memref<2x2048xf32, #tpu.memory_space<vmem>>, vector<1x128xf32>,
    %slice3A_1213 = vector.extract_strided_slice %get3A_1176 {offsets = [4, 0], sizes = [1, 128], strides = [1, 1]} : vector<16x128xf32> to vector<1x128xf32>
    %swap3A_1214 = arith.constant 1 : index
    %swap3A_1215 = arith.constant 512 : index
    %swap3A_1216 = vector.load %arg11[%swap3A_1214, %swap3A_1215] : memref<2x2048xf32, #tpu.memory_space<vmem>>, vector<1x128xf32>
    tpu.vector_store %arg11[%swap3A_1214, %swap3A_1215], %slice3A_1213 {strides = array<i32>} : memref<2x2048xf32, #tpu.memory_space<vmem>>, vector<1x128xf32>,
    %slice3A_1217 = vector.extract_strided_slice %get3A_1171 {offsets = [5, 0], sizes = [1, 128], strides = [1, 1]} : vector<16x128xf32> to vector<1x128xf32>
    %swap3A_1218 = arith.constant 0 : index
    %swap3A_1219 = arith.constant 640 : index
    %swap3A_1220 = vector.load %arg11[%swap3A_1218, %swap3A_1219] : memref<2x2048xf32, #tpu.memory_space<vmem>>, vector<1x128xf32>
    tpu.vector_store %arg11[%swap3A_1218, %swap3A_1219], %slice3A_1217 {strides = array<i32>} : memref<2x2048xf32, #tpu.memory_space<vmem>>, vector<1x128xf32>,
    %slice3A_1221 = vector.extract_strided_slice %get3A_1176 {offsets = [5, 0], sizes = [1, 128], strides = [1, 1]} : vector<16x128xf32> to vector<1x128xf32>
    %swap3A_1222 = arith.constant 1 : index
    %swap3A_1223 = arith.constant 640 : index
    %swap3A_1224 = vector.load %arg11[%swap3A_1222, %swap3A_1223] : memref<2x2048xf32, #tpu.memory_space<vmem>>, vector<1x128xf32>
    tpu.vector_store %arg11[%swap3A_1222, %swap3A_1223], %slice3A_1221 {strides = array<i32>} : memref<2x2048xf32, #tpu.memory_space<vmem>>, vector<1x128xf32>,
    %slice3A_1225 = vector.extract_strided_slice %get3A_1171 {offsets = [6, 0], sizes = [1, 128], strides = [1, 1]} : vector<16x128xf32> to vector<1x128xf32>
    %swap3A_1226 = arith.constant 0 : index
    %swap3A_1227 = arith.constant 768 : index
    %swap3A_1228 = vector.load %arg11[%swap3A_1226, %swap3A_1227] : memref<2x2048xf32, #tpu.memory_space<vmem>>, vector<1x128xf32>
    tpu.vector_store %arg11[%swap3A_1226, %swap3A_1227], %slice3A_1225 {strides = array<i32>} : memref<2x2048xf32, #tpu.memory_space<vmem>>, vector<1x128xf32>,
    %slice3A_1229 = vector.extract_strided_slice %get3A_1176 {offsets = [6, 0], sizes = [1, 128], strides = [1, 1]} : vector<16x128xf32> to vector<1x128xf32>
    %swap3A_1230 = arith.constant 1 : index
    %swap3A_1231 = arith.constant 768 : index
    %swap3A_1232 = vector.load %arg11[%swap3A_1230, %swap3A_1231] : memref<2x2048xf32, #tpu.memory_space<vmem>>, vector<1x128xf32>
    tpu.vector_store %arg11[%swap3A_1230, %swap3A_1231], %slice3A_1229 {strides = array<i32>} : memref<2x2048xf32, #tpu.memory_space<vmem>>, vector<1x128xf32>,
    %slice3A_1233 = vector.extract_strided_slice %get3A_1171 {offsets = [7, 0], sizes = [1, 128], strides = [1, 1]} : vector<16x128xf32> to vector<1x128xf32>
    %swap3A_1234 = arith.constant 0 : index
    %swap3A_1235 = arith.constant 896 : index
    %swap3A_1236 = vector.load %arg11[%swap3A_1234, %swap3A_1235] : memref<2x2048xf32, #tpu.memory_space<vmem>>, vector<1x128xf32>
    tpu.vector_store %arg11[%swap3A_1234, %swap3A_1235], %slice3A_1233 {strides = array<i32>} : memref<2x2048xf32, #tpu.memory_space<vmem>>, vector<1x128xf32>,
    %slice3A_1237 = vector.extract_strided_slice %get3A_1176 {offsets = [7, 0], sizes = [1, 128], strides = [1, 1]} : vector<16x128xf32> to vector<1x128xf32>
    %swap3A_1238 = arith.constant 1 : index
    %swap3A_1239 = arith.constant 896 : index
    %swap3A_1240 = vector.load %arg11[%swap3A_1238, %swap3A_1239] : memref<2x2048xf32, #tpu.memory_space<vmem>>, vector<1x128xf32>
    tpu.vector_store %arg11[%swap3A_1238, %swap3A_1239], %slice3A_1237 {strides = array<i32>} : memref<2x2048xf32, #tpu.memory_space<vmem>>, vector<1x128xf32>,
    %slice3A_1241 = vector.extract_strided_slice %get3A_1171 {offsets = [8, 0], sizes = [1, 128], strides = [1, 1]} : vector<16x128xf32> to vector<1x128xf32>
    %swap3A_1242 = arith.constant 0 : index
    %swap3A_1243 = arith.constant 1024 : index
    %swap3A_1244 = vector.load %arg11[%swap3A_1242, %swap3A_1243] : memref<2x2048xf32, #tpu.memory_space<vmem>>, vector<1x128xf32>
    tpu.vector_store %arg11[%swap3A_1242, %swap3A_1243], %slice3A_1241 {strides = array<i32>} : memref<2x2048xf32, #tpu.memory_space<vmem>>, vector<1x128xf32>,
    %slice3A_1245 = vector.extract_strided_slice %get3A_1176 {offsets = [8, 0], sizes = [1, 128], strides = [1, 1]} : vector<16x128xf32> to vector<1x128xf32>
    %swap3A_1246 = arith.constant 1 : index
    %swap3A_1247 = arith.constant 1024 : index
    %swap3A_1248 = vector.load %arg11[%swap3A_1246, %swap3A_1247] : memref<2x2048xf32, #tpu.memory_space<vmem>>, vector<1x128xf32>
    tpu.vector_store %arg11[%swap3A_1246, %swap3A_1247], %slice3A_1245 {strides = array<i32>} : memref<2x2048xf32, #tpu.memory_space<vmem>>, vector<1x128xf32>,
    %slice3A_1249 = vector.extract_strided_slice %get3A_1171 {offsets = [9, 0], sizes = [1, 128], strides = [1, 1]} : vector<16x128xf32> to vector<1x128xf32>
    %swap3A_1250 = arith.constant 0 : index
    %swap3A_1251 = arith.constant 1152 : index
    %swap3A_1252 = vector.load %arg11[%swap3A_1250, %swap3A_1251] : memref<2x2048xf32, #tpu.memory_space<vmem>>, vector<1x128xf32>
    tpu.vector_store %arg11[%swap3A_1250, %swap3A_1251], %slice3A_1249 {strides = array<i32>} : memref<2x2048xf32, #tpu.memory_space<vmem>>, vector<1x128xf32>,
    %slice3A_1253 = vector.extract_strided_slice %get3A_1176 {offsets = [9, 0], sizes = [1, 128], strides = [1, 1]} : vector<16x128xf32> to vector<1x128xf32>
    %swap3A_1254 = arith.constant 1 : index
    %swap3A_1255 = arith.constant 1152 : index
    %swap3A_1256 = vector.load %arg11[%swap3A_1254, %swap3A_1255] : memref<2x2048xf32, #tpu.memory_space<vmem>>, vector<1x128xf32>
    tpu.vector_store %arg11[%swap3A_1254, %swap3A_1255], %slice3A_1253 {strides = array<i32>} : memref<2x2048xf32, #tpu.memory_space<vmem>>, vector<1x128xf32>,
    %slice3A_1257 = vector.extract_strided_slice %get3A_1171 {offsets = [10, 0], sizes = [1, 128], strides = [1, 1]} : vector<16x128xf32> to vector<1x128xf32>
    %swap3A_1258 = arith.constant 0 : index
    %swap3A_1259 = arith.constant 1280 : index
    %swap3A_1260 = vector.load %arg11[%swap3A_1258, %swap3A_1259] : memref<2x2048xf32, #tpu.memory_space<vmem>>, vector<1x128xf32>
    tpu.vector_store %arg11[%swap3A_1258, %swap3A_1259], %slice3A_1257 {strides = array<i32>} : memref<2x2048xf32, #tpu.memory_space<vmem>>, vector<1x128xf32>,
    %slice3A_1261 = vector.extract_strided_slice %get3A_1176 {offsets = [10, 0], sizes = [1, 128], strides = [1, 1]} : vector<16x128xf32> to vector<1x128xf32>
    %swap3A_1262 = arith.constant 1 : index
    %swap3A_1263 = arith.constant 1280 : index
    %swap3A_1264 = vector.load %arg11[%swap3A_1262, %swap3A_1263] : memref<2x2048xf32, #tpu.memory_space<vmem>>, vector<1x128xf32>
    tpu.vector_store %arg11[%swap3A_1262, %swap3A_1263], %slice3A_1261 {strides = array<i32>} : memref<2x2048xf32, #tpu.memory_space<vmem>>, vector<1x128xf32>,
    %slice3A_1265 = vector.extract_strided_slice %get3A_1171 {offsets = [11, 0], sizes = [1, 128], strides = [1, 1]} : vector<16x128xf32> to vector<1x128xf32>
    %swap3A_1266 = arith.constant 0 : index
    %swap3A_1267 = arith.constant 1408 : index
    %swap3A_1268 = vector.load %arg11[%swap3A_1266, %swap3A_1267] : memref<2x2048xf32, #tpu.memory_space<vmem>>, vector<1x128xf32>
    tpu.vector_store %arg11[%swap3A_1266, %swap3A_1267], %slice3A_1265 {strides = array<i32>} : memref<2x2048xf32, #tpu.memory_space<vmem>>, vector<1x128xf32>,
    %slice3A_1269 = vector.extract_strided_slice %get3A_1176 {offsets = [11, 0], sizes = [1, 128], strides = [1, 1]} : vector<16x128xf32> to vector<1x128xf32>
    %swap3A_1270 = arith.constant 1 : index
    %swap3A_1271 = arith.constant 1408 : index
    %swap3A_1272 = vector.load %arg11[%swap3A_1270, %swap3A_1271] : memref<2x2048xf32, #tpu.memory_space<vmem>>, vector<1x128xf32>
    tpu.vector_store %arg11[%swap3A_1270, %swap3A_1271], %slice3A_1269 {strides = array<i32>} : memref<2x2048xf32, #tpu.memory_space<vmem>>, vector<1x128xf32>,
    %slice3A_1273 = vector.extract_strided_slice %get3A_1171 {offsets = [12, 0], sizes = [1, 128], strides = [1, 1]} : vector<16x128xf32> to vector<1x128xf32>
    %swap3A_1274 = arith.constant 0 : index
    %swap3A_1275 = arith.constant 1536 : index
    %swap3A_1276 = vector.load %arg11[%swap3A_1274, %swap3A_1275] : memref<2x2048xf32, #tpu.memory_space<vmem>>, vector<1x128xf32>
    tpu.vector_store %arg11[%swap3A_1274, %swap3A_1275], %slice3A_1273 {strides = array<i32>} : memref<2x2048xf32, #tpu.memory_space<vmem>>, vector<1x128xf32>,
    %slice3A_1277 = vector.extract_strided_slice %get3A_1176 {offsets = [12, 0], sizes = [1, 128], strides = [1, 1]} : vector<16x128xf32> to vector<1x128xf32>
    %swap3A_1278 = arith.constant 1 : index
    %swap3A_1279 = arith.constant 1536 : index
    %swap3A_1280 = vector.load %arg11[%swap3A_1278, %swap3A_1279] : memref<2x2048xf32, #tpu.memory_space<vmem>>, vector<1x128xf32>
    tpu.vector_store %arg11[%swap3A_1278, %swap3A_1279], %slice3A_1277 {strides = array<i32>} : memref<2x2048xf32, #tpu.memory_space<vmem>>, vector<1x128xf32>,
    %slice3A_1281 = vector.extract_strided_slice %get3A_1171 {offsets = [13, 0], sizes = [1, 128], strides = [1, 1]} : vector<16x128xf32> to vector<1x128xf32>
    %swap3A_1282 = arith.constant 0 : index
    %swap3A_1283 = arith.constant 1664 : index
    %swap3A_1284 = vector.load %arg11[%swap3A_1282, %swap3A_1283] : memref<2x2048xf32, #tpu.memory_space<vmem>>, vector<1x128xf32>
    tpu.vector_store %arg11[%swap3A_1282, %swap3A_1283], %slice3A_1281 {strides = array<i32>} : memref<2x2048xf32, #tpu.memory_space<vmem>>, vector<1x128xf32>,
    %slice3A_1285 = vector.extract_strided_slice %get3A_1176 {offsets = [13, 0], sizes = [1, 128], strides = [1, 1]} : vector<16x128xf32> to vector<1x128xf32>
    %swap3A_1286 = arith.constant 1 : index
    %swap3A_1287 = arith.constant 1664 : index
    %swap3A_1288 = vector.load %arg11[%swap3A_1286, %swap3A_1287] : memref<2x2048xf32, #tpu.memory_space<vmem>>, vector<1x128xf32>
    tpu.vector_store %arg11[%swap3A_1286, %swap3A_1287], %slice3A_1285 {strides = array<i32>} : memref<2x2048xf32, #tpu.memory_space<vmem>>, vector<1x128xf32>,
    %slice3A_1289 = vector.extract_strided_slice %get3A_1171 {offsets = [14, 0], sizes = [1, 128], strides = [1, 1]} : vector<16x128xf32> to vector<1x128xf32>
    %swap3A_1290 = arith.constant 0 : index
    %swap3A_1291 = arith.constant 1792 : index
    %swap3A_1292 = vector.load %arg11[%swap3A_1290, %swap3A_1291] : memref<2x2048xf32, #tpu.memory_space<vmem>>, vector<1x128xf32>
    tpu.vector_store %arg11[%swap3A_1290, %swap3A_1291], %slice3A_1289 {strides = array<i32>} : memref<2x2048xf32, #tpu.memory_space<vmem>>, vector<1x128xf32>,
    %slice3A_1293 = vector.extract_strided_slice %get3A_1176 {offsets = [14, 0], sizes = [1, 128], strides = [1, 1]} : vector<16x128xf32> to vector<1x128xf32>
    %swap3A_1294 = arith.constant 1 : index
    %swap3A_1295 = arith.constant 1792 : index
    %swap3A_1296 = vector.load %arg11[%swap3A_1294, %swap3A_1295] : memref<2x2048xf32, #tpu.memory_space<vmem>>, vector<1x128xf32>
    tpu.vector_store %arg11[%swap3A_1294, %swap3A_1295], %slice3A_1293 {strides = array<i32>} : memref<2x2048xf32, #tpu.memory_space<vmem>>, vector<1x128xf32>,
    %slice3A_1297 = vector.extract_strided_slice %get3A_1171 {offsets = [15, 0], sizes = [1, 128], strides = [1, 1]} : vector<16x128xf32> to vector<1x128xf32>
    %swap3A_1298 = arith.constant 0 : index
    %swap3A_1299 = arith.constant 1920 : index
    %swap3A_1300 = vector.load %arg11[%swap3A_1298, %swap3A_1299] : memref<2x2048xf32, #tpu.memory_space<vmem>>, vector<1x128xf32>
    tpu.vector_store %arg11[%swap3A_1298, %swap3A_1299], %slice3A_1297 {strides = array<i32>} : memref<2x2048xf32, #tpu.memory_space<vmem>>, vector<1x128xf32>,
    %slice3A_1301 = vector.extract_strided_slice %get3A_1176 {offsets = [15, 0], sizes = [1, 128], strides = [1, 1]} : vector<16x128xf32> to vector<1x128xf32>
    %swap3A_1302 = arith.constant 1 : index
    %swap3A_1303 = arith.constant 1920 : index
    %swap3A_1304 = vector.load %arg11[%swap3A_1302, %swap3A_1303] : memref<2x2048xf32, #tpu.memory_space<vmem>>, vector<1x128xf32>
    tpu.vector_store %arg11[%swap3A_1302, %swap3A_1303], %slice3A_1301 {strides = array<i32>} : memref<2x2048xf32, #tpu.memory_space<vmem>>, vector<1x128xf32>,
    %get3A_1305 = arith.constant 0 : index
    %get3A_1306 = arith.constant 0 : index
    %get3A_1307 = vector.load %arg11[%get3A_1305, %get3A_1306] : memref<2x2048xf32, #tpu.memory_space<vmem>>, vector<2x2048xf32>
    %dot_general3A_1308 = arith.constant dense<0.000000e+00> : vector<128x2048xf32>
    %dot_general3A_1309 = tpu.matmul %get3A_1, %get3A_1307, %dot_general3A_1308 {dimension_numbers = #tpu.dot_dimension_numbers<[1], [0], [0], [1], [0, 0, 1, 1], [], []>, transpose_lhs_hint = false} : vector<128x2xf32>, vector<2x2048xf32>, vector<128x2048xf32> -> vector<128x2048xf32>
    %add3A_1310 = vector.broadcast %get3A_4 : vector<128x1xf32> to vector<128x2048xf32>
    %add3A_1311 = arith.addf %dot_general3A_1309, %add3A_1310 : vector<128x2048xf32>
    %max3A_1312 = arith.constant 0.000000e+00 : f32
    %max3A_1313 = vector.broadcast %max3A_1312 : f32 to vector<128x2048xf32>
    %max3A_1314 = arith.maximumf %add3A_1311, %max3A_1313 : vector<128x2048xf32>
    %dot_general3A_1315 = arith.constant dense<0.000000e+00> : vector<64x2048xf32>
    %dot_general3A_1316 = tpu.matmul %get3A_7, %max3A_1314, %dot_general3A_1315 {dimension_numbers = #tpu.dot_dimension_numbers<[1], [0], [0], [1], [0, 0, 1, 1], [], []>, transpose_lhs_hint = false} : vector<64x128xf32>, vector<128x2048xf32>, vector<64x2048xf32> -> vector<64x2048xf32>
    %add3A_1317 = vector.broadcast %get3A_10 : vector<64x1xf32> to vector<64x2048xf32>
    %add3A_1318 = arith.addf %dot_general3A_1316, %add3A_1317 : vector<64x2048xf32>
    %max3A_1319 = arith.constant 0.000000e+00 : f32
    %max3A_1320 = vector.broadcast %max3A_1319 : f32 to vector<64x2048xf32>
    %max3A_1321 = arith.maximumf %add3A_1318, %max3A_1320 : vector<64x2048xf32>
    %dot_general3A_1322 = arith.constant dense<0.000000e+00> : vector<18x2048xf32>
    %dot_general3A_1323 = tpu.matmul %get3A_13, %max3A_1321, %dot_general3A_1322 {dimension_numbers = #tpu.dot_dimension_numbers<[0], [0], [1], [1], [0, 1, 1, 1], [], []>, transpose_lhs_hint = false} : vector<64x18xf32>, vector<64x2048xf32>, vector<18x2048xf32> -> vector<18x2048xf32>
    %add3A_1324 = vector.broadcast %get3A_16 : vector<18x1xf32> to vector<18x2048xf32>
    %add3A_1325 = arith.addf %dot_general3A_1323, %add3A_1324 : vector<18x2048xf32>
    %swap3A_1326 = arith.constant 0 : index
    %swap3A_1327 = arith.constant 7 : index
    %swap3A_1328 = arith.constant 0 : index
    %swap3A_1329 = vector.load %arg10[%swap3A_1326, %swap3A_1327, %swap3A_1328] : memref<18x8x2048xf32, #tpu.memory_space<vmem>>, vector<18x1x2048xf32>
    %swap3A_1330 = vector.shape_cast %swap3A_1329 : vector<18x1x2048xf32> to vector<18x2048xf32>
    %swap3A_1331 = vector.shape_cast %add3A_1325 : vector<18x2048xf32> to vector<18x1x2048xf32>
    tpu.vector_store %arg10[%swap3A_1326, %swap3A_1327, %swap3A_1328], %swap3A_1331 {strides = array<i32>} : memref<18x8x2048xf32, #tpu.memory_space<vmem>>, vector<18x1x2048xf32>,
    return
  }
  func.func @transform_0(%arg0: i32, %arg1: i32) -> (i32, i32, i32) {
    %c0_i32 = arith.constant 0 : i32
    %c0_i32_0 = arith.constant 0 : i32
    return %arg0, %arg1, %c0_i32 : i32, i32, i32
  }
  func.func @transform_1(%arg0: i32, %arg1: i32) -> (i32, i32, i32) {
    %c0_i32 = arith.constant 0 : i32
    %c0_i32_0 = arith.constant 0 : i32
    return %arg0, %arg1, %c0_i32 : i32, i32, i32
  }
  func.func @transform_2(%arg0: i32, %arg1: i32) -> (i32, i32) {
    %c0_i32 = arith.constant 0 : i32
    %c0_i32_0 = arith.constant 0 : i32
    %c0_i32_1 = arith.constant 0 : i32
    return %c0_i32, %c0_i32_0 : i32, i32
  }
  func.func @transform_3(%arg0: i32, %arg1: i32) -> (i32, i32) {
    %c0_i32 = arith.constant 0 : i32
    %c0_i32_0 = arith.constant 0 : i32
    %c0_i32_1 = arith.constant 0 : i32
    return %c0_i32, %c0_i32_0 : i32, i32
  }
  func.func @transform_4(%arg0: i32, %arg1: i32) -> (i32, i32) {
    %c0_i32 = arith.constant 0 : i32
    %c0_i32_0 = arith.constant 0 : i32
    %c0_i32_1 = arith.constant 0 : i32
    return %c0_i32, %c0_i32_0 : i32, i32
  }
  func.func @transform_5(%arg0: i32, %arg1: i32) -> (i32, i32) {
    %c0_i32 = arith.constant 0 : i32
    %c0_i32_0 = arith.constant 0 : i32
    %c0_i32_1 = arith.constant 0 : i32
    return %c0_i32, %c0_i32_0 : i32, i32
  }
  func.func @transform_6(%arg0: i32, %arg1: i32) -> (i32, i32) {
    %c0_i32 = arith.constant 0 : i32
    %c0_i32_0 = arith.constant 0 : i32
    %c0_i32_1 = arith.constant 0 : i32
    return %c0_i32, %c0_i32_0 : i32, i32
  }
  func.func @transform_7(%arg0: i32, %arg1: i32) -> (i32, i32) {
    %c0_i32 = arith.constant 0 : i32
    %c0_i32_0 = arith.constant 0 : i32
    %c0_i32_1 = arith.constant 0 : i32
    return %c0_i32, %c0_i32_0 : i32, i32
  }
  func.func @transform_8(%arg0: i32, %arg1: i32) -> (i32, i32, i32) {
    %c0_i32 = arith.constant 0 : i32
    %c0_i32_0 = arith.constant 0 : i32
    return %c0_i32, %arg0, %arg1 : i32, i32, i32
  }
}

</mosaic_0001>

<sc_bundles>
// kernel: kernel.4.cloned.1.call-start
scs
__scs_entry_jumppad:
0x0: {  	(pc) =	sbr.rel $0x88, $3  }
0x1: {  	(tag) =	ssettag $0x0;
	lr =	simm.s32 $0x1  }
0x2: {  	[smem:$0x3F99] =	sst lr;
	_ =	strace $0xD0000000  }
0x3: {  	_ = 	snop  }
0x4: {  	_ = 	snop  }
0x5: {  	_ = 	snop  }
0x6: {  	_ = 	snop  }
0x7: {  	_ = 	snop  }
__scs_overlays_trampoline_lowered:
0x8: {  	[smem:$0x3FA8] =	sst s0  }
0x9: {  	[smem:$0x3FA9] =	sst s1  }
0xa: {  	[smem:$0x3FAA] =	sst s2  }
0xb: {  	[smem:$0x3FAB] =	sst s3  }
0xc: {  	[smem:$0x3FAC] =	sst s4  }
0xd: {  	[smem:$0x3FAD] =	sst s5  }
0xe: {  	[smem:$0x3FAE] =	sst s6  }
0xf: {  	[smem:$0x3FAF] =	sst s7  }
0x10: {  	[smem:$0x3FB0] =	sst s8  }
0x11: {  	[smem:$0x3FB1] =	sst s9;
	s0 =	simm.s32 @!p0 $0x0  }
0x12: {  	s1 =	sld [smem:$0x3F97];
	s0 =	simm.s32 @p0 $0x1  }
0x13: {  	[smem:$0x3FB2] =	sst s0;
	s0 =	simm.s32 @!p1 $0x0  }
0x14: {  	s2 =	sld [smem:$0x3F96];
	s0 =	simm.s32 @p1 $0x1  }
0x15: {  	[smem:$0x3FB3] =	sst s0;
	s0 =	simm.s32 @!p2 $0x0  }
0x16: {  	s3 =	sld [smem:$0x3FDB];
	s0 =	simm.s32 @p2 $0x1  }
0x17: {  	s4 =	simm.s32 $0x1BF5;
	[smem:$0x3FB5] =	sst s0  }
0x18: {  	s0 =	sld [smem:$0x3F98];
	_ =	swait.ge [sflag:s4], $0x0  }
0x19: {  	s7 =	sld [smem:$0x3F99]  }
0x1a: {  	s8 =	sadd.s32 $0xFFFFE003, lr  }
0x1b: {  	s9 =	sadd.s32 $0xFFFFFEF7, lr;
	s5 =	simm.s32 $0xFFFFFFFF;
	p2 =	slt.u32 s8, $0xFFFFF086  }
0x1c: {  	p1 =	slt.u32 s9, $0xF7A;
	s5 =	simm.s32 @!p2 $0x0  }
0x1d: {  	s5 =	simm.s32 @p1 $0x1;
	p0 =	seq.s32 s7, s2  }
0x1e: {  	s7 =	smul.u32 @!p0 $0xF7A, s2;
	p2 =	seq.s32 @!p0 s5, $0x0  }
0x1f: {  	s9 =	smul.u32 $0xF7A, s1;
	s8 =	simm.s32 @!p0 $0x1BF5;
	p2 =	por !p2, p0  }
0x20: {  	[sflag:s8] =	ssyncset.s32 @!p0 $0xFFFFF086;
	s6 =	sadd.s32 @!p0 s3, s7;
	s7 =	simm.s32 @!p0 $0x108  }
0x21: {  	s3 =	sadd.s32 s3, s9;
	s6 =	sadd.s32 @!p0 $0x88, s6;
	s7 =	simm.s32 @p2 $0x1082  }
0x22: {  	[simem:s7], [sflag:s8] =	dma.local @!p0 [hbm:s6], $0xF7A  }
0x23: {  	s9 =	sor.u32 $0xD0000000, s2;
	s6 =	simm.s32 $0x108;
	_ =	swait.ge @!p0 [sflag:s8], $0x0  }
0x24: {  	s3 =	sadd.s32 $0x88, s3;
	s6 =	simm.s32 @!p1 $0x1082;
	[sflag:s4] =	ssyncset.s32 $0xFFFFF086  }
0x25: {  	[simem:s6], [sflag:s4] =	dma.local [hbm:s3], $0xF7A  }
0x26: {  	[smem:$0x3F99] =	sst s1;
	(tag) =	ssettag s2;
	_ =	strace s9  }
0x27: {  	s1 =	sld [smem:$0x3FA9]  }
0x28: {  	s2 =	sld [smem:$0x3FAA]  }
0x29: {  	s4 =	sld [smem:$0x3FAC]  }
0x2a: {  	p0 =	seq.s32 s5, $0x0;
	s5 =	sld [smem:$0x3FAD]  }
0x2b: {  	s6 =	sld [smem:$0x3FAE]  }
0x2c: {  	s7 =	sld [smem:$0x3FAF]  }
0x2d: {  	s3 =	simm.s32 $0x108;
	s8 =	sld [smem:$0x3FB0]  }
0x2e: {  	s3 =	simm.s32 @!p0 $0x1082;
	s9 =	sld [smem:$0x3FB1]  }
0x2f: {  	lr =	sadd.s32 s0, s3;
	s0 =	sld [smem:$0x3FA8]  }
0x30: {  	s3 =	sld [smem:$0x3FAB]  }
0x31: {  	[smem:$0x3FB4] =	sst s10  }
0x32: {  	s10 =	sld [smem:$0x3FB2];
	_ =	sdelay $0x3  }
0x33: {  	p0 =	seq.s32 s10, $0x1;
	s10 =	sld [smem:$0x3FB4];
	_ =	sdelay $0x3  }
0x34: {  	[smem:$0x3FB4] =	sst s10  }
0x35: {  	s10 =	sld [smem:$0x3FB3];
	_ =	sdelay $0x3  }
0x36: {  	p1 =	seq.s32 s10, $0x1;
	s10 =	sld [smem:$0x3FB4];
	_ =	sdelay $0x3  }
0x37: {  	[smem:$0x3FB4] =	sst s10  }
0x38: {  	s10 =	sld [smem:$0x3FB5]  }
0x39: {  	_ = 	snop;
	(pc) =	sbr.ind lr, $3  }
0x3a: {  	_ = 	snop  }
0x3b: {  	_ = 	snop  }
0x3c: {  	p2 =	seq.s32 s10, $0x1;
	s10 =	sld [smem:$0x3FB4]  }
0x3d: {  	_ =	shalt  }
0x3e: {  	_ =	shalt  }
0x3f: {  	_ =	shalt  }
0x40: {  	_ =	shalt  }
0x41: {  	_ =	shalt  }
0x42: {  	_ =	shalt  }
0x43: {  	_ =	shalt  }
0x44: {  	_ =	shalt  }
0x45: {  	_ =	shalt  }
0x46: {  	_ =	shalt  }
0x47: {  	_ =	shalt  }
0x48: {  	_ =	shalt  }
0x49: {  	_ =	shalt  }
0x4a: {  	_ =	shalt  }
0x4b: {  	_ =	shalt  }
0x4c: {  	_ =	shalt  }
0x4d: {  	_ =	shalt  }
0x4e: {  	_ =	shalt  }
0x4f: {  	_ =	shalt  }
0x50: {  	_ =	shalt  }
0x51: {  	_ =	shalt  }
0x52: {  	_ =	shalt  }
0x53: {  	_ =	shalt  }
0x54: {  	_ =	shalt  }
0x55: {  	_ =	shalt  }
0x56: {  	_ =	shalt  }
0x57: {  	_ =	shalt  }
0x58: {  	_ =	shalt  }
0x59: {  	_ =	shalt  }
0x5a: {  	_ =	shalt  }
0x5b: {  	_ =	shalt  }
0x5c: {  	_ =	shalt  }
0x5d: {  	_ =	shalt  }
0x5e: {  	_ =	shalt  }
0x5f: {  	_ =	shalt  }
0x60: {  	_ =	shalt  }
0x61: {  	_ =	shalt  }
0x62: {  	_ =	shalt  }
0x63: {  	_ =	shalt  }
0x64: {  	_ =	shalt  }
0x65: {  	_ =	shalt  }
0x66: {  	_ =	shalt  }
0x67: {  	_ =	shalt  }
0x68: {  	_ =	shalt  }
0x69: {  	_ =	shalt  }
0x6a: {  	_ =	shalt  }
0x6b: {  	_ =	shalt  }
0x6c: {  	_ =	shalt  }
0x6d: {  	_ =	shalt  }
0x6e: {  	_ =	shalt  }
0x6f: {  	_ =	shalt  }
0x70: {  	_ =	shalt  }
0x71: {  	_ =	shalt  }
0x72: {  	_ =	shalt  }
0x73: {  	_ =	shalt  }
0x74: {  	_ =	shalt  }
0x75: {  	_ =	shalt  }
0x76: {  	_ =	shalt  }
0x77: {  	_ =	shalt  }
0x78: {  	_ =	shalt  }
0x79: {  	_ =	shalt  }
0x7a: {  	_ =	shalt  }
0x7b: {  	_ =	shalt  }
0x7c: {  	_ =	shalt  }
0x7d: {  	_ =	shalt  }
0x7e: {  	_ =	shalt  }
0x7f: {  	_ =	shalt  }
0x80: {  	_ =	shalt  }
0x81: {  	_ =	shalt  }
0x82: {  	_ =	shalt  }
0x83: {  	_ =	shalt  }
0x84: {  	_ =	shalt  }
0x85: {  	_ =	shalt  }
0x86: {  	_ =	shalt  }
0x87: {  	_ =	shalt  }
.Lfunc_end0:
.L_simem_size_0:
called_computation_lowered:
.L_overlay_start_0:
0x88: {  	s2 =	sld [smem:$0x3FD9]  }
0x89: {  	s3 =	sld [smem:$0x3FFE];
	_ =	sdelay $0x1  }
0x8a: {  	s1 =	srdreg.scid  }
0x8b: {  	s0 =	sand.u32 $0x1, s1  }
0x8c: {  	s17 =	sshll.u32 s0, $0xA;
	s2 =	sadd.s32 s3, s2  }
0x8d: {  	s2 =	sadd.s32 s2, s17  }
0x8e: {  	[smem:$0x3FC0] =	sst s2  }
0x8f: {  	_ = 	snop  }
0x90: {  	s2 =	sld [smem:$0x3FD0];
	(tm) =	ssettm $0x1  }
0x91: {  	s18 =	sld [smem:$0x3FFB];
	_ =	sdelay $0x3  }
0x92: {  	_ =	strace s18  }
0x93: {  	s3 =	sld [smem:$0x3FFC];
	_ =	sdelay $0x3  }
0x94: {  	_ =	strace s3  }
0x95: {  	s3 =	sld [smem:$0x3FFD];
	_ =	sdelay $0x3  }
0x96: {  	_ =	strace s3  }
0x97: {  	_ =	strace $0x8FFFFFFF  }
0x98: {  	s19 =	sld [smem:$0x3FDB];
	_ =	sdelay $0x1  }
0x99: {  	s4 =	simm.s32 $_scs_section_size  }
0x9a: {  	s5 =	simm.s32 $_size__tile_overlayer_lowered;
	s6 =	simm.s32 $_tile_overlayer_lowered  }
0x9b: {  	s22 =	simm.s32 $0x1BFF;
	s21 =	sshll.u32 s6, $0x1;
	s3 =	sadd.s32 s4, s19  }
0x9c: {  	s7 =	simm.s32 $0x0;
	s20 =	sshll.u32 s5, $0x1;
	s5 =	sadd.s32 s21, s3  }
0x9d: {  	[timem:s7], [sflag:s22] =	dma.local [hbm:s5], s20  }
0x9e: {  	_ =	swait.ge [sflag:s22], s20  }
0x9f: {  	s4 =	ssub.s32 $0x0, s20;
	[sflag:s22] =	ssyncset.done $0x0  }
0xa0: {  	[sflag:s22] =	ssyncadd.s32 s4;
	_ =	sdelay $0x1  }
0xa1: {  	s23 =	simm.s32 $0x1B8B  }
0xa2: {  	_ =	swait.ge [sflag:s23], $0x1  }
0xa3: {  	[sflag:s23] =	ssyncset.done $0x0  }
0xa4: {  	s25 =	simm.s32 $0x1B8E;
	s24 =	sld [smem:$0x3FFE];
	[sflag:s23] =	ssyncadd.s32 $0xFFFFFFFF  }
0xa5: {  	s26 =	simm.s32 $execute0_lowered;
	[smem:$0x3FD2] =	sst s25  }
0xa6: {  	s5 =	sshll.u32 s26, $0x1;
	_ =	strace $0x80000046;
	[dreg:$0x1] =	wrdreg $0xFFFFFFFF  }
0xa7: {  	s28 =	simm.s32 $_size_execute0_lowered;
	s3 =	sadd.s32 s3, s5;
	[dreg:$0x0] =	wrdreg $0x0  }
0xa8: {  	s5 =	sshll.u32 s28, $0x1;
	[dreg:$0x2] =	wrdreg s3  }
0xa9: {  	[dreg:$0x3] =	wrdreg s5  }
0xaa: {  	[dreg:$0x4] =	wrdreg $0xC0  }
0xab: {  	_ =	task [dreg:s7], $0x5FFFF  }
0xac: {  	[dreg:$0x1] =	wrdreg $0xFFFFFFFF  }
0xad: {  	[dreg:$0x0] =	wrdreg $0x60  }
0xae: {  	[dreg:$0x2] =	wrdreg s2  }
0xaf: {  	[dreg:$0x3] =	wrdreg s24  }
0xb0: {  	[dreg:$0x4] =	wrdreg $0x9  }
0xb1: {  	_ =	task.clear_ibuf [dreg:s7], $0x5FFFF;
	_ =	strace $0x90000046  }
0xb2: {  	s29 =	simm.s32 $0x9;
	_ =	strace $0x80000048  }
0xb3: {  	_ =	swait.ge [sflag:s29], $0x1  }
0xb4: {  	[sflag:s29] =	ssyncadd.s32 $0xFFFFFFFF  }
0xb5: {  	_ =	strace $0x90000048  }
0xb6: {  	_ =	sfence  }
0xb7: {  	s30 =	sld [smem:$0x0];
	_ =	sdelay $0x2  }
0xb8: {  	s31 =	sshll.u32 s1, $0xD;
	s1 =	sshrl.u32 s1, $0x2  }
0xb9: {  	s3 =	sand.u32 $0x4000, s31;
	s1 =	sadd.s32 s1, s30  }
0xba: {  	s0 =	sor.u32 s3, s0;
	s1 =	sshll.u32 s1, $0x11  }
0xbb: {  	s0 =	sor.u32 s1, s0  }
0xbc: {  	s0 =	sadd.s32 $0x8F2B, s0  }
0xbd: {  	[sflag:s0] =	ssyncadd.remote.s32 $0x1  }
0xbe: {  	_ =	sfence.sel $0xFFFF  }
0xbf: {  	[dreg:$0x0] =	wrdreg $0xFFFFFFFF;
	(pc) =	sbr.abs _section_cstart, $3  }
0xc0: {  	[dreg:$0x1] =	wrdreg $0xFFFFFFFF  }
0xc1: {  	_ =	task.clear_ibuf [dreg:s7], $0x2FFFF;
	_ =	strace $0x9FFFFFFF  }
0xc2: {  	(tm) =	ssettm $0x7FFFFFFF  }
0xc3: {  	_ =	shalt  }
tec
execute0_lowered:
.L_overlay_start_1:
0x0: {  	(tag) =	ssettag $0x1  }
0x1: {  	s2 =	rddreg [dreg:$0x0];
	s0 =	srdreg.scid  }
0x2: {  	s3 =	stileid.u32;
	s1 =	rddreg [dreg:$0x1];
	s8 =	simm.s32 $0x3  }
0x3: {  	s9 =	simm.s32 $0x640;
	s11 =	simm.s32 $0x4B00;
	s13 =	simm.s32 $0xAF00  }
0x4: {  	s14 =	simm.s32 $0x1;
	s15 =	simm.s32 $0x2;
	s18 =	simm.s32 $0x2580  }
0x5: {  	s19 =	simm.s32 $0x3E80;
	s20 =	simm.s32 $0x2BC0;
	s21 =	simm.s32 $0x44C0  }
0x6: {  	s22 =	simm.s32 $0x11300;
	s0 =	sand.u32 $0x1, s0;
	s3 =	sshll.u32 s3, $0x1  }
0x7: {  	vm0 =	vmmov $0x1;
	vm1 =	vmmov $0x3;
	vm2 =	vmmov $0x7;
	s23 =	simm.s32 $0x12C00;
	s4 =	sor.u32 s0, s3;
	s0 =	ssub.s32 $0x2, s0  }
0x8: {  	vm3 =	vmmov $0xf;
	vm4 =	vmmov $0x1f;
	vm5 =	vmmov $0x3f;
	s3 =	simm.s32 $0x0;
	s4 =	smul.u32 $0x320, s4;
	s5 =	sshrl.u32 s0, $0x1  }
0x9: {  	vm6 =	vmmov $0x7f;
	vm7 =	vmmov $0xff;
	vm8 =	vmmov $0x1ff;
	s24 =	simm.s32 $0x0;
	[smem:$0x7FF] =	sst s3;
	s0 =	ssub.s32 s0, s5  }
0xa: {  	vm9 =	vmmov $0x3ff;
	vm10 =	vmmov $0x7ff;
	vm11 =	vmmov $0xfff;
	_ =	strace $0x80000047;
	s1 =	sadd.s32 s4, s1;
	s7 =	smax.u32 s0, $0x1  }
0xb: {  	vm12 =	vmmov $0x1fff;
	vm13 =	vmmov $0x3fff;
	vm14 =	vmmov $0x7fff;
	s4 =	sadd.s32 $0x1800, s1;
	s5 =	sadd.s32 $0x7C00, s1;
	s6 =	sadd.s32 $0xE000, s1  }
.LBB2_1:
0xc: {  	[tilespmem:s3], [sflag:$0x3] =	stream.linear.gather [hbm4b:s4+s3], $0x1900, $0x38;
	[tilespmem:$0x14500] =	vst v63  }
0xd: {  	_ =	swait.ge [sflag:s8], $0x1900  }
0xe: {  	[sflag:s8] =	ssyncset.done $0x0  }
0xf: {  	s0 =	simm.s32 $0x0;
	[sflag:s8] =	ssyncadd.s32 $0xFFFFE700  }
0x10: {  	v1 =	vld [tilespmem:s0+$0x0];
	_ =	sdelay $0x4  }
0x11: {  	s10 =	simm.s32 $0x40;
	s1 =	simm.s32 $0x80;
	v0 =	vshra.s32 v1, $0x4;
	v1 =	vand.u32 $0xF, v1  }
.LBB2_2:
0x12: {  	p0 =	sne.s32 s1, $0x63C0;
	s25 =	sshra.s32 s10, $0x2;
	v2 =	vadd.s32 $0xF424, v0;
	[tilespmem:s0+$0x0] =	vst v1;
	s10 =	smov.u32 s1  }
0x13: {  	v1 =	vld [tilespmem:s25+$0x0];
	[tilespmem:s0+$0x3200] =	vst v2  }
.Ltmp0:
0x14: {  	[tilespmem:s0+$0x1900] =	vst v0;
	s0 =	smov.u32 s25;
	(pc) =	sbr.rel @p0 .LBB2_2-.Ltmp0, $2  }
0x15: {  	_ =	sdelay $0x2  }
0x16: {  	s1 =	sadd.s32 $0x40, s1;
	v0 =	vshra.s32 v1, $0x4;
	v1 =	vand.u32 $0xF, v1  }
0x17: {  	s1 =	sshra.s32 s10, $0x2;
	[tilespmem:s0+$0x0] =	vst v1  }
0x18: {  	v1 =	vld [tilespmem:s1+$0x0];
	_ =	sdelay $0x2  }
0x19: {  	v2 =	vadd.s32 $0xF424, v0  }
0x1a: {  	[tilespmem:s0+$0x3200] =	vst v2  }
0x1b: {  	[tilespmem:s0+$0x1900] =	vst v0;
	v0 =	vshra.s32 v1, $0x4;
	v1 =	vand.u32 $0xF, v1  }
0x1c: {  	[tilespmem:s1+$0x0] =	vst v1  }
0x1d: {  	v2 =	vadd.s32 $0xF424, v0;
	[tilespmem:s1+$0x1900] =	vst v0  }
0x1e: {  	s30 =	simm.s32 $0x1900;
	[tilespmem:s1+$0x3200] =	vst v2  }
0x1f: {  	[tilespmem:s11], [sflag:$0x1] =	stream.indirect.gather [hbm4b:s2+s9], $0x10, s30, s9, $0xb8;
	[tilespmem:$0x14500] =	vst v63  }
0x20: {  	s31 =	simm.s32 $0x3200  }
0x21: {  	[tilespmem:s13], [sflag:$0x2] =	stream.indirect.gather [hbm4b:s2+s9], $0x10, s31, s9, $0xb8;
	[tilespmem:$0x14500] =	vst v63  }
0x22: {  	_ =	swait.ge [sflag:s14], $0x6400  }
0x23: {  	[sflag:s14] =	ssyncset.done $0x0  }
0x24: {  	[sflag:s14] =	ssyncadd.s32 $0xFFFF9C00  }
0x25: {  	_ =	swait.ge [sflag:s15], $0x6400  }
0x26: {  	[sflag:s15] =	ssyncset.done $0x0  }
0x27: {  	s25 =	simm.s32 $0x0;
	[sflag:s15] =	ssyncadd.s32 $0xFFFF9C00  }
0x28: {  	s26 =	simm.s32 $0xAF80;
	v0 =	vld [tilespmem:s25+$0x0]  }
0x29: {  	s29 =	simm.s32 $0x4B80;
	v3 =	vld [tilespmem:s26+$0x0]  }
0x2a: {  	v5 =	vld [tilespmem:s29+$0x0]  }
0x2b: {  	v4 =	vld [tilespmem:s26+$0xFFFFFFC0]  }
0x2c: {  	v14 =	vld [tilespmem:s29+$0xFFFFFFF0]  }
0x2d: {  	v1 =	vld [tilespmem:s26+$0x60]  }
0x2e: {  	v7 =	vld [tilespmem:s29+$0xFFFFFFD0]  }
0x2f: {  	v8 =	vld [tilespmem:s29+$0xFFFFFFC0]  }
0x30: {  	v6 =	vld [tilespmem:s29+$0xFFFFFFA0]  }
0x31: {  	v2 =	vld [tilespmem:s26+$0x20]  }
0x32: {  	v15 =	vld [tilespmem:s26+$0xFFFFFFB0]  }
0x33: {  	v9 =	vld [tilespmem:s26+$0xFFFFFF90]  }
0x34: {  	v10 =	vld [tilespmem:s26+$0xFFFFFFA0]  }
0x35: {  	v13 =	vld [tilespmem:s26+$0xFFFFFFD0]  }
0x36: {  	v12 =	vld [tilespmem:s26+$0xFFFFFF80]  }
0x37: {  	v17 =	vld [tilespmem:s29+$0xFFFFFF90];
	v0 =	vand.u32 $0xF, v0  }
0x38: {  	v22 =	vld [tilespmem:s29+$0xFFFFFFB0];
	v2 =	vperm.xlane v2, v0;
	v1 =	vperm.xlane v1, v0  }
0x39: {  	v20 =	vld [tilespmem:s29+$0xFFFFFF80];
	v11 =	vperm.xlane v9, v0;
	v10 =	vperm.xlane v10, v0  }
0x3a: {  	v19 =	vld [tilespmem:s26+$0x10];
	v8 =	vperm.xlane v8, v0;
	v9 =	vperm.xlane v4, v0  }
0x3b: {  	v16 =	vld [tilespmem:s26+$0xFFFFFFF0];
	v7 =	vperm.xlane v7, v0;
	v4 =	vperm.xlane v14, v0  }
0x3c: {  	v18 =	vld [tilespmem:s29+$0xFFFFFFE0];
	v21 =	vperm.xlane v17, v0;
	v5 =	vperm.xlane v5, v0  }
0x3d: {  	s28 =	simm.s32 $0x4B80;
	s0 =	simm.s32 $0x40;
	s1 =	simm.s32 $0xAF80;
	v14 =	vperm.xlane v22, v0;
	v15 =	vperm.xlane v15, v0;
	v17 =	vld [tilespmem:s26+$0xFFFFFFE0]  }
.LBB2_4:
0x3e: {  	p0 =	sne.s32 s0, $0x18C0;
	v20 =	vperm.xlane v20, v0;
	v13 =	vperm.xlane v13, v0;
	v22 =	vld [tilespmem:s26+$0x50];
	s29 =	sadd.s32 $0x100, s29;
	s1 =	sadd.s32 $0x100, s1  }
0x3f: {  	v12 =	vperm.xlane v12, v0;
	s10 =	smov.u32 s0;
	s0 =	sadd.s32 $0x40, s0;
	v23 =	vld [tilespmem:s28+$0x10];
	v19 =	vperm.xlane v19, v0  }
0x40: {  	v6 =	vperm.xlane v6, v0;
	v3 =	vperm.xlane v3, v0;
	v20 =	vsel vm0, v20, v21;
	v21 =	vld [tilespmem:s26+$0x30]  }
0x41: {  	v11 =	vsel vm0, v12, v11;
	v16 =	vperm.xlane v16, v0;
	v12 =	vperm.xlane v18, v0;
	v18 =	vld [tilespmem:s28+$0x20]  }
0x42: {  	v6 =	vsel vm1, v20, v6;
	v10 =	vsel vm1, v11, v10;
	v11 =	vperm.xlane v17, v0;
	v17 =	vld [tilespmem:s26+$0x40]  }
0x43: {  	v6 =	vsel vm2, v6, v14;
	v10 =	vsel vm2, v10, v15;
	v14 =	vld [tilespmem:s28+$0x30];
	v15 =	vperm.xlane v22, v0  }
0x44: {  	v6 =	vsel vm3, v6, v8;
	v8 =	vsel vm3, v10, v9;
	v9 =	vperm.xlane v23, v0;
	v10 =	vld [tilespmem:s28+$0x40]  }
0x45: {  	v6 =	vsel vm4, v6, v7;
	v7 =	vsel vm4, v8, v13;
	v8 =	vperm.xlane v21, v0;
	v13 =	vld [tilespmem:s28+$0x50]  }
0x46: {  	v6 =	vsel vm5, v6, v12;
	v7 =	vsel vm5, v7, v11;
	v11 =	vperm.xlane v18, v0;
	v12 =	vld [tilespmem:s28+$0x60]  }
0x47: {  	v4 =	vsel vm6, v6, v4;
	v6 =	vsel vm6, v7, v16;
	v7 =	vperm.xlane v17, v0;
	v16 =	vld [tilespmem:s26+$0x70];
	s26 =	smov.u32 s1  }
0x48: {  	v4 =	vsel vm7, v4, v5;
	v3 =	vsel vm7, v6, v3;
	v5 =	vperm.xlane v14, v0;
	v6 =	vld [tilespmem:s28+$0x70];
	s28 =	smov.u32 s29  }
0x49: {  	v4 =	vsel vm8, v4, v9;
	v3 =	vsel vm8, v3, v19;
	v9 =	vperm.xlane v10, v0  }
0x4a: {  	v4 =	vsel vm9, v4, v11;
	v2 =	vsel vm9, v3, v2;
	v3 =	vperm.xlane v13, v0  }
0x4b: {  	v4 =	vsel vm10, v4, v5;
	v2 =	vsel vm10, v2, v8;
	v5 =	vperm.xlane v12, v0  }
0x4c: {  	v4 =	vsel vm11, v4, v9;
	v2 =	vsel vm11, v2, v7;
	v7 =	vperm.xlane v16, v0  }
0x4d: {  	v3 =	vsel vm12, v4, v3;
	v2 =	vsel vm12, v2, v15;
	v0 =	vperm.xlane v6, v0  }
0x4e: {  	v3 =	vsel vm13, v3, v5;
	v1 =	vsel vm13, v2, v1  }
0x4f: {  	s10 =	sshra.s32 s10, $0x2;
	v1 =	vsel vm14, v1, v7;
	v0 =	vsel vm14, v3, v0  }
0x50: {  	v2 =	vld [tilespmem:s10+$0x0];
	[tilespmem:s25+$0x11300] =	vst v0  }
0x51: {  	[tilespmem:s25+$0x12C00] =	vst v1;
	s25 =	smov.u32 s10  }
0x52: {  	v3 =	vld [tilespmem:s1+$0x0]  }
0x53: {  	v5 =	vld [tilespmem:s29+$0x0]  }
0x54: {  	v4 =	vld [tilespmem:s1+$0xFFFFFFC0]  }
0x55: {  	v14 =	vld [tilespmem:s29+$0xFFFFFFF0]  }
0x56: {  	v1 =	vld [tilespmem:s1+$0x60]  }
0x57: {  	v7 =	vld [tilespmem:s29+$0xFFFFFFD0]  }
0x58: {  	v8 =	vld [tilespmem:s29+$0xFFFFFFC0]  }
0x59: {  	v6 =	vld [tilespmem:s29+$0xFFFFFFA0]  }
0x5a: {  	v9 =	vld [tilespmem:s1+$0x20]  }
0x5b: {  	v15 =	vld [tilespmem:s1+$0xFFFFFFB0]  }
0x5c: {  	v10 =	vld [tilespmem:s1+$0xFFFFFF90]  }
0x5d: {  	v16 =	vld [tilespmem:s1+$0xFFFFFFA0]  }
0x5e: {  	v13 =	vld [tilespmem:s1+$0xFFFFFFD0]  }
0x5f: {  	v12 =	vld [tilespmem:s1+$0xFFFFFF80]  }
0x60: {  	v0 =	vand.u32 $0xF, v2;
	v17 =	vld [tilespmem:s29+$0xFFFFFF90]  }
0x61: {  	v1 =	vperm.xlane v1, v0;
	v2 =	vperm.xlane v9, v0;
	v22 =	vld [tilespmem:s29+$0xFFFFFFB0]  }
.Ltmp1:
0x62: {  	v11 =	vperm.xlane v10, v0;
	v20 =	vld [tilespmem:s29+$0xFFFFFF80];
	v10 =	vperm.xlane v16, v0;
	(pc) =	sbr.rel @p0 .LBB2_4-.Ltmp1, $4  }
0x63: {  	v8 =	vperm.xlane v8, v0;
	v9 =	vperm.xlane v4, v0;
	v19 =	vld [tilespmem:s1+$0x10]  }
0x64: {  	v7 =	vperm.xlane v7, v0;
	v4 =	vperm.xlane v14, v0;
	v16 =	vld [tilespmem:s1+$0xFFFFFFF0]  }
0x65: {  	v5 =	vperm.xlane v5, v0;
	v21 =	vperm.xlane v17, v0;
	v18 =	vld [tilespmem:s29+$0xFFFFFFE0]  }
0x66: {  	v15 =	vperm.xlane v15, v0;
	v14 =	vperm.xlane v22, v0;
	v17 =	vld [tilespmem:s1+$0xFFFFFFE0]  }
0x67: {  	v20 =	vperm.xlane v20, v0  }
0x68: {  	v13 =	vperm.xlane v13, v0;
	v22 =	vld [tilespmem:s26+$0x50];
	v12 =	vperm.xlane v12, v0  }
0x69: {  	v23 =	vld [tilespmem:s28+$0x10];
	v6 =	vperm.xlane v6, v0;
	v3 =	vperm.xlane v3, v0  }
0x6a: {  	v19 =	vperm.xlane v19, v0;
	v20 =	vsel vm0, v20, v21;
	v21 =	vld [tilespmem:s26+$0x30];
	v11 =	vsel vm0, v12, v11  }
0x6b: {  	v16 =	vperm.xlane v16, v0;
	v12 =	vperm.xlane v18, v0;
	v18 =	vld [tilespmem:s28+$0x20];
	v6 =	vsel vm1, v20, v6  }
0x6c: {  	v10 =	vsel vm1, v11, v10;
	v11 =	vperm.xlane v17, v0;
	v17 =	vld [tilespmem:s26+$0x40];
	v6 =	vsel vm2, v6, v14  }
0x6d: {  	v10 =	vsel vm2, v10, v15;
	v14 =	vld [tilespmem:s28+$0x30];
	v15 =	vperm.xlane v22, v0;
	v6 =	vsel vm3, v6, v8  }
0x6e: {  	v8 =	vsel vm3, v10, v9;
	v9 =	vperm.xlane v23, v0;
	v10 =	vld [tilespmem:s28+$0x40];
	v6 =	vsel vm4, v6, v7  }
0x6f: {  	v7 =	vsel vm4, v8, v13;
	v13 =	vld [tilespmem:s28+$0x50];
	v8 =	vperm.xlane v21, v0;
	v6 =	vsel vm5, v6, v12  }
0x70: {  	v7 =	vsel vm5, v7, v11;
	v12 =	vld [tilespmem:s28+$0x60];
	v11 =	vperm.xlane v18, v0;
	v4 =	vsel vm6, v6, v4  }
0x71: {  	v6 =	vsel vm6, v7, v16;
	v7 =	vperm.xlane v17, v0;
	v4 =	vsel vm7, v4, v5;
	v5 =	vld [tilespmem:s28+$0x70]  }
0x72: {  	v16 =	vld [tilespmem:s26+$0x70];
	v3 =	vsel vm7, v6, v3;
	v6 =	vperm.xlane v14, v0;
	v4 =	vsel vm8, v4, v9  }
0x73: {  	v3 =	vsel vm8, v3, v19;
	v9 =	vperm.xlane v10, v0;
	v4 =	vsel vm9, v4, v11  }
0x74: {  	v2 =	vsel vm9, v3, v2;
	v3 =	vperm.xlane v13, v0;
	v4 =	vsel vm10, v4, v6  }
0x75: {  	v2 =	vsel vm10, v2, v8;
	v6 =	vperm.xlane v12, v0;
	v4 =	vsel vm11, v4, v9  }
0x76: {  	v2 =	vsel vm11, v2, v7;
	v3 =	vsel vm12, v4, v3;
	v4 =	vperm.xlane v5, v0  }
0x77: {  	v0 =	vperm.xlane v16, v0;
	v2 =	vsel vm12, v2, v15;
	v3 =	vsel vm13, v3, v6  }
0x78: {  	v1 =	vsel vm13, v2, v1;
	v2 =	vsel vm14, v3, v4  }
0x79: {  	v0 =	vsel vm14, v1, v0;
	[tilespmem:s25+$0x11300] =	vst v2  }
0x7a: {  	s0 =	simm.s32 $0x1F40;
	[tilespmem:s25+$0x12C00] =	vst v0  }
0x7b: {  	[tilespmem:s11], [sflag:$0x1] =	stream.indirect.gather [hbm4b:s2+s9], $0x10, s0, s9, $0xb8;
	[tilespmem:$0x14500] =	vst v63  }
0x7c: {  	s31 =	simm.s32 $0x3840  }
0x7d: {  	[tilespmem:s13], [sflag:$0x2] =	stream.indirect.gather [hbm4b:s2+s9], $0x10, s31, s9, $0xb8;
	[tilespmem:$0x14500] =	vst v63  }
0x7e: {  	_ =	swait.ge [sflag:s14], $0x6400  }
0x7f: {  	[sflag:s14] =	ssyncset.done $0x0  }
0x80: {  	[sflag:s14] =	ssyncadd.s32 $0xFFFF9C00  }
0x81: {  	_ =	swait.ge [sflag:s15], $0x6400  }
0x82: {  	[sflag:s15] =	ssyncset.done $0x0  }
0x83: {  	s25 =	simm.s32 $0x0;
	[sflag:s15] =	ssyncadd.s32 $0xFFFF9C00  }
0x84: {  	s26 =	simm.s32 $0xAF80;
	v0 =	vld [tilespmem:s25+$0x640]  }
0x85: {  	s29 =	simm.s32 $0x4B80;
	v3 =	vld [tilespmem:s26+$0x0]  }
0x86: {  	v5 =	vld [tilespmem:s29+$0x0]  }
0x87: {  	v4 =	vld [tilespmem:s26+$0xFFFFFFC0]  }
0x88: {  	v14 =	vld [tilespmem:s29+$0xFFFFFFF0]  }
0x89: {  	v1 =	vld [tilespmem:s26+$0x60]  }
0x8a: {  	v7 =	vld [tilespmem:s29+$0xFFFFFFD0]  }
0x8b: {  	v8 =	vld [tilespmem:s29+$0xFFFFFFC0]  }
0x8c: {  	v6 =	vld [tilespmem:s29+$0xFFFFFFA0]  }
0x8d: {  	v2 =	vld [tilespmem:s26+$0x20]  }
0x8e: {  	v15 =	vld [tilespmem:s26+$0xFFFFFFB0]  }
0x8f: {  	v9 =	vld [tilespmem:s26+$0xFFFFFF90]  }
0x90: {  	v10 =	vld [tilespmem:s26+$0xFFFFFFA0]  }
0x91: {  	v13 =	vld [tilespmem:s26+$0xFFFFFFD0]  }
0x92: {  	v12 =	vld [tilespmem:s26+$0xFFFFFF80]  }
0x93: {  	v17 =	vld [tilespmem:s29+$0xFFFFFF90];
	v0 =	vand.u32 $0xF, v0  }
0x94: {  	v22 =	vld [tilespmem:s29+$0xFFFFFFB0];
	v2 =	vperm.xlane v2, v0;
	v1 =	vperm.xlane v1, v0  }
0x95: {  	v20 =	vld [tilespmem:s29+$0xFFFFFF80];
	v11 =	vperm.xlane v9, v0;
	v10 =	vperm.xlane v10, v0  }
0x96: {  	v19 =	vld [tilespmem:s26+$0x10];
	v8 =	vperm.xlane v8, v0;
	v9 =	vperm.xlane v4, v0  }
0x97: {  	v16 =	vld [tilespmem:s26+$0xFFFFFFF0];
	v7 =	vperm.xlane v7, v0;
	v4 =	vperm.xlane v14, v0  }
0x98: {  	v18 =	vld [tilespmem:s29+$0xFFFFFFE0];
	v21 =	vperm.xlane v17, v0;
	v5 =	vperm.xlane v5, v0  }
0x99: {  	s1 =	simm.s32 $0xAF80;
	s28 =	simm.s32 $0x4B80;
	s0 =	simm.s32 $0x40;
	v14 =	vperm.xlane v22, v0;
	v15 =	vperm.xlane v15, v0;
	v17 =	vld [tilespmem:s26+$0xFFFFFFE0]  }
.LBB2_6:
0x9a: {  	p0 =	sne.s32 s0, $0x18C0;
	v20 =	vperm.xlane v20, v0;
	v13 =	vperm.xlane v13, v0;
	v22 =	vld [tilespmem:s26+$0x50];
	s29 =	sadd.s32 $0x100, s29;
	s1 =	sadd.s32 $0x100, s1  }
0x9b: {  	v12 =	vperm.xlane v12, v0;
	s10 =	smov.u32 s0;
	s0 =	sadd.s32 $0x40, s0;
	v23 =	vld [tilespmem:s28+$0x10];
	v19 =	vperm.xlane v19, v0  }
0x9c: {  	v6 =	vperm.xlane v6, v0;
	v3 =	vperm.xlane v3, v0;
	v20 =	vsel vm0, v20, v21;
	v21 =	vld [tilespmem:s26+$0x30]  }
0x9d: {  	v11 =	vsel vm0, v12, v11;
	v16 =	vperm.xlane v16, v0;
	v12 =	vperm.xlane v18, v0;
	v18 =	vld [tilespmem:s28+$0x20]  }
0x9e: {  	v6 =	vsel vm1, v20, v6;
	v10 =	vsel vm1, v11, v10;
	v11 =	vperm.xlane v17, v0;
	v17 =	vld [tilespmem:s26+$0x40]  }
0x9f: {  	v6 =	vsel vm2, v6, v14;
	v10 =	vsel vm2, v10, v15;
	v14 =	vld [tilespmem:s28+$0x30];
	v15 =	vperm.xlane v22, v0  }
0xa0: {  	v6 =	vsel vm3, v6, v8;
	v8 =	vsel vm3, v10, v9;
	v9 =	vperm.xlane v23, v0;
	v10 =	vld [tilespmem:s28+$0x40]  }
0xa1: {  	v6 =	vsel vm4, v6, v7;
	v7 =	vsel vm4, v8, v13;
	v8 =	vperm.xlane v21, v0;
	v13 =	vld [tilespmem:s28+$0x50]  }
0xa2: {  	v6 =	vsel vm5, v6, v12;
	v7 =	vsel vm5, v7, v11;
	v11 =	vperm.xlane v18, v0;
	v12 =	vld [tilespmem:s28+$0x60]  }
0xa3: {  	v4 =	vsel vm6, v6, v4;
	v6 =	vsel vm6, v7, v16;
	v7 =	vperm.xlane v17, v0;
	v16 =	vld [tilespmem:s26+$0x70];
	s26 =	smov.u32 s1  }
0xa4: {  	v4 =	vsel vm7, v4, v5;
	v3 =	vsel vm7, v6, v3;
	v5 =	vperm.xlane v14, v0;
	v6 =	vld [tilespmem:s28+$0x70];
	s28 =	smov.u32 s29  }
0xa5: {  	v4 =	vsel vm8, v4, v9;
	v3 =	vsel vm8, v3, v19;
	v9 =	vperm.xlane v10, v0  }
0xa6: {  	v4 =	vsel vm9, v4, v11;
	v2 =	vsel vm9, v3, v2;
	v3 =	vperm.xlane v13, v0  }
0xa7: {  	v4 =	vsel vm10, v4, v5;
	v2 =	vsel vm10, v2, v8;
	v5 =	vperm.xlane v12, v0  }
0xa8: {  	v4 =	vsel vm11, v4, v9;
	v2 =	vsel vm11, v2, v7;
	v7 =	vperm.xlane v16, v0  }
0xa9: {  	v3 =	vsel vm12, v4, v3;
	v2 =	vsel vm12, v2, v15;
	v0 =	vperm.xlane v6, v0  }
0xaa: {  	v3 =	vsel vm13, v3, v5;
	v1 =	vsel vm13, v2, v1  }
0xab: {  	s10 =	sshra.s32 s10, $0x2;
	v1 =	vsel vm14, v1, v7;
	v0 =	vsel vm14, v3, v0  }
0xac: {  	v2 =	vld [tilespmem:s10+$0x640];
	[tilespmem:s25+$0x11940] =	vst v0  }
0xad: {  	[tilespmem:s25+$0x13240] =	vst v1;
	s25 =	smov.u32 s10  }
0xae: {  	v3 =	vld [tilespmem:s1+$0x0]  }
0xaf: {  	v5 =	vld [tilespmem:s29+$0x0]  }
0xb0: {  	v4 =	vld [tilespmem:s1+$0xFFFFFFC0]  }
0xb1: {  	v14 =	vld [tilespmem:s29+$0xFFFFFFF0]  }
0xb2: {  	v1 =	vld [tilespmem:s1+$0x60]  }
0xb3: {  	v7 =	vld [tilespmem:s29+$0xFFFFFFD0]  }
0xb4: {  	v8 =	vld [tilespmem:s29+$0xFFFFFFC0]  }
0xb5: {  	v6 =	vld [tilespmem:s29+$0xFFFFFFA0]  }
0xb6: {  	v9 =	vld [tilespmem:s1+$0x20]  }
0xb7: {  	v15 =	vld [tilespmem:s1+$0xFFFFFFB0]  }
0xb8: {  	v10 =	vld [tilespmem:s1+$0xFFFFFF90]  }
0xb9: {  	v16 =	vld [tilespmem:s1+$0xFFFFFFA0]  }
0xba: {  	v13 =	vld [tilespmem:s1+$0xFFFFFFD0]  }
0xbb: {  	v12 =	vld [tilespmem:s1+$0xFFFFFF80]  }
0xbc: {  	v0 =	vand.u32 $0xF, v2;
	v17 =	vld [tilespmem:s29+$0xFFFFFF90]  }
0xbd: {  	v1 =	vperm.xlane v1, v0;
	v2 =	vperm.xlane v9, v0;
	v22 =	vld [tilespmem:s29+$0xFFFFFFB0]  }
.Ltmp2:
0xbe: {  	v11 =	vperm.xlane v10, v0;
	v20 =	vld [tilespmem:s29+$0xFFFFFF80];
	v10 =	vperm.xlane v16, v0;
	(pc) =	sbr.rel @p0 .LBB2_6-.Ltmp2, $4  }
0xbf: {  	v8 =	vperm.xlane v8, v0;
	v9 =	vperm.xlane v4, v0;
	v19 =	vld [tilespmem:s1+$0x10]  }
0xc0: {  	v7 =	vperm.xlane v7, v0;
	v4 =	vperm.xlane v14, v0;
	v16 =	vld [tilespmem:s1+$0xFFFFFFF0]  }
0xc1: {  	v5 =	vperm.xlane v5, v0;
	v21 =	vperm.xlane v17, v0;
	v18 =	vld [tilespmem:s29+$0xFFFFFFE0]  }
0xc2: {  	v15 =	vperm.xlane v15, v0;
	v14 =	vperm.xlane v22, v0;
	v17 =	vld [tilespmem:s1+$0xFFFFFFE0]  }
0xc3: {  	v20 =	vperm.xlane v20, v0  }
0xc4: {  	v13 =	vperm.xlane v13, v0;
	v22 =	vld [tilespmem:s26+$0x50];
	v12 =	vperm.xlane v12, v0  }
0xc5: {  	v23 =	vld [tilespmem:s28+$0x10];
	v6 =	vperm.xlane v6, v0;
	v3 =	vperm.xlane v3, v0  }
0xc6: {  	v36 =	vld [tilespmem:s26+$0x30];
	v19 =	vperm.xlane v19, v0;
	v20 =	vsel vm0, v20, v21;
	v11 =	vsel vm0, v12, v11  }
0xc7: {  	v38 =	vld [tilespmem:s28+$0x20];
	v16 =	vperm.xlane v16, v0;
	v37 =	vperm.xlane v18, v0;
	v6 =	vsel vm1, v20, v6  }
0xc8: {  	v39 =	vld [tilespmem:s26+$0x40];
	v10 =	vsel vm1, v11, v10;
	v11 =	vperm.xlane v17, v0;
	v6 =	vsel vm2, v6, v14  }
0xc9: {  	v40 =	vld [tilespmem:s28+$0x30];
	v10 =	vsel vm2, v10, v15;
	v41 =	vperm.xlane v22, v0;
	v6 =	vsel vm3, v6, v8  }
0xca: {  	v8 =	vsel vm3, v10, v9;
	v9 =	vperm.xlane v23, v0;
	v10 =	vld [tilespmem:s28+$0x40];
	v6 =	vsel vm4, v6, v7  }
0xcb: {  	v42 =	vld [tilespmem:s28+$0x50];
	v7 =	vsel vm4, v8, v13;
	v8 =	vperm.xlane v36, v0;
	v6 =	vsel vm5, v6, v37  }
0xcc: {  	v43 =	vld [tilespmem:s28+$0x60];
	v7 =	vsel vm5, v7, v11;
	v11 =	vperm.xlane v38, v0;
	v4 =	vsel vm6, v6, v4  }
0xcd: {  	v6 =	vsel vm6, v7, v16;
	v7 =	vperm.xlane v39, v0;
	v4 =	vsel vm7, v4, v5;
	v5 =	vld [tilespmem:s28+$0x70]  }
0xce: {  	v44 =	vld [tilespmem:s26+$0x70];
	v3 =	vsel vm7, v6, v3;
	v6 =	vperm.xlane v40, v0;
	v4 =	vsel vm8, v4, v9  }
0xcf: {  	v3 =	vsel vm8, v3, v19;
	v9 =	vperm.xlane v10, v0;
	v4 =	vsel vm9, v4, v11  }
0xd0: {  	v2 =	vsel vm9, v3, v2;
	v3 =	vperm.xlane v42, v0;
	v4 =	vsel vm10, v4, v6  }
0xd1: {  	v2 =	vsel vm10, v2, v8;
	v6 =	vperm.xlane v43, v0;
	v4 =	vsel vm11, v4, v9  }
0xd2: {  	v2 =	vsel vm11, v2, v7;
	v3 =	vsel vm12, v4, v3;
	v4 =	vperm.xlane v5, v0  }
0xd3: {  	v0 =	vperm.xlane v44, v0;
	v2 =	vsel vm12, v2, v41;
	v3 =	vsel vm13, v3, v6  }
0xd4: {  	v1 =	vsel vm13, v2, v1;
	v2 =	vsel vm14, v3, v4  }
0xd5: {  	v0 =	vsel vm14, v1, v0;
	[tilespmem:s25+$0x11940] =	vst v2  }
0xd6: {  	[tilespmem:s25+$0x13240] =	vst v0  }
0xd7: {  	[tilespmem:s11], [sflag:$0x1] =	stream.indirect.gather [hbm4b:s2+s9], $0x10, s18, s9, $0xb8;
	[tilespmem:$0x14500] =	vst v63  }
0xd8: {  	_ = 	snop  }
0xd9: {  	[tilespmem:s13], [sflag:$0x2] =	stream.indirect.gather [hbm4b:s2+s9], $0x10, s19, s9, $0xb8;
	[tilespmem:$0x14500] =	vst v63  }
0xda: {  	_ =	swait.ge [sflag:s14], $0x6400  }
0xdb: {  	[sflag:s14] =	ssyncset.done $0x0  }
0xdc: {  	[sflag:s14] =	ssyncadd.s32 $0xFFFF9C00  }
0xdd: {  	_ =	swait.ge [sflag:s15], $0x6400  }
0xde: {  	[sflag:s15] =	ssyncset.done $0x0  }
0xdf: {  	s0 =	simm.s32 $0xAF80;
	[sflag:s15] =	ssyncadd.s32 $0xFFFF9C00  }
0xe0: {  	v1 =	vld [tilespmem:s0+$0x50]  }
0xe1: {  	v2 =	vld [tilespmem:s0+$0x0]  }
0xe2: {  	v3 =	vld [tilespmem:s0+$0xFFFFFF80]  }
0xe3: {  	s1 =	simm.s32 $0xC80;
	v4 =	vld [tilespmem:s0+$0x30]  }
0xe4: {  	s17 =	simm.s32 $0x4B80;
	v0 =	vld [tilespmem:s1+$0x0]  }
0xe5: {  	v5 =	vld [tilespmem:s17+$0xFFFFFFE0]  }
0xe6: {  	v6 =	vld [tilespmem:s0+$0xFFFFFFF0]  }
0xe7: {  	v7 =	vld [tilespmem:s17+$0xFFFFFFC0]  }
0xe8: {  	v8 =	vld [tilespmem:s0+$0xFFFFFFB0]  }
0xe9: {  	v9 =	vld [tilespmem:s0+$0xFFFFFFD0]  }
0xea: {  	v10 =	vld [tilespmem:s0+$0xFFFFFF90]  }
0xeb: {  	v11 =	vld [tilespmem:s0+$0xFFFFFFE0]  }
0xec: {  	v45 =	vld [tilespmem:s17+$0xFFFFFFB0]  }
0xed: {  	v46 =	vld [tilespmem:s17+$0xFFFFFFA0]  }
0xee: {  	v47 =	vld [tilespmem:s17+$0xFFFFFF90];
	v0 =	vand.u32 $0xF, v0  }
0xef: {  	v49 =	vld [tilespmem:s0+$0xFFFFFFA0];
	v10 =	vperm.xlane v10, v0  }
0xf0: {  	v51 =	vld [tilespmem:s0+$0xFFFFFFC0];
	v1 =	vperm.xlane v1, v0;
	v3 =	vperm.xlane v3, v0  }
0xf1: {  	v50 =	vperm.xlane v4, v0;
	v4 =	vld [tilespmem:s17+$0xFFFFFF80];
	v8 =	vperm.xlane v8, v0  }
0xf2: {  	v48 =	vld [tilespmem:s17+$0xFFFFFFD0];
	v2 =	vperm.xlane v2, v0;
	v13 =	vperm.xlane v46, v0  }
0xf3: {  	v53 =	vld [tilespmem:s0+$0x20];
	v7 =	vperm.xlane v7, v0;
	v12 =	vperm.xlane v45, v0  }
0xf4: {  	v52 =	vld [tilespmem:s17+$0xFFFFFFF0];
	v9 =	vperm.xlane v9, v0;
	v16 =	vperm.xlane v49, v0  }
0xf5: {  	v54 =	vld [tilespmem:s0+$0x10];
	v14 =	vperm.xlane v47, v0;
	v11 =	vperm.xlane v11, v0;
	v3 =	vsel vm0, v3, v10  }
0xf6: {  	v55 =	vld [tilespmem:s17+$0x0];
	v56 =	vperm.xlane v51, v0;
	v3 =	vsel vm1, v3, v16;
	v4 =	vperm.xlane v4, v0  }
0xf7: {  	v57 =	vld [tilespmem:s17+$0x10];
	v5 =	vperm.xlane v5, v0;
	v6 =	vperm.xlane v6, v0;
	v3 =	vsel vm2, v3, v8  }
0xf8: {  	v58 =	vld [tilespmem:s17+$0x20];
	v59 =	vperm.xlane v53, v0;
	v3 =	vsel vm3, v3, v56;
	v4 =	vsel vm0, v4, v14  }
0xf9: {  	v60 =	vld [tilespmem:s0+$0x40];
	v10 =	vperm.xlane v48, v0;
	v3 =	vsel vm4, v3, v9;
	v4 =	vsel vm1, v4, v13  }
0xfa: {  	v61 =	vld [tilespmem:s17+$0x30];
	v8 =	vperm.xlane v52, v0;
	v3 =	vsel vm5, v3, v11;
	v4 =	vsel vm2, v4, v12  }
0xfb: {  	v62 =	vld [tilespmem:s17+$0x40];
	v9 =	vperm.xlane v54, v0;
	v3 =	vsel vm6, v3, v6;
	v4 =	vsel vm3, v4, v7  }
0xfc: {  	v11 =	vld [tilespmem:s17+$0x50];
	v6 =	vperm.xlane v57, v0;
	v3 =	vsel vm7, v3, v2;
	v4 =	vsel vm4, v4, v10  }
0xfd: {  	v2 =	vld [tilespmem:s0+$0x70];
	v7 =	vperm.xlane v55, v0;
	v3 =	vsel vm8, v3, v9;
	v4 =	vsel vm5, v4, v5  }
0xfe: {  	v9 =	vperm.xlane v60, v0;
	v10 =	vperm.xlane v58, v0;
	v5 =	vsel vm6, v4, v8;
	v4 =	vld [tilespmem:s0+$0x60]  }
0xff: {  	s29 =	simm.s32 $0x0;
	s31 =	simm.s32 $0xC90;
	s10 =	simm.s32 $0x20;
	v8 =	vsel vm9, v3, v59;
	v3 =	vld [tilespmem:s17+$0x60];
	v5 =	vsel vm7, v5, v7;
	v7 =	vperm.xlane v61, v0  }
0x100: {  	s30 =	simm.s32 $0xC90;
	s26 =	simm.s32 $0x4C80;
	s28 =	simm.s32 $0xB080;
	v13 =	vsel vm10, v8, v50;
	v8 =	vperm.xlane v62, v0;
	v63 =	vsel vm8, v5, v6;
	v5 =	vld [tilespmem:s17+$0x70]  }
0x101: {  	s25 =	simm.s32 $0x10;
	s1 =	simm.s32 $0x4C80;
	s0 =	simm.s32 $0xB080;
	v6 =	vperm.xlane v11, v0;
	v9 =	vsel vm11, v13, v9;
	v10 =	vsel vm9, v63, v10  }
.LBB2_8:
0x102: {  	s31 =	sadd.s32 $0x10, s31  }
0x103: {  	s1 =	sadd.s32 $0x100, s1;
	s0 =	sadd.s32 $0x100, s0;
	v7 =	vsel vm10, v10, v7;
	v4 =	vperm.xlane v4, v0;
	v2 =	vperm.xlane v2, v0;
	s12 =	smov.u32 s10  }
0x104: {  	p0 =	sne.s32 s10, $0x630;
	s10 =	sadd.s32 $0x10, s10;
	s16 =	sadd.s32 $0xC80, s29;
	v1 =	vsel vm12, v9, v1;
	v7 =	vsel vm11, v7, v8;
	v3 =	vperm.xlane v3, v0  }
0x105: {  	s17 =	sand.u32 $0x70, s29;
	s29 =	smov.u32 s25;
	s16 =	sand.u32 $0x1F80, s16;
	v6 =	vsel vm12, v7, v6;
	v1 =	vsel vm13, v1, v4;
	v0 =	vperm.xlane v5, v0  }
0x106: {  	s25 =	smov.u32 s12;
	s16 =	sor.u32 s17, s16;
	v3 =	vsel vm13, v6, v3;
	v1 =	vsel vm14, v1, v2  }
0x107: {  	v0 =	vsel vm14, v3, v0;
	[tilespmem:s16+$0x12C00] =	vst v1  }
0x108: {  	[tilespmem:s16+$0x11300] =	vst v0  }
0x109: {  	v1 =	vld [tilespmem:s28+$0x50]  }
0x10a: {  	v2 =	vld [tilespmem:s28+$0x0]  }
0x10b: {  	v3 =	vld [tilespmem:s28+$0xFFFFFF80]  }
0x10c: {  	v4 =	vld [tilespmem:s28+$0x30]  }
0x10d: {  	v0 =	vld [tilespmem:s30+$0x0];
	s30 =	smov.u32 s31  }
0x10e: {  	v5 =	vld [tilespmem:s26+$0xFFFFFFE0]  }
0x10f: {  	v6 =	vld [tilespmem:s28+$0xFFFFFFF0]  }
0x110: {  	v7 =	vld [tilespmem:s28+$0xFFFFFFC0]  }
0x111: {  	v8 =	vld [tilespmem:s26+$0xFFFFFFC0]  }
0x112: {  	v9 =	vld [tilespmem:s28+$0xFFFFFFB0]  }
0x113: {  	v10 =	vld [tilespmem:s28+$0xFFFFFFD0]  }
0x114: {  	v11 =	vld [tilespmem:s28+$0xFFFFFF90]  }
0x115: {  	v12 =	vld [tilespmem:s28+$0xFFFFFFE0]  }
0x116: {  	v13 =	vld [tilespmem:s26+$0xFFFFFFB0]  }
0x117: {  	v14 =	vld [tilespmem:s26+$0xFFFFFFA0]  }
0x118: {  	v0 =	vand.u32 $0xF, v0;
	v15 =	vld [tilespmem:s26+$0xFFFFFF90]  }
0x119: {  	v1 =	vperm.xlane v1, v0;
	v11 =	vperm.xlane v11, v0;
	v16 =	vld [tilespmem:s26+$0xFFFFFFD0]  }
0x11a: {  	v3 =	vperm.xlane v3, v0;
	v18 =	vperm.xlane v4, v0;
	v17 =	vld [tilespmem:s28+$0xFFFFFFA0]  }
0x11b: {  	v19 =	vperm.xlane v2, v0;
	v9 =	vperm.xlane v9, v0;
	v4 =	vld [tilespmem:s26+$0xFFFFFF80]  }
0x11c: {  	v8 =	vperm.xlane v8, v0;
	v3 =	vsel vm0, v3, v11;
	v11 =	vperm.xlane v14, v0;
	v2 =	vld [tilespmem:s28+$0x70]  }
0x11d: {  	v10 =	vperm.xlane v10, v0;
	v13 =	vperm.xlane v13, v0;
	v14 =	vld [tilespmem:s26+$0xFFFFFFF0]  }
0x11e: {  	v12 =	vperm.xlane v12, v0;
	v15 =	vperm.xlane v15, v0;
	v20 =	vld [tilespmem:s28+$0x20]  }
0x11f: {  	v5 =	vperm.xlane v5, v0;
	v17 =	vperm.xlane v17, v0;
	v21 =	vld [tilespmem:s28+$0x10]  }
0x120: {  	v16 =	vperm.xlane v16, v0;
	v4 =	vperm.xlane v4, v0;
	v22 =	vld [tilespmem:s26+$0x0]  }
0x121: {  	v6 =	vperm.xlane v6, v0;
	v7 =	vperm.xlane v7, v0;
	v3 =	vsel vm1, v3, v17;
	v17 =	vld [tilespmem:s26+$0x10]  }
0x122: {  	v4 =	vsel vm0, v4, v15;
	v3 =	vsel vm2, v3, v9;
	v9 =	vperm.xlane v14, v0;
	v14 =	vld [tilespmem:s26+$0x20]  }
0x123: {  	v4 =	vsel vm1, v4, v11;
	v3 =	vsel vm3, v3, v7;
	v7 =	vperm.xlane v20, v0;
	v11 =	vld [tilespmem:s28+$0x40]  }
0x124: {  	v4 =	vsel vm2, v4, v13;
	v3 =	vsel vm4, v3, v10;
	v10 =	vperm.xlane v21, v0;
	v13 =	vld [tilespmem:s26+$0x30]  }
0x125: {  	v4 =	vsel vm3, v4, v8;
	v3 =	vsel vm5, v3, v12;
	v8 =	vperm.xlane v22, v0;
	v12 =	vld [tilespmem:s26+$0x50]  }
0x126: {  	v4 =	vsel vm4, v4, v16;
	v3 =	vsel vm6, v3, v6;
	v6 =	vperm.xlane v17, v0;
	v15 =	vld [tilespmem:s26+$0x40]  }
.Ltmp3:
0x127: {  	v5 =	vsel vm5, v4, v5;
	v3 =	vsel vm7, v3, v19;
	v14 =	vperm.xlane v14, v0;
	v4 =	vld [tilespmem:s28+$0x60];
	s28 =	smov.u32 s0;
	(pc) =	sbr.rel @p0 .LBB2_8-.Ltmp3, $4  }
0x128: {  	v5 =	vsel vm6, v5, v9;
	v9 =	vsel vm8, v3, v10;
	v11 =	vperm.xlane v11, v0;
	v3 =	vld [tilespmem:s26+$0x60]  }
0x129: {  	v8 =	vsel vm7, v5, v8;
	v9 =	vsel vm9, v9, v7;
	v7 =	vperm.xlane v13, v0;
	v5 =	vld [tilespmem:s26+$0x70];
	s26 =	smov.u32 s1  }
0x12a: {  	v8 =	vsel vm8, v8, v6;
	v9 =	vsel vm10, v9, v18;
	v6 =	vperm.xlane v12, v0  }
0x12b: {  	v10 =	vsel vm9, v8, v14;
	v8 =	vperm.xlane v15, v0;
	v9 =	vsel vm11, v9, v11  }
0x12c: {  	v7 =	vsel vm10, v10, v7;
	v4 =	vperm.xlane v4, v0;
	v2 =	vperm.xlane v2, v0  }
0x12d: {  	s0 =	sadd.s32 $0xC80, s29;
	v1 =	vsel vm12, v9, v1;
	v7 =	vsel vm11, v7, v8;
	v3 =	vperm.xlane v3, v0  }
0x12e: {  	s1 =	sand.u32 $0x70, s29;
	s0 =	sand.u32 $0x1F80, s0;
	v6 =	vsel vm12, v7, v6;
	v1 =	vsel vm13, v1, v4;
	v0 =	vperm.xlane v5, v0  }
0x12f: {  	s0 =	sor.u32 s1, s0;
	v3 =	vsel vm13, v6, v3;
	v1 =	vsel vm14, v1, v2  }
0x130: {  	v0 =	vsel vm14, v3, v0;
	[tilespmem:s0+$0x12C00] =	vst v1  }
0x131: {  	[tilespmem:s0+$0x11300] =	vst v0  }
0x132: {  	v0 =	vld [tilespmem:s28+$0x50]  }
0x133: {  	v1 =	vld [tilespmem:s28+$0x0]  }
0x134: {  	v2 =	vld [tilespmem:s28+$0xFFFFFF80]  }
0x135: {  	v3 =	vld [tilespmem:s28+$0x30]  }
0x136: {  	v4 =	vld [tilespmem:s30+$0x0]  }
0x137: {  	v5 =	vld [tilespmem:s26+$0xFFFFFFE0]  }
0x138: {  	v6 =	vld [tilespmem:s28+$0xFFFFFFF0]  }
0x139: {  	v7 =	vld [tilespmem:s28+$0xFFFFFFC0]  }
0x13a: {  	v8 =	vld [tilespmem:s26+$0xFFFFFFC0]  }
0x13b: {  	v9 =	vld [tilespmem:s28+$0xFFFFFFB0]  }
0x13c: {  	v10 =	vld [tilespmem:s28+$0xFFFFFFD0]  }
0x13d: {  	v11 =	vld [tilespmem:s28+$0xFFFFFF90]  }
0x13e: {  	v12 =	vld [tilespmem:s28+$0xFFFFFFE0]  }
0x13f: {  	v13 =	vld [tilespmem:s26+$0xFFFFFFB0]  }
0x140: {  	v14 =	vld [tilespmem:s26+$0xFFFFFFA0]  }
0x141: {  	v15 =	vld [tilespmem:s26+$0xFFFFFF90];
	v4 =	vand.u32 $0xF, v4  }
0x142: {  	v16 =	vld [tilespmem:s26+$0xFFFFFFD0];
	v11 =	vperm.xlane v11, v4;
	v0 =	vperm.xlane v0, v4  }
0x143: {  	v17 =	vld [tilespmem:s28+$0xFFFFFFA0];
	v2 =	vperm.xlane v2, v4;
	v3 =	vperm.xlane v3, v4  }
0x144: {  	v18 =	vld [tilespmem:s26+$0xFFFFFF80];
	v9 =	vperm.xlane v9, v4;
	v1 =	vperm.xlane v1, v4  }
0x145: {  	v19 =	vld [tilespmem:s28+$0x70];
	v14 =	vperm.xlane v14, v4;
	v8 =	vperm.xlane v8, v4  }
0x146: {  	v20 =	vld [tilespmem:s26+$0xFFFFFFF0];
	v13 =	vperm.xlane v13, v4;
	v10 =	vperm.xlane v10, v4  }
0x147: {  	v21 =	vld [tilespmem:s28+$0x20];
	v15 =	vperm.xlane v15, v4;
	v12 =	vperm.xlane v12, v4  }
0x148: {  	v22 =	vld [tilespmem:s28+$0x10];
	v17 =	vperm.xlane v17, v4;
	v5 =	vperm.xlane v5, v4  }
0x149: {  	v16 =	vperm.xlane v16, v4;
	v2 =	vsel vm0, v2, v11;
	v11 =	vperm.xlane v18, v4;
	v18 =	vld [tilespmem:s26+$0x0]  }
0x14a: {  	v7 =	vperm.xlane v7, v4;
	v6 =	vperm.xlane v6, v4;
	v2 =	vsel vm1, v2, v17;
	v17 =	vld [tilespmem:s26+$0x10]  }
0x14b: {  	v11 =	vsel vm0, v11, v15;
	v2 =	vsel vm2, v2, v9;
	v9 =	vperm.xlane v20, v4;
	v15 =	vld [tilespmem:s26+$0x20]  }
0x14c: {  	v11 =	vsel vm1, v11, v14;
	v2 =	vsel vm3, v2, v7;
	v7 =	vperm.xlane v21, v4;
	v14 =	vld [tilespmem:s28+$0x40]  }
0x14d: {  	v11 =	vsel vm2, v11, v13;
	v2 =	vsel vm4, v2, v10;
	v10 =	vperm.xlane v22, v4;
	v13 =	vld [tilespmem:s26+$0x30]  }
0x14e: {  	v8 =	vsel vm3, v11, v8;
	v2 =	vsel vm5, v2, v12;
	v11 =	vperm.xlane v18, v4;
	v12 =	vld [tilespmem:s26+$0x50]  }
0x14f: {  	v8 =	vsel vm4, v8, v16;
	v2 =	vsel vm6, v2, v6;
	v6 =	vperm.xlane v17, v4;
	v16 =	vld [tilespmem:s26+$0x40]  }
0x150: {  	v5 =	vsel vm5, v8, v5;
	v1 =	vsel vm7, v2, v1;
	v2 =	vperm.xlane v15, v4;
	v8 =	vld [tilespmem:s28+$0x60]  }
0x151: {  	v5 =	vsel vm6, v5, v9;
	v1 =	vsel vm8, v1, v10;
	v9 =	vperm.xlane v14, v4;
	v10 =	vld [tilespmem:s26+$0x60]  }
0x152: {  	v5 =	vsel vm7, v5, v11;
	v1 =	vsel vm9, v1, v7;
	v7 =	vperm.xlane v13, v4;
	v11 =	vld [tilespmem:s26+$0x70]  }
0x153: {  	v5 =	vsel vm8, v5, v6;
	v1 =	vsel vm10, v1, v3;
	v3 =	vperm.xlane v12, v4  }
0x154: {  	v2 =	vsel vm9, v5, v2;
	v5 =	vperm.xlane v16, v4;
	v1 =	vsel vm11, v1, v9  }
0x155: {  	v2 =	vsel vm10, v2, v7;
	v6 =	vperm.xlane v8, v4;
	v7 =	vperm.xlane v19, v4  }
0x156: {  	s30 =	sadd.s32 $0xC80, s25;
	v0 =	vsel vm12, v1, v0;
	v2 =	vsel vm11, v2, v5;
	v1 =	vperm.xlane v10, v4  }
0x157: {  	s31 =	sand.u32 $0x70, s25;
	s0 =	sand.u32 $0x1F80, s30;
	v2 =	vsel vm12, v2, v3;
	v0 =	vsel vm13, v0, v6;
	v3 =	vperm.xlane v11, v4  }
0x158: {  	s0 =	sor.u32 s31, s0;
	v1 =	vsel vm13, v2, v1;
	v0 =	vsel vm14, v0, v7  }
0x159: {  	v1 =	vsel vm14, v1, v3;
	[tilespmem:s0+$0x12C00] =	vst v0  }
0x15a: {  	[tilespmem:s0+$0x11300] =	vst v1  }
0x15b: {  	[tilespmem:s11], [sflag:$0x1] =	stream.indirect.gather [hbm4b:s2+s9], $0x10, s20, s9, $0xb8;
	[tilespmem:$0x14500] =	vst v63  }
0x15c: {  	_ = 	snop  }
0x15d: {  	[tilespmem:s13], [sflag:$0x2] =	stream.indirect.gather [hbm4b:s2+s9], $0x10, s21, s9, $0xb8;
	[tilespmem:$0x14500] =	vst v63  }
0x15e: {  	_ =	swait.ge [sflag:s14], $0x6400  }
0x15f: {  	[sflag:s14] =	ssyncset.done $0x0  }
0x160: {  	[sflag:s14] =	ssyncadd.s32 $0xFFFF9C00  }
0x161: {  	_ =	swait.ge [sflag:s15], $0x6400  }
0x162: {  	[sflag:s15] =	ssyncset.done $0x0  }
0x163: {  	s25 =	simm.s32 $0x0;
	[sflag:s15] =	ssyncadd.s32 $0xFFFF9C00  }
0x164: {  	s26 =	simm.s32 $0xAF80;
	v0 =	vld [tilespmem:s25+$0x12C0]  }
0x165: {  	s29 =	simm.s32 $0x4B80;
	v3 =	vld [tilespmem:s26+$0x0]  }
0x166: {  	v5 =	vld [tilespmem:s29+$0x0]  }
0x167: {  	v4 =	vld [tilespmem:s26+$0xFFFFFFC0]  }
0x168: {  	v14 =	vld [tilespmem:s29+$0xFFFFFFF0]  }
0x169: {  	v1 =	vld [tilespmem:s26+$0x60]  }
0x16a: {  	v7 =	vld [tilespmem:s29+$0xFFFFFFD0]  }
0x16b: {  	v8 =	vld [tilespmem:s29+$0xFFFFFFC0]  }
0x16c: {  	v6 =	vld [tilespmem:s29+$0xFFFFFFA0]  }
0x16d: {  	v2 =	vld [tilespmem:s26+$0x20]  }
0x16e: {  	v15 =	vld [tilespmem:s26+$0xFFFFFFB0]  }
0x16f: {  	v9 =	vld [tilespmem:s26+$0xFFFFFF90]  }
0x170: {  	v10 =	vld [tilespmem:s26+$0xFFFFFFA0]  }
0x171: {  	v13 =	vld [tilespmem:s26+$0xFFFFFFD0]  }
0x172: {  	v12 =	vld [tilespmem:s26+$0xFFFFFF80]  }
0x173: {  	v17 =	vld [tilespmem:s29+$0xFFFFFF90];
	v0 =	vand.u32 $0xF, v0  }
0x174: {  	v22 =	vld [tilespmem:s29+$0xFFFFFFB0];
	v2 =	vperm.xlane v2, v0;
	v1 =	vperm.xlane v1, v0  }
0x175: {  	v20 =	vld [tilespmem:s29+$0xFFFFFF80];
	v11 =	vperm.xlane v9, v0;
	v10 =	vperm.xlane v10, v0  }
0x176: {  	v19 =	vld [tilespmem:s26+$0x10];
	v8 =	vperm.xlane v8, v0;
	v9 =	vperm.xlane v4, v0  }
0x177: {  	v16 =	vld [tilespmem:s26+$0xFFFFFFF0];
	v7 =	vperm.xlane v7, v0;
	v4 =	vperm.xlane v14, v0  }
0x178: {  	v18 =	vld [tilespmem:s29+$0xFFFFFFE0];
	v21 =	vperm.xlane v17, v0;
	v5 =	vperm.xlane v5, v0  }
0x179: {  	s1 =	simm.s32 $0xAF80;
	s28 =	simm.s32 $0x4B80;
	s0 =	simm.s32 $0x40;
	v14 =	vperm.xlane v22, v0;
	v15 =	vperm.xlane v15, v0;
	v17 =	vld [tilespmem:s26+$0xFFFFFFE0]  }
.LBB2_10:
0x17a: {  	p0 =	sne.s32 s0, $0x18C0;
	v20 =	vperm.xlane v20, v0;
	v13 =	vperm.xlane v13, v0;
	v22 =	vld [tilespmem:s26+$0x50];
	s29 =	sadd.s32 $0x100, s29;
	s1 =	sadd.s32 $0x100, s1  }
0x17b: {  	v12 =	vperm.xlane v12, v0;
	s10 =	smov.u32 s0;
	s0 =	sadd.s32 $0x40, s0;
	v23 =	vld [tilespmem:s28+$0x10];
	v19 =	vperm.xlane v19, v0  }
0x17c: {  	v6 =	vperm.xlane v6, v0;
	v3 =	vperm.xlane v3, v0;
	v20 =	vsel vm0, v20, v21;
	v21 =	vld [tilespmem:s26+$0x30]  }
0x17d: {  	v11 =	vsel vm0, v12, v11;
	v16 =	vperm.xlane v16, v0;
	v12 =	vperm.xlane v18, v0;
	v18 =	vld [tilespmem:s28+$0x20]  }
0x17e: {  	v6 =	vsel vm1, v20, v6;
	v10 =	vsel vm1, v11, v10;
	v11 =	vperm.xlane v17, v0;
	v17 =	vld [tilespmem:s26+$0x40]  }
0x17f: {  	v6 =	vsel vm2, v6, v14;
	v10 =	vsel vm2, v10, v15;
	v14 =	vld [tilespmem:s28+$0x30];
	v15 =	vperm.xlane v22, v0  }
0x180: {  	v6 =	vsel vm3, v6, v8;
	v8 =	vsel vm3, v10, v9;
	v9 =	vperm.xlane v23, v0;
	v10 =	vld [tilespmem:s28+$0x40]  }
0x181: {  	v6 =	vsel vm4, v6, v7;
	v7 =	vsel vm4, v8, v13;
	v8 =	vperm.xlane v21, v0;
	v13 =	vld [tilespmem:s28+$0x50]  }
0x182: {  	v6 =	vsel vm5, v6, v12;
	v7 =	vsel vm5, v7, v11;
	v11 =	vperm.xlane v18, v0;
	v12 =	vld [tilespmem:s28+$0x60]  }
0x183: {  	v4 =	vsel vm6, v6, v4;
	v6 =	vsel vm6, v7, v16;
	v7 =	vperm.xlane v17, v0;
	v16 =	vld [tilespmem:s26+$0x70];
	s26 =	smov.u32 s1  }
0x184: {  	v4 =	vsel vm7, v4, v5;
	v3 =	vsel vm7, v6, v3;
	v5 =	vperm.xlane v14, v0;
	v6 =	vld [tilespmem:s28+$0x70];
	s28 =	smov.u32 s29  }
0x185: {  	v4 =	vsel vm8, v4, v9;
	v3 =	vsel vm8, v3, v19;
	v9 =	vperm.xlane v10, v0  }
0x186: {  	v4 =	vsel vm9, v4, v11;
	v2 =	vsel vm9, v3, v2;
	v3 =	vperm.xlane v13, v0  }
0x187: {  	v4 =	vsel vm10, v4, v5;
	v2 =	vsel vm10, v2, v8;
	v5 =	vperm.xlane v12, v0  }
0x188: {  	v4 =	vsel vm11, v4, v9;
	v2 =	vsel vm11, v2, v7;
	v7 =	vperm.xlane v16, v0  }
0x189: {  	v3 =	vsel vm12, v4, v3;
	v2 =	vsel vm12, v2, v15;
	v0 =	vperm.xlane v6, v0  }
0x18a: {  	v3 =	vsel vm13, v3, v5;
	v1 =	vsel vm13, v2, v1  }
0x18b: {  	s10 =	sshra.s32 s10, $0x2;
	v1 =	vsel vm14, v1, v7;
	v0 =	vsel vm14, v3, v0  }
0x18c: {  	v2 =	vld [tilespmem:s10+$0x12C0];
	[tilespmem:s25+$0x125C0] =	vst v0  }
0x18d: {  	[tilespmem:s25+$0x13EC0] =	vst v1;
	s25 =	smov.u32 s10  }
0x18e: {  	v3 =	vld [tilespmem:s1+$0x0]  }
0x18f: {  	v5 =	vld [tilespmem:s29+$0x0]  }
0x190: {  	v4 =	vld [tilespmem:s1+$0xFFFFFFC0]  }
0x191: {  	v14 =	vld [tilespmem:s29+$0xFFFFFFF0]  }
0x192: {  	v1 =	vld [tilespmem:s1+$0x60]  }
0x193: {  	v7 =	vld [tilespmem:s29+$0xFFFFFFD0]  }
0x194: {  	v8 =	vld [tilespmem:s29+$0xFFFFFFC0]  }
0x195: {  	v6 =	vld [tilespmem:s29+$0xFFFFFFA0]  }
0x196: {  	v9 =	vld [tilespmem:s1+$0x20]  }
0x197: {  	v15 =	vld [tilespmem:s1+$0xFFFFFFB0]  }
0x198: {  	v10 =	vld [tilespmem:s1+$0xFFFFFF90]  }
0x199: {  	v16 =	vld [tilespmem:s1+$0xFFFFFFA0]  }
0x19a: {  	v13 =	vld [tilespmem:s1+$0xFFFFFFD0]  }
0x19b: {  	v12 =	vld [tilespmem:s1+$0xFFFFFF80]  }
0x19c: {  	v0 =	vand.u32 $0xF, v2;
	v17 =	vld [tilespmem:s29+$0xFFFFFF90]  }
0x19d: {  	v1 =	vperm.xlane v1, v0;
	v2 =	vperm.xlane v9, v0;
	v22 =	vld [tilespmem:s29+$0xFFFFFFB0]  }
.Ltmp4:
0x19e: {  	v11 =	vperm.xlane v10, v0;
	v20 =	vld [tilespmem:s29+$0xFFFFFF80];
	v10 =	vperm.xlane v16, v0;
	(pc) =	sbr.rel @p0 .LBB2_10-.Ltmp4, $4  }
0x19f: {  	v8 =	vperm.xlane v8, v0;
	v9 =	vperm.xlane v4, v0;
	v19 =	vld [tilespmem:s1+$0x10]  }
0x1a0: {  	v7 =	vperm.xlane v7, v0;
	v4 =	vperm.xlane v14, v0;
	v16 =	vld [tilespmem:s1+$0xFFFFFFF0]  }
0x1a1: {  	v5 =	vperm.xlane v5, v0;
	v21 =	vperm.xlane v17, v0;
	v18 =	vld [tilespmem:s29+$0xFFFFFFE0]  }
0x1a2: {  	v15 =	vperm.xlane v15, v0;
	v14 =	vperm.xlane v22, v0;
	v17 =	vld [tilespmem:s1+$0xFFFFFFE0]  }
0x1a3: {  	v20 =	vperm.xlane v20, v0  }
0x1a4: {  	v13 =	vperm.xlane v13, v0;
	v22 =	vld [tilespmem:s26+$0x50];
	v12 =	vperm.xlane v12, v0  }
0x1a5: {  	v23 =	vld [tilespmem:s28+$0x10];
	v6 =	vperm.xlane v6, v0;
	v3 =	vperm.xlane v3, v0  }
0x1a6: {  	v38 =	vld [tilespmem:s26+$0x30];
	v19 =	vperm.xlane v19, v0;
	v20 =	vsel vm0, v20, v21;
	v11 =	vsel vm0, v12, v11  }
0x1a7: {  	v40 =	vld [tilespmem:s28+$0x20];
	v16 =	vperm.xlane v16, v0;
	v39 =	vperm.xlane v18, v0;
	v6 =	vsel vm1, v20, v6  }
0x1a8: {  	v42 =	vld [tilespmem:s26+$0x40];
	v10 =	vsel vm1, v11, v10;
	v41 =	vperm.xlane v17, v0;
	v6 =	vsel vm2, v6, v14  }
0x1a9: {  	v43 =	vld [tilespmem:s28+$0x30];
	v10 =	vsel vm2, v10, v15;
	v44 =	vperm.xlane v22, v0;
	v6 =	vsel vm3, v6, v8  }
0x1aa: {  	v47 =	vld [tilespmem:s28+$0x40];
	v45 =	vsel vm3, v10, v9;
	v46 =	vperm.xlane v23, v0;
	v6 =	vsel vm4, v6, v7  }
0x1ab: {  	v50 =	vld [tilespmem:s28+$0x50];
	v49 =	vperm.xlane v38, v0;
	v48 =	vsel vm4, v45, v13;
	v6 =	vsel vm5, v6, v39  }
0x1ac: {  	v52 =	vld [tilespmem:s28+$0x60];
	v51 =	vperm.xlane v40, v0;
	v7 =	vsel vm5, v48, v41;
	v4 =	vsel vm6, v6, v4  }
0x1ad: {  	v55 =	vld [tilespmem:s28+$0x70];
	v54 =	vperm.xlane v42, v0;
	v53 =	vsel vm6, v7, v16;
	v4 =	vsel vm7, v4, v5  }
0x1ae: {  	v56 =	vld [tilespmem:s26+$0x70];
	v57 =	vperm.xlane v43, v0;
	v3 =	vsel vm7, v53, v3;
	v4 =	vsel vm8, v4, v46  }
0x1af: {  	v58 =	vperm.xlane v47, v0;
	v3 =	vsel vm8, v3, v19;
	v4 =	vsel vm9, v4, v51  }
0x1b0: {  	v59 =	vperm.xlane v50, v0;
	v2 =	vsel vm9, v3, v2;
	v4 =	vsel vm10, v4, v57  }
0x1b1: {  	v60 =	vperm.xlane v52, v0;
	v2 =	vsel vm10, v2, v49;
	v4 =	vsel vm11, v4, v58  }
0x1b2: {  	v61 =	vperm.xlane v55, v0;
	v2 =	vsel vm11, v2, v54;
	v3 =	vsel vm12, v4, v59  }
0x1b3: {  	v62 =	vperm.xlane v56, v0;
	v2 =	vsel vm12, v2, v44;
	v3 =	vsel vm13, v3, v60  }
0x1b4: {  	v1 =	vsel vm13, v2, v1;
	v63 =	vsel vm14, v3, v61  }
0x1b5: {  	v0 =	vsel vm14, v1, v62;
	[tilespmem:s25+$0x125C0] =	vst v63  }
0x1b6: {  	[tilespmem:s25+$0x13EC0] =	vst v0  }
0x1b7: {  	[hbm4b:s5+s3] =	stream.linear.scatter [tilespmem:s22], [sflag:$0x3], $0x1900, $0x38;
	[tilespmem:$0x14500] =	vst v63  }
0x1b8: {  	s24 =	sadd.s32 $0x1, s24;
	_ =	swait.ge [sflag:s8], $0x1900  }
0x1b9: {  	p0 =	sne.s32 s24, s7;
	[sflag:s8] =	ssyncset.done $0x0  }
.Ltmp5:
0x1ba: {  	[sflag:s8] =	ssyncadd.s32 $0xFFFFE700;
	(pc) =	sbr.rel @p0 .LBB2_1-.Ltmp5, $4  }
0x1bb: {  	[hbm4b:s6+s3] =	stream.linear.scatter [tilespmem:s23], [sflag:$0x3], $0x1900, $0x38;
	[tilespmem:$0x14500] =	vst v63  }
0x1bc: {  	_ =	swait.ge [sflag:s8], $0x1900  }
0x1bd: {  	[sflag:s8] =	ssyncset.done $0x0  }
0x1be: {  	[sflag:s8] =	ssyncadd.s32 $0xFFFFE700  }
0x1bf: {  	_ =	sfence.sel $0x180000  }
0x1c0: {  	[bflag:$0x0] =	sbarrier.arrive $0xFFFF  }
0x1c1: {  	_ =	strace $0x90000047  }
0x1c2: {  	s0 =	stileid.u32;
	[bflag:$0x2] =	sbarrier.arrive $0xFFFF  }
0x1c3: {  	p0 =	sne.s32 s0, $0x0;
	s0 =	rddreg [dreg:$0x2]  }
0x1c4: {  	s0 =	sadd.s32 @!p0 $0x100000, s0  }
0x1c5: {  	[sflag:s0] =	ssyncadd.tile.s32 @!p0 $0x1;
	_ =	shalt  }
.Lfunc_end2:
_tile_overlayer_lowered:
.L_overlay_start_2:
0x1c6: {  	(tag) =	ssettag $0x2  }
0x1c7: {  	s0 =	rddreg [dreg:$0x0];
	s2 =	stileid.u32  }
0x1c8: {  	s1 =	rddreg [dreg:$0x1];
	p0 =	sne.s32 s2, $0x0  }
0x1c9: {  	s3 =	rddreg [dreg:$0x2];
	[bflag:$0x3] =	sbarrier.arrive $0xFFFF;
	s2 =	simm.s32 @!p0 $0x1C03  }
0x1ca: {  	[timem:s3], [sflag:s2] =	dma.local @!p0 [hbm:s0], s1  }
0x1cb: {  	s0 =	simm.s32 @!p0 $0x3  }
0x1cc: {  	_ =	swait.ge @!p0 [sflag:s0], s1  }
0x1cd: {  	s1 =	ssub.s32 @!p0 $0x0, s1;
	[sflag:s0] =	ssyncset.done @!p0 $0x0  }
0x1ce: {  	[sflag:s0] =	ssyncadd.s32 @!p0 s1  }
0x1cf: {  	[bflag:$0x3] =	sbarrier.arrive $0xFFFF  }
0x1d0: {  	_ =	shalt  }

</sc_bundles>
